<compile_context>
chip_gen: v7x
topology: tpu7x:2x2x1
jax: 0.10.2.dev20260603
libtpu: 0.0.44.dev20260713+nightly
codegen_flags: <defaults>
</compile_context>

<pallas_src>
import functools

import jax
import jax.numpy as jnp
from jax import lax
from jax.experimental import pallas as pl
from jax.experimental.pallas import tpu as pltpu
from jax.experimental.pallas import tpu_sc as plsc

F32 = jnp.float32

E = 320000
N = 10000
NF = 64
W = 128
NWIN = E // W
NC, NS = 2, 16
NWORK = NC * NS
CH = 624
WQ, WR = divmod(NWIN, NWORK)

BE = 2000
GE = E // BE
BN = 2000
GN = N // BN
BH = 400
GH = N // BH

def _mesh():
    return plsc.VectorSubcoreMesh(core_axis_name="c", subcore_axis_name="s")


def _worker_range(wid):
    start = wid * WQ + jnp.minimum(wid, WR)
    cnt = jnp.where(wid < WR, WQ + 1, WQ)
    return start, cnt


def _sc_scatter(mof, src2d, zeros128):
    @functools.partial(
        pl.kernel, mesh=_mesh(),
        out_type=jax.ShapeDtypeStruct((NC, N, 128), F32),
        scratch_types=[pltpu.VMEM((W,), jnp.int32),
                       pltpu.VMEM((W,), jnp.int32),
                       pltpu.VMEM((W, 128), F32),
                       pltpu.VMEM((W, 128), F32),
                       pltpu.VMEM_SHARED((N, 128), F32),
                       pltpu.SemaphoreType.DMA,
                       pltpu.SemaphoreType.DMA,
                       pltpu.SemaphoreType.DMA,
                       pltpu.SemaphoreType.DMA])
    def scat(mof_h, src_h, z_h, out_h, idx_a, idx_b, rows_a, rows_b,
             acc, sia, sib, sra, srb):
        c = lax.axis_index("c")
        s = lax.axis_index("s")
        wid = s * NC + c
        r0 = s * CH
        start, cntw = _worker_range(wid)

        def load(widx, idx_v, rows_v, si, sr):
            pltpu.async_copy(src_h.at[pl.ds(widx * W, W)], idx_v, si)
            pltpu.async_copy(mof_h.at[pl.ds(widx * W, W), :], rows_v, sr)

        def drain(idx_v, rows_v, si, sr):
            pltpu.make_async_copy(src_h.at[pl.ds(0, W)], idx_v, si).wait()
            pltpu.make_async_copy(mof_h.at[pl.ds(0, W), :], rows_v, sr).wait()

        load(start, idx_a, rows_a, sia, sra)
        load(start + 1, idx_b, rows_b, sib, srb)
        pltpu.sync_copy(z_h.at[pl.ds(r0, CH), :], acc.at[pl.ds(r0, CH), :])

        @pl.when(s == NS - 1)
        def _():
            pltpu.sync_copy(z_h.at[pl.ds(N - 16, 16), :],
                            acc.at[pl.ds(N - 16, 16), :])

        plsc.subcore_barrier()

        def body(i, carry):
            def step(idx_v, rows_v, si, sr):
                drain(idx_v, rows_v, si, sr)
                pltpu.sync_copy(rows_v, acc.at[idx_v], add=True)

                @pl.when(i + 2 < cntw)
                def _():
                    load(start + i + 2, idx_v, rows_v, si, sr)

            @pl.when(lax.rem(i, 2) == 0)
            def _():
                step(idx_a, rows_a, sia, sra)

            @pl.when(lax.rem(i, 2) == 1)
            def _():
                step(idx_b, rows_b, sib, srb)
            return carry

        lax.fori_loop(0, cntw, body, 0)
        plsc.subcore_barrier()
        pltpu.sync_copy(acc.at[pl.ds(r0, CH), :], out_h.at[c, pl.ds(r0, CH), :])

        @pl.when(s == NS - 1)
        def _():
            pltpu.sync_copy(acc.at[pl.ds(N - 16, 16), :],
                            out_h.at[c, pl.ds(N - 16, 16), :])

    return scat(mof, src2d, zeros128)


def _sc_gather(tab, src2d):
    @functools.partial(
        pl.kernel, mesh=_mesh(),
        out_type=jax.ShapeDtypeStruct((E, 128), F32),
        scratch_types=[pltpu.VMEM((W,), jnp.int32),
                       pltpu.VMEM((W,), jnp.int32),
                       pltpu.VMEM((W, 128), F32),
                       pltpu.VMEM((W, 128), F32),
                       pltpu.SemaphoreType.DMA,
                       pltpu.SemaphoreType.DMA,
                       pltpu.SemaphoreType.DMA,
                       pltpu.SemaphoreType.DMA,
                       pltpu.SemaphoreType.DMA],
    )
    def gath(tab_h, src_h, g_h, idx_a, idx_b, rows_a, rows_b,
             sia, sib, sta, stb, sg):
        c = lax.axis_index("c")
        s = lax.axis_index("s")
        wid = s * NC + c
        start, cntw = _worker_range(wid)

        pltpu.async_copy(src_h.at[pl.ds(start * W, W)], idx_a, sia)
        pltpu.async_copy(src_h.at[pl.ds((start + 1) * W, W)], idx_b, sib)

        def body(i, carry):
            widx = start + i

            def step(idx_v, rows_v, si, st):
                @pl.when(i >= 2)
                def _():
                    pltpu.make_async_copy(
                        rows_v, g_h.at[pl.ds(0, W), :], st).wait()

                pltpu.make_async_copy(
                    src_h.at[pl.ds(0, W)], idx_v, si).wait()
                pltpu.async_copy(tab_h.at[idx_v], rows_v, sg).wait()
                pltpu.async_copy(rows_v, g_h.at[pl.ds(widx * W, W), :], st)

                @pl.when(i + 2 < cntw)
                def _():
                    pltpu.async_copy(
                        src_h.at[pl.ds((widx + 2) * W, W)], idx_v, si)

            @pl.when(lax.rem(i, 2) == 0)
            def _():
                step(idx_a, rows_a, sia, sta)

            @pl.when(lax.rem(i, 2) == 1)
            def _():
                step(idx_b, rows_b, sib, stb)
            return carry

        lax.fori_loop(0, cntw, body, 0)
        pltpu.make_async_copy(rows_a, g_h.at[pl.ds(0, W), :], sta).wait()
        pltpu.make_async_copy(rows_b, g_h.at[pl.ds(0, W), :], stb).wait()

    return gath(tab, src2d)


def _dot(a, b):
    return jnp.dot(a, b, preferred_element_type=F32)


def _dott(a, b):
    return lax.dot_general(a, b, (((0,), (0,)), ((), ())),
                           preferred_element_type=F32)


def _onehot(dstv, nrows):
    return (lax.broadcasted_iota(jnp.int32, (nrows, NF), 1) == dstv
            ).astype(F32)


_SMALL = pl.BlockSpec((NF, NF), lambda i: (0, 0))
_ROW = pl.BlockSpec((1, NF), lambda i: (0, 0))
_COL = pl.BlockSpec((NF, 1), lambda i: (0, 0))


def _payload(m):
    return jnp.concatenate(
        [m, jnp.ones((m.shape[0], 1), F32), jnp.zeros((m.shape[0], 63), F32)],
        axis=1)


def _tc_pass0(ev2, dst2, A0, wmf_e0, t2b, wmo_e0):
    def body(ev_r, dst_r, a0_r, wmfe_r, t2b_r, wmoe_r, mof_r, aggf_r, cnt_r):
        i = pl.program_id(0)
        ev = ev_r[...]
        oh = _onehot(dst_r[...], BE)
        mof_r[...] = _payload(
            jnp.maximum(_dot(oh, a0_r[...]) + ev * wmfe_r[...], 0.0))
        mfo = jnp.maximum(t2b_r[...] + ev * wmoe_r[...], 0.0)
        part = _dott(oh, mfo)
        cpart = _dott(oh, jnp.ones((BE, 1), F32))

        @pl.when(i == 0)
        def _():
            aggf_r[...] = jnp.zeros_like(aggf_r)
            cnt_r[...] = jnp.zeros_like(cnt_r)

        aggf_r[...] += part
        cnt_r[...] += cpart

    return pl.pallas_call(
        body,
        grid=(GE,),
        in_specs=[pl.BlockSpec((BE, 1), lambda i: (i, 0)),
                  pl.BlockSpec((BE, 1), lambda i: (i, 0)),
                  _SMALL, _ROW, _ROW, _ROW],
        out_specs=[pl.BlockSpec((BE, 2 * NF), lambda i: (i, 0)),
                   _SMALL, _COL],
        out_shape=[jax.ShapeDtypeStruct((E, 2 * NF), F32),
                   jax.ShapeDtypeStruct((NF, NF), F32),
                   jax.ShapeDtypeStruct((NF, 1), F32)],
    )(ev2, dst2, A0, wmf_e0, t2b, wmo_e0)


def _tc_node0(sums, wn_a0, vn0, we_n0, wmo_n1,
              aggf, cntd, f0b, wf_a0, we_f0, be0, wmf_f1, bmf1):
    def body(s_r, wna_r, vn0_r, wen_r, wmon_r,
             aggf_r, cntd_r, f0b_r, wfa_r, wef_r, be0_r, wmff_r, bmf1_r,
             nemb1_r, tab_r, inv_r, femb1_r, uf0b_r, tf1b_r):
        i = pl.program_id(0)
        sfull = s_r[0] + s_r[1]
        ssum = sfull[:, :NF]
        cnt = jnp.sum(sfull[:, NF:], axis=1, keepdims=True)
        inv = 1.0 / jnp.maximum(cnt, 1.0)
        inv_r[...] = inv
        agg = ssum * inv
        nn0 = jnp.maximum(vn0_r[...] + _dot(agg, wna_r[...]), 0.0)
        nemb1 = jnp.maximum(nn0 + 1.0, 0.0)
        nemb1_r[...] = nemb1
        tab_r[...] = jnp.concatenate(
            [_dot(nn0, wen_r[...]), _dot(nemb1, wmon_r[...])], axis=1)

        @pl.when(i == 0)
        def _():
            invd = 1.0 / jnp.maximum(cntd_r[...], 1.0)
            aggf0 = aggf_r[...] * invd
            nf0 = jnp.maximum(f0b_r[...] + _dot(aggf0, wfa_r[...]), 0.0)
            ey = (lax.broadcasted_iota(jnp.int32, (NF, NF), 0)
                  == lax.broadcasted_iota(jnp.int32, (NF, NF), 1)).astype(F32)
            femb1 = jnp.maximum(nf0 + ey, 0.0)
            femb1_r[...] = femb1
            uf0b_r[...] = _dot(nf0, wef_r[...]) + be0_r[...]
            tf1b_r[...] = _dot(femb1, wmff_r[...]) + bmf1_r[...]

    return pl.pallas_call(
        body,
        grid=(GN,),
        in_specs=[pl.BlockSpec((NC, BN, 2 * NF), lambda i: (0, i, 0)),
                  _SMALL, _ROW, _SMALL, _SMALL,
                  _SMALL, _COL, _SMALL, _SMALL, _SMALL, _ROW, _SMALL, _ROW],
        out_specs=[pl.BlockSpec((BN, NF), lambda i: (i, 0)),
                   pl.BlockSpec((BN, 2 * NF), lambda i: (i, 0)),
                   pl.BlockSpec((BN, 1), lambda i: (i, 0)),
                   _SMALL, _SMALL, _SMALL],
        out_shape=[jax.ShapeDtypeStruct((N, NF), F32),
                   jax.ShapeDtypeStruct((N, 2 * NF), F32),
                   jax.ShapeDtypeStruct((N, 1), F32),
                   jax.ShapeDtypeStruct((NF, NF), F32),
                   jax.ShapeDtypeStruct((NF, NF), F32),
                   jax.ShapeDtypeStruct((NF, NF), F32)],
    )(sums, wn_a0, vn0, we_n0, wmo_n1,
      aggf, cntd, f0b, wf_a0, we_f0, be0, wmf_f1, bmf1)


def _tc_pass1(ev2, dst2, g, uf0b, tf1b, wmf_e1, wmo_e1, bmo1, we_e0):
    def body(ev_r, dst_r, g_r, uf_r, tf_r, wmf_r, wmo_r, bmo_r,
             wee_r, e1_r, mof_r, aggf_r):
        i = pl.program_id(0)
        ev = ev_r[...]
        oh = _onehot(dst_r[...], BE)
        gv = g_r[...]
        inner = ev * wee_r[...] + gv[:, :NF] + _dot(oh, uf_r[...])
        e1 = jnp.maximum(jnp.maximum(inner, 0.0) + ev, 0.0)
        e1_r[...] = e1
        mof_r[...] = _payload(
            jnp.maximum(_dot(oh, tf_r[...]) + _dot(e1, wmf_r[...]), 0.0))
        mfo = jnp.maximum(gv[:, NF:] + _dot(e1, wmo_r[...]) + bmo_r[...], 0.0)
        part = _dott(oh, mfo)

        @pl.when(i == 0)
        def _():
            aggf_r[...] = jnp.zeros_like(aggf_r)

        aggf_r[...] += part

    return pl.pallas_call(
        body,
        grid=(GE,),
        in_specs=[pl.BlockSpec((BE, 1), lambda i: (i, 0)),
                  pl.BlockSpec((BE, 1), lambda i: (i, 0)),
                  pl.BlockSpec((BE, 2 * NF), lambda i: (i, 0)),
                  _SMALL, _SMALL, _SMALL, _SMALL, _ROW, _ROW],
        out_specs=[pl.BlockSpec((BE, NF), lambda i: (i, 0)),
                   pl.BlockSpec((BE, 2 * NF), lambda i: (i, 0)),
                   _SMALL],
        out_shape=[jax.ShapeDtypeStruct((E, NF), F32),
                   jax.ShapeDtypeStruct((E, 2 * NF), F32),
                   jax.ShapeDtypeStruct((NF, NF), F32)],
    )(ev2, dst2, g, uf0b, tf1b, wmf_e1, wmo_e1, bmo1, we_e0)


def _tc_node1(nemb1, sums, inv, wn_n1, wn_a1, bn1, we_n1, wmo_n2,
              femb1, aggf, cntd, wf_f1, wf_a1, bf1, we_f1, be1, wmf_f2, bmf2):
    def body(ne_r, s_r, inv_r, wnn_r, wna_r, bn_r, wen_r, wmon_r,
             fe_r, aggf_r, cntd_r, wff_r, wfa_r, bf_r, wef_r, be_r,
             wmff_r, bmf_r,
             nemb2_r, tab_r, femb2_r, uf1b_r, tf2b_r):
        i = pl.program_id(0)
        ne = ne_r[...]
        agg = (s_r[0] + s_r[1])[:, :NF] * inv_r[...]
        nn1 = jnp.maximum(_dot(ne, wnn_r[...]) + _dot(agg, wna_r[...])
                          + bn_r[...], 0.0)
        nemb2 = jnp.maximum(nn1 + ne, 0.0)
        nemb2_r[...] = nemb2
        tab_r[...] = jnp.concatenate(
            [_dot(nn1, wen_r[...]), _dot(nemb2, wmon_r[...])], axis=1)

        @pl.when(i == 0)
        def _():
            fe = fe_r[...]
            invd = 1.0 / jnp.maximum(cntd_r[...], 1.0)
            aggf1 = aggf_r[...] * invd
            nf1 = jnp.maximum(_dot(fe, wff_r[...]) + _dot(aggf1, wfa_r[...])
                              + bf_r[...], 0.0)
            femb2 = jnp.maximum(nf1 + fe, 0.0)
            femb2_r[...] = femb2
            uf1b_r[...] = _dot(nf1, wef_r[...]) + be_r[...]
            tf2b_r[...] = _dot(femb2, wmff_r[...]) + bmf_r[...]

    return pl.pallas_call(
        body,
        grid=(GN,),
        in_specs=[pl.BlockSpec((BN, NF), lambda i: (i, 0)),
                  pl.BlockSpec((NC, BN, 2 * NF), lambda i: (0, i, 0)),
                  pl.BlockSpec((BN, 1), lambda i: (i, 0)),
                  _SMALL, _SMALL, _ROW, _SMALL, _SMALL,
                  _SMALL, _SMALL, _COL, _SMALL, _SMALL, _ROW, _SMALL, _ROW,
                  _SMALL, _ROW],
        out_specs=[pl.BlockSpec((BN, NF), lambda i: (i, 0)),
                   pl.BlockSpec((BN, 2 * NF), lambda i: (i, 0)),
                   _SMALL, _SMALL, _SMALL],
        out_shape=[jax.ShapeDtypeStruct((N, NF), F32),
                   jax.ShapeDtypeStruct((N, 2 * NF), F32),
                   jax.ShapeDtypeStruct((NF, NF), F32),
                   jax.ShapeDtypeStruct((NF, NF), F32),
                   jax.ShapeDtypeStruct((NF, NF), F32)],
    )(nemb1, sums, inv, wn_n1, wn_a1, bn1, we_n1, wmo_n2,
      femb1, aggf, cntd, wf_f1, wf_a1, bf1, we_f1, be1, wmf_f2, bmf2)


def _tc_pass2(e1, dst2, g, uf1b, tf2b, we_e1, wmf_e2, wmo_e2, bmo2):
    def body(e1_r, dst_r, g_r, uf_r, tf_r, wee_r, wmf_r, wmo_r,
             bmo_r, mof_r, aggf_r):
        i = pl.program_id(0)
        e1v = e1_r[...]
        oh = _onehot(dst_r[...], BE)
        gv = g_r[...]
        inner = _dot(e1v, wee_r[...]) + gv[:, :NF] + _dot(oh, uf_r[...])
        e2 = jnp.maximum(jnp.maximum(inner, 0.0) + e1v, 0.0)
        mof_r[...] = _payload(
            jnp.maximum(_dot(oh, tf_r[...]) + _dot(e2, wmf_r[...]), 0.0))
        mfo = jnp.maximum(gv[:, NF:] + _dot(e2, wmo_r[...]) + bmo_r[...], 0.0)
        part = _dott(oh, mfo)

        @pl.when(i == 0)
        def _():
            aggf_r[...] = jnp.zeros_like(aggf_r)

        aggf_r[...] += part

    return pl.pallas_call(
        body,
        grid=(GE,),
        in_specs=[pl.BlockSpec((BE, NF), lambda i: (i, 0)),
                  pl.BlockSpec((BE, 1), lambda i: (i, 0)),
                  pl.BlockSpec((BE, 2 * NF), lambda i: (i, 0)),
                  _SMALL, _SMALL, _SMALL, _SMALL, _SMALL, _ROW],
        out_specs=[pl.BlockSpec((BE, 2 * NF), lambda i: (i, 0)),
                   _SMALL],
        out_shape=[jax.ShapeDtypeStruct((E, 2 * NF), F32),
                   jax.ShapeDtypeStruct((NF, NF), F32)],
    )(e1, dst2, g, uf1b, tf2b, we_e1, wmf_e2, wmo_e2, bmo2)


def _tc_node2_head(nemb2, sums, inv, wn_n2, wn_a2, bn2,
                   femb2, aggf, cntd, wf_f2, wf_a2, bf2,
                   wo, wfe, bh, wout, bout, w1, b1, w2, b2):
    def body(ne_r, s_r, inv_r, wnn_r, wna_r, bn_r,
             fe_r, aggf_r, cntd_r, wff_r, wfa_r, bf_r,
             wo_r, wfe_r, bh_r, wout_r, bout_r, w1_r, b1_r, w2_r, b2_r,
             dhat_r, yhat_r):
        ne = ne_r[...]
        agg = (s_r[0] + s_r[1])[:, :NF] * inv_r[...]
        nn2 = jnp.maximum(_dot(ne, wnn_r[...]) + _dot(agg, wna_r[...])
                          + bn_r[...], 0.0)
        nemb3 = jnp.maximum(nn2 + ne, 0.0)
        obs_h = _dot(nemb3, wo_r[...])
        fe = fe_r[...]
        invd = 1.0 / jnp.maximum(cntd_r[...], 1.0)
        aggf2 = aggf_r[...] * invd
        nf2 = jnp.maximum(_dot(fe, wff_r[...]) + _dot(aggf2, wfa_r[...])
                          + bf_r[...], 0.0)
        femb3 = jnp.maximum(nf2 + fe, 0.0)
        cmat = _dot(femb3, wfe_r[...]) + bh_r[...]
        h3 = jnp.maximum(obs_h[:, None, :] + cmat[None, :, :], 0.0)
        d = (_dot(h3.reshape(BH * NF, NF), wout_r[...]).reshape(BH, NF)
             + bout_r[...])
        dhat_r[...] = d
        y = (_dot(jnp.maximum(_dot(d, w1_r[...]) + b1_r[...], 0.0), w2_r[...])
             + b2_r[...])
        yhat_r[...] = y

    return pl.pallas_call(
        body,
        grid=(GH,),
        in_specs=[pl.BlockSpec((BH, NF), lambda i: (i, 0)),
                  pl.BlockSpec((NC, BH, 2 * NF), lambda i: (0, i, 0)),
                  pl.BlockSpec((BH, 1), lambda i: (i, 0)),
                  _SMALL, _SMALL, _ROW,
                  _SMALL, _SMALL, _COL, _SMALL, _SMALL, _ROW,
                  _SMALL, _SMALL, _ROW, _COL, pl.BlockSpec((1, 1), lambda i: (0, 0)),
                  _SMALL, _ROW, _COL, pl.BlockSpec((1, 1), lambda i: (0, 0))],
        out_specs=[pl.BlockSpec((BH, NF), lambda i: (i, 0)),
                   pl.BlockSpec((BH, 1), lambda i: (i, 0))],
        out_shape=[jax.ShapeDtypeStruct((N, NF), F32),
                   jax.ShapeDtypeStruct((N, 1), F32)],
    )(nemb2, sums, inv, wn_n2, wn_a2, bn2,
      femb2, aggf, cntd, wf_f2, wf_a2, bf2,
      wo, wfe, bh, wout, bout, w1, b1, w2, b2)


def kernel(x, edge_index, edge_value, params):
    del x
    src = edge_index[0]
    dst = edge_index[1]
    ev2 = edge_value.reshape(E, 1)
    dst2 = dst.reshape(E, 1)
    src2d = src
    zeros128 = jnp.zeros((N, 128), F32)

    p0, p1, p2 = params["block0"], params["block1"], params["block2"]
    eph, nph = params["eph"], params["nph"]

    def row(v):
        return v.reshape(1, NF)

    A0 = p0["Wmf"][:64] + row(p0["bmf"])
    wmf_e0 = p0["Wmf"][64:65]
    t2b = jnp.sum(p0["Wmo"][:64], 0, keepdims=True) + row(p0["bmo"])
    wmo_e0 = p0["Wmo"][64:65]
    vn0 = jnp.sum(p0["Wn"][:64], 0, keepdims=True) + row(p0["bn"])
    wn_a0 = p0["Wn"][64:]
    f0b = p0["Wf"][:64] + row(p0["bf"])
    wf_a0 = p0["Wf"][64:]
    we_e0 = p0["We"][0:1]
    we_n0 = p0["We"][1:65]
    we_f0 = p0["We"][65:]
    be0 = row(p0["be"])

    wmf_f1, wmf_e1 = p1["Wmf"][:64], p1["Wmf"][64:]
    wmo_n1, wmo_e1 = p1["Wmo"][:64], p1["Wmo"][64:]
    wn_n1, wn_a1 = p1["Wn"][:64], p1["Wn"][64:]
    wf_f1, wf_a1 = p1["Wf"][:64], p1["Wf"][64:]
    we_e1, we_n1, we_f1 = p1["We"][:64], p1["We"][64:128], p1["We"][128:]
    bmf1, bmo1, bn1, bf1, be1 = (row(p1["bmf"]), row(p1["bmo"]),
                                 row(p1["bn"]), row(p1["bf"]), row(p1["be"]))

    wmf_f2, wmf_e2 = p2["Wmf"][:64], p2["Wmf"][64:]
    wmo_n2, wmo_e2 = p2["Wmo"][:64], p2["Wmo"][64:]
    wn_n2, wn_a2 = p2["Wn"][:64], p2["Wn"][64:]
    wf_f2, wf_a2 = p2["Wf"][:64], p2["Wf"][64:]
    bmf2, bmo2, bn2, bf2 = (row(p2["bmf"]), row(p2["bmo"]),
                            row(p2["bn"]), row(p2["bf"]))

    mof0, aggf0, cntd = _tc_pass0(ev2, dst2, A0, wmf_e0, t2b, wmo_e0)
    sums0 = _sc_scatter(mof0, src2d, zeros128)

    (nemb1, tab1, inv, femb1, uf0b, tf1b) = _tc_node0(
        sums0, wn_a0, vn0, we_n0, wmo_n1,
        aggf0, cntd, f0b, wf_a0, we_f0, be0, wmf_f1, bmf1)

    g0 = _sc_gather(tab1, src2d)
    e1, mof1, aggf1 = _tc_pass1(ev2, dst2, g0, uf0b, tf1b,
                                wmf_e1, wmo_e1, bmo1, we_e0)
    sums1 = _sc_scatter(mof1, src2d, zeros128)

    (nemb2, tab2, femb2, uf1b, tf2b) = _tc_node1(
        nemb1, sums1, inv, wn_n1, wn_a1, bn1, we_n1, wmo_n2,
        femb1, aggf1, cntd, wf_f1, wf_a1, bf1, we_f1, be1, wmf_f2, bmf2)

    g1 = _sc_gather(tab2, src2d)
    mof2, aggf2 = _tc_pass2(e1, dst2, g1, uf1b, tf2b,
                            we_e1, wmf_e2, wmo_e2, bmo2)
    sums2 = _sc_scatter(mof2, src2d, zeros128)

    d_hat, y_hat = _tc_node2_head(
        nemb2, sums2, inv, wn_n2, wn_a2, bn2,
        femb2, aggf2, cntd, wf_f2, wf_a2, bf2,
        eph["Wo"], eph["Wf"], row(eph["bh"]), eph["wout"].reshape(NF, 1),
        eph["bout"].reshape(1, 1), nph["W1"], row(nph["b1"]),
        nph["W2"], nph["b2"].reshape(1, 1))
    return d_hat, y_hat

# --- scband reference (transcript-rebuilt; emitter-appended) ---
"""Pipeline reference for scband-grape-7129645711557 (READ-ONLY COPY).

The authoritative reference and input builder live on the scoring server;
editing this copy changes nothing except your own understanding.
"""

import jax, jax.numpy as jnp
import numpy as np

N_OBS = 10000
NUM_FEATURES = 64
NUM_EDGES = 320000
NODE_EMB = 64
EDGE_EMB = 64
MSG_EMB = 64
NUM_LAYERS = 3
NUM_LABELS = 1
EPH_HID = 64


def _seg_mean(data, seg, num):
    s = jax.ops.segment_sum(data, seg, num_segments=num)
    c = jax.ops.segment_sum(jnp.ones((data.shape[0], 1), data.dtype), seg, num_segments=num)
    return s / jnp.maximum(c, 1.0)


def _make_params(key):
    keys = jax.random.split(key, 64)
    it = iter(range(64))
    def w(shape):
        return jax.random.normal(keys[next(it)], shape, dtype=jnp.float32) * 0.05
    params = {}
    for i in range(NUM_LAYERS):
        edge_in = 1 if i == 0 else EDGE_EMB
        params['block%d' % i] = {
            'Wmf': w((NODE_EMB + edge_in, MSG_EMB)), 'bmf': w((MSG_EMB,)),
            'Wmo': w((NODE_EMB + edge_in, MSG_EMB)), 'bmo': w((MSG_EMB,)),
            'Wn': w((NODE_EMB + MSG_EMB, NODE_EMB)), 'bn': w((NODE_EMB,)),
            'Wf': w((NODE_EMB + MSG_EMB, NODE_EMB)), 'bf': w((NODE_EMB,)),
            'We': w((edge_in + 2 * NODE_EMB, EDGE_EMB)), 'be': w((EDGE_EMB,)),
        }
    params['eph'] = {'Wo': w((NODE_EMB, EPH_HID)), 'Wf': w((NODE_EMB, EPH_HID)), 'bh': w((EPH_HID,)), 'wout': w((EPH_HID,)), 'bout': w(())}
    params['nph'] = {'W1': w((NUM_FEATURES, 64)), 'b1': w((64,)), 'W2': w((64, NUM_LABELS)), 'b2': w((NUM_LABELS,))}
    return params


def setup_inputs(seed: int = 0):
    key = jax.random.key(seed)
    k1, k2, k3, k4, k5 = jax.random.split(key, 5)
    x = jax.random.normal(k1, (N_OBS, NUM_FEATURES), dtype=jnp.float32)
    src = jax.random.randint(k2, (NUM_EDGES,), 0, N_OBS, dtype=jnp.int32)
    dst = jax.random.randint(k3, (NUM_EDGES,), 0, NUM_FEATURES, dtype=jnp.int32)
    edge_index = jnp.stack([src, dst], axis=0)
    edge_value = jax.random.normal(k4, (NUM_EDGES,), dtype=jnp.float32)
    params = _make_params(k5)
    return {'x': x, 'edge_index': edge_index, 'edge_value': edge_value, 'params': params}


def _grape_forward(x, edge_index, edge_value, params):
    n = x.shape[0]
    src = edge_index[0]
    dst = edge_index[1]
    # Init: observation nodes start as all-ones, feature nodes as one-hot (GRAPE init)
    node_emb = jnp.ones((n, NUM_FEATURES), jnp.float32)
    feature_emb = jnp.eye(NUM_FEATURES, dtype=jnp.float32)
    edge_emb = edge_value[:, None]
    for i in range(NUM_LAYERS):
        p = params['block%d' % i]
        nb = jax.lax.stop_gradient(node_emb)
        eb = jax.lax.stop_gradient(edge_emb)
        fb = jax.lax.stop_gradient(feature_emb)
        # messages feature -> observation
        m_of = jax.nn.relu(jnp.concatenate([feature_emb[dst], edge_emb], axis=1) @ p['Wmf'] + p['bmf'])
        agg_o = _seg_mean(m_of, src, n)
        new_node = jax.nn.relu(jnp.concatenate([node_emb, agg_o], axis=1) @ p['Wn'] + p['bn'])
        # messages observation -> feature
        m_fo = jax.nn.relu(jnp.concatenate([node_emb[src], edge_emb], axis=1) @ p['Wmo'] + p['bmo'])
        agg_f = _seg_mean(m_fo, dst, NUM_FEATURES)
        new_feat = jax.nn.relu(jnp.concatenate([feature_emb, agg_f], axis=1) @ p['Wf'] + p['bf'])
        # edge update
        new_edge = jax.nn.relu(jnp.concatenate([edge_emb, new_node[src], new_feat[dst]], axis=1) @ p['We'] + p['be'])
        # residual with detached previous embeddings (matches clone().detach() in torch)
        node_emb = jax.nn.relu(new_node + nb)
        edge_emb = jax.nn.relu(new_edge + eb)
        feature_emb = jax.nn.relu(new_feat + fb)
    # EdgePredictionHead: pairwise MLP over (obs node, feature node)
    ep = params['eph']
    obs_h = node_emb @ ep['Wo']
    feat_h = feature_emb @ ep['Wf']
    h = jax.nn.relu(obs_h[:, None, :] + feat_h[None, :, :] + ep['bh'])
    d_hat = h @ ep['wout'] + ep['bout']
    # NodePredictionHead: MLP on imputed data
    npar = params['nph']
    y_hat = jax.nn.relu(d_hat @ npar['W1'] + npar['b1']) @ npar['W2'] + npar['b2']
    return d_hat, y_hat


def reference(x, edge_index, edge_value, params):
    return _grape_forward(x, edge_index, edge_value, params)

if __name__ == "__main__":
    import jax
    _d = setup_inputs()
    print(jax.jit(kernel)(*tuple(_d.values())))

</pallas_src>

<mosaic_0001>
#map = affine_map<(d0, d1) -> (0, 0)>
#map1 = affine_map<(d0, d1) -> (0)>
module attributes {stable_mosaic.version = 14 : i64} {
  func.func @gath(%arg0: i32, %arg1: i32, %arg2: memref<10000x128xf32, #tpu.memory_space<hbm>>, %arg3: memref<320000xi32, #tpu.memory_space<hbm>>, %arg4: memref<320000x128xf32, #tpu.memory_space<hbm>>, %arg5: memref<128xi32, #tpu.memory_space<vmem>>, %arg6: memref<128xi32, #tpu.memory_space<vmem>>, %arg7: memref<128x128xf32, #tpu.memory_space<vmem>>, %arg8: memref<128x128xf32, #tpu.memory_space<vmem>>, %arg9: memref<!tpu.dma_semaphore, #tpu.memory_space<semaphore_mem>>, %arg10: memref<!tpu.dma_semaphore, #tpu.memory_space<semaphore_mem>>, %arg11: memref<!tpu.dma_semaphore, #tpu.memory_space<semaphore_mem>>, %arg12: memref<!tpu.dma_semaphore, #tpu.memory_space<semaphore_mem>>, %arg13: memref<!tpu.dma_semaphore, #tpu.memory_space<semaphore_mem>>) attributes {dimension_semantics = [#tpu.dimension_semantics<core_parallel>, #tpu.dimension_semantics<subcore_parallel>], iteration_bounds = array<i64: 2, 16>, scalar_prefetch = 0 : i64, scratch_operands = 9 : i64, tpu.core_type = #tpu.core_type<sc_vector_subcore>, window_params = [{transform_indices = #map}, {transform_indices = #map1}, {transform_indices = #map}]} {
    %mul3A = arith.constant 2 : i32
    %mul3A_0 = arith.muli %arg1, %mul3A : i32
    %add3A = arith.addi %mul3A_0, %arg0 : i32
    %mul3A_1 = arith.constant 78 : i32
    %mul3A_2 = arith.muli %add3A, %mul3A_1 : i32
    %min3A = arith.constant 4 : i32
    %min3A_3 = arith.minsi %add3A, %min3A : i32
    %add3A_4 = arith.addi %mul3A_2, %min3A_3 : i32
    %lt3A = arith.constant 4 : i32
    %lt3A_5 = arith.cmpi slt, %add3A, %lt3A : i32
    %jit3A = arith.constant 79 : i32
    %jit3A_6 = arith.constant 78 : i32
    %select_n3A = arith.select %lt3A_5, %jit3A, %jit3A_6 : i32
    %mul3A_7 = arith.constant 128 : i32
    %mul3A_8 = arith.muli %add3A_4, %mul3A_7 : i32
    %dma_start3A = tpu.memref_slice %arg3[%mul3A_8] : memref<320000xi32, #tpu.memory_space<hbm>> -> memref<128xi32, #tpu.memory_space<hbm>>
    %dma_start3A_9 = tpu.memref_slice %arg3[%mul3A_8] : memref<320000xi32, #tpu.memory_space<hbm>> -> memref<128xi32, #tpu.memory_space<hbm>>
    tpu.enqueue_dma source(%dma_start3A_9 : memref<128xi32, #tpu.memory_space<hbm>>) target(%arg5 : memref<128xi32, #tpu.memory_space<vmem>>) target_semaphore(%arg9 : memref<!tpu.dma_semaphore, #tpu.memory_space<semaphore_mem>>)
    %add3A_10 = arith.constant 1 : i32
    %add3A_11 = arith.addi %add3A_4, %add3A_10 : i32
    %mul3A_12 = arith.constant 128 : i32
    %mul3A_13 = arith.muli %add3A_11, %mul3A_12 : i32
    %dma_start3A_14 = tpu.memref_slice %arg3[%mul3A_13] : memref<320000xi32, #tpu.memory_space<hbm>> -> memref<128xi32, #tpu.memory_space<hbm>>
    %dma_start3A_15 = tpu.memref_slice %arg3[%mul3A_13] : memref<320000xi32, #tpu.memory_space<hbm>> -> memref<128xi32, #tpu.memory_space<hbm>>
    tpu.enqueue_dma source(%dma_start3A_15 : memref<128xi32, #tpu.memory_space<hbm>>) target(%arg6 : memref<128xi32, #tpu.memory_space<vmem>>) target_semaphore(%arg10 : memref<!tpu.dma_semaphore, #tpu.memory_space<semaphore_mem>>)
    %while3A = arith.constant 0 : i32
    %while3A_16 = arith.constant 0 : i32
    %while3A_17 = arith.subi %select_n3A, %while3A_16 : i32
    %while3A_18 = arith.addi %while3A_16, %while3A_17 : i32
    %while3A_19 = arith.constant 1 : i32
    %while3A_20 = arith.divsi %while3A_17, %while3A_19 : i32
    %while3A_21 = arith.muli %while3A_20, %while3A_19 : i32
    %while3A_22 = arith.addi %while3A_16, %while3A_21 : i32
    %while3A_23 = arith.constant 1 : i32
    scf.for %while3A_36 = %while3A_16 to %while3A_22 step %while3A_23  : i32 {
      %add3A_37 = arith.addi %add3A_4, %while3A_36 : i32
      %rem3A = arith.constant 2 : i32
      %rem3A_38 = arith.remsi %while3A_36, %rem3A : i32
      %eq3A = arith.constant 0 : i32
      %eq3A_39 = arith.cmpi eq, %rem3A_38, %eq3A : i32
      %convert_element_type3A = arith.extui %eq3A_39 : i1 to i32
      %cond3A = arith.constant 0 : i32
      %cond3A_40 = arith.cmpi ne, %convert_element_type3A, %cond3A : i32
      scf.if %cond3A_40 {
        %ge3A = arith.constant 2 : i32
        %ge3A_48 = arith.cmpi sge, %while3A_36, %ge3A : i32
        %convert_element_type3A_49 = arith.extui %ge3A_48 : i1 to i32
        %cond3A_50 = arith.constant 0 : i32
        %cond3A_51 = arith.cmpi ne, %convert_element_type3A_49, %cond3A_50 : i32
        scf.if %cond3A_51 {
          %dma_wait3A_74 = arith.constant 0 : i32
          %dma_wait3A_75 = arith.constant 0 : i32
          %dma_wait3A_76 = tpu.memref_slice %arg4[%dma_wait3A_74, %dma_wait3A_75] : memref<320000x128xf32, #tpu.memory_space<hbm>> -> memref<128x128xf32, #tpu.memory_space<hbm>>
          %dma_wait3A_77 = arith.constant 0 : i32
          %dma_wait3A_78 = arith.constant 0 : i32
          %dma_wait3A_79 = tpu.memref_slice %arg4[%dma_wait3A_77, %dma_wait3A_78] : memref<320000x128xf32, #tpu.memory_space<hbm>> -> memref<128x128xf32, #tpu.memory_space<hbm>>
          tpu.wait_dma2 semaphore(%arg11 : memref<!tpu.dma_semaphore, #tpu.memory_space<semaphore_mem>>) src(%arg7 : memref<128x128xf32, #tpu.memory_space<vmem>>) dst(%dma_wait3A_79 : memref<128x128xf32, #tpu.memory_space<hbm>>)
        } else {
        }
        %dma_wait3A_52 = arith.constant 0 : i32
        %dma_wait3A_53 = tpu.memref_slice %arg3[%dma_wait3A_52] : memref<320000xi32, #tpu.memory_space<hbm>> -> memref<128xi32, #tpu.memory_space<hbm>>
        %dma_wait3A_54 = arith.constant 0 : i32
        %dma_wait3A_55 = tpu.memref_slice %arg3[%dma_wait3A_54] : memref<320000xi32, #tpu.memory_space<hbm>> -> memref<128xi32, #tpu.memory_space<hbm>>
        tpu.wait_dma2 semaphore(%arg9 : memref<!tpu.dma_semaphore, #tpu.memory_space<semaphore_mem>>) src(%dma_wait3A_55 : memref<128xi32, #tpu.memory_space<hbm>>) dst(%arg5 : memref<128xi32, #tpu.memory_space<vmem>>)
        %dma_start3A_56 = arith.constant 0 : i32
        %dma_start3A_57 = arith.constant 0 : i32
        %dma_start3A_58 = tpu.memref_slice %arg2[%dma_start3A_56, %dma_start3A_57] : memref<10000x128xf32, #tpu.memory_space<hbm>> -> memref<10000x128xf32, #tpu.memory_space<hbm>>
        tpu.enqueue_indirect_dma source(%dma_start3A_58 : memref<10000x128xf32, #tpu.memory_space<hbm>>) target(%arg7 : memref<128x128xf32, #tpu.memory_space<vmem>>) offsets(%arg5 : memref<128xi32, #tpu.memory_space<vmem>>) semaphore(%arg13 : memref<!tpu.dma_semaphore, #tpu.memory_space<semaphore_mem>>)
        %dma_wait3A_59 = arith.constant 0 : i32
        %dma_wait3A_60 = arith.constant 0 : i32
        %dma_wait3A_61 = tpu.memref_slice %arg2[%dma_wait3A_59, %dma_wait3A_60] : memref<10000x128xf32, #tpu.memory_space<hbm>> -> memref<10000x128xf32, #tpu.memory_space<hbm>>
        tpu.wait_indirect_dma semaphore(%arg13 : memref<!tpu.dma_semaphore, #tpu.memory_space<semaphore_mem>>) src(%dma_wait3A_61 : memref<10000x128xf32, #tpu.memory_space<hbm>>) dst(%arg7 : memref<128x128xf32, #tpu.memory_space<vmem>>)
        %mul3A_62 = arith.constant 128 : i32
        %mul3A_63 = arith.muli %add3A_37, %mul3A_62 : i32
        %dma_start3A_64 = arith.constant 0 : i32
        %dma_start3A_65 = tpu.memref_slice %arg4[%mul3A_63, %dma_start3A_64] : memref<320000x128xf32, #tpu.memory_space<hbm>> -> memref<128x128xf32, #tpu.memory_space<hbm>>
        %dma_start3A_66 = arith.constant 0 : i32
        %dma_start3A_67 = tpu.memref_slice %arg4[%mul3A_63, %dma_start3A_66] : memref<320000x128xf32, #tpu.memory_space<hbm>> -> memref<128x128xf32, #tpu.memory_space<hbm>>
        tpu.enqueue_dma source(%arg7 : memref<128x128xf32, #tpu.memory_space<vmem>>) target(%dma_start3A_67 : memref<128x128xf32, #tpu.memory_space<hbm>>) target_semaphore(%arg11 : memref<!tpu.dma_semaphore, #tpu.memory_space<semaphore_mem>>)
        %add3A_68 = arith.constant 2 : i32
        %add3A_69 = arith.addi %while3A_36, %add3A_68 : i32
        %lt3A_70 = arith.cmpi slt, %add3A_69, %select_n3A : i32
        %convert_element_type3A_71 = arith.extui %lt3A_70 : i1 to i32
        %cond3A_72 = arith.constant 0 : i32
        %cond3A_73 = arith.cmpi ne, %convert_element_type3A_71, %cond3A_72 : i32
        scf.if %cond3A_73 {
          %add3A_74 = arith.constant 2 : i32
          %add3A_75 = arith.addi %add3A_37, %add3A_74 : i32
          %mul3A_76 = arith.constant 128 : i32
          %mul3A_77 = arith.muli %add3A_75, %mul3A_76 : i32
          %dma_start3A_78 = tpu.memref_slice %arg3[%mul3A_77] : memref<320000xi32, #tpu.memory_space<hbm>> -> memref<128xi32, #tpu.memory_space<hbm>>
          %dma_start3A_79 = tpu.memref_slice %arg3[%mul3A_77] : memref<320000xi32, #tpu.memory_space<hbm>> -> memref<128xi32, #tpu.memory_space<hbm>>
          tpu.enqueue_dma source(%dma_start3A_79 : memref<128xi32, #tpu.memory_space<hbm>>) target(%arg5 : memref<128xi32, #tpu.memory_space<vmem>>) target_semaphore(%arg9 : memref<!tpu.dma_semaphore, #tpu.memory_space<semaphore_mem>>)
        } else {
        }
      } else {
      }
      %rem3A_41 = arith.constant 2 : i32
      %rem3A_42 = arith.remsi %while3A_36, %rem3A_41 : i32
      %eq3A_43 = arith.constant 1 : i32
      %eq3A_44 = arith.cmpi eq, %rem3A_42, %eq3A_43 : i32
      %convert_element_type3A_45 = arith.extui %eq3A_44 : i1 to i32
      %cond3A_46 = arith.constant 0 : i32
      %cond3A_47 = arith.cmpi ne, %convert_element_type3A_45, %cond3A_46 : i32
      scf.if %cond3A_47 {
        %ge3A = arith.constant 2 : i32
        %ge3A_48 = arith.cmpi sge, %while3A_36, %ge3A : i32
        %convert_element_type3A_49 = arith.extui %ge3A_48 : i1 to i32
        %cond3A_50 = arith.constant 0 : i32
        %cond3A_51 = arith.cmpi ne, %convert_element_type3A_49, %cond3A_50 : i32
        scf.if %cond3A_51 {
          %dma_wait3A_74 = arith.constant 0 : i32
          %dma_wait3A_75 = arith.constant 0 : i32
          %dma_wait3A_76 = tpu.memref_slice %arg4[%dma_wait3A_74, %dma_wait3A_75] : memref<320000x128xf32, #tpu.memory_space<hbm>> -> memref<128x128xf32, #tpu.memory_space<hbm>>
          %dma_wait3A_77 = arith.constant 0 : i32
          %dma_wait3A_78 = arith.constant 0 : i32
          %dma_wait3A_79 = tpu.memref_slice %arg4[%dma_wait3A_77, %dma_wait3A_78] : memref<320000x128xf32, #tpu.memory_space<hbm>> -> memref<128x128xf32, #tpu.memory_space<hbm>>
          tpu.wait_dma2 semaphore(%arg12 : memref<!tpu.dma_semaphore, #tpu.memory_space<semaphore_mem>>) src(%arg8 : memref<128x128xf32, #tpu.memory_space<vmem>>) dst(%dma_wait3A_79 : memref<128x128xf32, #tpu.memory_space<hbm>>)
        } else {
        }
        %dma_wait3A_52 = arith.constant 0 : i32
        %dma_wait3A_53 = tpu.memref_slice %arg3[%dma_wait3A_52] : memref<320000xi32, #tpu.memory_space<hbm>> -> memref<128xi32, #tpu.memory_space<hbm>>
        %dma_wait3A_54 = arith.constant 0 : i32
        %dma_wait3A_55 = tpu.memref_slice %arg3[%dma_wait3A_54] : memref<320000xi32, #tpu.memory_space<hbm>> -> memref<128xi32, #tpu.memory_space<hbm>>
        tpu.wait_dma2 semaphore(%arg10 : memref<!tpu.dma_semaphore, #tpu.memory_space<semaphore_mem>>) src(%dma_wait3A_55 : memref<128xi32, #tpu.memory_space<hbm>>) dst(%arg6 : memref<128xi32, #tpu.memory_space<vmem>>)
        %dma_start3A_56 = arith.constant 0 : i32
        %dma_start3A_57 = arith.constant 0 : i32
        %dma_start3A_58 = tpu.memref_slice %arg2[%dma_start3A_56, %dma_start3A_57] : memref<10000x128xf32, #tpu.memory_space<hbm>> -> memref<10000x128xf32, #tpu.memory_space<hbm>>
        tpu.enqueue_indirect_dma source(%dma_start3A_58 : memref<10000x128xf32, #tpu.memory_space<hbm>>) target(%arg8 : memref<128x128xf32, #tpu.memory_space<vmem>>) offsets(%arg6 : memref<128xi32, #tpu.memory_space<vmem>>) semaphore(%arg13 : memref<!tpu.dma_semaphore, #tpu.memory_space<semaphore_mem>>)
        %dma_wait3A_59 = arith.constant 0 : i32
        %dma_wait3A_60 = arith.constant 0 : i32
        %dma_wait3A_61 = tpu.memref_slice %arg2[%dma_wait3A_59, %dma_wait3A_60] : memref<10000x128xf32, #tpu.memory_space<hbm>> -> memref<10000x128xf32, #tpu.memory_space<hbm>>
        tpu.wait_indirect_dma semaphore(%arg13 : memref<!tpu.dma_semaphore, #tpu.memory_space<semaphore_mem>>) src(%dma_wait3A_61 : memref<10000x128xf32, #tpu.memory_space<hbm>>) dst(%arg8 : memref<128x128xf32, #tpu.memory_space<vmem>>)
        %mul3A_62 = arith.constant 128 : i32
        %mul3A_63 = arith.muli %add3A_37, %mul3A_62 : i32
        %dma_start3A_64 = arith.constant 0 : i32
        %dma_start3A_65 = tpu.memref_slice %arg4[%mul3A_63, %dma_start3A_64] : memref<320000x128xf32, #tpu.memory_space<hbm>> -> memref<128x128xf32, #tpu.memory_space<hbm>>
        %dma_start3A_66 = arith.constant 0 : i32
        %dma_start3A_67 = tpu.memref_slice %arg4[%mul3A_63, %dma_start3A_66] : memref<320000x128xf32, #tpu.memory_space<hbm>> -> memref<128x128xf32, #tpu.memory_space<hbm>>
        tpu.enqueue_dma source(%arg8 : memref<128x128xf32, #tpu.memory_space<vmem>>) target(%dma_start3A_67 : memref<128x128xf32, #tpu.memory_space<hbm>>) target_semaphore(%arg12 : memref<!tpu.dma_semaphore, #tpu.memory_space<semaphore_mem>>)
        %add3A_68 = arith.constant 2 : i32
        %add3A_69 = arith.addi %while3A_36, %add3A_68 : i32
        %lt3A_70 = arith.cmpi slt, %add3A_69, %select_n3A : i32
        %convert_element_type3A_71 = arith.extui %lt3A_70 : i1 to i32
        %cond3A_72 = arith.constant 0 : i32
        %cond3A_73 = arith.cmpi ne, %convert_element_type3A_71, %cond3A_72 : i32
        scf.if %cond3A_73 {
          %add3A_74 = arith.constant 2 : i32
          %add3A_75 = arith.addi %add3A_37, %add3A_74 : i32
          %mul3A_76 = arith.constant 128 : i32
          %mul3A_77 = arith.muli %add3A_75, %mul3A_76 : i32
          %dma_start3A_78 = tpu.memref_slice %arg3[%mul3A_77] : memref<320000xi32, #tpu.memory_space<hbm>> -> memref<128xi32, #tpu.memory_space<hbm>>
          %dma_start3A_79 = tpu.memref_slice %arg3[%mul3A_77] : memref<320000xi32, #tpu.memory_space<hbm>> -> memref<128xi32, #tpu.memory_space<hbm>>
          tpu.enqueue_dma source(%dma_start3A_79 : memref<128xi32, #tpu.memory_space<hbm>>) target(%arg6 : memref<128xi32, #tpu.memory_space<vmem>>) target_semaphore(%arg10 : memref<!tpu.dma_semaphore, #tpu.memory_space<semaphore_mem>>)
        } else {
        }
      } else {
      }
    }
    %while3A_24 = arith.constant 1 : i32
    scf.for %while3A_36 = %while3A_22 to %while3A_18 step %while3A_24  : i32 {
      %add3A_37 = arith.addi %add3A_4, %while3A_36 : i32
      %rem3A = arith.constant 2 : i32
      %rem3A_38 = arith.remsi %while3A_36, %rem3A : i32
      %eq3A = arith.constant 0 : i32
      %eq3A_39 = arith.cmpi eq, %rem3A_38, %eq3A : i32
      %convert_element_type3A = arith.extui %eq3A_39 : i1 to i32
      %cond3A = arith.constant 0 : i32
      %cond3A_40 = arith.cmpi ne, %convert_element_type3A, %cond3A : i32
      scf.if %cond3A_40 {
        %ge3A = arith.constant 2 : i32
        %ge3A_48 = arith.cmpi sge, %while3A_36, %ge3A : i32
        %convert_element_type3A_49 = arith.extui %ge3A_48 : i1 to i32
        %cond3A_50 = arith.constant 0 : i32
        %cond3A_51 = arith.cmpi ne, %convert_element_type3A_49, %cond3A_50 : i32
        scf.if %cond3A_51 {
          %dma_wait3A_74 = arith.constant 0 : i32
          %dma_wait3A_75 = arith.constant 0 : i32
          %dma_wait3A_76 = tpu.memref_slice %arg4[%dma_wait3A_74, %dma_wait3A_75] : memref<320000x128xf32, #tpu.memory_space<hbm>> -> memref<128x128xf32, #tpu.memory_space<hbm>>
          %dma_wait3A_77 = arith.constant 0 : i32
          %dma_wait3A_78 = arith.constant 0 : i32
          %dma_wait3A_79 = tpu.memref_slice %arg4[%dma_wait3A_77, %dma_wait3A_78] : memref<320000x128xf32, #tpu.memory_space<hbm>> -> memref<128x128xf32, #tpu.memory_space<hbm>>
          tpu.wait_dma2 semaphore(%arg11 : memref<!tpu.dma_semaphore, #tpu.memory_space<semaphore_mem>>) src(%arg7 : memref<128x128xf32, #tpu.memory_space<vmem>>) dst(%dma_wait3A_79 : memref<128x128xf32, #tpu.memory_space<hbm>>)
        } else {
        }
        %dma_wait3A_52 = arith.constant 0 : i32
        %dma_wait3A_53 = tpu.memref_slice %arg3[%dma_wait3A_52] : memref<320000xi32, #tpu.memory_space<hbm>> -> memref<128xi32, #tpu.memory_space<hbm>>
        %dma_wait3A_54 = arith.constant 0 : i32
        %dma_wait3A_55 = tpu.memref_slice %arg3[%dma_wait3A_54] : memref<320000xi32, #tpu.memory_space<hbm>> -> memref<128xi32, #tpu.memory_space<hbm>>
        tpu.wait_dma2 semaphore(%arg9 : memref<!tpu.dma_semaphore, #tpu.memory_space<semaphore_mem>>) src(%dma_wait3A_55 : memref<128xi32, #tpu.memory_space<hbm>>) dst(%arg5 : memref<128xi32, #tpu.memory_space<vmem>>)
        %dma_start3A_56 = arith.constant 0 : i32
        %dma_start3A_57 = arith.constant 0 : i32
        %dma_start3A_58 = tpu.memref_slice %arg2[%dma_start3A_56, %dma_start3A_57] : memref<10000x128xf32, #tpu.memory_space<hbm>> -> memref<10000x128xf32, #tpu.memory_space<hbm>>
        tpu.enqueue_indirect_dma source(%dma_start3A_58 : memref<10000x128xf32, #tpu.memory_space<hbm>>) target(%arg7 : memref<128x128xf32, #tpu.memory_space<vmem>>) offsets(%arg5 : memref<128xi32, #tpu.memory_space<vmem>>) semaphore(%arg13 : memref<!tpu.dma_semaphore, #tpu.memory_space<semaphore_mem>>)
        %dma_wait3A_59 = arith.constant 0 : i32
        %dma_wait3A_60 = arith.constant 0 : i32
        %dma_wait3A_61 = tpu.memref_slice %arg2[%dma_wait3A_59, %dma_wait3A_60] : memref<10000x128xf32, #tpu.memory_space<hbm>> -> memref<10000x128xf32, #tpu.memory_space<hbm>>
        tpu.wait_indirect_dma semaphore(%arg13 : memref<!tpu.dma_semaphore, #tpu.memory_space<semaphore_mem>>) src(%dma_wait3A_61 : memref<10000x128xf32, #tpu.memory_space<hbm>>) dst(%arg7 : memref<128x128xf32, #tpu.memory_space<vmem>>)
        %mul3A_62 = arith.constant 128 : i32
        %mul3A_63 = arith.muli %add3A_37, %mul3A_62 : i32
        %dma_start3A_64 = arith.constant 0 : i32
        %dma_start3A_65 = tpu.memref_slice %arg4[%mul3A_63, %dma_start3A_64] : memref<320000x128xf32, #tpu.memory_space<hbm>> -> memref<128x128xf32, #tpu.memory_space<hbm>>
        %dma_start3A_66 = arith.constant 0 : i32
        %dma_start3A_67 = tpu.memref_slice %arg4[%mul3A_63, %dma_start3A_66] : memref<320000x128xf32, #tpu.memory_space<hbm>> -> memref<128x128xf32, #tpu.memory_space<hbm>>
        tpu.enqueue_dma source(%arg7 : memref<128x128xf32, #tpu.memory_space<vmem>>) target(%dma_start3A_67 : memref<128x128xf32, #tpu.memory_space<hbm>>) target_semaphore(%arg11 : memref<!tpu.dma_semaphore, #tpu.memory_space<semaphore_mem>>)
        %add3A_68 = arith.constant 2 : i32
        %add3A_69 = arith.addi %while3A_36, %add3A_68 : i32
        %lt3A_70 = arith.cmpi slt, %add3A_69, %select_n3A : i32
        %convert_element_type3A_71 = arith.extui %lt3A_70 : i1 to i32
        %cond3A_72 = arith.constant 0 : i32
        %cond3A_73 = arith.cmpi ne, %convert_element_type3A_71, %cond3A_72 : i32
        scf.if %cond3A_73 {
          %add3A_74 = arith.constant 2 : i32
          %add3A_75 = arith.addi %add3A_37, %add3A_74 : i32
          %mul3A_76 = arith.constant 128 : i32
          %mul3A_77 = arith.muli %add3A_75, %mul3A_76 : i32
          %dma_start3A_78 = tpu.memref_slice %arg3[%mul3A_77] : memref<320000xi32, #tpu.memory_space<hbm>> -> memref<128xi32, #tpu.memory_space<hbm>>
          %dma_start3A_79 = tpu.memref_slice %arg3[%mul3A_77] : memref<320000xi32, #tpu.memory_space<hbm>> -> memref<128xi32, #tpu.memory_space<hbm>>
          tpu.enqueue_dma source(%dma_start3A_79 : memref<128xi32, #tpu.memory_space<hbm>>) target(%arg5 : memref<128xi32, #tpu.memory_space<vmem>>) target_semaphore(%arg9 : memref<!tpu.dma_semaphore, #tpu.memory_space<semaphore_mem>>)
        } else {
        }
      } else {
      }
      %rem3A_41 = arith.constant 2 : i32
      %rem3A_42 = arith.remsi %while3A_36, %rem3A_41 : i32
      %eq3A_43 = arith.constant 1 : i32
      %eq3A_44 = arith.cmpi eq, %rem3A_42, %eq3A_43 : i32
      %convert_element_type3A_45 = arith.extui %eq3A_44 : i1 to i32
      %cond3A_46 = arith.constant 0 : i32
      %cond3A_47 = arith.cmpi ne, %convert_element_type3A_45, %cond3A_46 : i32
      scf.if %cond3A_47 {
        %ge3A = arith.constant 2 : i32
        %ge3A_48 = arith.cmpi sge, %while3A_36, %ge3A : i32
        %convert_element_type3A_49 = arith.extui %ge3A_48 : i1 to i32
        %cond3A_50 = arith.constant 0 : i32
        %cond3A_51 = arith.cmpi ne, %convert_element_type3A_49, %cond3A_50 : i32
        scf.if %cond3A_51 {
          %dma_wait3A_74 = arith.constant 0 : i32
          %dma_wait3A_75 = arith.constant 0 : i32
          %dma_wait3A_76 = tpu.memref_slice %arg4[%dma_wait3A_74, %dma_wait3A_75] : memref<320000x128xf32, #tpu.memory_space<hbm>> -> memref<128x128xf32, #tpu.memory_space<hbm>>
          %dma_wait3A_77 = arith.constant 0 : i32
          %dma_wait3A_78 = arith.constant 0 : i32
          %dma_wait3A_79 = tpu.memref_slice %arg4[%dma_wait3A_77, %dma_wait3A_78] : memref<320000x128xf32, #tpu.memory_space<hbm>> -> memref<128x128xf32, #tpu.memory_space<hbm>>
          tpu.wait_dma2 semaphore(%arg12 : memref<!tpu.dma_semaphore, #tpu.memory_space<semaphore_mem>>) src(%arg8 : memref<128x128xf32, #tpu.memory_space<vmem>>) dst(%dma_wait3A_79 : memref<128x128xf32, #tpu.memory_space<hbm>>)
        } else {
        }
        %dma_wait3A_52 = arith.constant 0 : i32
        %dma_wait3A_53 = tpu.memref_slice %arg3[%dma_wait3A_52] : memref<320000xi32, #tpu.memory_space<hbm>> -> memref<128xi32, #tpu.memory_space<hbm>>
        %dma_wait3A_54 = arith.constant 0 : i32
        %dma_wait3A_55 = tpu.memref_slice %arg3[%dma_wait3A_54] : memref<320000xi32, #tpu.memory_space<hbm>> -> memref<128xi32, #tpu.memory_space<hbm>>
        tpu.wait_dma2 semaphore(%arg10 : memref<!tpu.dma_semaphore, #tpu.memory_space<semaphore_mem>>) src(%dma_wait3A_55 : memref<128xi32, #tpu.memory_space<hbm>>) dst(%arg6 : memref<128xi32, #tpu.memory_space<vmem>>)
        %dma_start3A_56 = arith.constant 0 : i32
        %dma_start3A_57 = arith.constant 0 : i32
        %dma_start3A_58 = tpu.memref_slice %arg2[%dma_start3A_56, %dma_start3A_57] : memref<10000x128xf32, #tpu.memory_space<hbm>> -> memref<10000x128xf32, #tpu.memory_space<hbm>>
        tpu.enqueue_indirect_dma source(%dma_start3A_58 : memref<10000x128xf32, #tpu.memory_space<hbm>>) target(%arg8 : memref<128x128xf32, #tpu.memory_space<vmem>>) offsets(%arg6 : memref<128xi32, #tpu.memory_space<vmem>>) semaphore(%arg13 : memref<!tpu.dma_semaphore, #tpu.memory_space<semaphore_mem>>)
        %dma_wait3A_59 = arith.constant 0 : i32
        %dma_wait3A_60 = arith.constant 0 : i32
        %dma_wait3A_61 = tpu.memref_slice %arg2[%dma_wait3A_59, %dma_wait3A_60] : memref<10000x128xf32, #tpu.memory_space<hbm>> -> memref<10000x128xf32, #tpu.memory_space<hbm>>
        tpu.wait_indirect_dma semaphore(%arg13 : memref<!tpu.dma_semaphore, #tpu.memory_space<semaphore_mem>>) src(%dma_wait3A_61 : memref<10000x128xf32, #tpu.memory_space<hbm>>) dst(%arg8 : memref<128x128xf32, #tpu.memory_space<vmem>>)
        %mul3A_62 = arith.constant 128 : i32
        %mul3A_63 = arith.muli %add3A_37, %mul3A_62 : i32
        %dma_start3A_64 = arith.constant 0 : i32
        %dma_start3A_65 = tpu.memref_slice %arg4[%mul3A_63, %dma_start3A_64] : memref<320000x128xf32, #tpu.memory_space<hbm>> -> memref<128x128xf32, #tpu.memory_space<hbm>>
        %dma_start3A_66 = arith.constant 0 : i32
        %dma_start3A_67 = tpu.memref_slice %arg4[%mul3A_63, %dma_start3A_66] : memref<320000x128xf32, #tpu.memory_space<hbm>> -> memref<128x128xf32, #tpu.memory_space<hbm>>
        tpu.enqueue_dma source(%arg8 : memref<128x128xf32, #tpu.memory_space<vmem>>) target(%dma_start3A_67 : memref<128x128xf32, #tpu.memory_space<hbm>>) target_semaphore(%arg12 : memref<!tpu.dma_semaphore, #tpu.memory_space<semaphore_mem>>)
        %add3A_68 = arith.constant 2 : i32
        %add3A_69 = arith.addi %while3A_36, %add3A_68 : i32
        %lt3A_70 = arith.cmpi slt, %add3A_69, %select_n3A : i32
        %convert_element_type3A_71 = arith.extui %lt3A_70 : i1 to i32
        %cond3A_72 = arith.constant 0 : i32
        %cond3A_73 = arith.cmpi ne, %convert_element_type3A_71, %cond3A_72 : i32
        scf.if %cond3A_73 {
          %add3A_74 = arith.constant 2 : i32
          %add3A_75 = arith.addi %add3A_37, %add3A_74 : i32
          %mul3A_76 = arith.constant 128 : i32
          %mul3A_77 = arith.muli %add3A_75, %mul3A_76 : i32
          %dma_start3A_78 = tpu.memref_slice %arg3[%mul3A_77] : memref<320000xi32, #tpu.memory_space<hbm>> -> memref<128xi32, #tpu.memory_space<hbm>>
          %dma_start3A_79 = tpu.memref_slice %arg3[%mul3A_77] : memref<320000xi32, #tpu.memory_space<hbm>> -> memref<128xi32, #tpu.memory_space<hbm>>
          tpu.enqueue_dma source(%dma_start3A_79 : memref<128xi32, #tpu.memory_space<hbm>>) target(%arg6 : memref<128xi32, #tpu.memory_space<vmem>>) target_semaphore(%arg10 : memref<!tpu.dma_semaphore, #tpu.memory_space<semaphore_mem>>)
        } else {
        }
      } else {
      }
    }
    %dma_wait3A = arith.constant 0 : i32
    %dma_wait3A_25 = arith.constant 0 : i32
    %dma_wait3A_26 = tpu.memref_slice %arg4[%dma_wait3A, %dma_wait3A_25] : memref<320000x128xf32, #tpu.memory_space<hbm>> -> memref<128x128xf32, #tpu.memory_space<hbm>>
    %dma_wait3A_27 = arith.constant 0 : i32
    %dma_wait3A_28 = arith.constant 0 : i32
    %dma_wait3A_29 = tpu.memref_slice %arg4[%dma_wait3A_27, %dma_wait3A_28] : memref<320000x128xf32, #tpu.memory_space<hbm>> -> memref<128x128xf32, #tpu.memory_space<hbm>>
    tpu.wait_dma2 semaphore(%arg11 : memref<!tpu.dma_semaphore, #tpu.memory_space<semaphore_mem>>) src(%arg7 : memref<128x128xf32, #tpu.memory_space<vmem>>) dst(%dma_wait3A_29 : memref<128x128xf32, #tpu.memory_space<hbm>>)
    %dma_wait3A_30 = arith.constant 0 : i32
    %dma_wait3A_31 = arith.constant 0 : i32
    %dma_wait3A_32 = tpu.memref_slice %arg4[%dma_wait3A_30, %dma_wait3A_31] : memref<320000x128xf32, #tpu.memory_space<hbm>> -> memref<128x128xf32, #tpu.memory_space<hbm>>
    %dma_wait3A_33 = arith.constant 0 : i32
    %dma_wait3A_34 = arith.constant 0 : i32
    %dma_wait3A_35 = tpu.memref_slice %arg4[%dma_wait3A_33, %dma_wait3A_34] : memref<320000x128xf32, #tpu.memory_space<hbm>> -> memref<128x128xf32, #tpu.memory_space<hbm>>
    tpu.wait_dma2 semaphore(%arg12 : memref<!tpu.dma_semaphore, #tpu.memory_space<semaphore_mem>>) src(%arg8 : memref<128x128xf32, #tpu.memory_space<vmem>>) dst(%dma_wait3A_35 : memref<128x128xf32, #tpu.memory_space<hbm>>)
    return
  }
}

#map = affine_map<(d0, d1) -> (0, 0)>
#map1 = affine_map<(d0, d1) -> (0)>
#map2 = affine_map<(d0, d1) -> (0, 0, 0)>
module attributes {stable_mosaic.version = 14 : i64} {
  func.func @scat(%arg0: i32, %arg1: i32, %arg2: memref<320000x128xf32, #tpu.memory_space<hbm>>, %arg3: memref<320000xi32, #tpu.memory_space<hbm>>, %arg4: memref<10000x128xf32, #tpu.memory_space<hbm>>, %arg5: memref<2x10000x128xf32, #tpu.memory_space<hbm>>, %arg6: memref<128xi32, #tpu.memory_space<vmem>>, %arg7: memref<128xi32, #tpu.memory_space<vmem>>, %arg8: memref<128x128xf32, #tpu.memory_space<vmem>>, %arg9: memref<128x128xf32, #tpu.memory_space<vmem>>, %arg10: memref<10000x128xf32, #tpu.memory_space<vmem_shared>>, %arg11: memref<!tpu.dma_semaphore, #tpu.memory_space<semaphore_mem>>, %arg12: memref<!tpu.dma_semaphore, #tpu.memory_space<semaphore_mem>>, %arg13: memref<!tpu.dma_semaphore, #tpu.memory_space<semaphore_mem>>, %arg14: memref<!tpu.dma_semaphore, #tpu.memory_space<semaphore_mem>>) attributes {dimension_semantics = [#tpu.dimension_semantics<core_parallel>, #tpu.dimension_semantics<subcore_parallel>], iteration_bounds = array<i64: 2, 16>, scalar_prefetch = 0 : i64, scratch_operands = 9 : i64, tpu.core_type = #tpu.core_type<sc_vector_subcore>, window_params = [{transform_indices = #map}, {transform_indices = #map1}, {transform_indices = #map}, {transform_indices = #map2}]} {
    %mul3A = arith.constant 2 : i32
    %mul3A_0 = arith.muli %arg1, %mul3A : i32
    %add3A = arith.addi %mul3A_0, %arg0 : i32
    %mul3A_1 = arith.constant 624 : i32
    %mul3A_2 = arith.muli %arg1, %mul3A_1 : i32
    %mul3A_3 = arith.constant 78 : i32
    %mul3A_4 = arith.muli %add3A, %mul3A_3 : i32
    %min3A = arith.constant 4 : i32
    %min3A_5 = arith.minsi %add3A, %min3A : i32
    %add3A_6 = arith.addi %mul3A_4, %min3A_5 : i32
    %lt3A = arith.constant 4 : i32
    %lt3A_7 = arith.cmpi slt, %add3A, %lt3A : i32
    %jit3A = arith.constant 79 : i32
    %jit3A_8 = arith.constant 78 : i32
    %select_n3A = arith.select %lt3A_7, %jit3A, %jit3A_8 : i32
    %mul3A_9 = arith.constant 128 : i32
    %mul3A_10 = arith.muli %add3A_6, %mul3A_9 : i32
    %dma_start3A = tpu.memref_slice %arg3[%mul3A_10] : memref<320000xi32, #tpu.memory_space<hbm>> -> memref<128xi32, #tpu.memory_space<hbm>>
    %dma_start3A_11 = tpu.memref_slice %arg3[%mul3A_10] : memref<320000xi32, #tpu.memory_space<hbm>> -> memref<128xi32, #tpu.memory_space<hbm>>
    tpu.enqueue_dma source(%dma_start3A_11 : memref<128xi32, #tpu.memory_space<hbm>>) target(%arg6 : memref<128xi32, #tpu.memory_space<vmem>>) target_semaphore(%arg11 : memref<!tpu.dma_semaphore, #tpu.memory_space<semaphore_mem>>)
    %mul3A_12 = arith.constant 128 : i32
    %mul3A_13 = arith.muli %add3A_6, %mul3A_12 : i32
    %dma_start3A_14 = arith.constant 0 : i32
    %dma_start3A_15 = tpu.memref_slice %arg2[%mul3A_13, %dma_start3A_14] : memref<320000x128xf32, #tpu.memory_space<hbm>> -> memref<128x128xf32, #tpu.memory_space<hbm>>
    %dma_start3A_16 = arith.constant 0 : i32
    %dma_start3A_17 = tpu.memref_slice %arg2[%mul3A_13, %dma_start3A_16] : memref<320000x128xf32, #tpu.memory_space<hbm>> -> memref<128x128xf32, #tpu.memory_space<hbm>>
    tpu.enqueue_dma source(%dma_start3A_17 : memref<128x128xf32, #tpu.memory_space<hbm>>) target(%arg8 : memref<128x128xf32, #tpu.memory_space<vmem>>) target_semaphore(%arg13 : memref<!tpu.dma_semaphore, #tpu.memory_space<semaphore_mem>>)
    %add3A_18 = arith.constant 1 : i32
    %add3A_19 = arith.addi %add3A_6, %add3A_18 : i32
    %mul3A_20 = arith.constant 128 : i32
    %mul3A_21 = arith.muli %add3A_19, %mul3A_20 : i32
    %dma_start3A_22 = tpu.memref_slice %arg3[%mul3A_21] : memref<320000xi32, #tpu.memory_space<hbm>> -> memref<128xi32, #tpu.memory_space<hbm>>
    %dma_start3A_23 = tpu.memref_slice %arg3[%mul3A_21] : memref<320000xi32, #tpu.memory_space<hbm>> -> memref<128xi32, #tpu.memory_space<hbm>>
    tpu.enqueue_dma source(%dma_start3A_23 : memref<128xi32, #tpu.memory_space<hbm>>) target(%arg7 : memref<128xi32, #tpu.memory_space<vmem>>) target_semaphore(%arg12 : memref<!tpu.dma_semaphore, #tpu.memory_space<semaphore_mem>>)
    %mul3A_24 = arith.constant 128 : i32
    %mul3A_25 = arith.muli %add3A_19, %mul3A_24 : i32
    %dma_start3A_26 = arith.constant 0 : i32
    %dma_start3A_27 = tpu.memref_slice %arg2[%mul3A_25, %dma_start3A_26] : memref<320000x128xf32, #tpu.memory_space<hbm>> -> memref<128x128xf32, #tpu.memory_space<hbm>>
    %dma_start3A_28 = arith.constant 0 : i32
    %dma_start3A_29 = tpu.memref_slice %arg2[%mul3A_25, %dma_start3A_28] : memref<320000x128xf32, #tpu.memory_space<hbm>> -> memref<128x128xf32, #tpu.memory_space<hbm>>
    tpu.enqueue_dma source(%dma_start3A_29 : memref<128x128xf32, #tpu.memory_space<hbm>>) target(%arg9 : memref<128x128xf32, #tpu.memory_space<vmem>>) target_semaphore(%arg14 : memref<!tpu.dma_semaphore, #tpu.memory_space<semaphore_mem>>)
    "tpu.region"() ({
      %run_scoped3A = tpu.sem_alloc : memref<!tpu.dma_semaphore, #tpu.memory_space<semaphore_mem>>
      %dma_start3A_47 = arith.constant 0 : i32
      %dma_start3A_48 = tpu.memref_slice %arg10[%mul3A_2, %dma_start3A_47] : memref<10000x128xf32, #tpu.memory_space<vmem_shared>> -> memref<624x128xf32, #tpu.memory_space<vmem_shared>>
      %dma_start3A_49 = arith.constant 0 : i32
      %dma_start3A_50 = tpu.memref_slice %arg4[%mul3A_2, %dma_start3A_49] : memref<10000x128xf32, #tpu.memory_space<hbm>> -> memref<624x128xf32, #tpu.memory_space<hbm>>
      tpu.enqueue_dma source(%dma_start3A_50 : memref<624x128xf32, #tpu.memory_space<hbm>>) target(%dma_start3A_48 : memref<624x128xf32, #tpu.memory_space<vmem_shared>>) target_semaphore(%run_scoped3A : memref<!tpu.dma_semaphore, #tpu.memory_space<semaphore_mem>>)
      %dma_wait3A = arith.constant 0 : i32
      %dma_wait3A_51 = tpu.memref_slice %arg10[%mul3A_2, %dma_wait3A] : memref<10000x128xf32, #tpu.memory_space<vmem_shared>> -> memref<624x128xf32, #tpu.memory_space<vmem_shared>>
      %dma_wait3A_52 = arith.constant 0 : i32
      %dma_wait3A_53 = tpu.memref_slice %arg4[%mul3A_2, %dma_wait3A_52] : memref<10000x128xf32, #tpu.memory_space<hbm>> -> memref<624x128xf32, #tpu.memory_space<hbm>>
      tpu.wait_dma2 semaphore(%run_scoped3A : memref<!tpu.dma_semaphore, #tpu.memory_space<semaphore_mem>>) src(%dma_wait3A_53 : memref<624x128xf32, #tpu.memory_space<hbm>>) dst(%dma_wait3A_51 : memref<624x128xf32, #tpu.memory_space<vmem_shared>>)
      tpu.yield
    }) : () -> ()
    %eq3A = arith.constant 15 : i32
    %eq3A_30 = arith.cmpi eq, %arg1, %eq3A : i32
    %convert_element_type3A = arith.extui %eq3A_30 : i1 to i32
    %cond3A = arith.constant 0 : i32
    %cond3A_31 = arith.cmpi ne, %convert_element_type3A, %cond3A : i32
    scf.if %cond3A_31 {
      "tpu.region"() ({
        %run_scoped3A = tpu.sem_alloc : memref<!tpu.dma_semaphore, #tpu.memory_space<semaphore_mem>>
        %dma_start3A_47 = arith.constant 9984 : i32
        %dma_start3A_48 = arith.constant 0 : i32
        %dma_start3A_49 = tpu.memref_slice %arg10[%dma_start3A_47, %dma_start3A_48] : memref<10000x128xf32, #tpu.memory_space<vmem_shared>> -> memref<16x128xf32, #tpu.memory_space<vmem_shared>>
        %dma_start3A_50 = arith.constant 9984 : i32
        %dma_start3A_51 = arith.constant 0 : i32
        %dma_start3A_52 = tpu.memref_slice %arg4[%dma_start3A_50, %dma_start3A_51] : memref<10000x128xf32, #tpu.memory_space<hbm>> -> memref<16x128xf32, #tpu.memory_space<hbm>>
        tpu.enqueue_dma source(%dma_start3A_52 : memref<16x128xf32, #tpu.memory_space<hbm>>) target(%dma_start3A_49 : memref<16x128xf32, #tpu.memory_space<vmem_shared>>) target_semaphore(%run_scoped3A : memref<!tpu.dma_semaphore, #tpu.memory_space<semaphore_mem>>)
        %dma_wait3A = arith.constant 9984 : i32
        %dma_wait3A_53 = arith.constant 0 : i32
        %dma_wait3A_54 = tpu.memref_slice %arg10[%dma_wait3A, %dma_wait3A_53] : memref<10000x128xf32, #tpu.memory_space<vmem_shared>> -> memref<16x128xf32, #tpu.memory_space<vmem_shared>>
        %dma_wait3A_55 = arith.constant 9984 : i32
        %dma_wait3A_56 = arith.constant 0 : i32
        %dma_wait3A_57 = tpu.memref_slice %arg4[%dma_wait3A_55, %dma_wait3A_56] : memref<10000x128xf32, #tpu.memory_space<hbm>> -> memref<16x128xf32, #tpu.memory_space<hbm>>
        tpu.wait_dma2 semaphore(%run_scoped3A : memref<!tpu.dma_semaphore, #tpu.memory_space<semaphore_mem>>) src(%dma_wait3A_57 : memref<16x128xf32, #tpu.memory_space<hbm>>) dst(%dma_wait3A_54 : memref<16x128xf32, #tpu.memory_space<vmem_shared>>)
        tpu.yield
      }) : () -> ()
    } else {
    }
    %barrier3A = arith.constant 0 : index
    tpu.barrier barrier_id(%barrier3A)
    %while3A = arith.constant 0 : i32
    %while3A_32 = arith.constant 0 : i32
    %while3A_33 = arith.subi %select_n3A, %while3A_32 : i32
    %while3A_34 = arith.addi %while3A_32, %while3A_33 : i32
    %while3A_35 = arith.constant 1 : i32
    %while3A_36 = arith.divsi %while3A_33, %while3A_35 : i32
    %while3A_37 = arith.muli %while3A_36, %while3A_35 : i32
    %while3A_38 = arith.addi %while3A_32, %while3A_37 : i32
    %while3A_39 = arith.constant 1 : i32
    scf.for %while3A_47 = %while3A_32 to %while3A_38 step %while3A_39  : i32 {
      %rem3A = arith.constant 2 : i32
      %rem3A_48 = arith.remsi %while3A_47, %rem3A : i32
      %eq3A_49 = arith.constant 0 : i32
      %eq3A_50 = arith.cmpi eq, %rem3A_48, %eq3A_49 : i32
      %convert_element_type3A_51 = arith.extui %eq3A_50 : i1 to i32
      %cond3A_52 = arith.constant 0 : i32
      %cond3A_53 = arith.cmpi ne, %convert_element_type3A_51, %cond3A_52 : i32
      scf.if %cond3A_53 {
        %dma_wait3A = arith.constant 0 : i32
        %dma_wait3A_61 = tpu.memref_slice %arg3[%dma_wait3A] : memref<320000xi32, #tpu.memory_space<hbm>> -> memref<128xi32, #tpu.memory_space<hbm>>
        %dma_wait3A_62 = arith.constant 0 : i32
        %dma_wait3A_63 = tpu.memref_slice %arg3[%dma_wait3A_62] : memref<320000xi32, #tpu.memory_space<hbm>> -> memref<128xi32, #tpu.memory_space<hbm>>
        tpu.wait_dma2 semaphore(%arg11 : memref<!tpu.dma_semaphore, #tpu.memory_space<semaphore_mem>>) src(%dma_wait3A_63 : memref<128xi32, #tpu.memory_space<hbm>>) dst(%arg6 : memref<128xi32, #tpu.memory_space<vmem>>)
        %dma_wait3A_64 = arith.constant 0 : i32
        %dma_wait3A_65 = arith.constant 0 : i32
        %dma_wait3A_66 = tpu.memref_slice %arg2[%dma_wait3A_64, %dma_wait3A_65] : memref<320000x128xf32, #tpu.memory_space<hbm>> -> memref<128x128xf32, #tpu.memory_space<hbm>>
        %dma_wait3A_67 = arith.constant 0 : i32
        %dma_wait3A_68 = arith.constant 0 : i32
        %dma_wait3A_69 = tpu.memref_slice %arg2[%dma_wait3A_67, %dma_wait3A_68] : memref<320000x128xf32, #tpu.memory_space<hbm>> -> memref<128x128xf32, #tpu.memory_space<hbm>>
        tpu.wait_dma2 semaphore(%arg13 : memref<!tpu.dma_semaphore, #tpu.memory_space<semaphore_mem>>) src(%dma_wait3A_69 : memref<128x128xf32, #tpu.memory_space<hbm>>) dst(%arg8 : memref<128x128xf32, #tpu.memory_space<vmem>>)
        "tpu.region"() ({
          %run_scoped3A = tpu.sem_alloc : memref<!tpu.dma_semaphore, #tpu.memory_space<semaphore_mem>>
          %dma_start3A_76 = arith.constant 0 : i32
          %dma_start3A_77 = arith.constant 0 : i32
          %dma_start3A_78 = tpu.memref_slice %arg10[%dma_start3A_76, %dma_start3A_77] : memref<10000x128xf32, #tpu.memory_space<vmem_shared>> -> memref<10000x128xf32, #tpu.memory_space<vmem_shared>>
          tpu.enqueue_indirect_dma source(%arg8 : memref<128x128xf32, #tpu.memory_space<vmem>>) target(%dma_start3A_78 : memref<10000x128xf32, #tpu.memory_space<vmem_shared>>) offsets(%arg6 : memref<128xi32, #tpu.memory_space<vmem>>) semaphore(%run_scoped3A : memref<!tpu.dma_semaphore, #tpu.memory_space<semaphore_mem>>) {add = true}
          %dma_wait3A_79 = arith.constant 0 : i32
          %dma_wait3A_80 = arith.constant 0 : i32
          %dma_wait3A_81 = tpu.memref_slice %arg10[%dma_wait3A_79, %dma_wait3A_80] : memref<10000x128xf32, #tpu.memory_space<vmem_shared>> -> memref<10000x128xf32, #tpu.memory_space<vmem_shared>>
          tpu.wait_indirect_dma semaphore(%run_scoped3A : memref<!tpu.dma_semaphore, #tpu.memory_space<semaphore_mem>>) src(%arg8 : memref<128x128xf32, #tpu.memory_space<vmem>>) dst(%dma_wait3A_81 : memref<10000x128xf32, #tpu.memory_space<vmem_shared>>)
          tpu.yield
        }) : () -> ()
        %add3A_70 = arith.constant 2 : i32
        %add3A_71 = arith.addi %while3A_47, %add3A_70 : i32
        %lt3A_72 = arith.cmpi slt, %add3A_71, %select_n3A : i32
        %convert_element_type3A_73 = arith.extui %lt3A_72 : i1 to i32
        %cond3A_74 = arith.constant 0 : i32
        %cond3A_75 = arith.cmpi ne, %convert_element_type3A_73, %cond3A_74 : i32
        scf.if %cond3A_75 {
          %add3A_76 = arith.addi %add3A_6, %while3A_47 : i32
          %add3A_77 = arith.constant 2 : i32
          %add3A_78 = arith.addi %add3A_76, %add3A_77 : i32
          %mul3A_79 = arith.constant 128 : i32
          %mul3A_80 = arith.muli %add3A_78, %mul3A_79 : i32
          %dma_start3A_81 = tpu.memref_slice %arg3[%mul3A_80] : memref<320000xi32, #tpu.memory_space<hbm>> -> memref<128xi32, #tpu.memory_space<hbm>>
          %dma_start3A_82 = tpu.memref_slice %arg3[%mul3A_80] : memref<320000xi32, #tpu.memory_space<hbm>> -> memref<128xi32, #tpu.memory_space<hbm>>
          tpu.enqueue_dma source(%dma_start3A_82 : memref<128xi32, #tpu.memory_space<hbm>>) target(%arg6 : memref<128xi32, #tpu.memory_space<vmem>>) target_semaphore(%arg11 : memref<!tpu.dma_semaphore, #tpu.memory_space<semaphore_mem>>)
          %mul3A_83 = arith.constant 128 : i32
          %mul3A_84 = arith.muli %add3A_78, %mul3A_83 : i32
          %dma_start3A_85 = arith.constant 0 : i32
          %dma_start3A_86 = tpu.memref_slice %arg2[%mul3A_84, %dma_start3A_85] : memref<320000x128xf32, #tpu.memory_space<hbm>> -> memref<128x128xf32, #tpu.memory_space<hbm>>
          %dma_start3A_87 = arith.constant 0 : i32
          %dma_start3A_88 = tpu.memref_slice %arg2[%mul3A_84, %dma_start3A_87] : memref<320000x128xf32, #tpu.memory_space<hbm>> -> memref<128x128xf32, #tpu.memory_space<hbm>>
          tpu.enqueue_dma source(%dma_start3A_88 : memref<128x128xf32, #tpu.memory_space<hbm>>) target(%arg8 : memref<128x128xf32, #tpu.memory_space<vmem>>) target_semaphore(%arg13 : memref<!tpu.dma_semaphore, #tpu.memory_space<semaphore_mem>>)
        } else {
        }
      } else {
      }
      %rem3A_54 = arith.constant 2 : i32
      %rem3A_55 = arith.remsi %while3A_47, %rem3A_54 : i32
      %eq3A_56 = arith.constant 1 : i32
      %eq3A_57 = arith.cmpi eq, %rem3A_55, %eq3A_56 : i32
      %convert_element_type3A_58 = arith.extui %eq3A_57 : i1 to i32
      %cond3A_59 = arith.constant 0 : i32
      %cond3A_60 = arith.cmpi ne, %convert_element_type3A_58, %cond3A_59 : i32
      scf.if %cond3A_60 {
        %dma_wait3A = arith.constant 0 : i32
        %dma_wait3A_61 = tpu.memref_slice %arg3[%dma_wait3A] : memref<320000xi32, #tpu.memory_space<hbm>> -> memref<128xi32, #tpu.memory_space<hbm>>
        %dma_wait3A_62 = arith.constant 0 : i32
        %dma_wait3A_63 = tpu.memref_slice %arg3[%dma_wait3A_62] : memref<320000xi32, #tpu.memory_space<hbm>> -> memref<128xi32, #tpu.memory_space<hbm>>
        tpu.wait_dma2 semaphore(%arg12 : memref<!tpu.dma_semaphore, #tpu.memory_space<semaphore_mem>>) src(%dma_wait3A_63 : memref<128xi32, #tpu.memory_space<hbm>>) dst(%arg7 : memref<128xi32, #tpu.memory_space<vmem>>)
        %dma_wait3A_64 = arith.constant 0 : i32
        %dma_wait3A_65 = arith.constant 0 : i32
        %dma_wait3A_66 = tpu.memref_slice %arg2[%dma_wait3A_64, %dma_wait3A_65] : memref<320000x128xf32, #tpu.memory_space<hbm>> -> memref<128x128xf32, #tpu.memory_space<hbm>>
        %dma_wait3A_67 = arith.constant 0 : i32
        %dma_wait3A_68 = arith.constant 0 : i32
        %dma_wait3A_69 = tpu.memref_slice %arg2[%dma_wait3A_67, %dma_wait3A_68] : memref<320000x128xf32, #tpu.memory_space<hbm>> -> memref<128x128xf32, #tpu.memory_space<hbm>>
        tpu.wait_dma2 semaphore(%arg14 : memref<!tpu.dma_semaphore, #tpu.memory_space<semaphore_mem>>) src(%dma_wait3A_69 : memref<128x128xf32, #tpu.memory_space<hbm>>) dst(%arg9 : memref<128x128xf32, #tpu.memory_space<vmem>>)
        "tpu.region"() ({
          %run_scoped3A = tpu.sem_alloc : memref<!tpu.dma_semaphore, #tpu.memory_space<semaphore_mem>>
          %dma_start3A_76 = arith.constant 0 : i32
          %dma_start3A_77 = arith.constant 0 : i32
          %dma_start3A_78 = tpu.memref_slice %arg10[%dma_start3A_76, %dma_start3A_77] : memref<10000x128xf32, #tpu.memory_space<vmem_shared>> -> memref<10000x128xf32, #tpu.memory_space<vmem_shared>>
          tpu.enqueue_indirect_dma source(%arg9 : memref<128x128xf32, #tpu.memory_space<vmem>>) target(%dma_start3A_78 : memref<10000x128xf32, #tpu.memory_space<vmem_shared>>) offsets(%arg7 : memref<128xi32, #tpu.memory_space<vmem>>) semaphore(%run_scoped3A : memref<!tpu.dma_semaphore, #tpu.memory_space<semaphore_mem>>) {add = true}
          %dma_wait3A_79 = arith.constant 0 : i32
          %dma_wait3A_80 = arith.constant 0 : i32
          %dma_wait3A_81 = tpu.memref_slice %arg10[%dma_wait3A_79, %dma_wait3A_80] : memref<10000x128xf32, #tpu.memory_space<vmem_shared>> -> memref<10000x128xf32, #tpu.memory_space<vmem_shared>>
          tpu.wait_indirect_dma semaphore(%run_scoped3A : memref<!tpu.dma_semaphore, #tpu.memory_space<semaphore_mem>>) src(%arg9 : memref<128x128xf32, #tpu.memory_space<vmem>>) dst(%dma_wait3A_81 : memref<10000x128xf32, #tpu.memory_space<vmem_shared>>)
          tpu.yield
        }) : () -> ()
        %add3A_70 = arith.constant 2 : i32
        %add3A_71 = arith.addi %while3A_47, %add3A_70 : i32
        %lt3A_72 = arith.cmpi slt, %add3A_71, %select_n3A : i32
        %convert_element_type3A_73 = arith.extui %lt3A_72 : i1 to i32
        %cond3A_74 = arith.constant 0 : i32
        %cond3A_75 = arith.cmpi ne, %convert_element_type3A_73, %cond3A_74 : i32
        scf.if %cond3A_75 {
          %add3A_76 = arith.addi %add3A_6, %while3A_47 : i32
          %add3A_77 = arith.constant 2 : i32
          %add3A_78 = arith.addi %add3A_76, %add3A_77 : i32
          %mul3A_79 = arith.constant 128 : i32
          %mul3A_80 = arith.muli %add3A_78, %mul3A_79 : i32
          %dma_start3A_81 = tpu.memref_slice %arg3[%mul3A_80] : memref<320000xi32, #tpu.memory_space<hbm>> -> memref<128xi32, #tpu.memory_space<hbm>>
          %dma_start3A_82 = tpu.memref_slice %arg3[%mul3A_80] : memref<320000xi32, #tpu.memory_space<hbm>> -> memref<128xi32, #tpu.memory_space<hbm>>
          tpu.enqueue_dma source(%dma_start3A_82 : memref<128xi32, #tpu.memory_space<hbm>>) target(%arg7 : memref<128xi32, #tpu.memory_space<vmem>>) target_semaphore(%arg12 : memref<!tpu.dma_semaphore, #tpu.memory_space<semaphore_mem>>)
          %mul3A_83 = arith.constant 128 : i32
          %mul3A_84 = arith.muli %add3A_78, %mul3A_83 : i32
          %dma_start3A_85 = arith.constant 0 : i32
          %dma_start3A_86 = tpu.memref_slice %arg2[%mul3A_84, %dma_start3A_85] : memref<320000x128xf32, #tpu.memory_space<hbm>> -> memref<128x128xf32, #tpu.memory_space<hbm>>
          %dma_start3A_87 = arith.constant 0 : i32
          %dma_start3A_88 = tpu.memref_slice %arg2[%mul3A_84, %dma_start3A_87] : memref<320000x128xf32, #tpu.memory_space<hbm>> -> memref<128x128xf32, #tpu.memory_space<hbm>>
          tpu.enqueue_dma source(%dma_start3A_88 : memref<128x128xf32, #tpu.memory_space<hbm>>) target(%arg9 : memref<128x128xf32, #tpu.memory_space<vmem>>) target_semaphore(%arg14 : memref<!tpu.dma_semaphore, #tpu.memory_space<semaphore_mem>>)
        } else {
        }
      } else {
      }
    }
    %while3A_40 = arith.constant 1 : i32
    scf.for %while3A_47 = %while3A_38 to %while3A_34 step %while3A_40  : i32 {
      %rem3A = arith.constant 2 : i32
      %rem3A_48 = arith.remsi %while3A_47, %rem3A : i32
      %eq3A_49 = arith.constant 0 : i32
      %eq3A_50 = arith.cmpi eq, %rem3A_48, %eq3A_49 : i32
      %convert_element_type3A_51 = arith.extui %eq3A_50 : i1 to i32
      %cond3A_52 = arith.constant 0 : i32
      %cond3A_53 = arith.cmpi ne, %convert_element_type3A_51, %cond3A_52 : i32
      scf.if %cond3A_53 {
        %dma_wait3A = arith.constant 0 : i32
        %dma_wait3A_61 = tpu.memref_slice %arg3[%dma_wait3A] : memref<320000xi32, #tpu.memory_space<hbm>> -> memref<128xi32, #tpu.memory_space<hbm>>
        %dma_wait3A_62 = arith.constant 0 : i32
        %dma_wait3A_63 = tpu.memref_slice %arg3[%dma_wait3A_62] : memref<320000xi32, #tpu.memory_space<hbm>> -> memref<128xi32, #tpu.memory_space<hbm>>
        tpu.wait_dma2 semaphore(%arg11 : memref<!tpu.dma_semaphore, #tpu.memory_space<semaphore_mem>>) src(%dma_wait3A_63 : memref<128xi32, #tpu.memory_space<hbm>>) dst(%arg6 : memref<128xi32, #tpu.memory_space<vmem>>)
        %dma_wait3A_64 = arith.constant 0 : i32
        %dma_wait3A_65 = arith.constant 0 : i32
        %dma_wait3A_66 = tpu.memref_slice %arg2[%dma_wait3A_64, %dma_wait3A_65] : memref<320000x128xf32, #tpu.memory_space<hbm>> -> memref<128x128xf32, #tpu.memory_space<hbm>>
        %dma_wait3A_67 = arith.constant 0 : i32
        %dma_wait3A_68 = arith.constant 0 : i32
        %dma_wait3A_69 = tpu.memref_slice %arg2[%dma_wait3A_67, %dma_wait3A_68] : memref<320000x128xf32, #tpu.memory_space<hbm>> -> memref<128x128xf32, #tpu.memory_space<hbm>>
        tpu.wait_dma2 semaphore(%arg13 : memref<!tpu.dma_semaphore, #tpu.memory_space<semaphore_mem>>) src(%dma_wait3A_69 : memref<128x128xf32, #tpu.memory_space<hbm>>) dst(%arg8 : memref<128x128xf32, #tpu.memory_space<vmem>>)
        "tpu.region"() ({
          %run_scoped3A = tpu.sem_alloc : memref<!tpu.dma_semaphore, #tpu.memory_space<semaphore_mem>>
          %dma_start3A_76 = arith.constant 0 : i32
          %dma_start3A_77 = arith.constant 0 : i32
          %dma_start3A_78 = tpu.memref_slice %arg10[%dma_start3A_76, %dma_start3A_77] : memref<10000x128xf32, #tpu.memory_space<vmem_shared>> -> memref<10000x128xf32, #tpu.memory_space<vmem_shared>>
          tpu.enqueue_indirect_dma source(%arg8 : memref<128x128xf32, #tpu.memory_space<vmem>>) target(%dma_start3A_78 : memref<10000x128xf32, #tpu.memory_space<vmem_shared>>) offsets(%arg6 : memref<128xi32, #tpu.memory_space<vmem>>) semaphore(%run_scoped3A : memref<!tpu.dma_semaphore, #tpu.memory_space<semaphore_mem>>) {add = true}
          %dma_wait3A_79 = arith.constant 0 : i32
          %dma_wait3A_80 = arith.constant 0 : i32
          %dma_wait3A_81 = tpu.memref_slice %arg10[%dma_wait3A_79, %dma_wait3A_80] : memref<10000x128xf32, #tpu.memory_space<vmem_shared>> -> memref<10000x128xf32, #tpu.memory_space<vmem_shared>>
          tpu.wait_indirect_dma semaphore(%run_scoped3A : memref<!tpu.dma_semaphore, #tpu.memory_space<semaphore_mem>>) src(%arg8 : memref<128x128xf32, #tpu.memory_space<vmem>>) dst(%dma_wait3A_81 : memref<10000x128xf32, #tpu.memory_space<vmem_shared>>)
          tpu.yield
        }) : () -> ()
        %add3A_70 = arith.constant 2 : i32
        %add3A_71 = arith.addi %while3A_47, %add3A_70 : i32
        %lt3A_72 = arith.cmpi slt, %add3A_71, %select_n3A : i32
        %convert_element_type3A_73 = arith.extui %lt3A_72 : i1 to i32
        %cond3A_74 = arith.constant 0 : i32
        %cond3A_75 = arith.cmpi ne, %convert_element_type3A_73, %cond3A_74 : i32
        scf.if %cond3A_75 {
          %add3A_76 = arith.addi %add3A_6, %while3A_47 : i32
          %add3A_77 = arith.constant 2 : i32
          %add3A_78 = arith.addi %add3A_76, %add3A_77 : i32
          %mul3A_79 = arith.constant 128 : i32
          %mul3A_80 = arith.muli %add3A_78, %mul3A_79 : i32
          %dma_start3A_81 = tpu.memref_slice %arg3[%mul3A_80] : memref<320000xi32, #tpu.memory_space<hbm>> -> memref<128xi32, #tpu.memory_space<hbm>>
          %dma_start3A_82 = tpu.memref_slice %arg3[%mul3A_80] : memref<320000xi32, #tpu.memory_space<hbm>> -> memref<128xi32, #tpu.memory_space<hbm>>
          tpu.enqueue_dma source(%dma_start3A_82 : memref<128xi32, #tpu.memory_space<hbm>>) target(%arg6 : memref<128xi32, #tpu.memory_space<vmem>>) target_semaphore(%arg11 : memref<!tpu.dma_semaphore, #tpu.memory_space<semaphore_mem>>)
          %mul3A_83 = arith.constant 128 : i32
          %mul3A_84 = arith.muli %add3A_78, %mul3A_83 : i32
          %dma_start3A_85 = arith.constant 0 : i32
          %dma_start3A_86 = tpu.memref_slice %arg2[%mul3A_84, %dma_start3A_85] : memref<320000x128xf32, #tpu.memory_space<hbm>> -> memref<128x128xf32, #tpu.memory_space<hbm>>
          %dma_start3A_87 = arith.constant 0 : i32
          %dma_start3A_88 = tpu.memref_slice %arg2[%mul3A_84, %dma_start3A_87] : memref<320000x128xf32, #tpu.memory_space<hbm>> -> memref<128x128xf32, #tpu.memory_space<hbm>>
          tpu.enqueue_dma source(%dma_start3A_88 : memref<128x128xf32, #tpu.memory_space<hbm>>) target(%arg8 : memref<128x128xf32, #tpu.memory_space<vmem>>) target_semaphore(%arg13 : memref<!tpu.dma_semaphore, #tpu.memory_space<semaphore_mem>>)
        } else {
        }
      } else {
      }
      %rem3A_54 = arith.constant 2 : i32
      %rem3A_55 = arith.remsi %while3A_47, %rem3A_54 : i32
      %eq3A_56 = arith.constant 1 : i32
      %eq3A_57 = arith.cmpi eq, %rem3A_55, %eq3A_56 : i32
      %convert_element_type3A_58 = arith.extui %eq3A_57 : i1 to i32
      %cond3A_59 = arith.constant 0 : i32
      %cond3A_60 = arith.cmpi ne, %convert_element_type3A_58, %cond3A_59 : i32
      scf.if %cond3A_60 {
        %dma_wait3A = arith.constant 0 : i32
        %dma_wait3A_61 = tpu.memref_slice %arg3[%dma_wait3A] : memref<320000xi32, #tpu.memory_space<hbm>> -> memref<128xi32, #tpu.memory_space<hbm>>
        %dma_wait3A_62 = arith.constant 0 : i32
        %dma_wait3A_63 = tpu.memref_slice %arg3[%dma_wait3A_62] : memref<320000xi32, #tpu.memory_space<hbm>> -> memref<128xi32, #tpu.memory_space<hbm>>
        tpu.wait_dma2 semaphore(%arg12 : memref<!tpu.dma_semaphore, #tpu.memory_space<semaphore_mem>>) src(%dma_wait3A_63 : memref<128xi32, #tpu.memory_space<hbm>>) dst(%arg7 : memref<128xi32, #tpu.memory_space<vmem>>)
        %dma_wait3A_64 = arith.constant 0 : i32
        %dma_wait3A_65 = arith.constant 0 : i32
        %dma_wait3A_66 = tpu.memref_slice %arg2[%dma_wait3A_64, %dma_wait3A_65] : memref<320000x128xf32, #tpu.memory_space<hbm>> -> memref<128x128xf32, #tpu.memory_space<hbm>>
        %dma_wait3A_67 = arith.constant 0 : i32
        %dma_wait3A_68 = arith.constant 0 : i32
        %dma_wait3A_69 = tpu.memref_slice %arg2[%dma_wait3A_67, %dma_wait3A_68] : memref<320000x128xf32, #tpu.memory_space<hbm>> -> memref<128x128xf32, #tpu.memory_space<hbm>>
        tpu.wait_dma2 semaphore(%arg14 : memref<!tpu.dma_semaphore, #tpu.memory_space<semaphore_mem>>) src(%dma_wait3A_69 : memref<128x128xf32, #tpu.memory_space<hbm>>) dst(%arg9 : memref<128x128xf32, #tpu.memory_space<vmem>>)
        "tpu.region"() ({
          %run_scoped3A = tpu.sem_alloc : memref<!tpu.dma_semaphore, #tpu.memory_space<semaphore_mem>>
          %dma_start3A_76 = arith.constant 0 : i32
          %dma_start3A_77 = arith.constant 0 : i32
          %dma_start3A_78 = tpu.memref_slice %arg10[%dma_start3A_76, %dma_start3A_77] : memref<10000x128xf32, #tpu.memory_space<vmem_shared>> -> memref<10000x128xf32, #tpu.memory_space<vmem_shared>>
          tpu.enqueue_indirect_dma source(%arg9 : memref<128x128xf32, #tpu.memory_space<vmem>>) target(%dma_start3A_78 : memref<10000x128xf32, #tpu.memory_space<vmem_shared>>) offsets(%arg7 : memref<128xi32, #tpu.memory_space<vmem>>) semaphore(%run_scoped3A : memref<!tpu.dma_semaphore, #tpu.memory_space<semaphore_mem>>) {add = true}
          %dma_wait3A_79 = arith.constant 0 : i32
          %dma_wait3A_80 = arith.constant 0 : i32
          %dma_wait3A_81 = tpu.memref_slice %arg10[%dma_wait3A_79, %dma_wait3A_80] : memref<10000x128xf32, #tpu.memory_space<vmem_shared>> -> memref<10000x128xf32, #tpu.memory_space<vmem_shared>>
          tpu.wait_indirect_dma semaphore(%run_scoped3A : memref<!tpu.dma_semaphore, #tpu.memory_space<semaphore_mem>>) src(%arg9 : memref<128x128xf32, #tpu.memory_space<vmem>>) dst(%dma_wait3A_81 : memref<10000x128xf32, #tpu.memory_space<vmem_shared>>)
          tpu.yield
        }) : () -> ()
        %add3A_70 = arith.constant 2 : i32
        %add3A_71 = arith.addi %while3A_47, %add3A_70 : i32
        %lt3A_72 = arith.cmpi slt, %add3A_71, %select_n3A : i32
        %convert_element_type3A_73 = arith.extui %lt3A_72 : i1 to i32
        %cond3A_74 = arith.constant 0 : i32
        %cond3A_75 = arith.cmpi ne, %convert_element_type3A_73, %cond3A_74 : i32
        scf.if %cond3A_75 {
          %add3A_76 = arith.addi %add3A_6, %while3A_47 : i32
          %add3A_77 = arith.constant 2 : i32
          %add3A_78 = arith.addi %add3A_76, %add3A_77 : i32
          %mul3A_79 = arith.constant 128 : i32
          %mul3A_80 = arith.muli %add3A_78, %mul3A_79 : i32
          %dma_start3A_81 = tpu.memref_slice %arg3[%mul3A_80] : memref<320000xi32, #tpu.memory_space<hbm>> -> memref<128xi32, #tpu.memory_space<hbm>>
          %dma_start3A_82 = tpu.memref_slice %arg3[%mul3A_80] : memref<320000xi32, #tpu.memory_space<hbm>> -> memref<128xi32, #tpu.memory_space<hbm>>
          tpu.enqueue_dma source(%dma_start3A_82 : memref<128xi32, #tpu.memory_space<hbm>>) target(%arg7 : memref<128xi32, #tpu.memory_space<vmem>>) target_semaphore(%arg12 : memref<!tpu.dma_semaphore, #tpu.memory_space<semaphore_mem>>)
          %mul3A_83 = arith.constant 128 : i32
          %mul3A_84 = arith.muli %add3A_78, %mul3A_83 : i32
          %dma_start3A_85 = arith.constant 0 : i32
          %dma_start3A_86 = tpu.memref_slice %arg2[%mul3A_84, %dma_start3A_85] : memref<320000x128xf32, #tpu.memory_space<hbm>> -> memref<128x128xf32, #tpu.memory_space<hbm>>
          %dma_start3A_87 = arith.constant 0 : i32
          %dma_start3A_88 = tpu.memref_slice %arg2[%mul3A_84, %dma_start3A_87] : memref<320000x128xf32, #tpu.memory_space<hbm>> -> memref<128x128xf32, #tpu.memory_space<hbm>>
          tpu.enqueue_dma source(%dma_start3A_88 : memref<128x128xf32, #tpu.memory_space<hbm>>) target(%arg9 : memref<128x128xf32, #tpu.memory_space<vmem>>) target_semaphore(%arg14 : memref<!tpu.dma_semaphore, #tpu.memory_space<semaphore_mem>>)
        } else {
        }
      } else {
      }
    }
    %barrier3A_41 = arith.constant 0 : index
    tpu.barrier barrier_id(%barrier3A_41)
    "tpu.region"() ({
      %run_scoped3A = tpu.sem_alloc : memref<!tpu.dma_semaphore, #tpu.memory_space<semaphore_mem>>
      %dma_start3A_47 = arith.constant 0 : i32
      %dma_start3A_48 = tpu.memref_slice %arg5[%arg0, %mul3A_2, %dma_start3A_47] : memref<2x10000x128xf32, #tpu.memory_space<hbm>> -> memref<1x624x128xf32, #tpu.memory_space<hbm>>
      %dma_start3A_49 = tpu.memref_squeeze %dma_start3A_48 : memref<1x624x128xf32, #tpu.memory_space<hbm>> -> memref<624x128xf32, #tpu.memory_space<hbm>>
      %dma_start3A_50 = arith.constant 0 : i32
      %dma_start3A_51 = tpu.memref_slice %arg10[%mul3A_2, %dma_start3A_50] : memref<10000x128xf32, #tpu.memory_space<vmem_shared>> -> memref<624x128xf32, #tpu.memory_space<vmem_shared>>
      tpu.enqueue_dma source(%dma_start3A_51 : memref<624x128xf32, #tpu.memory_space<vmem_shared>>) target(%dma_start3A_49 : memref<624x128xf32, #tpu.memory_space<hbm>>) target_semaphore(%run_scoped3A : memref<!tpu.dma_semaphore, #tpu.memory_space<semaphore_mem>>)
      %dma_wait3A = arith.constant 0 : i32
      %dma_wait3A_52 = tpu.memref_slice %arg5[%arg0, %mul3A_2, %dma_wait3A] : memref<2x10000x128xf32, #tpu.memory_space<hbm>> -> memref<1x624x128xf32, #tpu.memory_space<hbm>>
      %dma_wait3A_53 = tpu.memref_squeeze %dma_wait3A_52 : memref<1x624x128xf32, #tpu.memory_space<hbm>> -> memref<624x128xf32, #tpu.memory_space<hbm>>
      %dma_wait3A_54 = arith.constant 0 : i32
      %dma_wait3A_55 = tpu.memref_slice %arg10[%mul3A_2, %dma_wait3A_54] : memref<10000x128xf32, #tpu.memory_space<vmem_shared>> -> memref<624x128xf32, #tpu.memory_space<vmem_shared>>
      tpu.wait_dma2 semaphore(%run_scoped3A : memref<!tpu.dma_semaphore, #tpu.memory_space<semaphore_mem>>) src(%dma_wait3A_55 : memref<624x128xf32, #tpu.memory_space<vmem_shared>>) dst(%dma_wait3A_53 : memref<624x128xf32, #tpu.memory_space<hbm>>)
      tpu.yield
    }) : () -> ()
    %eq3A_42 = arith.constant 15 : i32
    %eq3A_43 = arith.cmpi eq, %arg1, %eq3A_42 : i32
    %convert_element_type3A_44 = arith.extui %eq3A_43 : i1 to i32
    %cond3A_45 = arith.constant 0 : i32
    %cond3A_46 = arith.cmpi ne, %convert_element_type3A_44, %cond3A_45 : i32
    scf.if %cond3A_46 {
      "tpu.region"() ({
        %run_scoped3A = tpu.sem_alloc : memref<!tpu.dma_semaphore, #tpu.memory_space<semaphore_mem>>
        %dma_start3A_47 = arith.constant 9984 : i32
        %dma_start3A_48 = arith.constant 0 : i32
        %dma_start3A_49 = tpu.memref_slice %arg5[%arg0, %dma_start3A_47, %dma_start3A_48] : memref<2x10000x128xf32, #tpu.memory_space<hbm>> -> memref<1x16x128xf32, #tpu.memory_space<hbm>>
        %dma_start3A_50 = tpu.memref_squeeze %dma_start3A_49 : memref<1x16x128xf32, #tpu.memory_space<hbm>> -> memref<16x128xf32, #tpu.memory_space<hbm>>
        %dma_start3A_51 = arith.constant 9984 : i32
        %dma_start3A_52 = arith.constant 0 : i32
        %dma_start3A_53 = tpu.memref_slice %arg10[%dma_start3A_51, %dma_start3A_52] : memref<10000x128xf32, #tpu.memory_space<vmem_shared>> -> memref<16x128xf32, #tpu.memory_space<vmem_shared>>
        tpu.enqueue_dma source(%dma_start3A_53 : memref<16x128xf32, #tpu.memory_space<vmem_shared>>) target(%dma_start3A_50 : memref<16x128xf32, #tpu.memory_space<hbm>>) target_semaphore(%run_scoped3A : memref<!tpu.dma_semaphore, #tpu.memory_space<semaphore_mem>>)
        %dma_wait3A = arith.constant 9984 : i32
        %dma_wait3A_54 = arith.constant 0 : i32
        %dma_wait3A_55 = tpu.memref_slice %arg5[%arg0, %dma_wait3A, %dma_wait3A_54] : memref<2x10000x128xf32, #tpu.memory_space<hbm>> -> memref<1x16x128xf32, #tpu.memory_space<hbm>>
        %dma_wait3A_56 = tpu.memref_squeeze %dma_wait3A_55 : memref<1x16x128xf32, #tpu.memory_space<hbm>> -> memref<16x128xf32, #tpu.memory_space<hbm>>
        %dma_wait3A_57 = arith.constant 9984 : i32
        %dma_wait3A_58 = arith.constant 0 : i32
        %dma_wait3A_59 = tpu.memref_slice %arg10[%dma_wait3A_57, %dma_wait3A_58] : memref<10000x128xf32, #tpu.memory_space<vmem_shared>> -> memref<16x128xf32, #tpu.memory_space<vmem_shared>>
        tpu.wait_dma2 semaphore(%run_scoped3A : memref<!tpu.dma_semaphore, #tpu.memory_space<semaphore_mem>>) src(%dma_wait3A_59 : memref<16x128xf32, #tpu.memory_space<vmem_shared>>) dst(%dma_wait3A_56 : memref<16x128xf32, #tpu.memory_space<hbm>>)
        tpu.yield
      }) : () -> ()
    } else {
    }
    return
  }
}

#map = affine_map<(d0, d1) -> (0, 0)>
#map1 = affine_map<(d0, d1) -> (0)>
#map2 = affine_map<(d0, d1) -> (0, 0, 0)>
module attributes {stable_mosaic.version = 14 : i64} {
  func.func @scat(%arg0: i32, %arg1: i32, %arg2: memref<320000x128xf32, #tpu.memory_space<hbm>>, %arg3: memref<320000xi32, #tpu.memory_space<hbm>>, %arg4: memref<10000x128xf32, #tpu.memory_space<hbm>>, %arg5: memref<2x10000x128xf32, #tpu.memory_space<hbm>>, %arg6: memref<128xi32, #tpu.memory_space<vmem>>, %arg7: memref<128xi32, #tpu.memory_space<vmem>>, %arg8: memref<128x128xf32, #tpu.memory_space<vmem>>, %arg9: memref<128x128xf32, #tpu.memory_space<vmem>>, %arg10: memref<10000x128xf32, #tpu.memory_space<vmem_shared>>, %arg11: memref<!tpu.dma_semaphore, #tpu.memory_space<semaphore_mem>>, %arg12: memref<!tpu.dma_semaphore, #tpu.memory_space<semaphore_mem>>, %arg13: memref<!tpu.dma_semaphore, #tpu.memory_space<semaphore_mem>>, %arg14: memref<!tpu.dma_semaphore, #tpu.memory_space<semaphore_mem>>) attributes {dimension_semantics = [#tpu.dimension_semantics<core_parallel>, #tpu.dimension_semantics<subcore_parallel>], iteration_bounds = array<i64: 2, 16>, scalar_prefetch = 0 : i64, scratch_operands = 9 : i64, tpu.core_type = #tpu.core_type<sc_vector_subcore>, window_params = [{transform_indices = #map}, {transform_indices = #map1}, {transform_indices = #map}, {transform_indices = #map2}]} {
    %mul3A = arith.constant 2 : i32
    %mul3A_0 = arith.muli %arg1, %mul3A : i32
    %add3A = arith.addi %mul3A_0, %arg0 : i32
    %mul3A_1 = arith.constant 624 : i32
    %mul3A_2 = arith.muli %arg1, %mul3A_1 : i32
    %mul3A_3 = arith.constant 78 : i32
    %mul3A_4 = arith.muli %add3A, %mul3A_3 : i32
    %min3A = arith.constant 4 : i32
    %min3A_5 = arith.minsi %add3A, %min3A : i32
    %add3A_6 = arith.addi %mul3A_4, %min3A_5 : i32
    %lt3A = arith.constant 4 : i32
    %lt3A_7 = arith.cmpi slt, %add3A, %lt3A : i32
    %jit3A = arith.constant 79 : i32
    %jit3A_8 = arith.constant 78 : i32
    %select_n3A = arith.select %lt3A_7, %jit3A, %jit3A_8 : i32
    %mul3A_9 = arith.constant 128 : i32
    %mul3A_10 = arith.muli %add3A_6, %mul3A_9 : i32
    %dma_start3A = tpu.memref_slice %arg3[%mul3A_10] : memref<320000xi32, #tpu.memory_space<hbm>> -> memref<128xi32, #tpu.memory_space<hbm>>
    %dma_start3A_11 = tpu.memref_slice %arg3[%mul3A_10] : memref<320000xi32, #tpu.memory_space<hbm>> -> memref<128xi32, #tpu.memory_space<hbm>>
    tpu.enqueue_dma source(%dma_start3A_11 : memref<128xi32, #tpu.memory_space<hbm>>) target(%arg6 : memref<128xi32, #tpu.memory_space<vmem>>) target_semaphore(%arg11 : memref<!tpu.dma_semaphore, #tpu.memory_space<semaphore_mem>>)
    %mul3A_12 = arith.constant 128 : i32
    %mul3A_13 = arith.muli %add3A_6, %mul3A_12 : i32
    %dma_start3A_14 = arith.constant 0 : i32
    %dma_start3A_15 = tpu.memref_slice %arg2[%mul3A_13, %dma_start3A_14] : memref<320000x128xf32, #tpu.memory_space<hbm>> -> memref<128x128xf32, #tpu.memory_space<hbm>>
    %dma_start3A_16 = arith.constant 0 : i32
    %dma_start3A_17 = tpu.memref_slice %arg2[%mul3A_13, %dma_start3A_16] : memref<320000x128xf32, #tpu.memory_space<hbm>> -> memref<128x128xf32, #tpu.memory_space<hbm>>
    tpu.enqueue_dma source(%dma_start3A_17 : memref<128x128xf32, #tpu.memory_space<hbm>>) target(%arg8 : memref<128x128xf32, #tpu.memory_space<vmem>>) target_semaphore(%arg13 : memref<!tpu.dma_semaphore, #tpu.memory_space<semaphore_mem>>)
    %add3A_18 = arith.constant 1 : i32
    %add3A_19 = arith.addi %add3A_6, %add3A_18 : i32
    %mul3A_20 = arith.constant 128 : i32
    %mul3A_21 = arith.muli %add3A_19, %mul3A_20 : i32
    %dma_start3A_22 = tpu.memref_slice %arg3[%mul3A_21] : memref<320000xi32, #tpu.memory_space<hbm>> -> memref<128xi32, #tpu.memory_space<hbm>>
    %dma_start3A_23 = tpu.memref_slice %arg3[%mul3A_21] : memref<320000xi32, #tpu.memory_space<hbm>> -> memref<128xi32, #tpu.memory_space<hbm>>
    tpu.enqueue_dma source(%dma_start3A_23 : memref<128xi32, #tpu.memory_space<hbm>>) target(%arg7 : memref<128xi32, #tpu.memory_space<vmem>>) target_semaphore(%arg12 : memref<!tpu.dma_semaphore, #tpu.memory_space<semaphore_mem>>)
    %mul3A_24 = arith.constant 128 : i32
    %mul3A_25 = arith.muli %add3A_19, %mul3A_24 : i32
    %dma_start3A_26 = arith.constant 0 : i32
    %dma_start3A_27 = tpu.memref_slice %arg2[%mul3A_25, %dma_start3A_26] : memref<320000x128xf32, #tpu.memory_space<hbm>> -> memref<128x128xf32, #tpu.memory_space<hbm>>
    %dma_start3A_28 = arith.constant 0 : i32
    %dma_start3A_29 = tpu.memref_slice %arg2[%mul3A_25, %dma_start3A_28] : memref<320000x128xf32, #tpu.memory_space<hbm>> -> memref<128x128xf32, #tpu.memory_space<hbm>>
    tpu.enqueue_dma source(%dma_start3A_29 : memref<128x128xf32, #tpu.memory_space<hbm>>) target(%arg9 : memref<128x128xf32, #tpu.memory_space<vmem>>) target_semaphore(%arg14 : memref<!tpu.dma_semaphore, #tpu.memory_space<semaphore_mem>>)
    "tpu.region"() ({
      %run_scoped3A = tpu.sem_alloc : memref<!tpu.dma_semaphore, #tpu.memory_space<semaphore_mem>>
      %dma_start3A_47 = arith.constant 0 : i32
      %dma_start3A_48 = tpu.memref_slice %arg10[%mul3A_2, %dma_start3A_47] : memref<10000x128xf32, #tpu.memory_space<vmem_shared>> -> memref<624x128xf32, #tpu.memory_space<vmem_shared>>
      %dma_start3A_49 = arith.constant 0 : i32
      %dma_start3A_50 = tpu.memref_slice %arg4[%mul3A_2, %dma_start3A_49] : memref<10000x128xf32, #tpu.memory_space<hbm>> -> memref<624x128xf32, #tpu.memory_space<hbm>>
      tpu.enqueue_dma source(%dma_start3A_50 : memref<624x128xf32, #tpu.memory_space<hbm>>) target(%dma_start3A_48 : memref<624x128xf32, #tpu.memory_space<vmem_shared>>) target_semaphore(%run_scoped3A : memref<!tpu.dma_semaphore, #tpu.memory_space<semaphore_mem>>)
      %dma_wait3A = arith.constant 0 : i32
      %dma_wait3A_51 = tpu.memref_slice %arg10[%mul3A_2, %dma_wait3A] : memref<10000x128xf32, #tpu.memory_space<vmem_shared>> -> memref<624x128xf32, #tpu.memory_space<vmem_shared>>
      %dma_wait3A_52 = arith.constant 0 : i32
      %dma_wait3A_53 = tpu.memref_slice %arg4[%mul3A_2, %dma_wait3A_52] : memref<10000x128xf32, #tpu.memory_space<hbm>> -> memref<624x128xf32, #tpu.memory_space<hbm>>
      tpu.wait_dma2 semaphore(%run_scoped3A : memref<!tpu.dma_semaphore, #tpu.memory_space<semaphore_mem>>) src(%dma_wait3A_53 : memref<624x128xf32, #tpu.memory_space<hbm>>) dst(%dma_wait3A_51 : memref<624x128xf32, #tpu.memory_space<vmem_shared>>)
      tpu.yield
    }) : () -> ()
    %eq3A = arith.constant 15 : i32
    %eq3A_30 = arith.cmpi eq, %arg1, %eq3A : i32
    %convert_element_type3A = arith.extui %eq3A_30 : i1 to i32
    %cond3A = arith.constant 0 : i32
    %cond3A_31 = arith.cmpi ne, %convert_element_type3A, %cond3A : i32
    scf.if %cond3A_31 {
      "tpu.region"() ({
        %run_scoped3A = tpu.sem_alloc : memref<!tpu.dma_semaphore, #tpu.memory_space<semaphore_mem>>
        %dma_start3A_47 = arith.constant 9984 : i32
        %dma_start3A_48 = arith.constant 0 : i32
        %dma_start3A_49 = tpu.memref_slice %arg10[%dma_start3A_47, %dma_start3A_48] : memref<10000x128xf32, #tpu.memory_space<vmem_shared>> -> memref<16x128xf32, #tpu.memory_space<vmem_shared>>
        %dma_start3A_50 = arith.constant 9984 : i32
        %dma_start3A_51 = arith.constant 0 : i32
        %dma_start3A_52 = tpu.memref_slice %arg4[%dma_start3A_50, %dma_start3A_51] : memref<10000x128xf32, #tpu.memory_space<hbm>> -> memref<16x128xf32, #tpu.memory_space<hbm>>
        tpu.enqueue_dma source(%dma_start3A_52 : memref<16x128xf32, #tpu.memory_space<hbm>>) target(%dma_start3A_49 : memref<16x128xf32, #tpu.memory_space<vmem_shared>>) target_semaphore(%run_scoped3A : memref<!tpu.dma_semaphore, #tpu.memory_space<semaphore_mem>>)
        %dma_wait3A = arith.constant 9984 : i32
        %dma_wait3A_53 = arith.constant 0 : i32
        %dma_wait3A_54 = tpu.memref_slice %arg10[%dma_wait3A, %dma_wait3A_53] : memref<10000x128xf32, #tpu.memory_space<vmem_shared>> -> memref<16x128xf32, #tpu.memory_space<vmem_shared>>
        %dma_wait3A_55 = arith.constant 9984 : i32
        %dma_wait3A_56 = arith.constant 0 : i32
        %dma_wait3A_57 = tpu.memref_slice %arg4[%dma_wait3A_55, %dma_wait3A_56] : memref<10000x128xf32, #tpu.memory_space<hbm>> -> memref<16x128xf32, #tpu.memory_space<hbm>>
        tpu.wait_dma2 semaphore(%run_scoped3A : memref<!tpu.dma_semaphore, #tpu.memory_space<semaphore_mem>>) src(%dma_wait3A_57 : memref<16x128xf32, #tpu.memory_space<hbm>>) dst(%dma_wait3A_54 : memref<16x128xf32, #tpu.memory_space<vmem_shared>>)
        tpu.yield
      }) : () -> ()
    } else {
    }
    %barrier3A = arith.constant 0 : index
    tpu.barrier barrier_id(%barrier3A)
    %while3A = arith.constant 0 : i32
    %while3A_32 = arith.constant 0 : i32
    %while3A_33 = arith.subi %select_n3A, %while3A_32 : i32
    %while3A_34 = arith.addi %while3A_32, %while3A_33 : i32
    %while3A_35 = arith.constant 1 : i32
    %while3A_36 = arith.divsi %while3A_33, %while3A_35 : i32
    %while3A_37 = arith.muli %while3A_36, %while3A_35 : i32
    %while3A_38 = arith.addi %while3A_32, %while3A_37 : i32
    %while3A_39 = arith.constant 1 : i32
    scf.for %while3A_47 = %while3A_32 to %while3A_38 step %while3A_39  : i32 {
      %rem3A = arith.constant 2 : i32
      %rem3A_48 = arith.remsi %while3A_47, %rem3A : i32
      %eq3A_49 = arith.constant 0 : i32
      %eq3A_50 = arith.cmpi eq, %rem3A_48, %eq3A_49 : i32
      %convert_element_type3A_51 = arith.extui %eq3A_50 : i1 to i32
      %cond3A_52 = arith.constant 0 : i32
      %cond3A_53 = arith.cmpi ne, %convert_element_type3A_51, %cond3A_52 : i32
      scf.if %cond3A_53 {
        %dma_wait3A = arith.constant 0 : i32
        %dma_wait3A_61 = tpu.memref_slice %arg3[%dma_wait3A] : memref<320000xi32, #tpu.memory_space<hbm>> -> memref<128xi32, #tpu.memory_space<hbm>>
        %dma_wait3A_62 = arith.constant 0 : i32
        %dma_wait3A_63 = tpu.memref_slice %arg3[%dma_wait3A_62] : memref<320000xi32, #tpu.memory_space<hbm>> -> memref<128xi32, #tpu.memory_space<hbm>>
        tpu.wait_dma2 semaphore(%arg11 : memref<!tpu.dma_semaphore, #tpu.memory_space<semaphore_mem>>) src(%dma_wait3A_63 : memref<128xi32, #tpu.memory_space<hbm>>) dst(%arg6 : memref<128xi32, #tpu.memory_space<vmem>>)
        %dma_wait3A_64 = arith.constant 0 : i32
        %dma_wait3A_65 = arith.constant 0 : i32
        %dma_wait3A_66 = tpu.memref_slice %arg2[%dma_wait3A_64, %dma_wait3A_65] : memref<320000x128xf32, #tpu.memory_space<hbm>> -> memref<128x128xf32, #tpu.memory_space<hbm>>
        %dma_wait3A_67 = arith.constant 0 : i32
        %dma_wait3A_68 = arith.constant 0 : i32
        %dma_wait3A_69 = tpu.memref_slice %arg2[%dma_wait3A_67, %dma_wait3A_68] : memref<320000x128xf32, #tpu.memory_space<hbm>> -> memref<128x128xf32, #tpu.memory_space<hbm>>
        tpu.wait_dma2 semaphore(%arg13 : memref<!tpu.dma_semaphore, #tpu.memory_space<semaphore_mem>>) src(%dma_wait3A_69 : memref<128x128xf32, #tpu.memory_space<hbm>>) dst(%arg8 : memref<128x128xf32, #tpu.memory_space<vmem>>)
        "tpu.region"() ({
          %run_scoped3A = tpu.sem_alloc : memref<!tpu.dma_semaphore, #tpu.memory_space<semaphore_mem>>
          %dma_start3A_76 = arith.constant 0 : i32
          %dma_start3A_77 = arith.constant 0 : i32
          %dma_start3A_78 = tpu.memref_slice %arg10[%dma_start3A_76, %dma_start3A_77] : memref<10000x128xf32, #tpu.memory_space<vmem_shared>> -> memref<10000x128xf32, #tpu.memory_space<vmem_shared>>
          tpu.enqueue_indirect_dma source(%arg8 : memref<128x128xf32, #tpu.memory_space<vmem>>) target(%dma_start3A_78 : memref<10000x128xf32, #tpu.memory_space<vmem_shared>>) offsets(%arg6 : memref<128xi32, #tpu.memory_space<vmem>>) semaphore(%run_scoped3A : memref<!tpu.dma_semaphore, #tpu.memory_space<semaphore_mem>>) {add = true}
          %dma_wait3A_79 = arith.constant 0 : i32
          %dma_wait3A_80 = arith.constant 0 : i32
          %dma_wait3A_81 = tpu.memref_slice %arg10[%dma_wait3A_79, %dma_wait3A_80] : memref<10000x128xf32, #tpu.memory_space<vmem_shared>> -> memref<10000x128xf32, #tpu.memory_space<vmem_shared>>
          tpu.wait_indirect_dma semaphore(%run_scoped3A : memref<!tpu.dma_semaphore, #tpu.memory_space<semaphore_mem>>) src(%arg8 : memref<128x128xf32, #tpu.memory_space<vmem>>) dst(%dma_wait3A_81 : memref<10000x128xf32, #tpu.memory_space<vmem_shared>>)
          tpu.yield
        }) : () -> ()
        %add3A_70 = arith.constant 2 : i32
        %add3A_71 = arith.addi %while3A_47, %add3A_70 : i32
        %lt3A_72 = arith.cmpi slt, %add3A_71, %select_n3A : i32
        %convert_element_type3A_73 = arith.extui %lt3A_72 : i1 to i32
        %cond3A_74 = arith.constant 0 : i32
        %cond3A_75 = arith.cmpi ne, %convert_element_type3A_73, %cond3A_74 : i32
        scf.if %cond3A_75 {
          %add3A_76 = arith.addi %add3A_6, %while3A_47 : i32
          %add3A_77 = arith.constant 2 : i32
          %add3A_78 = arith.addi %add3A_76, %add3A_77 : i32
          %mul3A_79 = arith.constant 128 : i32
          %mul3A_80 = arith.muli %add3A_78, %mul3A_79 : i32
          %dma_start3A_81 = tpu.memref_slice %arg3[%mul3A_80] : memref<320000xi32, #tpu.memory_space<hbm>> -> memref<128xi32, #tpu.memory_space<hbm>>
          %dma_start3A_82 = tpu.memref_slice %arg3[%mul3A_80] : memref<320000xi32, #tpu.memory_space<hbm>> -> memref<128xi32, #tpu.memory_space<hbm>>
          tpu.enqueue_dma source(%dma_start3A_82 : memref<128xi32, #tpu.memory_space<hbm>>) target(%arg6 : memref<128xi32, #tpu.memory_space<vmem>>) target_semaphore(%arg11 : memref<!tpu.dma_semaphore, #tpu.memory_space<semaphore_mem>>)
          %mul3A_83 = arith.constant 128 : i32
          %mul3A_84 = arith.muli %add3A_78, %mul3A_83 : i32
          %dma_start3A_85 = arith.constant 0 : i32
          %dma_start3A_86 = tpu.memref_slice %arg2[%mul3A_84, %dma_start3A_85] : memref<320000x128xf32, #tpu.memory_space<hbm>> -> memref<128x128xf32, #tpu.memory_space<hbm>>
          %dma_start3A_87 = arith.constant 0 : i32
          %dma_start3A_88 = tpu.memref_slice %arg2[%mul3A_84, %dma_start3A_87] : memref<320000x128xf32, #tpu.memory_space<hbm>> -> memref<128x128xf32, #tpu.memory_space<hbm>>
          tpu.enqueue_dma source(%dma_start3A_88 : memref<128x128xf32, #tpu.memory_space<hbm>>) target(%arg8 : memref<128x128xf32, #tpu.memory_space<vmem>>) target_semaphore(%arg13 : memref<!tpu.dma_semaphore, #tpu.memory_space<semaphore_mem>>)
        } else {
        }
      } else {
      }
      %rem3A_54 = arith.constant 2 : i32
      %rem3A_55 = arith.remsi %while3A_47, %rem3A_54 : i32
      %eq3A_56 = arith.constant 1 : i32
      %eq3A_57 = arith.cmpi eq, %rem3A_55, %eq3A_56 : i32
      %convert_element_type3A_58 = arith.extui %eq3A_57 : i1 to i32
      %cond3A_59 = arith.constant 0 : i32
      %cond3A_60 = arith.cmpi ne, %convert_element_type3A_58, %cond3A_59 : i32
      scf.if %cond3A_60 {
        %dma_wait3A = arith.constant 0 : i32
        %dma_wait3A_61 = tpu.memref_slice %arg3[%dma_wait3A] : memref<320000xi32, #tpu.memory_space<hbm>> -> memref<128xi32, #tpu.memory_space<hbm>>
        %dma_wait3A_62 = arith.constant 0 : i32
        %dma_wait3A_63 = tpu.memref_slice %arg3[%dma_wait3A_62] : memref<320000xi32, #tpu.memory_space<hbm>> -> memref<128xi32, #tpu.memory_space<hbm>>
        tpu.wait_dma2 semaphore(%arg12 : memref<!tpu.dma_semaphore, #tpu.memory_space<semaphore_mem>>) src(%dma_wait3A_63 : memref<128xi32, #tpu.memory_space<hbm>>) dst(%arg7 : memref<128xi32, #tpu.memory_space<vmem>>)
        %dma_wait3A_64 = arith.constant 0 : i32
        %dma_wait3A_65 = arith.constant 0 : i32
        %dma_wait3A_66 = tpu.memref_slice %arg2[%dma_wait3A_64, %dma_wait3A_65] : memref<320000x128xf32, #tpu.memory_space<hbm>> -> memref<128x128xf32, #tpu.memory_space<hbm>>
        %dma_wait3A_67 = arith.constant 0 : i32
        %dma_wait3A_68 = arith.constant 0 : i32
        %dma_wait3A_69 = tpu.memref_slice %arg2[%dma_wait3A_67, %dma_wait3A_68] : memref<320000x128xf32, #tpu.memory_space<hbm>> -> memref<128x128xf32, #tpu.memory_space<hbm>>
        tpu.wait_dma2 semaphore(%arg14 : memref<!tpu.dma_semaphore, #tpu.memory_space<semaphore_mem>>) src(%dma_wait3A_69 : memref<128x128xf32, #tpu.memory_space<hbm>>) dst(%arg9 : memref<128x128xf32, #tpu.memory_space<vmem>>)
        "tpu.region"() ({
          %run_scoped3A = tpu.sem_alloc : memref<!tpu.dma_semaphore, #tpu.memory_space<semaphore_mem>>
          %dma_start3A_76 = arith.constant 0 : i32
          %dma_start3A_77 = arith.constant 0 : i32
          %dma_start3A_78 = tpu.memref_slice %arg10[%dma_start3A_76, %dma_start3A_77] : memref<10000x128xf32, #tpu.memory_space<vmem_shared>> -> memref<10000x128xf32, #tpu.memory_space<vmem_shared>>
          tpu.enqueue_indirect_dma source(%arg9 : memref<128x128xf32, #tpu.memory_space<vmem>>) target(%dma_start3A_78 : memref<10000x128xf32, #tpu.memory_space<vmem_shared>>) offsets(%arg7 : memref<128xi32, #tpu.memory_space<vmem>>) semaphore(%run_scoped3A : memref<!tpu.dma_semaphore, #tpu.memory_space<semaphore_mem>>) {add = true}
          %dma_wait3A_79 = arith.constant 0 : i32
          %dma_wait3A_80 = arith.constant 0 : i32
          %dma_wait3A_81 = tpu.memref_slice %arg10[%dma_wait3A_79, %dma_wait3A_80] : memref<10000x128xf32, #tpu.memory_space<vmem_shared>> -> memref<10000x128xf32, #tpu.memory_space<vmem_shared>>
          tpu.wait_indirect_dma semaphore(%run_scoped3A : memref<!tpu.dma_semaphore, #tpu.memory_space<semaphore_mem>>) src(%arg9 : memref<128x128xf32, #tpu.memory_space<vmem>>) dst(%dma_wait3A_81 : memref<10000x128xf32, #tpu.memory_space<vmem_shared>>)
          tpu.yield
        }) : () -> ()
        %add3A_70 = arith.constant 2 : i32
        %add3A_71 = arith.addi %while3A_47, %add3A_70 : i32
        %lt3A_72 = arith.cmpi slt, %add3A_71, %select_n3A : i32
        %convert_element_type3A_73 = arith.extui %lt3A_72 : i1 to i32
        %cond3A_74 = arith.constant 0 : i32
        %cond3A_75 = arith.cmpi ne, %convert_element_type3A_73, %cond3A_74 : i32
        scf.if %cond3A_75 {
          %add3A_76 = arith.addi %add3A_6, %while3A_47 : i32
          %add3A_77 = arith.constant 2 : i32
          %add3A_78 = arith.addi %add3A_76, %add3A_77 : i32
          %mul3A_79 = arith.constant 128 : i32
          %mul3A_80 = arith.muli %add3A_78, %mul3A_79 : i32
          %dma_start3A_81 = tpu.memref_slice %arg3[%mul3A_80] : memref<320000xi32, #tpu.memory_space<hbm>> -> memref<128xi32, #tpu.memory_space<hbm>>
          %dma_start3A_82 = tpu.memref_slice %arg3[%mul3A_80] : memref<320000xi32, #tpu.memory_space<hbm>> -> memref<128xi32, #tpu.memory_space<hbm>>
          tpu.enqueue_dma source(%dma_start3A_82 : memref<128xi32, #tpu.memory_space<hbm>>) target(%arg7 : memref<128xi32, #tpu.memory_space<vmem>>) target_semaphore(%arg12 : memref<!tpu.dma_semaphore, #tpu.memory_space<semaphore_mem>>)
          %mul3A_83 = arith.constant 128 : i32
          %mul3A_84 = arith.muli %add3A_78, %mul3A_83 : i32
          %dma_start3A_85 = arith.constant 0 : i32
          %dma_start3A_86 = tpu.memref_slice %arg2[%mul3A_84, %dma_start3A_85] : memref<320000x128xf32, #tpu.memory_space<hbm>> -> memref<128x128xf32, #tpu.memory_space<hbm>>
          %dma_start3A_87 = arith.constant 0 : i32
          %dma_start3A_88 = tpu.memref_slice %arg2[%mul3A_84, %dma_start3A_87] : memref<320000x128xf32, #tpu.memory_space<hbm>> -> memref<128x128xf32, #tpu.memory_space<hbm>>
          tpu.enqueue_dma source(%dma_start3A_88 : memref<128x128xf32, #tpu.memory_space<hbm>>) target(%arg9 : memref<128x128xf32, #tpu.memory_space<vmem>>) target_semaphore(%arg14 : memref<!tpu.dma_semaphore, #tpu.memory_space<semaphore_mem>>)
        } else {
        }
      } else {
      }
    }
    %while3A_40 = arith.constant 1 : i32
    scf.for %while3A_47 = %while3A_38 to %while3A_34 step %while3A_40  : i32 {
      %rem3A = arith.constant 2 : i32
      %rem3A_48 = arith.remsi %while3A_47, %rem3A : i32
      %eq3A_49 = arith.constant 0 : i32
      %eq3A_50 = arith.cmpi eq, %rem3A_48, %eq3A_49 : i32
      %convert_element_type3A_51 = arith.extui %eq3A_50 : i1 to i32
      %cond3A_52 = arith.constant 0 : i32
      %cond3A_53 = arith.cmpi ne, %convert_element_type3A_51, %cond3A_52 : i32
      scf.if %cond3A_53 {
        %dma_wait3A = arith.constant 0 : i32
        %dma_wait3A_61 = tpu.memref_slice %arg3[%dma_wait3A] : memref<320000xi32, #tpu.memory_space<hbm>> -> memref<128xi32, #tpu.memory_space<hbm>>
        %dma_wait3A_62 = arith.constant 0 : i32
        %dma_wait3A_63 = tpu.memref_slice %arg3[%dma_wait3A_62] : memref<320000xi32, #tpu.memory_space<hbm>> -> memref<128xi32, #tpu.memory_space<hbm>>
        tpu.wait_dma2 semaphore(%arg11 : memref<!tpu.dma_semaphore, #tpu.memory_space<semaphore_mem>>) src(%dma_wait3A_63 : memref<128xi32, #tpu.memory_space<hbm>>) dst(%arg6 : memref<128xi32, #tpu.memory_space<vmem>>)
        %dma_wait3A_64 = arith.constant 0 : i32
        %dma_wait3A_65 = arith.constant 0 : i32
        %dma_wait3A_66 = tpu.memref_slice %arg2[%dma_wait3A_64, %dma_wait3A_65] : memref<320000x128xf32, #tpu.memory_space<hbm>> -> memref<128x128xf32, #tpu.memory_space<hbm>>
        %dma_wait3A_67 = arith.constant 0 : i32
        %dma_wait3A_68 = arith.constant 0 : i32
        %dma_wait3A_69 = tpu.memref_slice %arg2[%dma_wait3A_67, %dma_wait3A_68] : memref<320000x128xf32, #tpu.memory_space<hbm>> -> memref<128x128xf32, #tpu.memory_space<hbm>>
        tpu.wait_dma2 semaphore(%arg13 : memref<!tpu.dma_semaphore, #tpu.memory_space<semaphore_mem>>) src(%dma_wait3A_69 : memref<128x128xf32, #tpu.memory_space<hbm>>) dst(%arg8 : memref<128x128xf32, #tpu.memory_space<vmem>>)
        "tpu.region"() ({
          %run_scoped3A = tpu.sem_alloc : memref<!tpu.dma_semaphore, #tpu.memory_space<semaphore_mem>>
          %dma_start3A_76 = arith.constant 0 : i32
          %dma_start3A_77 = arith.constant 0 : i32
          %dma_start3A_78 = tpu.memref_slice %arg10[%dma_start3A_76, %dma_start3A_77] : memref<10000x128xf32, #tpu.memory_space<vmem_shared>> -> memref<10000x128xf32, #tpu.memory_space<vmem_shared>>
          tpu.enqueue_indirect_dma source(%arg8 : memref<128x128xf32, #tpu.memory_space<vmem>>) target(%dma_start3A_78 : memref<10000x128xf32, #tpu.memory_space<vmem_shared>>) offsets(%arg6 : memref<128xi32, #tpu.memory_space<vmem>>) semaphore(%run_scoped3A : memref<!tpu.dma_semaphore, #tpu.memory_space<semaphore_mem>>) {add = true}
          %dma_wait3A_79 = arith.constant 0 : i32
          %dma_wait3A_80 = arith.constant 0 : i32
          %dma_wait3A_81 = tpu.memref_slice %arg10[%dma_wait3A_79, %dma_wait3A_80] : memref<10000x128xf32, #tpu.memory_space<vmem_shared>> -> memref<10000x128xf32, #tpu.memory_space<vmem_shared>>
          tpu.wait_indirect_dma semaphore(%run_scoped3A : memref<!tpu.dma_semaphore, #tpu.memory_space<semaphore_mem>>) src(%arg8 : memref<128x128xf32, #tpu.memory_space<vmem>>) dst(%dma_wait3A_81 : memref<10000x128xf32, #tpu.memory_space<vmem_shared>>)
          tpu.yield
        }) : () -> ()
        %add3A_70 = arith.constant 2 : i32
        %add3A_71 = arith.addi %while3A_47, %add3A_70 : i32
        %lt3A_72 = arith.cmpi slt, %add3A_71, %select_n3A : i32
        %convert_element_type3A_73 = arith.extui %lt3A_72 : i1 to i32
        %cond3A_74 = arith.constant 0 : i32
        %cond3A_75 = arith.cmpi ne, %convert_element_type3A_73, %cond3A_74 : i32
        scf.if %cond3A_75 {
          %add3A_76 = arith.addi %add3A_6, %while3A_47 : i32
          %add3A_77 = arith.constant 2 : i32
          %add3A_78 = arith.addi %add3A_76, %add3A_77 : i32
          %mul3A_79 = arith.constant 128 : i32
          %mul3A_80 = arith.muli %add3A_78, %mul3A_79 : i32
          %dma_start3A_81 = tpu.memref_slice %arg3[%mul3A_80] : memref<320000xi32, #tpu.memory_space<hbm>> -> memref<128xi32, #tpu.memory_space<hbm>>
          %dma_start3A_82 = tpu.memref_slice %arg3[%mul3A_80] : memref<320000xi32, #tpu.memory_space<hbm>> -> memref<128xi32, #tpu.memory_space<hbm>>
          tpu.enqueue_dma source(%dma_start3A_82 : memref<128xi32, #tpu.memory_space<hbm>>) target(%arg6 : memref<128xi32, #tpu.memory_space<vmem>>) target_semaphore(%arg11 : memref<!tpu.dma_semaphore, #tpu.memory_space<semaphore_mem>>)
          %mul3A_83 = arith.constant 128 : i32
          %mul3A_84 = arith.muli %add3A_78, %mul3A_83 : i32
          %dma_start3A_85 = arith.constant 0 : i32
          %dma_start3A_86 = tpu.memref_slice %arg2[%mul3A_84, %dma_start3A_85] : memref<320000x128xf32, #tpu.memory_space<hbm>> -> memref<128x128xf32, #tpu.memory_space<hbm>>
          %dma_start3A_87 = arith.constant 0 : i32
          %dma_start3A_88 = tpu.memref_slice %arg2[%mul3A_84, %dma_start3A_87] : memref<320000x128xf32, #tpu.memory_space<hbm>> -> memref<128x128xf32, #tpu.memory_space<hbm>>
          tpu.enqueue_dma source(%dma_start3A_88 : memref<128x128xf32, #tpu.memory_space<hbm>>) target(%arg8 : memref<128x128xf32, #tpu.memory_space<vmem>>) target_semaphore(%arg13 : memref<!tpu.dma_semaphore, #tpu.memory_space<semaphore_mem>>)
        } else {
        }
      } else {
      }
      %rem3A_54 = arith.constant 2 : i32
      %rem3A_55 = arith.remsi %while3A_47, %rem3A_54 : i32
      %eq3A_56 = arith.constant 1 : i32
      %eq3A_57 = arith.cmpi eq, %rem3A_55, %eq3A_56 : i32
      %convert_element_type3A_58 = arith.extui %eq3A_57 : i1 to i32
      %cond3A_59 = arith.constant 0 : i32
      %cond3A_60 = arith.cmpi ne, %convert_element_type3A_58, %cond3A_59 : i32
      scf.if %cond3A_60 {
        %dma_wait3A = arith.constant 0 : i32
        %dma_wait3A_61 = tpu.memref_slice %arg3[%dma_wait3A] : memref<320000xi32, #tpu.memory_space<hbm>> -> memref<128xi32, #tpu.memory_space<hbm>>
        %dma_wait3A_62 = arith.constant 0 : i32
        %dma_wait3A_63 = tpu.memref_slice %arg3[%dma_wait3A_62] : memref<320000xi32, #tpu.memory_space<hbm>> -> memref<128xi32, #tpu.memory_space<hbm>>
        tpu.wait_dma2 semaphore(%arg12 : memref<!tpu.dma_semaphore, #tpu.memory_space<semaphore_mem>>) src(%dma_wait3A_63 : memref<128xi32, #tpu.memory_space<hbm>>) dst(%arg7 : memref<128xi32, #tpu.memory_space<vmem>>)
        %dma_wait3A_64 = arith.constant 0 : i32
        %dma_wait3A_65 = arith.constant 0 : i32
        %dma_wait3A_66 = tpu.memref_slice %arg2[%dma_wait3A_64, %dma_wait3A_65] : memref<320000x128xf32, #tpu.memory_space<hbm>> -> memref<128x128xf32, #tpu.memory_space<hbm>>
        %dma_wait3A_67 = arith.constant 0 : i32
        %dma_wait3A_68 = arith.constant 0 : i32
        %dma_wait3A_69 = tpu.memref_slice %arg2[%dma_wait3A_67, %dma_wait3A_68] : memref<320000x128xf32, #tpu.memory_space<hbm>> -> memref<128x128xf32, #tpu.memory_space<hbm>>
        tpu.wait_dma2 semaphore(%arg14 : memref<!tpu.dma_semaphore, #tpu.memory_space<semaphore_mem>>) src(%dma_wait3A_69 : memref<128x128xf32, #tpu.memory_space<hbm>>) dst(%arg9 : memref<128x128xf32, #tpu.memory_space<vmem>>)
        "tpu.region"() ({
          %run_scoped3A = tpu.sem_alloc : memref<!tpu.dma_semaphore, #tpu.memory_space<semaphore_mem>>
          %dma_start3A_76 = arith.constant 0 : i32
          %dma_start3A_77 = arith.constant 0 : i32
          %dma_start3A_78 = tpu.memref_slice %arg10[%dma_start3A_76, %dma_start3A_77] : memref<10000x128xf32, #tpu.memory_space<vmem_shared>> -> memref<10000x128xf32, #tpu.memory_space<vmem_shared>>
          tpu.enqueue_indirect_dma source(%arg9 : memref<128x128xf32, #tpu.memory_space<vmem>>) target(%dma_start3A_78 : memref<10000x128xf32, #tpu.memory_space<vmem_shared>>) offsets(%arg7 : memref<128xi32, #tpu.memory_space<vmem>>) semaphore(%run_scoped3A : memref<!tpu.dma_semaphore, #tpu.memory_space<semaphore_mem>>) {add = true}
          %dma_wait3A_79 = arith.constant 0 : i32
          %dma_wait3A_80 = arith.constant 0 : i32
          %dma_wait3A_81 = tpu.memref_slice %arg10[%dma_wait3A_79, %dma_wait3A_80] : memref<10000x128xf32, #tpu.memory_space<vmem_shared>> -> memref<10000x128xf32, #tpu.memory_space<vmem_shared>>
          tpu.wait_indirect_dma semaphore(%run_scoped3A : memref<!tpu.dma_semaphore, #tpu.memory_space<semaphore_mem>>) src(%arg9 : memref<128x128xf32, #tpu.memory_space<vmem>>) dst(%dma_wait3A_81 : memref<10000x128xf32, #tpu.memory_space<vmem_shared>>)
          tpu.yield
        }) : () -> ()
        %add3A_70 = arith.constant 2 : i32
        %add3A_71 = arith.addi %while3A_47, %add3A_70 : i32
        %lt3A_72 = arith.cmpi slt, %add3A_71, %select_n3A : i32
        %convert_element_type3A_73 = arith.extui %lt3A_72 : i1 to i32
        %cond3A_74 = arith.constant 0 : i32
        %cond3A_75 = arith.cmpi ne, %convert_element_type3A_73, %cond3A_74 : i32
        scf.if %cond3A_75 {
          %add3A_76 = arith.addi %add3A_6, %while3A_47 : i32
          %add3A_77 = arith.constant 2 : i32
          %add3A_78 = arith.addi %add3A_76, %add3A_77 : i32
          %mul3A_79 = arith.constant 128 : i32
          %mul3A_80 = arith.muli %add3A_78, %mul3A_79 : i32
          %dma_start3A_81 = tpu.memref_slice %arg3[%mul3A_80] : memref<320000xi32, #tpu.memory_space<hbm>> -> memref<128xi32, #tpu.memory_space<hbm>>
          %dma_start3A_82 = tpu.memref_slice %arg3[%mul3A_80] : memref<320000xi32, #tpu.memory_space<hbm>> -> memref<128xi32, #tpu.memory_space<hbm>>
          tpu.enqueue_dma source(%dma_start3A_82 : memref<128xi32, #tpu.memory_space<hbm>>) target(%arg7 : memref<128xi32, #tpu.memory_space<vmem>>) target_semaphore(%arg12 : memref<!tpu.dma_semaphore, #tpu.memory_space<semaphore_mem>>)
          %mul3A_83 = arith.constant 128 : i32
          %mul3A_84 = arith.muli %add3A_78, %mul3A_83 : i32
          %dma_start3A_85 = arith.constant 0 : i32
          %dma_start3A_86 = tpu.memref_slice %arg2[%mul3A_84, %dma_start3A_85] : memref<320000x128xf32, #tpu.memory_space<hbm>> -> memref<128x128xf32, #tpu.memory_space<hbm>>
          %dma_start3A_87 = arith.constant 0 : i32
          %dma_start3A_88 = tpu.memref_slice %arg2[%mul3A_84, %dma_start3A_87] : memref<320000x128xf32, #tpu.memory_space<hbm>> -> memref<128x128xf32, #tpu.memory_space<hbm>>
          tpu.enqueue_dma source(%dma_start3A_88 : memref<128x128xf32, #tpu.memory_space<hbm>>) target(%arg9 : memref<128x128xf32, #tpu.memory_space<vmem>>) target_semaphore(%arg14 : memref<!tpu.dma_semaphore, #tpu.memory_space<semaphore_mem>>)
        } else {
        }
      } else {
      }
    }
    %barrier3A_41 = arith.constant 0 : index
    tpu.barrier barrier_id(%barrier3A_41)
    "tpu.region"() ({
      %run_scoped3A = tpu.sem_alloc : memref<!tpu.dma_semaphore, #tpu.memory_space<semaphore_mem>>
      %dma_start3A_47 = arith.constant 0 : i32
      %dma_start3A_48 = tpu.memref_slice %arg5[%arg0, %mul3A_2, %dma_start3A_47] : memref<2x10000x128xf32, #tpu.memory_space<hbm>> -> memref<1x624x128xf32, #tpu.memory_space<hbm>>
      %dma_start3A_49 = tpu.memref_squeeze %dma_start3A_48 : memref<1x624x128xf32, #tpu.memory_space<hbm>> -> memref<624x128xf32, #tpu.memory_space<hbm>>
      %dma_start3A_50 = arith.constant 0 : i32
      %dma_start3A_51 = tpu.memref_slice %arg10[%mul3A_2, %dma_start3A_50] : memref<10000x128xf32, #tpu.memory_space<vmem_shared>> -> memref<624x128xf32, #tpu.memory_space<vmem_shared>>
      tpu.enqueue_dma source(%dma_start3A_51 : memref<624x128xf32, #tpu.memory_space<vmem_shared>>) target(%dma_start3A_49 : memref<624x128xf32, #tpu.memory_space<hbm>>) target_semaphore(%run_scoped3A : memref<!tpu.dma_semaphore, #tpu.memory_space<semaphore_mem>>)
      %dma_wait3A = arith.constant 0 : i32
      %dma_wait3A_52 = tpu.memref_slice %arg5[%arg0, %mul3A_2, %dma_wait3A] : memref<2x10000x128xf32, #tpu.memory_space<hbm>> -> memref<1x624x128xf32, #tpu.memory_space<hbm>>
      %dma_wait3A_53 = tpu.memref_squeeze %dma_wait3A_52 : memref<1x624x128xf32, #tpu.memory_space<hbm>> -> memref<624x128xf32, #tpu.memory_space<hbm>>
      %dma_wait3A_54 = arith.constant 0 : i32
      %dma_wait3A_55 = tpu.memref_slice %arg10[%mul3A_2, %dma_wait3A_54] : memref<10000x128xf32, #tpu.memory_space<vmem_shared>> -> memref<624x128xf32, #tpu.memory_space<vmem_shared>>
      tpu.wait_dma2 semaphore(%run_scoped3A : memref<!tpu.dma_semaphore, #tpu.memory_space<semaphore_mem>>) src(%dma_wait3A_55 : memref<624x128xf32, #tpu.memory_space<vmem_shared>>) dst(%dma_wait3A_53 : memref<624x128xf32, #tpu.memory_space<hbm>>)
      tpu.yield
    }) : () -> ()
    %eq3A_42 = arith.constant 15 : i32
    %eq3A_43 = arith.cmpi eq, %arg1, %eq3A_42 : i32
    %convert_element_type3A_44 = arith.extui %eq3A_43 : i1 to i32
    %cond3A_45 = arith.constant 0 : i32
    %cond3A_46 = arith.cmpi ne, %convert_element_type3A_44, %cond3A_45 : i32
    scf.if %cond3A_46 {
      "tpu.region"() ({
        %run_scoped3A = tpu.sem_alloc : memref<!tpu.dma_semaphore, #tpu.memory_space<semaphore_mem>>
        %dma_start3A_47 = arith.constant 9984 : i32
        %dma_start3A_48 = arith.constant 0 : i32
        %dma_start3A_49 = tpu.memref_slice %arg5[%arg0, %dma_start3A_47, %dma_start3A_48] : memref<2x10000x128xf32, #tpu.memory_space<hbm>> -> memref<1x16x128xf32, #tpu.memory_space<hbm>>
        %dma_start3A_50 = tpu.memref_squeeze %dma_start3A_49 : memref<1x16x128xf32, #tpu.memory_space<hbm>> -> memref<16x128xf32, #tpu.memory_space<hbm>>
        %dma_start3A_51 = arith.constant 9984 : i32
        %dma_start3A_52 = arith.constant 0 : i32
        %dma_start3A_53 = tpu.memref_slice %arg10[%dma_start3A_51, %dma_start3A_52] : memref<10000x128xf32, #tpu.memory_space<vmem_shared>> -> memref<16x128xf32, #tpu.memory_space<vmem_shared>>
        tpu.enqueue_dma source(%dma_start3A_53 : memref<16x128xf32, #tpu.memory_space<vmem_shared>>) target(%dma_start3A_50 : memref<16x128xf32, #tpu.memory_space<hbm>>) target_semaphore(%run_scoped3A : memref<!tpu.dma_semaphore, #tpu.memory_space<semaphore_mem>>)
        %dma_wait3A = arith.constant 9984 : i32
        %dma_wait3A_54 = arith.constant 0 : i32
        %dma_wait3A_55 = tpu.memref_slice %arg5[%arg0, %dma_wait3A, %dma_wait3A_54] : memref<2x10000x128xf32, #tpu.memory_space<hbm>> -> memref<1x16x128xf32, #tpu.memory_space<hbm>>
        %dma_wait3A_56 = tpu.memref_squeeze %dma_wait3A_55 : memref<1x16x128xf32, #tpu.memory_space<hbm>> -> memref<16x128xf32, #tpu.memory_space<hbm>>
        %dma_wait3A_57 = arith.constant 9984 : i32
        %dma_wait3A_58 = arith.constant 0 : i32
        %dma_wait3A_59 = tpu.memref_slice %arg10[%dma_wait3A_57, %dma_wait3A_58] : memref<10000x128xf32, #tpu.memory_space<vmem_shared>> -> memref<16x128xf32, #tpu.memory_space<vmem_shared>>
        tpu.wait_dma2 semaphore(%run_scoped3A : memref<!tpu.dma_semaphore, #tpu.memory_space<semaphore_mem>>) src(%dma_wait3A_59 : memref<16x128xf32, #tpu.memory_space<vmem_shared>>) dst(%dma_wait3A_56 : memref<16x128xf32, #tpu.memory_space<hbm>>)
        tpu.yield
      }) : () -> ()
    } else {
    }
    return
  }
}

#map = affine_map<(d0, d1) -> (0, 0)>
#map1 = affine_map<(d0, d1) -> (0)>
module attributes {stable_mosaic.version = 14 : i64} {
  func.func @gath(%arg0: i32, %arg1: i32, %arg2: memref<10000x128xf32, #tpu.memory_space<hbm>>, %arg3: memref<320000xi32, #tpu.memory_space<hbm>>, %arg4: memref<320000x128xf32, #tpu.memory_space<hbm>>, %arg5: memref<128xi32, #tpu.memory_space<vmem>>, %arg6: memref<128xi32, #tpu.memory_space<vmem>>, %arg7: memref<128x128xf32, #tpu.memory_space<vmem>>, %arg8: memref<128x128xf32, #tpu.memory_space<vmem>>, %arg9: memref<!tpu.dma_semaphore, #tpu.memory_space<semaphore_mem>>, %arg10: memref<!tpu.dma_semaphore, #tpu.memory_space<semaphore_mem>>, %arg11: memref<!tpu.dma_semaphore, #tpu.memory_space<semaphore_mem>>, %arg12: memref<!tpu.dma_semaphore, #tpu.memory_space<semaphore_mem>>, %arg13: memref<!tpu.dma_semaphore, #tpu.memory_space<semaphore_mem>>) attributes {dimension_semantics = [#tpu.dimension_semantics<core_parallel>, #tpu.dimension_semantics<subcore_parallel>], iteration_bounds = array<i64: 2, 16>, scalar_prefetch = 0 : i64, scratch_operands = 9 : i64, tpu.core_type = #tpu.core_type<sc_vector_subcore>, window_params = [{transform_indices = #map}, {transform_indices = #map1}, {transform_indices = #map}]} {
    %mul3A = arith.constant 2 : i32
    %mul3A_0 = arith.muli %arg1, %mul3A : i32
    %add3A = arith.addi %mul3A_0, %arg0 : i32
    %mul3A_1 = arith.constant 78 : i32
    %mul3A_2 = arith.muli %add3A, %mul3A_1 : i32
    %min3A = arith.constant 4 : i32
    %min3A_3 = arith.minsi %add3A, %min3A : i32
    %add3A_4 = arith.addi %mul3A_2, %min3A_3 : i32
    %lt3A = arith.constant 4 : i32
    %lt3A_5 = arith.cmpi slt, %add3A, %lt3A : i32
    %jit3A = arith.constant 79 : i32
    %jit3A_6 = arith.constant 78 : i32
    %select_n3A = arith.select %lt3A_5, %jit3A, %jit3A_6 : i32
    %mul3A_7 = arith.constant 128 : i32
    %mul3A_8 = arith.muli %add3A_4, %mul3A_7 : i32
    %dma_start3A = tpu.memref_slice %arg3[%mul3A_8] : memref<320000xi32, #tpu.memory_space<hbm>> -> memref<128xi32, #tpu.memory_space<hbm>>
    %dma_start3A_9 = tpu.memref_slice %arg3[%mul3A_8] : memref<320000xi32, #tpu.memory_space<hbm>> -> memref<128xi32, #tpu.memory_space<hbm>>
    tpu.enqueue_dma source(%dma_start3A_9 : memref<128xi32, #tpu.memory_space<hbm>>) target(%arg5 : memref<128xi32, #tpu.memory_space<vmem>>) target_semaphore(%arg9 : memref<!tpu.dma_semaphore, #tpu.memory_space<semaphore_mem>>)
    %add3A_10 = arith.constant 1 : i32
    %add3A_11 = arith.addi %add3A_4, %add3A_10 : i32
    %mul3A_12 = arith.constant 128 : i32
    %mul3A_13 = arith.muli %add3A_11, %mul3A_12 : i32
    %dma_start3A_14 = tpu.memref_slice %arg3[%mul3A_13] : memref<320000xi32, #tpu.memory_space<hbm>> -> memref<128xi32, #tpu.memory_space<hbm>>
    %dma_start3A_15 = tpu.memref_slice %arg3[%mul3A_13] : memref<320000xi32, #tpu.memory_space<hbm>> -> memref<128xi32, #tpu.memory_space<hbm>>
    tpu.enqueue_dma source(%dma_start3A_15 : memref<128xi32, #tpu.memory_space<hbm>>) target(%arg6 : memref<128xi32, #tpu.memory_space<vmem>>) target_semaphore(%arg10 : memref<!tpu.dma_semaphore, #tpu.memory_space<semaphore_mem>>)
    %while3A = arith.constant 0 : i32
    %while3A_16 = arith.constant 0 : i32
    %while3A_17 = arith.subi %select_n3A, %while3A_16 : i32
    %while3A_18 = arith.addi %while3A_16, %while3A_17 : i32
    %while3A_19 = arith.constant 1 : i32
    %while3A_20 = arith.divsi %while3A_17, %while3A_19 : i32
    %while3A_21 = arith.muli %while3A_20, %while3A_19 : i32
    %while3A_22 = arith.addi %while3A_16, %while3A_21 : i32
    %while3A_23 = arith.constant 1 : i32
    scf.for %while3A_36 = %while3A_16 to %while3A_22 step %while3A_23  : i32 {
      %add3A_37 = arith.addi %add3A_4, %while3A_36 : i32
      %rem3A = arith.constant 2 : i32
      %rem3A_38 = arith.remsi %while3A_36, %rem3A : i32
      %eq3A = arith.constant 0 : i32
      %eq3A_39 = arith.cmpi eq, %rem3A_38, %eq3A : i32
      %convert_element_type3A = arith.extui %eq3A_39 : i1 to i32
      %cond3A = arith.constant 0 : i32
      %cond3A_40 = arith.cmpi ne, %convert_element_type3A, %cond3A : i32
      scf.if %cond3A_40 {
        %ge3A = arith.constant 2 : i32
        %ge3A_48 = arith.cmpi sge, %while3A_36, %ge3A : i32
        %convert_element_type3A_49 = arith.extui %ge3A_48 : i1 to i32
        %cond3A_50 = arith.constant 0 : i32
        %cond3A_51 = arith.cmpi ne, %convert_element_type3A_49, %cond3A_50 : i32
        scf.if %cond3A_51 {
          %dma_wait3A_74 = arith.constant 0 : i32
          %dma_wait3A_75 = arith.constant 0 : i32
          %dma_wait3A_76 = tpu.memref_slice %arg4[%dma_wait3A_74, %dma_wait3A_75] : memref<320000x128xf32, #tpu.memory_space<hbm>> -> memref<128x128xf32, #tpu.memory_space<hbm>>
          %dma_wait3A_77 = arith.constant 0 : i32
          %dma_wait3A_78 = arith.constant 0 : i32
          %dma_wait3A_79 = tpu.memref_slice %arg4[%dma_wait3A_77, %dma_wait3A_78] : memref<320000x128xf32, #tpu.memory_space<hbm>> -> memref<128x128xf32, #tpu.memory_space<hbm>>
          tpu.wait_dma2 semaphore(%arg11 : memref<!tpu.dma_semaphore, #tpu.memory_space<semaphore_mem>>) src(%arg7 : memref<128x128xf32, #tpu.memory_space<vmem>>) dst(%dma_wait3A_79 : memref<128x128xf32, #tpu.memory_space<hbm>>)
        } else {
        }
        %dma_wait3A_52 = arith.constant 0 : i32
        %dma_wait3A_53 = tpu.memref_slice %arg3[%dma_wait3A_52] : memref<320000xi32, #tpu.memory_space<hbm>> -> memref<128xi32, #tpu.memory_space<hbm>>
        %dma_wait3A_54 = arith.constant 0 : i32
        %dma_wait3A_55 = tpu.memref_slice %arg3[%dma_wait3A_54] : memref<320000xi32, #tpu.memory_space<hbm>> -> memref<128xi32, #tpu.memory_space<hbm>>
        tpu.wait_dma2 semaphore(%arg9 : memref<!tpu.dma_semaphore, #tpu.memory_space<semaphore_mem>>) src(%dma_wait3A_55 : memref<128xi32, #tpu.memory_space<hbm>>) dst(%arg5 : memref<128xi32, #tpu.memory_space<vmem>>)
        %dma_start3A_56 = arith.constant 0 : i32
        %dma_start3A_57 = arith.constant 0 : i32
        %dma_start3A_58 = tpu.memref_slice %arg2[%dma_start3A_56, %dma_start3A_57] : memref<10000x128xf32, #tpu.memory_space<hbm>> -> memref<10000x128xf32, #tpu.memory_space<hbm>>
        tpu.enqueue_indirect_dma source(%dma_start3A_58 : memref<10000x128xf32, #tpu.memory_space<hbm>>) target(%arg7 : memref<128x128xf32, #tpu.memory_space<vmem>>) offsets(%arg5 : memref<128xi32, #tpu.memory_space<vmem>>) semaphore(%arg13 : memref<!tpu.dma_semaphore, #tpu.memory_space<semaphore_mem>>)
        %dma_wait3A_59 = arith.constant 0 : i32
        %dma_wait3A_60 = arith.constant 0 : i32
        %dma_wait3A_61 = tpu.memref_slice %arg2[%dma_wait3A_59, %dma_wait3A_60] : memref<10000x128xf32, #tpu.memory_space<hbm>> -> memref<10000x128xf32, #tpu.memory_space<hbm>>
        tpu.wait_indirect_dma semaphore(%arg13 : memref<!tpu.dma_semaphore, #tpu.memory_space<semaphore_mem>>) src(%dma_wait3A_61 : memref<10000x128xf32, #tpu.memory_space<hbm>>) dst(%arg7 : memref<128x128xf32, #tpu.memory_space<vmem>>)
        %mul3A_62 = arith.constant 128 : i32
        %mul3A_63 = arith.muli %add3A_37, %mul3A_62 : i32
        %dma_start3A_64 = arith.constant 0 : i32
        %dma_start3A_65 = tpu.memref_slice %arg4[%mul3A_63, %dma_start3A_64] : memref<320000x128xf32, #tpu.memory_space<hbm>> -> memref<128x128xf32, #tpu.memory_space<hbm>>
        %dma_start3A_66 = arith.constant 0 : i32
        %dma_start3A_67 = tpu.memref_slice %arg4[%mul3A_63, %dma_start3A_66] : memref<320000x128xf32, #tpu.memory_space<hbm>> -> memref<128x128xf32, #tpu.memory_space<hbm>>
        tpu.enqueue_dma source(%arg7 : memref<128x128xf32, #tpu.memory_space<vmem>>) target(%dma_start3A_67 : memref<128x128xf32, #tpu.memory_space<hbm>>) target_semaphore(%arg11 : memref<!tpu.dma_semaphore, #tpu.memory_space<semaphore_mem>>)
        %add3A_68 = arith.constant 2 : i32
        %add3A_69 = arith.addi %while3A_36, %add3A_68 : i32
        %lt3A_70 = arith.cmpi slt, %add3A_69, %select_n3A : i32
        %convert_element_type3A_71 = arith.extui %lt3A_70 : i1 to i32
        %cond3A_72 = arith.constant 0 : i32
        %cond3A_73 = arith.cmpi ne, %convert_element_type3A_71, %cond3A_72 : i32
        scf.if %cond3A_73 {
          %add3A_74 = arith.constant 2 : i32
          %add3A_75 = arith.addi %add3A_37, %add3A_74 : i32
          %mul3A_76 = arith.constant 128 : i32
          %mul3A_77 = arith.muli %add3A_75, %mul3A_76 : i32
          %dma_start3A_78 = tpu.memref_slice %arg3[%mul3A_77] : memref<320000xi32, #tpu.memory_space<hbm>> -> memref<128xi32, #tpu.memory_space<hbm>>
          %dma_start3A_79 = tpu.memref_slice %arg3[%mul3A_77] : memref<320000xi32, #tpu.memory_space<hbm>> -> memref<128xi32, #tpu.memory_space<hbm>>
          tpu.enqueue_dma source(%dma_start3A_79 : memref<128xi32, #tpu.memory_space<hbm>>) target(%arg5 : memref<128xi32, #tpu.memory_space<vmem>>) target_semaphore(%arg9 : memref<!tpu.dma_semaphore, #tpu.memory_space<semaphore_mem>>)
        } else {
        }
      } else {
      }
      %rem3A_41 = arith.constant 2 : i32
      %rem3A_42 = arith.remsi %while3A_36, %rem3A_41 : i32
      %eq3A_43 = arith.constant 1 : i32
      %eq3A_44 = arith.cmpi eq, %rem3A_42, %eq3A_43 : i32
      %convert_element_type3A_45 = arith.extui %eq3A_44 : i1 to i32
      %cond3A_46 = arith.constant 0 : i32
      %cond3A_47 = arith.cmpi ne, %convert_element_type3A_45, %cond3A_46 : i32
      scf.if %cond3A_47 {
        %ge3A = arith.constant 2 : i32
        %ge3A_48 = arith.cmpi sge, %while3A_36, %ge3A : i32
        %convert_element_type3A_49 = arith.extui %ge3A_48 : i1 to i32
        %cond3A_50 = arith.constant 0 : i32
        %cond3A_51 = arith.cmpi ne, %convert_element_type3A_49, %cond3A_50 : i32
        scf.if %cond3A_51 {
          %dma_wait3A_74 = arith.constant 0 : i32
          %dma_wait3A_75 = arith.constant 0 : i32
          %dma_wait3A_76 = tpu.memref_slice %arg4[%dma_wait3A_74, %dma_wait3A_75] : memref<320000x128xf32, #tpu.memory_space<hbm>> -> memref<128x128xf32, #tpu.memory_space<hbm>>
          %dma_wait3A_77 = arith.constant 0 : i32
          %dma_wait3A_78 = arith.constant 0 : i32
          %dma_wait3A_79 = tpu.memref_slice %arg4[%dma_wait3A_77, %dma_wait3A_78] : memref<320000x128xf32, #tpu.memory_space<hbm>> -> memref<128x128xf32, #tpu.memory_space<hbm>>
          tpu.wait_dma2 semaphore(%arg12 : memref<!tpu.dma_semaphore, #tpu.memory_space<semaphore_mem>>) src(%arg8 : memref<128x128xf32, #tpu.memory_space<vmem>>) dst(%dma_wait3A_79 : memref<128x128xf32, #tpu.memory_space<hbm>>)
        } else {
        }
        %dma_wait3A_52 = arith.constant 0 : i32
        %dma_wait3A_53 = tpu.memref_slice %arg3[%dma_wait3A_52] : memref<320000xi32, #tpu.memory_space<hbm>> -> memref<128xi32, #tpu.memory_space<hbm>>
        %dma_wait3A_54 = arith.constant 0 : i32
        %dma_wait3A_55 = tpu.memref_slice %arg3[%dma_wait3A_54] : memref<320000xi32, #tpu.memory_space<hbm>> -> memref<128xi32, #tpu.memory_space<hbm>>
        tpu.wait_dma2 semaphore(%arg10 : memref<!tpu.dma_semaphore, #tpu.memory_space<semaphore_mem>>) src(%dma_wait3A_55 : memref<128xi32, #tpu.memory_space<hbm>>) dst(%arg6 : memref<128xi32, #tpu.memory_space<vmem>>)
        %dma_start3A_56 = arith.constant 0 : i32
        %dma_start3A_57 = arith.constant 0 : i32
        %dma_start3A_58 = tpu.memref_slice %arg2[%dma_start3A_56, %dma_start3A_57] : memref<10000x128xf32, #tpu.memory_space<hbm>> -> memref<10000x128xf32, #tpu.memory_space<hbm>>
        tpu.enqueue_indirect_dma source(%dma_start3A_58 : memref<10000x128xf32, #tpu.memory_space<hbm>>) target(%arg8 : memref<128x128xf32, #tpu.memory_space<vmem>>) offsets(%arg6 : memref<128xi32, #tpu.memory_space<vmem>>) semaphore(%arg13 : memref<!tpu.dma_semaphore, #tpu.memory_space<semaphore_mem>>)
        %dma_wait3A_59 = arith.constant 0 : i32
        %dma_wait3A_60 = arith.constant 0 : i32
        %dma_wait3A_61 = tpu.memref_slice %arg2[%dma_wait3A_59, %dma_wait3A_60] : memref<10000x128xf32, #tpu.memory_space<hbm>> -> memref<10000x128xf32, #tpu.memory_space<hbm>>
        tpu.wait_indirect_dma semaphore(%arg13 : memref<!tpu.dma_semaphore, #tpu.memory_space<semaphore_mem>>) src(%dma_wait3A_61 : memref<10000x128xf32, #tpu.memory_space<hbm>>) dst(%arg8 : memref<128x128xf32, #tpu.memory_space<vmem>>)
        %mul3A_62 = arith.constant 128 : i32
        %mul3A_63 = arith.muli %add3A_37, %mul3A_62 : i32
        %dma_start3A_64 = arith.constant 0 : i32
        %dma_start3A_65 = tpu.memref_slice %arg4[%mul3A_63, %dma_start3A_64] : memref<320000x128xf32, #tpu.memory_space<hbm>> -> memref<128x128xf32, #tpu.memory_space<hbm>>
        %dma_start3A_66 = arith.constant 0 : i32
        %dma_start3A_67 = tpu.memref_slice %arg4[%mul3A_63, %dma_start3A_66] : memref<320000x128xf32, #tpu.memory_space<hbm>> -> memref<128x128xf32, #tpu.memory_space<hbm>>
        tpu.enqueue_dma source(%arg8 : memref<128x128xf32, #tpu.memory_space<vmem>>) target(%dma_start3A_67 : memref<128x128xf32, #tpu.memory_space<hbm>>) target_semaphore(%arg12 : memref<!tpu.dma_semaphore, #tpu.memory_space<semaphore_mem>>)
        %add3A_68 = arith.constant 2 : i32
        %add3A_69 = arith.addi %while3A_36, %add3A_68 : i32
        %lt3A_70 = arith.cmpi slt, %add3A_69, %select_n3A : i32
        %convert_element_type3A_71 = arith.extui %lt3A_70 : i1 to i32
        %cond3A_72 = arith.constant 0 : i32
        %cond3A_73 = arith.cmpi ne, %convert_element_type3A_71, %cond3A_72 : i32
        scf.if %cond3A_73 {
          %add3A_74 = arith.constant 2 : i32
          %add3A_75 = arith.addi %add3A_37, %add3A_74 : i32
          %mul3A_76 = arith.constant 128 : i32
          %mul3A_77 = arith.muli %add3A_75, %mul3A_76 : i32
          %dma_start3A_78 = tpu.memref_slice %arg3[%mul3A_77] : memref<320000xi32, #tpu.memory_space<hbm>> -> memref<128xi32, #tpu.memory_space<hbm>>
          %dma_start3A_79 = tpu.memref_slice %arg3[%mul3A_77] : memref<320000xi32, #tpu.memory_space<hbm>> -> memref<128xi32, #tpu.memory_space<hbm>>
          tpu.enqueue_dma source(%dma_start3A_79 : memref<128xi32, #tpu.memory_space<hbm>>) target(%arg6 : memref<128xi32, #tpu.memory_space<vmem>>) target_semaphore(%arg10 : memref<!tpu.dma_semaphore, #tpu.memory_space<semaphore_mem>>)
        } else {
        }
      } else {
      }
    }
    %while3A_24 = arith.constant 1 : i32
    scf.for %while3A_36 = %while3A_22 to %while3A_18 step %while3A_24  : i32 {
      %add3A_37 = arith.addi %add3A_4, %while3A_36 : i32
      %rem3A = arith.constant 2 : i32
      %rem3A_38 = arith.remsi %while3A_36, %rem3A : i32
      %eq3A = arith.constant 0 : i32
      %eq3A_39 = arith.cmpi eq, %rem3A_38, %eq3A : i32
      %convert_element_type3A = arith.extui %eq3A_39 : i1 to i32
      %cond3A = arith.constant 0 : i32
      %cond3A_40 = arith.cmpi ne, %convert_element_type3A, %cond3A : i32
      scf.if %cond3A_40 {
        %ge3A = arith.constant 2 : i32
        %ge3A_48 = arith.cmpi sge, %while3A_36, %ge3A : i32
        %convert_element_type3A_49 = arith.extui %ge3A_48 : i1 to i32
        %cond3A_50 = arith.constant 0 : i32
        %cond3A_51 = arith.cmpi ne, %convert_element_type3A_49, %cond3A_50 : i32
        scf.if %cond3A_51 {
          %dma_wait3A_74 = arith.constant 0 : i32
          %dma_wait3A_75 = arith.constant 0 : i32
          %dma_wait3A_76 = tpu.memref_slice %arg4[%dma_wait3A_74, %dma_wait3A_75] : memref<320000x128xf32, #tpu.memory_space<hbm>> -> memref<128x128xf32, #tpu.memory_space<hbm>>
          %dma_wait3A_77 = arith.constant 0 : i32
          %dma_wait3A_78 = arith.constant 0 : i32
          %dma_wait3A_79 = tpu.memref_slice %arg4[%dma_wait3A_77, %dma_wait3A_78] : memref<320000x128xf32, #tpu.memory_space<hbm>> -> memref<128x128xf32, #tpu.memory_space<hbm>>
          tpu.wait_dma2 semaphore(%arg11 : memref<!tpu.dma_semaphore, #tpu.memory_space<semaphore_mem>>) src(%arg7 : memref<128x128xf32, #tpu.memory_space<vmem>>) dst(%dma_wait3A_79 : memref<128x128xf32, #tpu.memory_space<hbm>>)
        } else {
        }
        %dma_wait3A_52 = arith.constant 0 : i32
        %dma_wait3A_53 = tpu.memref_slice %arg3[%dma_wait3A_52] : memref<320000xi32, #tpu.memory_space<hbm>> -> memref<128xi32, #tpu.memory_space<hbm>>
        %dma_wait3A_54 = arith.constant 0 : i32
        %dma_wait3A_55 = tpu.memref_slice %arg3[%dma_wait3A_54] : memref<320000xi32, #tpu.memory_space<hbm>> -> memref<128xi32, #tpu.memory_space<hbm>>
        tpu.wait_dma2 semaphore(%arg9 : memref<!tpu.dma_semaphore, #tpu.memory_space<semaphore_mem>>) src(%dma_wait3A_55 : memref<128xi32, #tpu.memory_space<hbm>>) dst(%arg5 : memref<128xi32, #tpu.memory_space<vmem>>)
        %dma_start3A_56 = arith.constant 0 : i32
        %dma_start3A_57 = arith.constant 0 : i32
        %dma_start3A_58 = tpu.memref_slice %arg2[%dma_start3A_56, %dma_start3A_57] : memref<10000x128xf32, #tpu.memory_space<hbm>> -> memref<10000x128xf32, #tpu.memory_space<hbm>>
        tpu.enqueue_indirect_dma source(%dma_start3A_58 : memref<10000x128xf32, #tpu.memory_space<hbm>>) target(%arg7 : memref<128x128xf32, #tpu.memory_space<vmem>>) offsets(%arg5 : memref<128xi32, #tpu.memory_space<vmem>>) semaphore(%arg13 : memref<!tpu.dma_semaphore, #tpu.memory_space<semaphore_mem>>)
        %dma_wait3A_59 = arith.constant 0 : i32
        %dma_wait3A_60 = arith.constant 0 : i32
        %dma_wait3A_61 = tpu.memref_slice %arg2[%dma_wait3A_59, %dma_wait3A_60] : memref<10000x128xf32, #tpu.memory_space<hbm>> -> memref<10000x128xf32, #tpu.memory_space<hbm>>
        tpu.wait_indirect_dma semaphore(%arg13 : memref<!tpu.dma_semaphore, #tpu.memory_space<semaphore_mem>>) src(%dma_wait3A_61 : memref<10000x128xf32, #tpu.memory_space<hbm>>) dst(%arg7 : memref<128x128xf32, #tpu.memory_space<vmem>>)
        %mul3A_62 = arith.constant 128 : i32
        %mul3A_63 = arith.muli %add3A_37, %mul3A_62 : i32
        %dma_start3A_64 = arith.constant 0 : i32
        %dma_start3A_65 = tpu.memref_slice %arg4[%mul3A_63, %dma_start3A_64] : memref<320000x128xf32, #tpu.memory_space<hbm>> -> memref<128x128xf32, #tpu.memory_space<hbm>>
        %dma_start3A_66 = arith.constant 0 : i32
        %dma_start3A_67 = tpu.memref_slice %arg4[%mul3A_63, %dma_start3A_66] : memref<320000x128xf32, #tpu.memory_space<hbm>> -> memref<128x128xf32, #tpu.memory_space<hbm>>
        tpu.enqueue_dma source(%arg7 : memref<128x128xf32, #tpu.memory_space<vmem>>) target(%dma_start3A_67 : memref<128x128xf32, #tpu.memory_space<hbm>>) target_semaphore(%arg11 : memref<!tpu.dma_semaphore, #tpu.memory_space<semaphore_mem>>)
        %add3A_68 = arith.constant 2 : i32
        %add3A_69 = arith.addi %while3A_36, %add3A_68 : i32
        %lt3A_70 = arith.cmpi slt, %add3A_69, %select_n3A : i32
        %convert_element_type3A_71 = arith.extui %lt3A_70 : i1 to i32
        %cond3A_72 = arith.constant 0 : i32
        %cond3A_73 = arith.cmpi ne, %convert_element_type3A_71, %cond3A_72 : i32
        scf.if %cond3A_73 {
          %add3A_74 = arith.constant 2 : i32
          %add3A_75 = arith.addi %add3A_37, %add3A_74 : i32
          %mul3A_76 = arith.constant 128 : i32
          %mul3A_77 = arith.muli %add3A_75, %mul3A_76 : i32
          %dma_start3A_78 = tpu.memref_slice %arg3[%mul3A_77] : memref<320000xi32, #tpu.memory_space<hbm>> -> memref<128xi32, #tpu.memory_space<hbm>>
          %dma_start3A_79 = tpu.memref_slice %arg3[%mul3A_77] : memref<320000xi32, #tpu.memory_space<hbm>> -> memref<128xi32, #tpu.memory_space<hbm>>
          tpu.enqueue_dma source(%dma_start3A_79 : memref<128xi32, #tpu.memory_space<hbm>>) target(%arg5 : memref<128xi32, #tpu.memory_space<vmem>>) target_semaphore(%arg9 : memref<!tpu.dma_semaphore, #tpu.memory_space<semaphore_mem>>)
        } else {
        }
      } else {
      }
      %rem3A_41 = arith.constant 2 : i32
      %rem3A_42 = arith.remsi %while3A_36, %rem3A_41 : i32
      %eq3A_43 = arith.constant 1 : i32
      %eq3A_44 = arith.cmpi eq, %rem3A_42, %eq3A_43 : i32
      %convert_element_type3A_45 = arith.extui %eq3A_44 : i1 to i32
      %cond3A_46 = arith.constant 0 : i32
      %cond3A_47 = arith.cmpi ne, %convert_element_type3A_45, %cond3A_46 : i32
      scf.if %cond3A_47 {
        %ge3A = arith.constant 2 : i32
        %ge3A_48 = arith.cmpi sge, %while3A_36, %ge3A : i32
        %convert_element_type3A_49 = arith.extui %ge3A_48 : i1 to i32
        %cond3A_50 = arith.constant 0 : i32
        %cond3A_51 = arith.cmpi ne, %convert_element_type3A_49, %cond3A_50 : i32
        scf.if %cond3A_51 {
          %dma_wait3A_74 = arith.constant 0 : i32
          %dma_wait3A_75 = arith.constant 0 : i32
          %dma_wait3A_76 = tpu.memref_slice %arg4[%dma_wait3A_74, %dma_wait3A_75] : memref<320000x128xf32, #tpu.memory_space<hbm>> -> memref<128x128xf32, #tpu.memory_space<hbm>>
          %dma_wait3A_77 = arith.constant 0 : i32
          %dma_wait3A_78 = arith.constant 0 : i32
          %dma_wait3A_79 = tpu.memref_slice %arg4[%dma_wait3A_77, %dma_wait3A_78] : memref<320000x128xf32, #tpu.memory_space<hbm>> -> memref<128x128xf32, #tpu.memory_space<hbm>>
          tpu.wait_dma2 semaphore(%arg12 : memref<!tpu.dma_semaphore, #tpu.memory_space<semaphore_mem>>) src(%arg8 : memref<128x128xf32, #tpu.memory_space<vmem>>) dst(%dma_wait3A_79 : memref<128x128xf32, #tpu.memory_space<hbm>>)
        } else {
        }
        %dma_wait3A_52 = arith.constant 0 : i32
        %dma_wait3A_53 = tpu.memref_slice %arg3[%dma_wait3A_52] : memref<320000xi32, #tpu.memory_space<hbm>> -> memref<128xi32, #tpu.memory_space<hbm>>
        %dma_wait3A_54 = arith.constant 0 : i32
        %dma_wait3A_55 = tpu.memref_slice %arg3[%dma_wait3A_54] : memref<320000xi32, #tpu.memory_space<hbm>> -> memref<128xi32, #tpu.memory_space<hbm>>
        tpu.wait_dma2 semaphore(%arg10 : memref<!tpu.dma_semaphore, #tpu.memory_space<semaphore_mem>>) src(%dma_wait3A_55 : memref<128xi32, #tpu.memory_space<hbm>>) dst(%arg6 : memref<128xi32, #tpu.memory_space<vmem>>)
        %dma_start3A_56 = arith.constant 0 : i32
        %dma_start3A_57 = arith.constant 0 : i32
        %dma_start3A_58 = tpu.memref_slice %arg2[%dma_start3A_56, %dma_start3A_57] : memref<10000x128xf32, #tpu.memory_space<hbm>> -> memref<10000x128xf32, #tpu.memory_space<hbm>>
        tpu.enqueue_indirect_dma source(%dma_start3A_58 : memref<10000x128xf32, #tpu.memory_space<hbm>>) target(%arg8 : memref<128x128xf32, #tpu.memory_space<vmem>>) offsets(%arg6 : memref<128xi32, #tpu.memory_space<vmem>>) semaphore(%arg13 : memref<!tpu.dma_semaphore, #tpu.memory_space<semaphore_mem>>)
        %dma_wait3A_59 = arith.constant 0 : i32
        %dma_wait3A_60 = arith.constant 0 : i32
        %dma_wait3A_61 = tpu.memref_slice %arg2[%dma_wait3A_59, %dma_wait3A_60] : memref<10000x128xf32, #tpu.memory_space<hbm>> -> memref<10000x128xf32, #tpu.memory_space<hbm>>
        tpu.wait_indirect_dma semaphore(%arg13 : memref<!tpu.dma_semaphore, #tpu.memory_space<semaphore_mem>>) src(%dma_wait3A_61 : memref<10000x128xf32, #tpu.memory_space<hbm>>) dst(%arg8 : memref<128x128xf32, #tpu.memory_space<vmem>>)
        %mul3A_62 = arith.constant 128 : i32
        %mul3A_63 = arith.muli %add3A_37, %mul3A_62 : i32
        %dma_start3A_64 = arith.constant 0 : i32
        %dma_start3A_65 = tpu.memref_slice %arg4[%mul3A_63, %dma_start3A_64] : memref<320000x128xf32, #tpu.memory_space<hbm>> -> memref<128x128xf32, #tpu.memory_space<hbm>>
        %dma_start3A_66 = arith.constant 0 : i32
        %dma_start3A_67 = tpu.memref_slice %arg4[%mul3A_63, %dma_start3A_66] : memref<320000x128xf32, #tpu.memory_space<hbm>> -> memref<128x128xf32, #tpu.memory_space<hbm>>
        tpu.enqueue_dma source(%arg8 : memref<128x128xf32, #tpu.memory_space<vmem>>) target(%dma_start3A_67 : memref<128x128xf32, #tpu.memory_space<hbm>>) target_semaphore(%arg12 : memref<!tpu.dma_semaphore, #tpu.memory_space<semaphore_mem>>)
        %add3A_68 = arith.constant 2 : i32
        %add3A_69 = arith.addi %while3A_36, %add3A_68 : i32
        %lt3A_70 = arith.cmpi slt, %add3A_69, %select_n3A : i32
        %convert_element_type3A_71 = arith.extui %lt3A_70 : i1 to i32
        %cond3A_72 = arith.constant 0 : i32
        %cond3A_73 = arith.cmpi ne, %convert_element_type3A_71, %cond3A_72 : i32
        scf.if %cond3A_73 {
          %add3A_74 = arith.constant 2 : i32
          %add3A_75 = arith.addi %add3A_37, %add3A_74 : i32
          %mul3A_76 = arith.constant 128 : i32
          %mul3A_77 = arith.muli %add3A_75, %mul3A_76 : i32
          %dma_start3A_78 = tpu.memref_slice %arg3[%mul3A_77] : memref<320000xi32, #tpu.memory_space<hbm>> -> memref<128xi32, #tpu.memory_space<hbm>>
          %dma_start3A_79 = tpu.memref_slice %arg3[%mul3A_77] : memref<320000xi32, #tpu.memory_space<hbm>> -> memref<128xi32, #tpu.memory_space<hbm>>
          tpu.enqueue_dma source(%dma_start3A_79 : memref<128xi32, #tpu.memory_space<hbm>>) target(%arg6 : memref<128xi32, #tpu.memory_space<vmem>>) target_semaphore(%arg10 : memref<!tpu.dma_semaphore, #tpu.memory_space<semaphore_mem>>)
        } else {
        }
      } else {
      }
    }
    %dma_wait3A = arith.constant 0 : i32
    %dma_wait3A_25 = arith.constant 0 : i32
    %dma_wait3A_26 = tpu.memref_slice %arg4[%dma_wait3A, %dma_wait3A_25] : memref<320000x128xf32, #tpu.memory_space<hbm>> -> memref<128x128xf32, #tpu.memory_space<hbm>>
    %dma_wait3A_27 = arith.constant 0 : i32
    %dma_wait3A_28 = arith.constant 0 : i32
    %dma_wait3A_29 = tpu.memref_slice %arg4[%dma_wait3A_27, %dma_wait3A_28] : memref<320000x128xf32, #tpu.memory_space<hbm>> -> memref<128x128xf32, #tpu.memory_space<hbm>>
    tpu.wait_dma2 semaphore(%arg11 : memref<!tpu.dma_semaphore, #tpu.memory_space<semaphore_mem>>) src(%arg7 : memref<128x128xf32, #tpu.memory_space<vmem>>) dst(%dma_wait3A_29 : memref<128x128xf32, #tpu.memory_space<hbm>>)
    %dma_wait3A_30 = arith.constant 0 : i32
    %dma_wait3A_31 = arith.constant 0 : i32
    %dma_wait3A_32 = tpu.memref_slice %arg4[%dma_wait3A_30, %dma_wait3A_31] : memref<320000x128xf32, #tpu.memory_space<hbm>> -> memref<128x128xf32, #tpu.memory_space<hbm>>
    %dma_wait3A_33 = arith.constant 0 : i32
    %dma_wait3A_34 = arith.constant 0 : i32
    %dma_wait3A_35 = tpu.memref_slice %arg4[%dma_wait3A_33, %dma_wait3A_34] : memref<320000x128xf32, #tpu.memory_space<hbm>> -> memref<128x128xf32, #tpu.memory_space<hbm>>
    tpu.wait_dma2 semaphore(%arg12 : memref<!tpu.dma_semaphore, #tpu.memory_space<semaphore_mem>>) src(%arg8 : memref<128x128xf32, #tpu.memory_space<vmem>>) dst(%dma_wait3A_35 : memref<128x128xf32, #tpu.memory_space<hbm>>)
    return
  }
}

#map = affine_map<(d0, d1) -> (0, 0)>
#map1 = affine_map<(d0, d1) -> (0)>
#map2 = affine_map<(d0, d1) -> (0, 0, 0)>
module attributes {stable_mosaic.version = 14 : i64} {
  func.func @scat(%arg0: i32, %arg1: i32, %arg2: memref<320000x128xf32, #tpu.memory_space<hbm>>, %arg3: memref<320000xi32, #tpu.memory_space<hbm>>, %arg4: memref<10000x128xf32, #tpu.memory_space<hbm>>, %arg5: memref<2x10000x128xf32, #tpu.memory_space<hbm>>, %arg6: memref<128xi32, #tpu.memory_space<vmem>>, %arg7: memref<128xi32, #tpu.memory_space<vmem>>, %arg8: memref<128x128xf32, #tpu.memory_space<vmem>>, %arg9: memref<128x128xf32, #tpu.memory_space<vmem>>, %arg10: memref<10000x128xf32, #tpu.memory_space<vmem_shared>>, %arg11: memref<!tpu.dma_semaphore, #tpu.memory_space<semaphore_mem>>, %arg12: memref<!tpu.dma_semaphore, #tpu.memory_space<semaphore_mem>>, %arg13: memref<!tpu.dma_semaphore, #tpu.memory_space<semaphore_mem>>, %arg14: memref<!tpu.dma_semaphore, #tpu.memory_space<semaphore_mem>>) attributes {dimension_semantics = [#tpu.dimension_semantics<core_parallel>, #tpu.dimension_semantics<subcore_parallel>], iteration_bounds = array<i64: 2, 16>, scalar_prefetch = 0 : i64, scratch_operands = 9 : i64, tpu.core_type = #tpu.core_type<sc_vector_subcore>, window_params = [{transform_indices = #map}, {transform_indices = #map1}, {transform_indices = #map}, {transform_indices = #map2}]} {
    %mul3A = arith.constant 2 : i32
    %mul3A_0 = arith.muli %arg1, %mul3A : i32
    %add3A = arith.addi %mul3A_0, %arg0 : i32
    %mul3A_1 = arith.constant 624 : i32
    %mul3A_2 = arith.muli %arg1, %mul3A_1 : i32
    %mul3A_3 = arith.constant 78 : i32
    %mul3A_4 = arith.muli %add3A, %mul3A_3 : i32
    %min3A = arith.constant 4 : i32
    %min3A_5 = arith.minsi %add3A, %min3A : i32
    %add3A_6 = arith.addi %mul3A_4, %min3A_5 : i32
    %lt3A = arith.constant 4 : i32
    %lt3A_7 = arith.cmpi slt, %add3A, %lt3A : i32
    %jit3A = arith.constant 79 : i32
    %jit3A_8 = arith.constant 78 : i32
    %select_n3A = arith.select %lt3A_7, %jit3A, %jit3A_8 : i32
    %mul3A_9 = arith.constant 128 : i32
    %mul3A_10 = arith.muli %add3A_6, %mul3A_9 : i32
    %dma_start3A = tpu.memref_slice %arg3[%mul3A_10] : memref<320000xi32, #tpu.memory_space<hbm>> -> memref<128xi32, #tpu.memory_space<hbm>>
    %dma_start3A_11 = tpu.memref_slice %arg3[%mul3A_10] : memref<320000xi32, #tpu.memory_space<hbm>> -> memref<128xi32, #tpu.memory_space<hbm>>
    tpu.enqueue_dma source(%dma_start3A_11 : memref<128xi32, #tpu.memory_space<hbm>>) target(%arg6 : memref<128xi32, #tpu.memory_space<vmem>>) target_semaphore(%arg11 : memref<!tpu.dma_semaphore, #tpu.memory_space<semaphore_mem>>)
    %mul3A_12 = arith.constant 128 : i32
    %mul3A_13 = arith.muli %add3A_6, %mul3A_12 : i32
    %dma_start3A_14 = arith.constant 0 : i32
    %dma_start3A_15 = tpu.memref_slice %arg2[%mul3A_13, %dma_start3A_14] : memref<320000x128xf32, #tpu.memory_space<hbm>> -> memref<128x128xf32, #tpu.memory_space<hbm>>
    %dma_start3A_16 = arith.constant 0 : i32
    %dma_start3A_17 = tpu.memref_slice %arg2[%mul3A_13, %dma_start3A_16] : memref<320000x128xf32, #tpu.memory_space<hbm>> -> memref<128x128xf32, #tpu.memory_space<hbm>>
    tpu.enqueue_dma source(%dma_start3A_17 : memref<128x128xf32, #tpu.memory_space<hbm>>) target(%arg8 : memref<128x128xf32, #tpu.memory_space<vmem>>) target_semaphore(%arg13 : memref<!tpu.dma_semaphore, #tpu.memory_space<semaphore_mem>>)
    %add3A_18 = arith.constant 1 : i32
    %add3A_19 = arith.addi %add3A_6, %add3A_18 : i32
    %mul3A_20 = arith.constant 128 : i32
    %mul3A_21 = arith.muli %add3A_19, %mul3A_20 : i32
    %dma_start3A_22 = tpu.memref_slice %arg3[%mul3A_21] : memref<320000xi32, #tpu.memory_space<hbm>> -> memref<128xi32, #tpu.memory_space<hbm>>
    %dma_start3A_23 = tpu.memref_slice %arg3[%mul3A_21] : memref<320000xi32, #tpu.memory_space<hbm>> -> memref<128xi32, #tpu.memory_space<hbm>>
    tpu.enqueue_dma source(%dma_start3A_23 : memref<128xi32, #tpu.memory_space<hbm>>) target(%arg7 : memref<128xi32, #tpu.memory_space<vmem>>) target_semaphore(%arg12 : memref<!tpu.dma_semaphore, #tpu.memory_space<semaphore_mem>>)
    %mul3A_24 = arith.constant 128 : i32
    %mul3A_25 = arith.muli %add3A_19, %mul3A_24 : i32
    %dma_start3A_26 = arith.constant 0 : i32
    %dma_start3A_27 = tpu.memref_slice %arg2[%mul3A_25, %dma_start3A_26] : memref<320000x128xf32, #tpu.memory_space<hbm>> -> memref<128x128xf32, #tpu.memory_space<hbm>>
    %dma_start3A_28 = arith.constant 0 : i32
    %dma_start3A_29 = tpu.memref_slice %arg2[%mul3A_25, %dma_start3A_28] : memref<320000x128xf32, #tpu.memory_space<hbm>> -> memref<128x128xf32, #tpu.memory_space<hbm>>
    tpu.enqueue_dma source(%dma_start3A_29 : memref<128x128xf32, #tpu.memory_space<hbm>>) target(%arg9 : memref<128x128xf32, #tpu.memory_space<vmem>>) target_semaphore(%arg14 : memref<!tpu.dma_semaphore, #tpu.memory_space<semaphore_mem>>)
    "tpu.region"() ({
      %run_scoped3A = tpu.sem_alloc : memref<!tpu.dma_semaphore, #tpu.memory_space<semaphore_mem>>
      %dma_start3A_47 = arith.constant 0 : i32
      %dma_start3A_48 = tpu.memref_slice %arg10[%mul3A_2, %dma_start3A_47] : memref<10000x128xf32, #tpu.memory_space<vmem_shared>> -> memref<624x128xf32, #tpu.memory_space<vmem_shared>>
      %dma_start3A_49 = arith.constant 0 : i32
      %dma_start3A_50 = tpu.memref_slice %arg4[%mul3A_2, %dma_start3A_49] : memref<10000x128xf32, #tpu.memory_space<hbm>> -> memref<624x128xf32, #tpu.memory_space<hbm>>
      tpu.enqueue_dma source(%dma_start3A_50 : memref<624x128xf32, #tpu.memory_space<hbm>>) target(%dma_start3A_48 : memref<624x128xf32, #tpu.memory_space<vmem_shared>>) target_semaphore(%run_scoped3A : memref<!tpu.dma_semaphore, #tpu.memory_space<semaphore_mem>>)
      %dma_wait3A = arith.constant 0 : i32
      %dma_wait3A_51 = tpu.memref_slice %arg10[%mul3A_2, %dma_wait3A] : memref<10000x128xf32, #tpu.memory_space<vmem_shared>> -> memref<624x128xf32, #tpu.memory_space<vmem_shared>>
      %dma_wait3A_52 = arith.constant 0 : i32
      %dma_wait3A_53 = tpu.memref_slice %arg4[%mul3A_2, %dma_wait3A_52] : memref<10000x128xf32, #tpu.memory_space<hbm>> -> memref<624x128xf32, #tpu.memory_space<hbm>>
      tpu.wait_dma2 semaphore(%run_scoped3A : memref<!tpu.dma_semaphore, #tpu.memory_space<semaphore_mem>>) src(%dma_wait3A_53 : memref<624x128xf32, #tpu.memory_space<hbm>>) dst(%dma_wait3A_51 : memref<624x128xf32, #tpu.memory_space<vmem_shared>>)
      tpu.yield
    }) : () -> ()
    %eq3A = arith.constant 15 : i32
    %eq3A_30 = arith.cmpi eq, %arg1, %eq3A : i32
    %convert_element_type3A = arith.extui %eq3A_30 : i1 to i32
    %cond3A = arith.constant 0 : i32
    %cond3A_31 = arith.cmpi ne, %convert_element_type3A, %cond3A : i32
    scf.if %cond3A_31 {
      "tpu.region"() ({
        %run_scoped3A = tpu.sem_alloc : memref<!tpu.dma_semaphore, #tpu.memory_space<semaphore_mem>>
        %dma_start3A_47 = arith.constant 9984 : i32
        %dma_start3A_48 = arith.constant 0 : i32
        %dma_start3A_49 = tpu.memref_slice %arg10[%dma_start3A_47, %dma_start3A_48] : memref<10000x128xf32, #tpu.memory_space<vmem_shared>> -> memref<16x128xf32, #tpu.memory_space<vmem_shared>>
        %dma_start3A_50 = arith.constant 9984 : i32
        %dma_start3A_51 = arith.constant 0 : i32
        %dma_start3A_52 = tpu.memref_slice %arg4[%dma_start3A_50, %dma_start3A_51] : memref<10000x128xf32, #tpu.memory_space<hbm>> -> memref<16x128xf32, #tpu.memory_space<hbm>>
        tpu.enqueue_dma source(%dma_start3A_52 : memref<16x128xf32, #tpu.memory_space<hbm>>) target(%dma_start3A_49 : memref<16x128xf32, #tpu.memory_space<vmem_shared>>) target_semaphore(%run_scoped3A : memref<!tpu.dma_semaphore, #tpu.memory_space<semaphore_mem>>)
        %dma_wait3A = arith.constant 9984 : i32
        %dma_wait3A_53 = arith.constant 0 : i32
        %dma_wait3A_54 = tpu.memref_slice %arg10[%dma_wait3A, %dma_wait3A_53] : memref<10000x128xf32, #tpu.memory_space<vmem_shared>> -> memref<16x128xf32, #tpu.memory_space<vmem_shared>>
        %dma_wait3A_55 = arith.constant 9984 : i32
        %dma_wait3A_56 = arith.constant 0 : i32
        %dma_wait3A_57 = tpu.memref_slice %arg4[%dma_wait3A_55, %dma_wait3A_56] : memref<10000x128xf32, #tpu.memory_space<hbm>> -> memref<16x128xf32, #tpu.memory_space<hbm>>
        tpu.wait_dma2 semaphore(%run_scoped3A : memref<!tpu.dma_semaphore, #tpu.memory_space<semaphore_mem>>) src(%dma_wait3A_57 : memref<16x128xf32, #tpu.memory_space<hbm>>) dst(%dma_wait3A_54 : memref<16x128xf32, #tpu.memory_space<vmem_shared>>)
        tpu.yield
      }) : () -> ()
    } else {
    }
    %barrier3A = arith.constant 0 : index
    tpu.barrier barrier_id(%barrier3A)
    %while3A = arith.constant 0 : i32
    %while3A_32 = arith.constant 0 : i32
    %while3A_33 = arith.subi %select_n3A, %while3A_32 : i32
    %while3A_34 = arith.addi %while3A_32, %while3A_33 : i32
    %while3A_35 = arith.constant 1 : i32
    %while3A_36 = arith.divsi %while3A_33, %while3A_35 : i32
    %while3A_37 = arith.muli %while3A_36, %while3A_35 : i32
    %while3A_38 = arith.addi %while3A_32, %while3A_37 : i32
    %while3A_39 = arith.constant 1 : i32
    scf.for %while3A_47 = %while3A_32 to %while3A_38 step %while3A_39  : i32 {
      %rem3A = arith.constant 2 : i32
      %rem3A_48 = arith.remsi %while3A_47, %rem3A : i32
      %eq3A_49 = arith.constant 0 : i32
      %eq3A_50 = arith.cmpi eq, %rem3A_48, %eq3A_49 : i32
      %convert_element_type3A_51 = arith.extui %eq3A_50 : i1 to i32
      %cond3A_52 = arith.constant 0 : i32
      %cond3A_53 = arith.cmpi ne, %convert_element_type3A_51, %cond3A_52 : i32
      scf.if %cond3A_53 {
        %dma_wait3A = arith.constant 0 : i32
        %dma_wait3A_61 = tpu.memref_slice %arg3[%dma_wait3A] : memref<320000xi32, #tpu.memory_space<hbm>> -> memref<128xi32, #tpu.memory_space<hbm>>
        %dma_wait3A_62 = arith.constant 0 : i32
        %dma_wait3A_63 = tpu.memref_slice %arg3[%dma_wait3A_62] : memref<320000xi32, #tpu.memory_space<hbm>> -> memref<128xi32, #tpu.memory_space<hbm>>
        tpu.wait_dma2 semaphore(%arg11 : memref<!tpu.dma_semaphore, #tpu.memory_space<semaphore_mem>>) src(%dma_wait3A_63 : memref<128xi32, #tpu.memory_space<hbm>>) dst(%arg6 : memref<128xi32, #tpu.memory_space<vmem>>)
        %dma_wait3A_64 = arith.constant 0 : i32
        %dma_wait3A_65 = arith.constant 0 : i32
        %dma_wait3A_66 = tpu.memref_slice %arg2[%dma_wait3A_64, %dma_wait3A_65] : memref<320000x128xf32, #tpu.memory_space<hbm>> -> memref<128x128xf32, #tpu.memory_space<hbm>>
        %dma_wait3A_67 = arith.constant 0 : i32
        %dma_wait3A_68 = arith.constant 0 : i32
        %dma_wait3A_69 = tpu.memref_slice %arg2[%dma_wait3A_67, %dma_wait3A_68] : memref<320000x128xf32, #tpu.memory_space<hbm>> -> memref<128x128xf32, #tpu.memory_space<hbm>>
        tpu.wait_dma2 semaphore(%arg13 : memref<!tpu.dma_semaphore, #tpu.memory_space<semaphore_mem>>) src(%dma_wait3A_69 : memref<128x128xf32, #tpu.memory_space<hbm>>) dst(%arg8 : memref<128x128xf32, #tpu.memory_space<vmem>>)
        "tpu.region"() ({
          %run_scoped3A = tpu.sem_alloc : memref<!tpu.dma_semaphore, #tpu.memory_space<semaphore_mem>>
          %dma_start3A_76 = arith.constant 0 : i32
          %dma_start3A_77 = arith.constant 0 : i32
          %dma_start3A_78 = tpu.memref_slice %arg10[%dma_start3A_76, %dma_start3A_77] : memref<10000x128xf32, #tpu.memory_space<vmem_shared>> -> memref<10000x128xf32, #tpu.memory_space<vmem_shared>>
          tpu.enqueue_indirect_dma source(%arg8 : memref<128x128xf32, #tpu.memory_space<vmem>>) target(%dma_start3A_78 : memref<10000x128xf32, #tpu.memory_space<vmem_shared>>) offsets(%arg6 : memref<128xi32, #tpu.memory_space<vmem>>) semaphore(%run_scoped3A : memref<!tpu.dma_semaphore, #tpu.memory_space<semaphore_mem>>) {add = true}
          %dma_wait3A_79 = arith.constant 0 : i32
          %dma_wait3A_80 = arith.constant 0 : i32
          %dma_wait3A_81 = tpu.memref_slice %arg10[%dma_wait3A_79, %dma_wait3A_80] : memref<10000x128xf32, #tpu.memory_space<vmem_shared>> -> memref<10000x128xf32, #tpu.memory_space<vmem_shared>>
          tpu.wait_indirect_dma semaphore(%run_scoped3A : memref<!tpu.dma_semaphore, #tpu.memory_space<semaphore_mem>>) src(%arg8 : memref<128x128xf32, #tpu.memory_space<vmem>>) dst(%dma_wait3A_81 : memref<10000x128xf32, #tpu.memory_space<vmem_shared>>)
          tpu.yield
        }) : () -> ()
        %add3A_70 = arith.constant 2 : i32
        %add3A_71 = arith.addi %while3A_47, %add3A_70 : i32
        %lt3A_72 = arith.cmpi slt, %add3A_71, %select_n3A : i32
        %convert_element_type3A_73 = arith.extui %lt3A_72 : i1 to i32
        %cond3A_74 = arith.constant 0 : i32
        %cond3A_75 = arith.cmpi ne, %convert_element_type3A_73, %cond3A_74 : i32
        scf.if %cond3A_75 {
          %add3A_76 = arith.addi %add3A_6, %while3A_47 : i32
          %add3A_77 = arith.constant 2 : i32
          %add3A_78 = arith.addi %add3A_76, %add3A_77 : i32
          %mul3A_79 = arith.constant 128 : i32
          %mul3A_80 = arith.muli %add3A_78, %mul3A_79 : i32
          %dma_start3A_81 = tpu.memref_slice %arg3[%mul3A_80] : memref<320000xi32, #tpu.memory_space<hbm>> -> memref<128xi32, #tpu.memory_space<hbm>>
          %dma_start3A_82 = tpu.memref_slice %arg3[%mul3A_80] : memref<320000xi32, #tpu.memory_space<hbm>> -> memref<128xi32, #tpu.memory_space<hbm>>
          tpu.enqueue_dma source(%dma_start3A_82 : memref<128xi32, #tpu.memory_space<hbm>>) target(%arg6 : memref<128xi32, #tpu.memory_space<vmem>>) target_semaphore(%arg11 : memref<!tpu.dma_semaphore, #tpu.memory_space<semaphore_mem>>)
          %mul3A_83 = arith.constant 128 : i32
          %mul3A_84 = arith.muli %add3A_78, %mul3A_83 : i32
          %dma_start3A_85 = arith.constant 0 : i32
          %dma_start3A_86 = tpu.memref_slice %arg2[%mul3A_84, %dma_start3A_85] : memref<320000x128xf32, #tpu.memory_space<hbm>> -> memref<128x128xf32, #tpu.memory_space<hbm>>
          %dma_start3A_87 = arith.constant 0 : i32
          %dma_start3A_88 = tpu.memref_slice %arg2[%mul3A_84, %dma_start3A_87] : memref<320000x128xf32, #tpu.memory_space<hbm>> -> memref<128x128xf32, #tpu.memory_space<hbm>>
          tpu.enqueue_dma source(%dma_start3A_88 : memref<128x128xf32, #tpu.memory_space<hbm>>) target(%arg8 : memref<128x128xf32, #tpu.memory_space<vmem>>) target_semaphore(%arg13 : memref<!tpu.dma_semaphore, #tpu.memory_space<semaphore_mem>>)
        } else {
        }
      } else {
      }
      %rem3A_54 = arith.constant 2 : i32
      %rem3A_55 = arith.remsi %while3A_47, %rem3A_54 : i32
      %eq3A_56 = arith.constant 1 : i32
      %eq3A_57 = arith.cmpi eq, %rem3A_55, %eq3A_56 : i32
      %convert_element_type3A_58 = arith.extui %eq3A_57 : i1 to i32
      %cond3A_59 = arith.constant 0 : i32
      %cond3A_60 = arith.cmpi ne, %convert_element_type3A_58, %cond3A_59 : i32
      scf.if %cond3A_60 {
        %dma_wait3A = arith.constant 0 : i32
        %dma_wait3A_61 = tpu.memref_slice %arg3[%dma_wait3A] : memref<320000xi32, #tpu.memory_space<hbm>> -> memref<128xi32, #tpu.memory_space<hbm>>
        %dma_wait3A_62 = arith.constant 0 : i32
        %dma_wait3A_63 = tpu.memref_slice %arg3[%dma_wait3A_62] : memref<320000xi32, #tpu.memory_space<hbm>> -> memref<128xi32, #tpu.memory_space<hbm>>
        tpu.wait_dma2 semaphore(%arg12 : memref<!tpu.dma_semaphore, #tpu.memory_space<semaphore_mem>>) src(%dma_wait3A_63 : memref<128xi32, #tpu.memory_space<hbm>>) dst(%arg7 : memref<128xi32, #tpu.memory_space<vmem>>)
        %dma_wait3A_64 = arith.constant 0 : i32
        %dma_wait3A_65 = arith.constant 0 : i32
        %dma_wait3A_66 = tpu.memref_slice %arg2[%dma_wait3A_64, %dma_wait3A_65] : memref<320000x128xf32, #tpu.memory_space<hbm>> -> memref<128x128xf32, #tpu.memory_space<hbm>>
        %dma_wait3A_67 = arith.constant 0 : i32
        %dma_wait3A_68 = arith.constant 0 : i32
        %dma_wait3A_69 = tpu.memref_slice %arg2[%dma_wait3A_67, %dma_wait3A_68] : memref<320000x128xf32, #tpu.memory_space<hbm>> -> memref<128x128xf32, #tpu.memory_space<hbm>>
        tpu.wait_dma2 semaphore(%arg14 : memref<!tpu.dma_semaphore, #tpu.memory_space<semaphore_mem>>) src(%dma_wait3A_69 : memref<128x128xf32, #tpu.memory_space<hbm>>) dst(%arg9 : memref<128x128xf32, #tpu.memory_space<vmem>>)
        "tpu.region"() ({
          %run_scoped3A = tpu.sem_alloc : memref<!tpu.dma_semaphore, #tpu.memory_space<semaphore_mem>>
          %dma_start3A_76 = arith.constant 0 : i32
          %dma_start3A_77 = arith.constant 0 : i32
          %dma_start3A_78 = tpu.memref_slice %arg10[%dma_start3A_76, %dma_start3A_77] : memref<10000x128xf32, #tpu.memory_space<vmem_shared>> -> memref<10000x128xf32, #tpu.memory_space<vmem_shared>>
          tpu.enqueue_indirect_dma source(%arg9 : memref<128x128xf32, #tpu.memory_space<vmem>>) target(%dma_start3A_78 : memref<10000x128xf32, #tpu.memory_space<vmem_shared>>) offsets(%arg7 : memref<128xi32, #tpu.memory_space<vmem>>) semaphore(%run_scoped3A : memref<!tpu.dma_semaphore, #tpu.memory_space<semaphore_mem>>) {add = true}
          %dma_wait3A_79 = arith.constant 0 : i32
          %dma_wait3A_80 = arith.constant 0 : i32
          %dma_wait3A_81 = tpu.memref_slice %arg10[%dma_wait3A_79, %dma_wait3A_80] : memref<10000x128xf32, #tpu.memory_space<vmem_shared>> -> memref<10000x128xf32, #tpu.memory_space<vmem_shared>>
          tpu.wait_indirect_dma semaphore(%run_scoped3A : memref<!tpu.dma_semaphore, #tpu.memory_space<semaphore_mem>>) src(%arg9 : memref<128x128xf32, #tpu.memory_space<vmem>>) dst(%dma_wait3A_81 : memref<10000x128xf32, #tpu.memory_space<vmem_shared>>)
          tpu.yield
        }) : () -> ()
        %add3A_70 = arith.constant 2 : i32
        %add3A_71 = arith.addi %while3A_47, %add3A_70 : i32
        %lt3A_72 = arith.cmpi slt, %add3A_71, %select_n3A : i32
        %convert_element_type3A_73 = arith.extui %lt3A_72 : i1 to i32
        %cond3A_74 = arith.constant 0 : i32
        %cond3A_75 = arith.cmpi ne, %convert_element_type3A_73, %cond3A_74 : i32
        scf.if %cond3A_75 {
          %add3A_76 = arith.addi %add3A_6, %while3A_47 : i32
          %add3A_77 = arith.constant 2 : i32
          %add3A_78 = arith.addi %add3A_76, %add3A_77 : i32
          %mul3A_79 = arith.constant 128 : i32
          %mul3A_80 = arith.muli %add3A_78, %mul3A_79 : i32
          %dma_start3A_81 = tpu.memref_slice %arg3[%mul3A_80] : memref<320000xi32, #tpu.memory_space<hbm>> -> memref<128xi32, #tpu.memory_space<hbm>>
          %dma_start3A_82 = tpu.memref_slice %arg3[%mul3A_80] : memref<320000xi32, #tpu.memory_space<hbm>> -> memref<128xi32, #tpu.memory_space<hbm>>
          tpu.enqueue_dma source(%dma_start3A_82 : memref<128xi32, #tpu.memory_space<hbm>>) target(%arg7 : memref<128xi32, #tpu.memory_space<vmem>>) target_semaphore(%arg12 : memref<!tpu.dma_semaphore, #tpu.memory_space<semaphore_mem>>)
          %mul3A_83 = arith.constant 128 : i32
          %mul3A_84 = arith.muli %add3A_78, %mul3A_83 : i32
          %dma_start3A_85 = arith.constant 0 : i32
          %dma_start3A_86 = tpu.memref_slice %arg2[%mul3A_84, %dma_start3A_85] : memref<320000x128xf32, #tpu.memory_space<hbm>> -> memref<128x128xf32, #tpu.memory_space<hbm>>
          %dma_start3A_87 = arith.constant 0 : i32
          %dma_start3A_88 = tpu.memref_slice %arg2[%mul3A_84, %dma_start3A_87] : memref<320000x128xf32, #tpu.memory_space<hbm>> -> memref<128x128xf32, #tpu.memory_space<hbm>>
          tpu.enqueue_dma source(%dma_start3A_88 : memref<128x128xf32, #tpu.memory_space<hbm>>) target(%arg9 : memref<128x128xf32, #tpu.memory_space<vmem>>) target_semaphore(%arg14 : memref<!tpu.dma_semaphore, #tpu.memory_space<semaphore_mem>>)
        } else {
        }
      } else {
      }
    }
    %while3A_40 = arith.constant 1 : i32
    scf.for %while3A_47 = %while3A_38 to %while3A_34 step %while3A_40  : i32 {
      %rem3A = arith.constant 2 : i32
      %rem3A_48 = arith.remsi %while3A_47, %rem3A : i32
      %eq3A_49 = arith.constant 0 : i32
      %eq3A_50 = arith.cmpi eq, %rem3A_48, %eq3A_49 : i32
      %convert_element_type3A_51 = arith.extui %eq3A_50 : i1 to i32
      %cond3A_52 = arith.constant 0 : i32
      %cond3A_53 = arith.cmpi ne, %convert_element_type3A_51, %cond3A_52 : i32
      scf.if %cond3A_53 {
        %dma_wait3A = arith.constant 0 : i32
        %dma_wait3A_61 = tpu.memref_slice %arg3[%dma_wait3A] : memref<320000xi32, #tpu.memory_space<hbm>> -> memref<128xi32, #tpu.memory_space<hbm>>
        %dma_wait3A_62 = arith.constant 0 : i32
        %dma_wait3A_63 = tpu.memref_slice %arg3[%dma_wait3A_62] : memref<320000xi32, #tpu.memory_space<hbm>> -> memref<128xi32, #tpu.memory_space<hbm>>
        tpu.wait_dma2 semaphore(%arg11 : memref<!tpu.dma_semaphore, #tpu.memory_space<semaphore_mem>>) src(%dma_wait3A_63 : memref<128xi32, #tpu.memory_space<hbm>>) dst(%arg6 : memref<128xi32, #tpu.memory_space<vmem>>)
        %dma_wait3A_64 = arith.constant 0 : i32
        %dma_wait3A_65 = arith.constant 0 : i32
        %dma_wait3A_66 = tpu.memref_slice %arg2[%dma_wait3A_64, %dma_wait3A_65] : memref<320000x128xf32, #tpu.memory_space<hbm>> -> memref<128x128xf32, #tpu.memory_space<hbm>>
        %dma_wait3A_67 = arith.constant 0 : i32
        %dma_wait3A_68 = arith.constant 0 : i32
        %dma_wait3A_69 = tpu.memref_slice %arg2[%dma_wait3A_67, %dma_wait3A_68] : memref<320000x128xf32, #tpu.memory_space<hbm>> -> memref<128x128xf32, #tpu.memory_space<hbm>>
        tpu.wait_dma2 semaphore(%arg13 : memref<!tpu.dma_semaphore, #tpu.memory_space<semaphore_mem>>) src(%dma_wait3A_69 : memref<128x128xf32, #tpu.memory_space<hbm>>) dst(%arg8 : memref<128x128xf32, #tpu.memory_space<vmem>>)
        "tpu.region"() ({
          %run_scoped3A = tpu.sem_alloc : memref<!tpu.dma_semaphore, #tpu.memory_space<semaphore_mem>>
          %dma_start3A_76 = arith.constant 0 : i32
          %dma_start3A_77 = arith.constant 0 : i32
          %dma_start3A_78 = tpu.memref_slice %arg10[%dma_start3A_76, %dma_start3A_77] : memref<10000x128xf32, #tpu.memory_space<vmem_shared>> -> memref<10000x128xf32, #tpu.memory_space<vmem_shared>>
          tpu.enqueue_indirect_dma source(%arg8 : memref<128x128xf32, #tpu.memory_space<vmem>>) target(%dma_start3A_78 : memref<10000x128xf32, #tpu.memory_space<vmem_shared>>) offsets(%arg6 : memref<128xi32, #tpu.memory_space<vmem>>) semaphore(%run_scoped3A : memref<!tpu.dma_semaphore, #tpu.memory_space<semaphore_mem>>) {add = true}
          %dma_wait3A_79 = arith.constant 0 : i32
          %dma_wait3A_80 = arith.constant 0 : i32
          %dma_wait3A_81 = tpu.memref_slice %arg10[%dma_wait3A_79, %dma_wait3A_80] : memref<10000x128xf32, #tpu.memory_space<vmem_shared>> -> memref<10000x128xf32, #tpu.memory_space<vmem_shared>>
          tpu.wait_indirect_dma semaphore(%run_scoped3A : memref<!tpu.dma_semaphore, #tpu.memory_space<semaphore_mem>>) src(%arg8 : memref<128x128xf32, #tpu.memory_space<vmem>>) dst(%dma_wait3A_81 : memref<10000x128xf32, #tpu.memory_space<vmem_shared>>)
          tpu.yield
        }) : () -> ()
        %add3A_70 = arith.constant 2 : i32
        %add3A_71 = arith.addi %while3A_47, %add3A_70 : i32
        %lt3A_72 = arith.cmpi slt, %add3A_71, %select_n3A : i32
        %convert_element_type3A_73 = arith.extui %lt3A_72 : i1 to i32
        %cond3A_74 = arith.constant 0 : i32
        %cond3A_75 = arith.cmpi ne, %convert_element_type3A_73, %cond3A_74 : i32
        scf.if %cond3A_75 {
          %add3A_76 = arith.addi %add3A_6, %while3A_47 : i32
          %add3A_77 = arith.constant 2 : i32
          %add3A_78 = arith.addi %add3A_76, %add3A_77 : i32
          %mul3A_79 = arith.constant 128 : i32
          %mul3A_80 = arith.muli %add3A_78, %mul3A_79 : i32
          %dma_start3A_81 = tpu.memref_slice %arg3[%mul3A_80] : memref<320000xi32, #tpu.memory_space<hbm>> -> memref<128xi32, #tpu.memory_space<hbm>>
          %dma_start3A_82 = tpu.memref_slice %arg3[%mul3A_80] : memref<320000xi32, #tpu.memory_space<hbm>> -> memref<128xi32, #tpu.memory_space<hbm>>
          tpu.enqueue_dma source(%dma_start3A_82 : memref<128xi32, #tpu.memory_space<hbm>>) target(%arg6 : memref<128xi32, #tpu.memory_space<vmem>>) target_semaphore(%arg11 : memref<!tpu.dma_semaphore, #tpu.memory_space<semaphore_mem>>)
          %mul3A_83 = arith.constant 128 : i32
          %mul3A_84 = arith.muli %add3A_78, %mul3A_83 : i32
          %dma_start3A_85 = arith.constant 0 : i32
          %dma_start3A_86 = tpu.memref_slice %arg2[%mul3A_84, %dma_start3A_85] : memref<320000x128xf32, #tpu.memory_space<hbm>> -> memref<128x128xf32, #tpu.memory_space<hbm>>
          %dma_start3A_87 = arith.constant 0 : i32
          %dma_start3A_88 = tpu.memref_slice %arg2[%mul3A_84, %dma_start3A_87] : memref<320000x128xf32, #tpu.memory_space<hbm>> -> memref<128x128xf32, #tpu.memory_space<hbm>>
          tpu.enqueue_dma source(%dma_start3A_88 : memref<128x128xf32, #tpu.memory_space<hbm>>) target(%arg8 : memref<128x128xf32, #tpu.memory_space<vmem>>) target_semaphore(%arg13 : memref<!tpu.dma_semaphore, #tpu.memory_space<semaphore_mem>>)
        } else {
        }
      } else {
      }
      %rem3A_54 = arith.constant 2 : i32
      %rem3A_55 = arith.remsi %while3A_47, %rem3A_54 : i32
      %eq3A_56 = arith.constant 1 : i32
      %eq3A_57 = arith.cmpi eq, %rem3A_55, %eq3A_56 : i32
      %convert_element_type3A_58 = arith.extui %eq3A_57 : i1 to i32
      %cond3A_59 = arith.constant 0 : i32
      %cond3A_60 = arith.cmpi ne, %convert_element_type3A_58, %cond3A_59 : i32
      scf.if %cond3A_60 {
        %dma_wait3A = arith.constant 0 : i32
        %dma_wait3A_61 = tpu.memref_slice %arg3[%dma_wait3A] : memref<320000xi32, #tpu.memory_space<hbm>> -> memref<128xi32, #tpu.memory_space<hbm>>
        %dma_wait3A_62 = arith.constant 0 : i32
        %dma_wait3A_63 = tpu.memref_slice %arg3[%dma_wait3A_62] : memref<320000xi32, #tpu.memory_space<hbm>> -> memref<128xi32, #tpu.memory_space<hbm>>
        tpu.wait_dma2 semaphore(%arg12 : memref<!tpu.dma_semaphore, #tpu.memory_space<semaphore_mem>>) src(%dma_wait3A_63 : memref<128xi32, #tpu.memory_space<hbm>>) dst(%arg7 : memref<128xi32, #tpu.memory_space<vmem>>)
        %dma_wait3A_64 = arith.constant 0 : i32
        %dma_wait3A_65 = arith.constant 0 : i32
        %dma_wait3A_66 = tpu.memref_slice %arg2[%dma_wait3A_64, %dma_wait3A_65] : memref<320000x128xf32, #tpu.memory_space<hbm>> -> memref<128x128xf32, #tpu.memory_space<hbm>>
        %dma_wait3A_67 = arith.constant 0 : i32
        %dma_wait3A_68 = arith.constant 0 : i32
        %dma_wait3A_69 = tpu.memref_slice %arg2[%dma_wait3A_67, %dma_wait3A_68] : memref<320000x128xf32, #tpu.memory_space<hbm>> -> memref<128x128xf32, #tpu.memory_space<hbm>>
        tpu.wait_dma2 semaphore(%arg14 : memref<!tpu.dma_semaphore, #tpu.memory_space<semaphore_mem>>) src(%dma_wait3A_69 : memref<128x128xf32, #tpu.memory_space<hbm>>) dst(%arg9 : memref<128x128xf32, #tpu.memory_space<vmem>>)
        "tpu.region"() ({
          %run_scoped3A = tpu.sem_alloc : memref<!tpu.dma_semaphore, #tpu.memory_space<semaphore_mem>>
          %dma_start3A_76 = arith.constant 0 : i32
          %dma_start3A_77 = arith.constant 0 : i32
          %dma_start3A_78 = tpu.memref_slice %arg10[%dma_start3A_76, %dma_start3A_77] : memref<10000x128xf32, #tpu.memory_space<vmem_shared>> -> memref<10000x128xf32, #tpu.memory_space<vmem_shared>>
          tpu.enqueue_indirect_dma source(%arg9 : memref<128x128xf32, #tpu.memory_space<vmem>>) target(%dma_start3A_78 : memref<10000x128xf32, #tpu.memory_space<vmem_shared>>) offsets(%arg7 : memref<128xi32, #tpu.memory_space<vmem>>) semaphore(%run_scoped3A : memref<!tpu.dma_semaphore, #tpu.memory_space<semaphore_mem>>) {add = true}
          %dma_wait3A_79 = arith.constant 0 : i32
          %dma_wait3A_80 = arith.constant 0 : i32
          %dma_wait3A_81 = tpu.memref_slice %arg10[%dma_wait3A_79, %dma_wait3A_80] : memref<10000x128xf32, #tpu.memory_space<vmem_shared>> -> memref<10000x128xf32, #tpu.memory_space<vmem_shared>>
          tpu.wait_indirect_dma semaphore(%run_scoped3A : memref<!tpu.dma_semaphore, #tpu.memory_space<semaphore_mem>>) src(%arg9 : memref<128x128xf32, #tpu.memory_space<vmem>>) dst(%dma_wait3A_81 : memref<10000x128xf32, #tpu.memory_space<vmem_shared>>)
          tpu.yield
        }) : () -> ()
        %add3A_70 = arith.constant 2 : i32
        %add3A_71 = arith.addi %while3A_47, %add3A_70 : i32
        %lt3A_72 = arith.cmpi slt, %add3A_71, %select_n3A : i32
        %convert_element_type3A_73 = arith.extui %lt3A_72 : i1 to i32
        %cond3A_74 = arith.constant 0 : i32
        %cond3A_75 = arith.cmpi ne, %convert_element_type3A_73, %cond3A_74 : i32
        scf.if %cond3A_75 {
          %add3A_76 = arith.addi %add3A_6, %while3A_47 : i32
          %add3A_77 = arith.constant 2 : i32
          %add3A_78 = arith.addi %add3A_76, %add3A_77 : i32
          %mul3A_79 = arith.constant 128 : i32
          %mul3A_80 = arith.muli %add3A_78, %mul3A_79 : i32
          %dma_start3A_81 = tpu.memref_slice %arg3[%mul3A_80] : memref<320000xi32, #tpu.memory_space<hbm>> -> memref<128xi32, #tpu.memory_space<hbm>>
          %dma_start3A_82 = tpu.memref_slice %arg3[%mul3A_80] : memref<320000xi32, #tpu.memory_space<hbm>> -> memref<128xi32, #tpu.memory_space<hbm>>
          tpu.enqueue_dma source(%dma_start3A_82 : memref<128xi32, #tpu.memory_space<hbm>>) target(%arg7 : memref<128xi32, #tpu.memory_space<vmem>>) target_semaphore(%arg12 : memref<!tpu.dma_semaphore, #tpu.memory_space<semaphore_mem>>)
          %mul3A_83 = arith.constant 128 : i32
          %mul3A_84 = arith.muli %add3A_78, %mul3A_83 : i32
          %dma_start3A_85 = arith.constant 0 : i32
          %dma_start3A_86 = tpu.memref_slice %arg2[%mul3A_84, %dma_start3A_85] : memref<320000x128xf32, #tpu.memory_space<hbm>> -> memref<128x128xf32, #tpu.memory_space<hbm>>
          %dma_start3A_87 = arith.constant 0 : i32
          %dma_start3A_88 = tpu.memref_slice %arg2[%mul3A_84, %dma_start3A_87] : memref<320000x128xf32, #tpu.memory_space<hbm>> -> memref<128x128xf32, #tpu.memory_space<hbm>>
          tpu.enqueue_dma source(%dma_start3A_88 : memref<128x128xf32, #tpu.memory_space<hbm>>) target(%arg9 : memref<128x128xf32, #tpu.memory_space<vmem>>) target_semaphore(%arg14 : memref<!tpu.dma_semaphore, #tpu.memory_space<semaphore_mem>>)
        } else {
        }
      } else {
      }
    }
    %barrier3A_41 = arith.constant 0 : index
    tpu.barrier barrier_id(%barrier3A_41)
    "tpu.region"() ({
      %run_scoped3A = tpu.sem_alloc : memref<!tpu.dma_semaphore, #tpu.memory_space<semaphore_mem>>
      %dma_start3A_47 = arith.constant 0 : i32
      %dma_start3A_48 = tpu.memref_slice %arg5[%arg0, %mul3A_2, %dma_start3A_47] : memref<2x10000x128xf32, #tpu.memory_space<hbm>> -> memref<1x624x128xf32, #tpu.memory_space<hbm>>
      %dma_start3A_49 = tpu.memref_squeeze %dma_start3A_48 : memref<1x624x128xf32, #tpu.memory_space<hbm>> -> memref<624x128xf32, #tpu.memory_space<hbm>>
      %dma_start3A_50 = arith.constant 0 : i32
      %dma_start3A_51 = tpu.memref_slice %arg10[%mul3A_2, %dma_start3A_50] : memref<10000x128xf32, #tpu.memory_space<vmem_shared>> -> memref<624x128xf32, #tpu.memory_space<vmem_shared>>
      tpu.enqueue_dma source(%dma_start3A_51 : memref<624x128xf32, #tpu.memory_space<vmem_shared>>) target(%dma_start3A_49 : memref<624x128xf32, #tpu.memory_space<hbm>>) target_semaphore(%run_scoped3A : memref<!tpu.dma_semaphore, #tpu.memory_space<semaphore_mem>>)
      %dma_wait3A = arith.constant 0 : i32
      %dma_wait3A_52 = tpu.memref_slice %arg5[%arg0, %mul3A_2, %dma_wait3A] : memref<2x10000x128xf32, #tpu.memory_space<hbm>> -> memref<1x624x128xf32, #tpu.memory_space<hbm>>
      %dma_wait3A_53 = tpu.memref_squeeze %dma_wait3A_52 : memref<1x624x128xf32, #tpu.memory_space<hbm>> -> memref<624x128xf32, #tpu.memory_space<hbm>>
      %dma_wait3A_54 = arith.constant 0 : i32
      %dma_wait3A_55 = tpu.memref_slice %arg10[%mul3A_2, %dma_wait3A_54] : memref<10000x128xf32, #tpu.memory_space<vmem_shared>> -> memref<624x128xf32, #tpu.memory_space<vmem_shared>>
      tpu.wait_dma2 semaphore(%run_scoped3A : memref<!tpu.dma_semaphore, #tpu.memory_space<semaphore_mem>>) src(%dma_wait3A_55 : memref<624x128xf32, #tpu.memory_space<vmem_shared>>) dst(%dma_wait3A_53 : memref<624x128xf32, #tpu.memory_space<hbm>>)
      tpu.yield
    }) : () -> ()
    %eq3A_42 = arith.constant 15 : i32
    %eq3A_43 = arith.cmpi eq, %arg1, %eq3A_42 : i32
    %convert_element_type3A_44 = arith.extui %eq3A_43 : i1 to i32
    %cond3A_45 = arith.constant 0 : i32
    %cond3A_46 = arith.cmpi ne, %convert_element_type3A_44, %cond3A_45 : i32
    scf.if %cond3A_46 {
      "tpu.region"() ({
        %run_scoped3A = tpu.sem_alloc : memref<!tpu.dma_semaphore, #tpu.memory_space<semaphore_mem>>
        %dma_start3A_47 = arith.constant 9984 : i32
        %dma_start3A_48 = arith.constant 0 : i32
        %dma_start3A_49 = tpu.memref_slice %arg5[%arg0, %dma_start3A_47, %dma_start3A_48] : memref<2x10000x128xf32, #tpu.memory_space<hbm>> -> memref<1x16x128xf32, #tpu.memory_space<hbm>>
        %dma_start3A_50 = tpu.memref_squeeze %dma_start3A_49 : memref<1x16x128xf32, #tpu.memory_space<hbm>> -> memref<16x128xf32, #tpu.memory_space<hbm>>
        %dma_start3A_51 = arith.constant 9984 : i32
        %dma_start3A_52 = arith.constant 0 : i32
        %dma_start3A_53 = tpu.memref_slice %arg10[%dma_start3A_51, %dma_start3A_52] : memref<10000x128xf32, #tpu.memory_space<vmem_shared>> -> memref<16x128xf32, #tpu.memory_space<vmem_shared>>
        tpu.enqueue_dma source(%dma_start3A_53 : memref<16x128xf32, #tpu.memory_space<vmem_shared>>) target(%dma_start3A_50 : memref<16x128xf32, #tpu.memory_space<hbm>>) target_semaphore(%run_scoped3A : memref<!tpu.dma_semaphore, #tpu.memory_space<semaphore_mem>>)
        %dma_wait3A = arith.constant 9984 : i32
        %dma_wait3A_54 = arith.constant 0 : i32
        %dma_wait3A_55 = tpu.memref_slice %arg5[%arg0, %dma_wait3A, %dma_wait3A_54] : memref<2x10000x128xf32, #tpu.memory_space<hbm>> -> memref<1x16x128xf32, #tpu.memory_space<hbm>>
        %dma_wait3A_56 = tpu.memref_squeeze %dma_wait3A_55 : memref<1x16x128xf32, #tpu.memory_space<hbm>> -> memref<16x128xf32, #tpu.memory_space<hbm>>
        %dma_wait3A_57 = arith.constant 9984 : i32
        %dma_wait3A_58 = arith.constant 0 : i32
        %dma_wait3A_59 = tpu.memref_slice %arg10[%dma_wait3A_57, %dma_wait3A_58] : memref<10000x128xf32, #tpu.memory_space<vmem_shared>> -> memref<16x128xf32, #tpu.memory_space<vmem_shared>>
        tpu.wait_dma2 semaphore(%run_scoped3A : memref<!tpu.dma_semaphore, #tpu.memory_space<semaphore_mem>>) src(%dma_wait3A_59 : memref<16x128xf32, #tpu.memory_space<vmem_shared>>) dst(%dma_wait3A_56 : memref<16x128xf32, #tpu.memory_space<hbm>>)
        tpu.yield
      }) : () -> ()
    } else {
    }
    return
  }
}

module attributes {stable_mosaic.version = 14 : i64} {
  func.func @body(%arg0: i32, %arg1: memref<2000x1xf32, #tpu.memory_space<vmem>>, %arg2: memref<2000x1xi32, #tpu.memory_space<vmem>>, %arg3: memref<64x64xf32, #tpu.memory_space<vmem>>, %arg4: memref<1x64xf32, #tpu.memory_space<vmem>>, %arg5: memref<1x64xf32, #tpu.memory_space<vmem>>, %arg6: memref<1x64xf32, #tpu.memory_space<vmem>>, %arg7: memref<2000x128xf32, #tpu.memory_space<vmem>>, %arg8: memref<64x64xf32, #tpu.memory_space<vmem>>, %arg9: memref<64x1xf32, #tpu.memory_space<vmem>>) attributes {dimension_semantics = [#tpu.dimension_semantics<arbitrary>], iteration_bounds = array<i64: 160>, scalar_prefetch = 0 : i64, scratch_operands = 0 : i64, tpu.core_type = #tpu.core_type<tc>, window_params = [{transform_indices = @transform_0, window_bounds = array<i64: 2000, 1>}, {transform_indices = @transform_1, window_bounds = array<i64: 2000, 1>}, {pipeline_mode = #tpu.pipeline_mode<synchronous>, transform_indices = @transform_2, window_bounds = array<i64: 64, 64>}, {pipeline_mode = #tpu.pipeline_mode<synchronous>, transform_indices = @transform_3, window_bounds = array<i64: 1, 64>}, {pipeline_mode = #tpu.pipeline_mode<synchronous>, transform_indices = @transform_4, window_bounds = array<i64: 1, 64>}, {pipeline_mode = #tpu.pipeline_mode<synchronous>, transform_indices = @transform_5, window_bounds = array<i64: 1, 64>}, {transform_indices = @transform_6, window_bounds = array<i64: 2000, 128>}, {pipeline_mode = #tpu.pipeline_mode<synchronous>, transform_indices = @transform_7, window_bounds = array<i64: 64, 64>}, {pipeline_mode = #tpu.pipeline_mode<synchronous>, transform_indices = @transform_8, window_bounds = array<i64: 64, 1>}]} {
    %get3A = arith.constant 0 : index
    %get3A_0 = arith.constant 0 : index
    %get3A_1 = vector.load %arg1[%get3A, %get3A_0] : memref<2000x1xf32, #tpu.memory_space<vmem>>, vector<2000x1xf32>
    %get3A_2 = arith.constant 0 : index
    %get3A_3 = arith.constant 0 : index
    %get3A_4 = vector.load %arg2[%get3A_2, %get3A_3] : memref<2000x1xi32, #tpu.memory_space<vmem>>, vector<2000x1xi32>
    %iota3A = tpu.iota {dimensions = array<i32: 1>} : vector<2000x64xi32>
    %eq3A = vector.broadcast %get3A_4 : vector<2000x1xi32> to vector<2000x64xi32>
    %eq3A_5 = arith.cmpi eq, %iota3A, %eq3A : vector<2000x64xi32>
    %convert_element_type3A = arith.extui %eq3A_5 : vector<2000x64xi1> to vector<2000x64xi32>
    %convert_element_type3A_6 = arith.sitofp %convert_element_type3A : vector<2000x64xi32> to vector<2000x64xf32>
    %get3A_7 = arith.constant 0 : index
    %get3A_8 = arith.constant 0 : index
    %get3A_9 = vector.load %arg3[%get3A_7, %get3A_8] : memref<64x64xf32, #tpu.memory_space<vmem>>, vector<64x64xf32>
    %dot_general3A = arith.constant dense<0.000000e+00> : vector<2000x64xf32>
    %dot_general3A_10 = tpu.matmul %convert_element_type3A_6, %get3A_9, %dot_general3A {dimension_numbers = #tpu.dot_dimension_numbers<[1], [0], [0], [1], [0, 0, 1, 1], [], []>, transpose_lhs_hint = false} : vector<2000x64xf32>, vector<64x64xf32>, vector<2000x64xf32> -> vector<2000x64xf32>
    %get3A_11 = arith.constant 0 : index
    %get3A_12 = arith.constant 0 : index
    %get3A_13 = vector.load %arg4[%get3A_11, %get3A_12] : memref<1x64xf32, #tpu.memory_space<vmem>>, vector<1x64xf32>
    %mul3A = vector.broadcast %get3A_1 : vector<2000x1xf32> to vector<2000x64xf32>
    %mul3A_14 = vector.broadcast %get3A_13 : vector<1x64xf32> to vector<2000x64xf32>
    %mul3A_15 = arith.mulf %mul3A, %mul3A_14 : vector<2000x64xf32>
    %add3A = arith.addf %dot_general3A_10, %mul3A_15 : vector<2000x64xf32>
    %max3A = arith.constant 0.000000e+00 : f32
    %max3A_16 = vector.broadcast %max3A : f32 to vector<2000x64xf32>
    %max3A_17 = arith.maximumf %add3A, %max3A_16 : vector<2000x64xf32>
    %broadcast_in_dim3A = arith.constant 1.000000e+00 : f32
    %broadcast_in_dim3A_18 = vector.broadcast %broadcast_in_dim3A : f32 to vector<2000x1xf32>
    %broadcast_in_dim3A_19 = arith.constant 0.000000e+00 : f32
    %broadcast_in_dim3A_20 = vector.broadcast %broadcast_in_dim3A_19 : f32 to vector<2000x63xf32>
    %concatenate3A = tpu.concatenate %max3A_17, %broadcast_in_dim3A_18, %broadcast_in_dim3A_20 in 1 : vector<2000x64xf32>, vector<2000x1xf32>, vector<2000x63xf32> -> vector<2000x128xf32>
    %swap3A = arith.constant 0 : index
    %swap3A_21 = arith.constant 0 : index
    %swap3A_22 = vector.load %arg7[%swap3A, %swap3A_21] : memref<2000x128xf32, #tpu.memory_space<vmem>>, vector<2000x128xf32>
    tpu.vector_store %arg7[%swap3A, %swap3A_21], %concatenate3A {strides = array<i32>} : memref<2000x128xf32, #tpu.memory_space<vmem>>, vector<2000x128xf32>,
    %get3A_23 = arith.constant 0 : index
    %get3A_24 = arith.constant 0 : index
    %get3A_25 = vector.load %arg5[%get3A_23, %get3A_24] : memref<1x64xf32, #tpu.memory_space<vmem>>, vector<1x64xf32>
    %get3A_26 = arith.constant 0 : index
    %get3A_27 = arith.constant 0 : index
    %get3A_28 = vector.load %arg6[%get3A_26, %get3A_27] : memref<1x64xf32, #tpu.memory_space<vmem>>, vector<1x64xf32>
    %mul3A_29 = vector.broadcast %get3A_1 : vector<2000x1xf32> to vector<2000x64xf32>
    %mul3A_30 = vector.broadcast %get3A_28 : vector<1x64xf32> to vector<2000x64xf32>
    %mul3A_31 = arith.mulf %mul3A_29, %mul3A_30 : vector<2000x64xf32>
    %add3A_32 = vector.broadcast %get3A_25 : vector<1x64xf32> to vector<2000x64xf32>
    %add3A_33 = arith.addf %add3A_32, %mul3A_31 : vector<2000x64xf32>
    %max3A_34 = arith.constant 0.000000e+00 : f32
    %max3A_35 = vector.broadcast %max3A_34 : f32 to vector<2000x64xf32>
    %max3A_36 = arith.maximumf %add3A_33, %max3A_35 : vector<2000x64xf32>
    %dot_general3A_37 = arith.constant dense<0.000000e+00> : vector<64x64xf32>
    %dot_general3A_38 = tpu.matmul %convert_element_type3A_6, %max3A_36, %dot_general3A_37 {dimension_numbers = #tpu.dot_dimension_numbers<[0], [0], [1], [1], [0, 1, 1, 1], [], []>, transpose_lhs_hint = false} : vector<2000x64xf32>, vector<2000x64xf32>, vector<64x64xf32> -> vector<64x64xf32>
    %broadcast_in_dim3A_39 = arith.constant 1.000000e+00 : f32
    %broadcast_in_dim3A_40 = vector.broadcast %broadcast_in_dim3A_39 : f32 to vector<2000x1xf32>
    %dot_general3A_41 = arith.constant dense<0.000000e+00> : vector<64x1xf32>
    %dot_general3A_42 = tpu.matmul %convert_element_type3A_6, %broadcast_in_dim3A_40, %dot_general3A_41 {dimension_numbers = #tpu.dot_dimension_numbers<[0], [0], [1], [1], [0, 1, 1, 1], [], []>, transpose_lhs_hint = false} : vector<2000x64xf32>, vector<2000x1xf32>, vector<64x1xf32> -> vector<64x1xf32>
    %eq3A_43 = arith.constant 0 : i32
    %eq3A_44 = arith.cmpi eq, %arg0, %eq3A_43 : i32
    %convert_element_type3A_45 = arith.extui %eq3A_44 : i1 to i32
    %cond3A = arith.constant 0 : i32
    %cond3A_46 = arith.cmpi ne, %convert_element_type3A_45, %cond3A : i32
    scf.if %cond3A_46 {
      %broadcast_in_dim3A_61 = arith.constant 0.000000e+00 : f32
      %broadcast_in_dim3A_62 = vector.broadcast %broadcast_in_dim3A_61 : f32 to vector<64x64xf32>
      %swap3A_63 = arith.constant 0 : index
      %swap3A_64 = arith.constant 0 : index
      %swap3A_65 = vector.load %arg8[%swap3A_63, %swap3A_64] : memref<64x64xf32, #tpu.memory_space<vmem>>, vector<64x64xf32>
      tpu.vector_store %arg8[%swap3A_63, %swap3A_64], %broadcast_in_dim3A_62 {strides = array<i32>} : memref<64x64xf32, #tpu.memory_space<vmem>>, vector<64x64xf32>,
      %broadcast_in_dim3A_66 = arith.constant 0.000000e+00 : f32
      %broadcast_in_dim3A_67 = vector.broadcast %broadcast_in_dim3A_66 : f32 to vector<64x1xf32>
      %swap3A_68 = arith.constant 0 : index
      %swap3A_69 = arith.constant 0 : index
      %swap3A_70 = vector.load %arg9[%swap3A_68, %swap3A_69] : memref<64x1xf32, #tpu.memory_space<vmem>>, vector<64x1xf32>
      tpu.vector_store %arg9[%swap3A_68, %swap3A_69], %broadcast_in_dim3A_67 {strides = array<i32>} : memref<64x1xf32, #tpu.memory_space<vmem>>, vector<64x1xf32>,
    } else {
    }
    %get3A_47 = arith.constant 0 : index
    %get3A_48 = arith.constant 0 : index
    %get3A_49 = vector.load %arg8[%get3A_47, %get3A_48] : memref<64x64xf32, #tpu.memory_space<vmem>>, vector<64x64xf32>
    %add3A_50 = arith.addf %get3A_49, %dot_general3A_38 : vector<64x64xf32>
    %swap3A_51 = arith.constant 0 : index
    %swap3A_52 = arith.constant 0 : index
    %swap3A_53 = vector.load %arg8[%swap3A_51, %swap3A_52] : memref<64x64xf32, #tpu.memory_space<vmem>>, vector<64x64xf32>
    tpu.vector_store %arg8[%swap3A_51, %swap3A_52], %add3A_50 {strides = array<i32>} : memref<64x64xf32, #tpu.memory_space<vmem>>, vector<64x64xf32>,
    %get3A_54 = arith.constant 0 : index
    %get3A_55 = arith.constant 0 : index
    %get3A_56 = vector.load %arg9[%get3A_54, %get3A_55] : memref<64x1xf32, #tpu.memory_space<vmem>>, vector<64x1xf32>
    %add3A_57 = arith.addf %get3A_56, %dot_general3A_42 : vector<64x1xf32>
    %swap3A_58 = arith.constant 0 : index
    %swap3A_59 = arith.constant 0 : index
    %swap3A_60 = vector.load %arg9[%swap3A_58, %swap3A_59] : memref<64x1xf32, #tpu.memory_space<vmem>>, vector<64x1xf32>
    tpu.vector_store %arg9[%swap3A_58, %swap3A_59], %add3A_57 {strides = array<i32>} : memref<64x1xf32, #tpu.memory_space<vmem>>, vector<64x1xf32>,
    return
  }
  func.func @transform_0(%arg0: i32) -> (i32, i32) {
    %c0_i32 = arith.constant 0 : i32
    %c0_i32_0 = arith.constant 0 : i32
    return %arg0, %c0_i32 : i32, i32
  }
  func.func @transform_1(%arg0: i32) -> (i32, i32) {
    %c0_i32 = arith.constant 0 : i32
    %c0_i32_0 = arith.constant 0 : i32
    return %arg0, %c0_i32 : i32, i32
  }
  func.func @transform_2(%arg0: i32) -> (i32, i32) {
    %c0_i32 = arith.constant 0 : i32
    %c0_i32_0 = arith.constant 0 : i32
    %c0_i32_1 = arith.constant 0 : i32
    return %c0_i32, %c0_i32_0 : i32, i32
  }
  func.func @transform_3(%arg0: i32) -> (i32, i32) {
    %c0_i32 = arith.constant 0 : i32
    %c0_i32_0 = arith.constant 0 : i32
    %c0_i32_1 = arith.constant 0 : i32
    return %c0_i32, %c0_i32_0 : i32, i32
  }
  func.func @transform_4(%arg0: i32) -> (i32, i32) {
    %c0_i32 = arith.constant 0 : i32
    %c0_i32_0 = arith.constant 0 : i32
    %c0_i32_1 = arith.constant 0 : i32
    return %c0_i32, %c0_i32_0 : i32, i32
  }
  func.func @transform_5(%arg0: i32) -> (i32, i32) {
    %c0_i32 = arith.constant 0 : i32
    %c0_i32_0 = arith.constant 0 : i32
    %c0_i32_1 = arith.constant 0 : i32
    return %c0_i32, %c0_i32_0 : i32, i32
  }
  func.func @transform_6(%arg0: i32) -> (i32, i32) {
    %c0_i32 = arith.constant 0 : i32
    %c0_i32_0 = arith.constant 0 : i32
    return %arg0, %c0_i32 : i32, i32
  }
  func.func @transform_7(%arg0: i32) -> (i32, i32) {
    %c0_i32 = arith.constant 0 : i32
    %c0_i32_0 = arith.constant 0 : i32
    %c0_i32_1 = arith.constant 0 : i32
    return %c0_i32, %c0_i32_0 : i32, i32
  }
  func.func @transform_8(%arg0: i32) -> (i32, i32) {
    %c0_i32 = arith.constant 0 : i32
    %c0_i32_0 = arith.constant 0 : i32
    %c0_i32_1 = arith.constant 0 : i32
    return %c0_i32, %c0_i32_0 : i32, i32
  }
}

module attributes {stable_mosaic.version = 14 : i64} {
  func.func @body(%arg0: i32, %arg1: memref<2x2000x128xf32, #tpu.memory_space<vmem>>, %arg2: memref<64x64xf32, #tpu.memory_space<vmem>>, %arg3: memref<1x64xf32, #tpu.memory_space<vmem>>, %arg4: memref<64x64xf32, #tpu.memory_space<vmem>>, %arg5: memref<64x64xf32, #tpu.memory_space<vmem>>, %arg6: memref<64x64xf32, #tpu.memory_space<vmem>>, %arg7: memref<64x1xf32, #tpu.memory_space<vmem>>, %arg8: memref<64x64xf32, #tpu.memory_space<vmem>>, %arg9: memref<64x64xf32, #tpu.memory_space<vmem>>, %arg10: memref<64x64xf32, #tpu.memory_space<vmem>>, %arg11: memref<1x64xf32, #tpu.memory_space<vmem>>, %arg12: memref<64x64xf32, #tpu.memory_space<vmem>>, %arg13: memref<1x64xf32, #tpu.memory_space<vmem>>, %arg14: memref<2000x64xf32, #tpu.memory_space<vmem>>, %arg15: memref<2000x128xf32, #tpu.memory_space<vmem>>, %arg16: memref<2000x1xf32, #tpu.memory_space<vmem>>, %arg17: memref<64x64xf32, #tpu.memory_space<vmem>>, %arg18: memref<64x64xf32, #tpu.memory_space<vmem>>, %arg19: memref<64x64xf32, #tpu.memory_space<vmem>>) attributes {dimension_semantics = [#tpu.dimension_semantics<arbitrary>], iteration_bounds = array<i64: 5>, scalar_prefetch = 0 : i64, scratch_operands = 0 : i64, tpu.core_type = #tpu.core_type<tc>, window_params = [{transform_indices = @transform_0, window_bounds = array<i64: 2, 2000, 128>}, {pipeline_mode = #tpu.pipeline_mode<synchronous>, transform_indices = @transform_1, window_bounds = array<i64: 64, 64>}, {pipeline_mode = #tpu.pipeline_mode<synchronous>, transform_indices = @transform_2, window_bounds = array<i64: 1, 64>}, {pipeline_mode = #tpu.pipeline_mode<synchronous>, transform_indices = @transform_3, window_bounds = array<i64: 64, 64>}, {pipeline_mode = #tpu.pipeline_mode<synchronous>, transform_indices = @transform_4, window_bounds = array<i64: 64, 64>}, {pipeline_mode = #tpu.pipeline_mode<synchronous>, transform_indices = @transform_5, window_bounds = array<i64: 64, 64>}, {pipeline_mode = #tpu.pipeline_mode<synchronous>, transform_indices = @transform_6, window_bounds = array<i64: 64, 1>}, {pipeline_mode = #tpu.pipeline_mode<synchronous>, transform_indices = @transform_7, window_bounds = array<i64: 64, 64>}, {pipeline_mode = #tpu.pipeline_mode<synchronous>, transform_indices = @transform_8, window_bounds = array<i64: 64, 64>}, {pipeline_mode = #tpu.pipeline_mode<synchronous>, transform_indices = @transform_9, window_bounds = array<i64: 64, 64>}, {pipeline_mode = #tpu.pipeline_mode<synchronous>, transform_indices = @transform_10, window_bounds = array<i64: 1, 64>}, {pipeline_mode = #tpu.pipeline_mode<synchronous>, transform_indices = @transform_11, window_bounds = array<i64: 64, 64>}, {pipeline_mode = #tpu.pipeline_mode<synchronous>, transform_indices = @transform_12, window_bounds = array<i64: 1, 64>}, {transform_indices = @transform_13, window_bounds = array<i64: 2000, 64>}, {transform_indices = @transform_14, window_bounds = array<i64: 2000, 128>}, {transform_indices = @transform_15, window_bounds = array<i64: 2000, 1>}, {pipeline_mode = #tpu.pipeline_mode<synchronous>, transform_indices = @transform_16, window_bounds = array<i64: 64, 64>}, {pipeline_mode = #tpu.pipeline_mode<synchronous>, transform_indices = @transform_17, window_bounds = array<i64: 64, 64>}, {pipeline_mode = #tpu.pipeline_mode<synchronous>, transform_indices = @transform_18, window_bounds = array<i64: 64, 64>}]} {
    %get3A = arith.constant 0 : index
    %get3A_0 = arith.constant 0 : index
    %get3A_1 = arith.constant 0 : index
    %get3A_2 = vector.load %arg1[%get3A, %get3A_0, %get3A_1] : memref<2x2000x128xf32, #tpu.memory_space<vmem>>, vector<1x2000x128xf32>
    %get3A_3 = vector.shape_cast %get3A_2 : vector<1x2000x128xf32> to vector<2000x128xf32>
    %get3A_4 = arith.constant 1 : index
    %get3A_5 = arith.constant 0 : index
    %get3A_6 = arith.constant 0 : index
    %get3A_7 = vector.load %arg1[%get3A_4, %get3A_5, %get3A_6] : memref<2x2000x128xf32, #tpu.memory_space<vmem>>, vector<1x2000x128xf32>
    %get3A_8 = vector.shape_cast %get3A_7 : vector<1x2000x128xf32> to vector<2000x128xf32>
    %add3A = arith.addf %get3A_3, %get3A_8 : vector<2000x128xf32>
    %slice3A = vector.extract_strided_slice %add3A {offsets = [0, 0], sizes = [2000, 64], strides = [1, 1]} : vector<2000x128xf32> to vector<2000x64xf32>
    %slice3A_9 = vector.extract_strided_slice %add3A {offsets = [0, 64], sizes = [2000, 64], strides = [1, 1]} : vector<2000x128xf32> to vector<2000x64xf32>
    %reduce_sum3A = arith.constant dense<0.000000e+00> : vector<2000xf32>
    %reduce_sum3A_10 = vector.multi_reduction <add>, %slice3A_9, %reduce_sum3A [1] : vector<2000x64xf32> to vector<2000xf32>
    %broadcast_in_dim3A = vector.shape_cast %reduce_sum3A_10 : vector<2000xf32> to vector<2000x1xf32>
    %max3A = arith.constant 1.000000e+00 : f32
    %max3A_11 = vector.broadcast %max3A : f32 to vector<2000x1xf32>
    %max3A_12 = arith.maximumf %broadcast_in_dim3A, %max3A_11 : vector<2000x1xf32>
    %div3A = arith.constant 1.000000e+00 : f32
    %div3A_13 = vector.broadcast %div3A : f32 to vector<2000x1xf32>
    %div3A_14 = arith.divf %div3A_13, %max3A_12 : vector<2000x1xf32>
    %swap3A = arith.constant 0 : index
    %swap3A_15 = arith.constant 0 : index
    %swap3A_16 = vector.load %arg16[%swap3A, %swap3A_15] : memref<2000x1xf32, #tpu.memory_space<vmem>>, vector<2000x1xf32>
    tpu.vector_store %arg16[%swap3A, %swap3A_15], %div3A_14 {strides = array<i32>} : memref<2000x1xf32, #tpu.memory_space<vmem>>, vector<2000x1xf32>,
    %mul3A = vector.broadcast %div3A_14 : vector<2000x1xf32> to vector<2000x64xf32>
    %mul3A_17 = arith.mulf %slice3A, %mul3A : vector<2000x64xf32>
    %get3A_18 = arith.constant 0 : index
    %get3A_19 = arith.constant 0 : index
    %get3A_20 = vector.load %arg3[%get3A_18, %get3A_19] : memref<1x64xf32, #tpu.memory_space<vmem>>, vector<1x64xf32>
    %get3A_21 = arith.constant 0 : index
    %get3A_22 = arith.constant 0 : index
    %get3A_23 = vector.load %arg2[%get3A_21, %get3A_22] : memref<64x64xf32, #tpu.memory_space<vmem>>, vector<64x64xf32>
    %dot_general3A = arith.constant dense<0.000000e+00> : vector<2000x64xf32>
    %dot_general3A_24 = tpu.matmul %mul3A_17, %get3A_23, %dot_general3A {dimension_numbers = #tpu.dot_dimension_numbers<[1], [0], [0], [1], [0, 0, 1, 1], [], []>, transpose_lhs_hint = false} : vector<2000x64xf32>, vector<64x64xf32>, vector<2000x64xf32> -> vector<2000x64xf32>
    %add3A_25 = vector.broadcast %get3A_20 : vector<1x64xf32> to vector<2000x64xf32>
    %add3A_26 = arith.addf %add3A_25, %dot_general3A_24 : vector<2000x64xf32>
    %max3A_27 = arith.constant 0.000000e+00 : f32
    %max3A_28 = vector.broadcast %max3A_27 : f32 to vector<2000x64xf32>
    %max3A_29 = arith.maximumf %add3A_26, %max3A_28 : vector<2000x64xf32>
    %add3A_30 = arith.constant 1.000000e+00 : f32
    %add3A_31 = vector.broadcast %add3A_30 : f32 to vector<2000x64xf32>
    %add3A_32 = arith.addf %max3A_29, %add3A_31 : vector<2000x64xf32>
    %max3A_33 = arith.constant 0.000000e+00 : f32
    %max3A_34 = vector.broadcast %max3A_33 : f32 to vector<2000x64xf32>
    %max3A_35 = arith.maximumf %add3A_32, %max3A_34 : vector<2000x64xf32>
    %swap3A_36 = arith.constant 0 : index
    %swap3A_37 = arith.constant 0 : index
    %swap3A_38 = vector.load %arg14[%swap3A_36, %swap3A_37] : memref<2000x64xf32, #tpu.memory_space<vmem>>, vector<2000x64xf32>
    tpu.vector_store %arg14[%swap3A_36, %swap3A_37], %max3A_35 {strides = array<i32>} : memref<2000x64xf32, #tpu.memory_space<vmem>>, vector<2000x64xf32>,
    %get3A_39 = arith.constant 0 : index
    %get3A_40 = arith.constant 0 : index
    %get3A_41 = vector.load %arg4[%get3A_39, %get3A_40] : memref<64x64xf32, #tpu.memory_space<vmem>>, vector<64x64xf32>
    %dot_general3A_42 = arith.constant dense<0.000000e+00> : vector<2000x64xf32>
    %dot_general3A_43 = tpu.matmul %max3A_29, %get3A_41, %dot_general3A_42 {dimension_numbers = #tpu.dot_dimension_numbers<[1], [0], [0], [1], [0, 0, 1, 1], [], []>, transpose_lhs_hint = false} : vector<2000x64xf32>, vector<64x64xf32>, vector<2000x64xf32> -> vector<2000x64xf32>
    %get3A_44 = arith.constant 0 : index
    %get3A_45 = arith.constant 0 : index
    %get3A_46 = vector.load %arg5[%get3A_44, %get3A_45] : memref<64x64xf32, #tpu.memory_space<vmem>>, vector<64x64xf32>
    %dot_general3A_47 = arith.constant dense<0.000000e+00> : vector<2000x64xf32>
    %dot_general3A_48 = tpu.matmul %max3A_35, %get3A_46, %dot_general3A_47 {dimension_numbers = #tpu.dot_dimension_numbers<[1], [0], [0], [1], [0, 0, 1, 1], [], []>, transpose_lhs_hint = false} : vector<2000x64xf32>, vector<64x64xf32>, vector<2000x64xf32> -> vector<2000x64xf32>
    %concatenate3A = tpu.concatenate %dot_general3A_43, %dot_general3A_48 in 1 : vector<2000x64xf32>, vector<2000x64xf32> -> vector<2000x128xf32>
    %swap3A_49 = arith.constant 0 : index
    %swap3A_50 = arith.constant 0 : index
    %swap3A_51 = vector.load %arg15[%swap3A_49, %swap3A_50] : memref<2000x128xf32, #tpu.memory_space<vmem>>, vector<2000x128xf32>
    tpu.vector_store %arg15[%swap3A_49, %swap3A_50], %concatenate3A {strides = array<i32>} : memref<2000x128xf32, #tpu.memory_space<vmem>>, vector<2000x128xf32>,
    %eq3A = arith.constant 0 : i32
    %eq3A_52 = arith.cmpi eq, %arg0, %eq3A : i32
    %convert_element_type3A = arith.extui %eq3A_52 : i1 to i32
    %cond3A = arith.constant 0 : i32
    %cond3A_53 = arith.cmpi ne, %convert_element_type3A, %cond3A : i32
    scf.if %cond3A_53 {
      %get3A_54 = arith.constant 0 : index
      %get3A_55 = arith.constant 0 : index
      %get3A_56 = vector.load %arg7[%get3A_54, %get3A_55] : memref<64x1xf32, #tpu.memory_space<vmem>>, vector<64x1xf32>
      %max3A_57 = arith.constant 1.000000e+00 : f32
      %max3A_58 = vector.broadcast %max3A_57 : f32 to vector<64x1xf32>
      %max3A_59 = arith.maximumf %get3A_56, %max3A_58 : vector<64x1xf32>
      %div3A_60 = arith.constant 1.000000e+00 : f32
      %div3A_61 = vector.broadcast %div3A_60 : f32 to vector<64x1xf32>
      %div3A_62 = arith.divf %div3A_61, %max3A_59 : vector<64x1xf32>
      %get3A_63 = arith.constant 0 : index
      %get3A_64 = arith.constant 0 : index
      %get3A_65 = vector.load %arg6[%get3A_63, %get3A_64] : memref<64x64xf32, #tpu.memory_space<vmem>>, vector<64x64xf32>
      %mul3A_66 = vector.broadcast %div3A_62 : vector<64x1xf32> to vector<64x64xf32>
      %mul3A_67 = arith.mulf %get3A_65, %mul3A_66 : vector<64x64xf32>
      %get3A_68 = arith.constant 0 : index
      %get3A_69 = arith.constant 0 : index
      %get3A_70 = vector.load %arg8[%get3A_68, %get3A_69] : memref<64x64xf32, #tpu.memory_space<vmem>>, vector<64x64xf32>
      %get3A_71 = arith.constant 0 : index
      %get3A_72 = arith.constant 0 : index
      %get3A_73 = vector.load %arg9[%get3A_71, %get3A_72] : memref<64x64xf32, #tpu.memory_space<vmem>>, vector<64x64xf32>
      %dot_general3A_74 = arith.constant dense<0.000000e+00> : vector<64x64xf32>
      %dot_general3A_75 = tpu.matmul %mul3A_67, %get3A_73, %dot_general3A_74 {dimension_numbers = #tpu.dot_dimension_numbers<[1], [0], [0], [1], [0, 0, 1, 1], [], []>, transpose_lhs_hint = false} : vector<64x64xf32>, vector<64x64xf32>, vector<64x64xf32> -> vector<64x64xf32>
      %add3A_76 = arith.addf %get3A_70, %dot_general3A_75 : vector<64x64xf32>
      %max3A_77 = arith.constant 0.000000e+00 : f32
      %max3A_78 = vector.broadcast %max3A_77 : f32 to vector<64x64xf32>
      %max3A_79 = arith.maximumf %add3A_76, %max3A_78 : vector<64x64xf32>
      %iota3A = tpu.iota {dimensions = array<i32: 0>} : vector<64x64xi32>
      %iota3A_80 = tpu.iota {dimensions = array<i32: 1>} : vector<64x64xi32>
      %eq3A_81 = arith.cmpi eq, %iota3A, %iota3A_80 : vector<64x64xi32>
      %convert_element_type3A_82 = arith.extui %eq3A_81 : vector<64x64xi1> to vector<64x64xi32>
      %convert_element_type3A_83 = arith.sitofp %convert_element_type3A_82 : vector<64x64xi32> to vector<64x64xf32>
      %add3A_84 = arith.addf %max3A_79, %convert_element_type3A_83 : vector<64x64xf32>
      %max3A_85 = arith.constant 0.000000e+00 : f32
      %max3A_86 = vector.broadcast %max3A_85 : f32 to vector<64x64xf32>
      %max3A_87 = arith.maximumf %add3A_84, %max3A_86 : vector<64x64xf32>
      %swap3A_88 = arith.constant 0 : index
      %swap3A_89 = arith.constant 0 : index
      %swap3A_90 = vector.load %arg17[%swap3A_88, %swap3A_89] : memref<64x64xf32, #tpu.memory_space<vmem>>, vector<64x64xf32>
      tpu.vector_store %arg17[%swap3A_88, %swap3A_89], %max3A_87 {strides = array<i32>} : memref<64x64xf32, #tpu.memory_space<vmem>>, vector<64x64xf32>,
      %get3A_91 = arith.constant 0 : index
      %get3A_92 = arith.constant 0 : index
      %get3A_93 = vector.load %arg10[%get3A_91, %get3A_92] : memref<64x64xf32, #tpu.memory_space<vmem>>, vector<64x64xf32>
      %dot_general3A_94 = arith.constant dense<0.000000e+00> : vector<64x64xf32>
      %dot_general3A_95 = tpu.matmul %max3A_79, %get3A_93, %dot_general3A_94 {dimension_numbers = #tpu.dot_dimension_numbers<[1], [0], [0], [1], [0, 0, 1, 1], [], []>, transpose_lhs_hint = false} : vector<64x64xf32>, vector<64x64xf32>, vector<64x64xf32> -> vector<64x64xf32>
      %get3A_96 = arith.constant 0 : index
      %get3A_97 = arith.constant 0 : index
      %get3A_98 = vector.load %arg11[%get3A_96, %get3A_97] : memref<1x64xf32, #tpu.memory_space<vmem>>, vector<1x64xf32>
      %add3A_99 = vector.broadcast %get3A_98 : vector<1x64xf32> to vector<64x64xf32>
      %add3A_100 = arith.addf %dot_general3A_95, %add3A_99 : vector<64x64xf32>
      %swap3A_101 = arith.constant 0 : index
      %swap3A_102 = arith.constant 0 : index
      %swap3A_103 = vector.load %arg18[%swap3A_101, %swap3A_102] : memref<64x64xf32, #tpu.memory_space<vmem>>, vector<64x64xf32>
      tpu.vector_store %arg18[%swap3A_101, %swap3A_102], %add3A_100 {strides = array<i32>} : memref<64x64xf32, #tpu.memory_space<vmem>>, vector<64x64xf32>,
      %get3A_104 = arith.constant 0 : index
      %get3A_105 = arith.constant 0 : index
      %get3A_106 = vector.load %arg12[%get3A_104, %get3A_105] : memref<64x64xf32, #tpu.memory_space<vmem>>, vector<64x64xf32>
      %dot_general3A_107 = arith.constant dense<0.000000e+00> : vector<64x64xf32>
      %dot_general3A_108 = tpu.matmul %max3A_87, %get3A_106, %dot_general3A_107 {dimension_numbers = #tpu.dot_dimension_numbers<[1], [0], [0], [1], [0, 0, 1, 1], [], []>, transpose_lhs_hint = false} : vector<64x64xf32>, vector<64x64xf32>, vector<64x64xf32> -> vector<64x64xf32>
      %get3A_109 = arith.constant 0 : index
      %get3A_110 = arith.constant 0 : index
      %get3A_111 = vector.load %arg13[%get3A_109, %get3A_110] : memref<1x64xf32, #tpu.memory_space<vmem>>, vector<1x64xf32>
      %add3A_112 = vector.broadcast %get3A_111 : vector<1x64xf32> to vector<64x64xf32>
      %add3A_113 = arith.addf %dot_general3A_108, %add3A_112 : vector<64x64xf32>
      %swap3A_114 = arith.constant 0 : index
      %swap3A_115 = arith.constant 0 : index
      %swap3A_116 = vector.load %arg19[%swap3A_114, %swap3A_115] : memref<64x64xf32, #tpu.memory_space<vmem>>, vector<64x64xf32>
      tpu.vector_store %arg19[%swap3A_114, %swap3A_115], %add3A_113 {strides = array<i32>} : memref<64x64xf32, #tpu.memory_space<vmem>>, vector<64x64xf32>,
    } else {
    }
    return
  }
  func.func @transform_0(%arg0: i32) -> (i32, i32, i32) {
    %c0_i32 = arith.constant 0 : i32
    %c0_i32_0 = arith.constant 0 : i32
    %c0_i32_1 = arith.constant 0 : i32
    return %c0_i32, %arg0, %c0_i32_0 : i32, i32, i32
  }
  func.func @transform_1(%arg0: i32) -> (i32, i32) {
    %c0_i32 = arith.constant 0 : i32
    %c0_i32_0 = arith.constant 0 : i32
    %c0_i32_1 = arith.constant 0 : i32
    return %c0_i32, %c0_i32_0 : i32, i32
  }
  func.func @transform_2(%arg0: i32) -> (i32, i32) {
    %c0_i32 = arith.constant 0 : i32
    %c0_i32_0 = arith.constant 0 : i32
    %c0_i32_1 = arith.constant 0 : i32
    return %c0_i32, %c0_i32_0 : i32, i32
  }
  func.func @transform_3(%arg0: i32) -> (i32, i32) {
    %c0_i32 = arith.constant 0 : i32
    %c0_i32_0 = arith.constant 0 : i32
    %c0_i32_1 = arith.constant 0 : i32
    return %c0_i32, %c0_i32_0 : i32, i32
  }
  func.func @transform_4(%arg0: i32) -> (i32, i32) {
    %c0_i32 = arith.constant 0 : i32
    %c0_i32_0 = arith.constant 0 : i32
    %c0_i32_1 = arith.constant 0 : i32
    return %c0_i32, %c0_i32_0 : i32, i32
  }
  func.func @transform_5(%arg0: i32) -> (i32, i32) {
    %c0_i32 = arith.constant 0 : i32
    %c0_i32_0 = arith.constant 0 : i32
    %c0_i32_1 = arith.constant 0 : i32
    return %c0_i32, %c0_i32_0 : i32, i32
  }
  func.func @transform_6(%arg0: i32) -> (i32, i32) {
    %c0_i32 = arith.constant 0 : i32
    %c0_i32_0 = arith.constant 0 : i32
    %c0_i32_1 = arith.constant 0 : i32
    return %c0_i32, %c0_i32_0 : i32, i32
  }
  func.func @transform_7(%arg0: i32) -> (i32, i32) {
    %c0_i32 = arith.constant 0 : i32
    %c0_i32_0 = arith.constant 0 : i32
    %c0_i32_1 = arith.constant 0 : i32
    return %c0_i32, %c0_i32_0 : i32, i32
  }
  func.func @transform_8(%arg0: i32) -> (i32, i32) {
    %c0_i32 = arith.constant 0 : i32
    %c0_i32_0 = arith.constant 0 : i32
    %c0_i32_1 = arith.constant 0 : i32
    return %c0_i32, %c0_i32_0 : i32, i32
  }
  func.func @transform_9(%arg0: i32) -> (i32, i32) {
    %c0_i32 = arith.constant 0 : i32
    %c0_i32_0 = arith.constant 0 : i32
    %c0_i32_1 = arith.constant 0 : i32
    return %c0_i32, %c0_i32_0 : i32, i32
  }
  func.func @transform_10(%arg0: i32) -> (i32, i32) {
    %c0_i32 = arith.constant 0 : i32
    %c0_i32_0 = arith.constant 0 : i32
    %c0_i32_1 = arith.constant 0 : i32
    return %c0_i32, %c0_i32_0 : i32, i32
  }
  func.func @transform_11(%arg0: i32) -> (i32, i32) {
    %c0_i32 = arith.constant 0 : i32
    %c0_i32_0 = arith.constant 0 : i32
    %c0_i32_1 = arith.constant 0 : i32
    return %c0_i32, %c0_i32_0 : i32, i32
  }
  func.func @transform_12(%arg0: i32) -> (i32, i32) {
    %c0_i32 = arith.constant 0 : i32
    %c0_i32_0 = arith.constant 0 : i32
    %c0_i32_1 = arith.constant 0 : i32
    return %c0_i32, %c0_i32_0 : i32, i32
  }
  func.func @transform_13(%arg0: i32) -> (i32, i32) {
    %c0_i32 = arith.constant 0 : i32
    %c0_i32_0 = arith.constant 0 : i32
    return %arg0, %c0_i32 : i32, i32
  }
  func.func @transform_14(%arg0: i32) -> (i32, i32) {
    %c0_i32 = arith.constant 0 : i32
    %c0_i32_0 = arith.constant 0 : i32
    return %arg0, %c0_i32 : i32, i32
  }
  func.func @transform_15(%arg0: i32) -> (i32, i32) {
    %c0_i32 = arith.constant 0 : i32
    %c0_i32_0 = arith.constant 0 : i32
    return %arg0, %c0_i32 : i32, i32
  }
  func.func @transform_16(%arg0: i32) -> (i32, i32) {
    %c0_i32 = arith.constant 0 : i32
    %c0_i32_0 = arith.constant 0 : i32
    %c0_i32_1 = arith.constant 0 : i32
    return %c0_i32, %c0_i32_0 : i32, i32
  }
  func.func @transform_17(%arg0: i32) -> (i32, i32) {
    %c0_i32 = arith.constant 0 : i32
    %c0_i32_0 = arith.constant 0 : i32
    %c0_i32_1 = arith.constant 0 : i32
    return %c0_i32, %c0_i32_0 : i32, i32
  }
  func.func @transform_18(%arg0: i32) -> (i32, i32) {
    %c0_i32 = arith.constant 0 : i32
    %c0_i32_0 = arith.constant 0 : i32
    %c0_i32_1 = arith.constant 0 : i32
    return %c0_i32, %c0_i32_0 : i32, i32
  }
}

module attributes {stable_mosaic.version = 14 : i64} {
  func.func @body(%arg0: i32, %arg1: memref<2000x1xf32, #tpu.memory_space<vmem>>, %arg2: memref<2000x1xi32, #tpu.memory_space<vmem>>, %arg3: memref<2000x128xf32, #tpu.memory_space<vmem>>, %arg4: memref<64x64xf32, #tpu.memory_space<vmem>>, %arg5: memref<64x64xf32, #tpu.memory_space<vmem>>, %arg6: memref<64x64xf32, #tpu.memory_space<vmem>>, %arg7: memref<64x64xf32, #tpu.memory_space<vmem>>, %arg8: memref<1x64xf32, #tpu.memory_space<vmem>>, %arg9: memref<1x64xf32, #tpu.memory_space<vmem>>, %arg10: memref<2000x64xf32, #tpu.memory_space<vmem>>, %arg11: memref<2000x128xf32, #tpu.memory_space<vmem>>, %arg12: memref<64x64xf32, #tpu.memory_space<vmem>>) attributes {dimension_semantics = [#tpu.dimension_semantics<arbitrary>], iteration_bounds = array<i64: 160>, scalar_prefetch = 0 : i64, scratch_operands = 0 : i64, tpu.core_type = #tpu.core_type<tc>, window_params = [{transform_indices = @transform_0, window_bounds = array<i64: 2000, 1>}, {transform_indices = @transform_1, window_bounds = array<i64: 2000, 1>}, {transform_indices = @transform_2, window_bounds = array<i64: 2000, 128>}, {pipeline_mode = #tpu.pipeline_mode<synchronous>, transform_indices = @transform_3, window_bounds = array<i64: 64, 64>}, {pipeline_mode = #tpu.pipeline_mode<synchronous>, transform_indices = @transform_4, window_bounds = array<i64: 64, 64>}, {pipeline_mode = #tpu.pipeline_mode<synchronous>, transform_indices = @transform_5, window_bounds = array<i64: 64, 64>}, {pipeline_mode = #tpu.pipeline_mode<synchronous>, transform_indices = @transform_6, window_bounds = array<i64: 64, 64>}, {pipeline_mode = #tpu.pipeline_mode<synchronous>, transform_indices = @transform_7, window_bounds = array<i64: 1, 64>}, {pipeline_mode = #tpu.pipeline_mode<synchronous>, transform_indices = @transform_8, window_bounds = array<i64: 1, 64>}, {transform_indices = @transform_9, window_bounds = array<i64: 2000, 64>}, {transform_indices = @transform_10, window_bounds = array<i64: 2000, 128>}, {pipeline_mode = #tpu.pipeline_mode<synchronous>, transform_indices = @transform_11, window_bounds = array<i64: 64, 64>}]} {
    %get3A = arith.constant 0 : index
    %get3A_0 = arith.constant 0 : index
    %get3A_1 = vector.load %arg1[%get3A, %get3A_0] : memref<2000x1xf32, #tpu.memory_space<vmem>>, vector<2000x1xf32>
    %get3A_2 = arith.constant 0 : index
    %get3A_3 = arith.constant 0 : index
    %get3A_4 = vector.load %arg2[%get3A_2, %get3A_3] : memref<2000x1xi32, #tpu.memory_space<vmem>>, vector<2000x1xi32>
    %iota3A = tpu.iota {dimensions = array<i32: 1>} : vector<2000x64xi32>
    %eq3A = vector.broadcast %get3A_4 : vector<2000x1xi32> to vector<2000x64xi32>
    %eq3A_5 = arith.cmpi eq, %iota3A, %eq3A : vector<2000x64xi32>
    %convert_element_type3A = arith.extui %eq3A_5 : vector<2000x64xi1> to vector<2000x64xi32>
    %convert_element_type3A_6 = arith.sitofp %convert_element_type3A : vector<2000x64xi32> to vector<2000x64xf32>
    %get3A_7 = arith.constant 0 : index
    %get3A_8 = arith.constant 0 : index
    %get3A_9 = vector.load %arg3[%get3A_7, %get3A_8] : memref<2000x128xf32, #tpu.memory_space<vmem>>, vector<2000x128xf32>
    %get3A_10 = arith.constant 0 : index
    %get3A_11 = arith.constant 0 : index
    %get3A_12 = vector.load %arg9[%get3A_10, %get3A_11] : memref<1x64xf32, #tpu.memory_space<vmem>>, vector<1x64xf32>
    %mul3A = vector.broadcast %get3A_1 : vector<2000x1xf32> to vector<2000x64xf32>
    %mul3A_13 = vector.broadcast %get3A_12 : vector<1x64xf32> to vector<2000x64xf32>
    %mul3A_14 = arith.mulf %mul3A, %mul3A_13 : vector<2000x64xf32>
    %slice3A = vector.extract_strided_slice %get3A_9 {offsets = [0, 0], sizes = [2000, 64], strides = [1, 1]} : vector<2000x128xf32> to vector<2000x64xf32>
    %add3A = arith.addf %mul3A_14, %slice3A : vector<2000x64xf32>
    %get3A_15 = arith.constant 0 : index
    %get3A_16 = arith.constant 0 : index
    %get3A_17 = vector.load %arg4[%get3A_15, %get3A_16] : memref<64x64xf32, #tpu.memory_space<vmem>>, vector<64x64xf32>
    %dot_general3A = arith.constant dense<0.000000e+00> : vector<2000x64xf32>
    %dot_general3A_18 = tpu.matmul %convert_element_type3A_6, %get3A_17, %dot_general3A {dimension_numbers = #tpu.dot_dimension_numbers<[1], [0], [0], [1], [0, 0, 1, 1], [], []>, transpose_lhs_hint = false} : vector<2000x64xf32>, vector<64x64xf32>, vector<2000x64xf32> -> vector<2000x64xf32>
    %add3A_19 = arith.addf %add3A, %dot_general3A_18 : vector<2000x64xf32>
    %max3A = arith.constant 0.000000e+00 : f32
    %max3A_20 = vector.broadcast %max3A : f32 to vector<2000x64xf32>
    %max3A_21 = arith.maximumf %add3A_19, %max3A_20 : vector<2000x64xf32>
    %add3A_22 = vector.broadcast %get3A_1 : vector<2000x1xf32> to vector<2000x64xf32>
    %add3A_23 = arith.addf %max3A_21, %add3A_22 : vector<2000x64xf32>
    %max3A_24 = arith.constant 0.000000e+00 : f32
    %max3A_25 = vector.broadcast %max3A_24 : f32 to vector<2000x64xf32>
    %max3A_26 = arith.maximumf %add3A_23, %max3A_25 : vector<2000x64xf32>
    %swap3A = arith.constant 0 : index
    %swap3A_27 = arith.constant 0 : index
    %swap3A_28 = vector.load %arg10[%swap3A, %swap3A_27] : memref<2000x64xf32, #tpu.memory_space<vmem>>, vector<2000x64xf32>
    tpu.vector_store %arg10[%swap3A, %swap3A_27], %max3A_26 {strides = array<i32>} : memref<2000x64xf32, #tpu.memory_space<vmem>>, vector<2000x64xf32>,
    %get3A_29 = arith.constant 0 : index
    %get3A_30 = arith.constant 0 : index
    %get3A_31 = vector.load %arg5[%get3A_29, %get3A_30] : memref<64x64xf32, #tpu.memory_space<vmem>>, vector<64x64xf32>
    %dot_general3A_32 = arith.constant dense<0.000000e+00> : vector<2000x64xf32>
    %dot_general3A_33 = tpu.matmul %convert_element_type3A_6, %get3A_31, %dot_general3A_32 {dimension_numbers = #tpu.dot_dimension_numbers<[1], [0], [0], [1], [0, 0, 1, 1], [], []>, transpose_lhs_hint = false} : vector<2000x64xf32>, vector<64x64xf32>, vector<2000x64xf32> -> vector<2000x64xf32>
    %get3A_34 = arith.constant 0 : index
    %get3A_35 = arith.constant 0 : index
    %get3A_36 = vector.load %arg6[%get3A_34, %get3A_35] : memref<64x64xf32, #tpu.memory_space<vmem>>, vector<64x64xf32>
    %dot_general3A_37 = arith.constant dense<0.000000e+00> : vector<2000x64xf32>
    %dot_general3A_38 = tpu.matmul %max3A_26, %get3A_36, %dot_general3A_37 {dimension_numbers = #tpu.dot_dimension_numbers<[1], [0], [0], [1], [0, 0, 1, 1], [], []>, transpose_lhs_hint = false} : vector<2000x64xf32>, vector<64x64xf32>, vector<2000x64xf32> -> vector<2000x64xf32>
    %add3A_39 = arith.addf %dot_general3A_33, %dot_general3A_38 : vector<2000x64xf32>
    %max3A_40 = arith.constant 0.000000e+00 : f32
    %max3A_41 = vector.broadcast %max3A_40 : f32 to vector<2000x64xf32>
    %max3A_42 = arith.maximumf %add3A_39, %max3A_41 : vector<2000x64xf32>
    %broadcast_in_dim3A = arith.constant 1.000000e+00 : f32
    %broadcast_in_dim3A_43 = vector.broadcast %broadcast_in_dim3A : f32 to vector<2000x1xf32>
    %broadcast_in_dim3A_44 = arith.constant 0.000000e+00 : f32
    %broadcast_in_dim3A_45 = vector.broadcast %broadcast_in_dim3A_44 : f32 to vector<2000x63xf32>
    %concatenate3A = tpu.concatenate %max3A_42, %broadcast_in_dim3A_43, %broadcast_in_dim3A_45 in 1 : vector<2000x64xf32>, vector<2000x1xf32>, vector<2000x63xf32> -> vector<2000x128xf32>
    %swap3A_46 = arith.constant 0 : index
    %swap3A_47 = arith.constant 0 : index
    %swap3A_48 = vector.load %arg11[%swap3A_46, %swap3A_47] : memref<2000x128xf32, #tpu.memory_space<vmem>>, vector<2000x128xf32>
    tpu.vector_store %arg11[%swap3A_46, %swap3A_47], %concatenate3A {strides = array<i32>} : memref<2000x128xf32, #tpu.memory_space<vmem>>, vector<2000x128xf32>,
    %slice3A_49 = vector.extract_strided_slice %get3A_9 {offsets = [0, 64], sizes = [2000, 64], strides = [1, 1]} : vector<2000x128xf32> to vector<2000x64xf32>
    %get3A_50 = arith.constant 0 : index
    %get3A_51 = arith.constant 0 : index
    %get3A_52 = vector.load %arg7[%get3A_50, %get3A_51] : memref<64x64xf32, #tpu.memory_space<vmem>>, vector<64x64xf32>
    %dot_general3A_53 = arith.constant dense<0.000000e+00> : vector<2000x64xf32>
    %dot_general3A_54 = tpu.matmul %max3A_26, %get3A_52, %dot_general3A_53 {dimension_numbers = #tpu.dot_dimension_numbers<[1], [0], [0], [1], [0, 0, 1, 1], [], []>, transpose_lhs_hint = false} : vector<2000x64xf32>, vector<64x64xf32>, vector<2000x64xf32> -> vector<2000x64xf32>
    %add3A_55 = arith.addf %slice3A_49, %dot_general3A_54 : vector<2000x64xf32>
    %get3A_56 = arith.constant 0 : index
    %get3A_57 = arith.constant 0 : index
    %get3A_58 = vector.load %arg8[%get3A_56, %get3A_57] : memref<1x64xf32, #tpu.memory_space<vmem>>, vector<1x64xf32>
    %add3A_59 = vector.broadcast %get3A_58 : vector<1x64xf32> to vector<2000x64xf32>
    %add3A_60 = arith.addf %add3A_55, %add3A_59 : vector<2000x64xf32>
    %max3A_61 = arith.constant 0.000000e+00 : f32
    %max3A_62 = vector.broadcast %max3A_61 : f32 to vector<2000x64xf32>
    %max3A_63 = arith.maximumf %add3A_60, %max3A_62 : vector<2000x64xf32>
    %dot_general3A_64 = arith.constant dense<0.000000e+00> : vector<64x64xf32>
    %dot_general3A_65 = tpu.matmul %convert_element_type3A_6, %max3A_63, %dot_general3A_64 {dimension_numbers = #tpu.dot_dimension_numbers<[0], [0], [1], [1], [0, 1, 1, 1], [], []>, transpose_lhs_hint = false} : vector<2000x64xf32>, vector<2000x64xf32>, vector<64x64xf32> -> vector<64x64xf32>
    %eq3A_66 = arith.constant 0 : i32
    %eq3A_67 = arith.cmpi eq, %arg0, %eq3A_66 : i32
    %convert_element_type3A_68 = arith.extui %eq3A_67 : i1 to i32
    %cond3A = arith.constant 0 : i32
    %cond3A_69 = arith.cmpi ne, %convert_element_type3A_68, %cond3A : i32
    scf.if %cond3A_69 {
      %broadcast_in_dim3A_77 = arith.constant 0.000000e+00 : f32
      %broadcast_in_dim3A_78 = vector.broadcast %broadcast_in_dim3A_77 : f32 to vector<64x64xf32>
      %swap3A_79 = arith.constant 0 : index
      %swap3A_80 = arith.constant 0 : index
      %swap3A_81 = vector.load %arg12[%swap3A_79, %swap3A_80] : memref<64x64xf32, #tpu.memory_space<vmem>>, vector<64x64xf32>
      tpu.vector_store %arg12[%swap3A_79, %swap3A_80], %broadcast_in_dim3A_78 {strides = array<i32>} : memref<64x64xf32, #tpu.memory_space<vmem>>, vector<64x64xf32>,
    } else {
    }
    %get3A_70 = arith.constant 0 : index
    %get3A_71 = arith.constant 0 : index
    %get3A_72 = vector.load %arg12[%get3A_70, %get3A_71] : memref<64x64xf32, #tpu.memory_space<vmem>>, vector<64x64xf32>
    %add3A_73 = arith.addf %get3A_72, %dot_general3A_65 : vector<64x64xf32>
    %swap3A_74 = arith.constant 0 : index
    %swap3A_75 = arith.constant 0 : index
    %swap3A_76 = vector.load %arg12[%swap3A_74, %swap3A_75] : memref<64x64xf32, #tpu.memory_space<vmem>>, vector<64x64xf32>
    tpu.vector_store %arg12[%swap3A_74, %swap3A_75], %add3A_73 {strides = array<i32>} : memref<64x64xf32, #tpu.memory_space<vmem>>, vector<64x64xf32>,
    return
  }
  func.func @transform_0(%arg0: i32) -> (i32, i32) {
    %c0_i32 = arith.constant 0 : i32
    %c0_i32_0 = arith.constant 0 : i32
    return %arg0, %c0_i32 : i32, i32
  }
  func.func @transform_1(%arg0: i32) -> (i32, i32) {
    %c0_i32 = arith.constant 0 : i32
    %c0_i32_0 = arith.constant 0 : i32
    return %arg0, %c0_i32 : i32, i32
  }
  func.func @transform_2(%arg0: i32) -> (i32, i32) {
    %c0_i32 = arith.constant 0 : i32
    %c0_i32_0 = arith.constant 0 : i32
    return %arg0, %c0_i32 : i32, i32
  }
  func.func @transform_3(%arg0: i32) -> (i32, i32) {
    %c0_i32 = arith.constant 0 : i32
    %c0_i32_0 = arith.constant 0 : i32
    %c0_i32_1 = arith.constant 0 : i32
    return %c0_i32, %c0_i32_0 : i32, i32
  }
  func.func @transform_4(%arg0: i32) -> (i32, i32) {
    %c0_i32 = arith.constant 0 : i32
    %c0_i32_0 = arith.constant 0 : i32
    %c0_i32_1 = arith.constant 0 : i32
    return %c0_i32, %c0_i32_0 : i32, i32
  }
  func.func @transform_5(%arg0: i32) -> (i32, i32) {
    %c0_i32 = arith.constant 0 : i32
    %c0_i32_0 = arith.constant 0 : i32
    %c0_i32_1 = arith.constant 0 : i32
    return %c0_i32, %c0_i32_0 : i32, i32
  }
  func.func @transform_6(%arg0: i32) -> (i32, i32) {
    %c0_i32 = arith.constant 0 : i32
    %c0_i32_0 = arith.constant 0 : i32
    %c0_i32_1 = arith.constant 0 : i32
    return %c0_i32, %c0_i32_0 : i32, i32
  }
  func.func @transform_7(%arg0: i32) -> (i32, i32) {
    %c0_i32 = arith.constant 0 : i32
    %c0_i32_0 = arith.constant 0 : i32
    %c0_i32_1 = arith.constant 0 : i32
    return %c0_i32, %c0_i32_0 : i32, i32
  }
  func.func @transform_8(%arg0: i32) -> (i32, i32) {
    %c0_i32 = arith.constant 0 : i32
    %c0_i32_0 = arith.constant 0 : i32
    %c0_i32_1 = arith.constant 0 : i32
    return %c0_i32, %c0_i32_0 : i32, i32
  }
  func.func @transform_9(%arg0: i32) -> (i32, i32) {
    %c0_i32 = arith.constant 0 : i32
    %c0_i32_0 = arith.constant 0 : i32
    return %arg0, %c0_i32 : i32, i32
  }
  func.func @transform_10(%arg0: i32) -> (i32, i32) {
    %c0_i32 = arith.constant 0 : i32
    %c0_i32_0 = arith.constant 0 : i32
    return %arg0, %c0_i32 : i32, i32
  }
  func.func @transform_11(%arg0: i32) -> (i32, i32) {
    %c0_i32 = arith.constant 0 : i32
    %c0_i32_0 = arith.constant 0 : i32
    %c0_i32_1 = arith.constant 0 : i32
    return %c0_i32, %c0_i32_0 : i32, i32
  }
}

module attributes {stable_mosaic.version = 14 : i64} {
  func.func @body(%arg0: i32, %arg1: memref<2000x64xf32, #tpu.memory_space<vmem>>, %arg2: memref<2x2000x128xf32, #tpu.memory_space<vmem>>, %arg3: memref<2000x1xf32, #tpu.memory_space<vmem>>, %arg4: memref<64x64xf32, #tpu.memory_space<vmem>>, %arg5: memref<64x64xf32, #tpu.memory_space<vmem>>, %arg6: memref<1x64xf32, #tpu.memory_space<vmem>>, %arg7: memref<64x64xf32, #tpu.memory_space<vmem>>, %arg8: memref<64x64xf32, #tpu.memory_space<vmem>>, %arg9: memref<64x64xf32, #tpu.memory_space<vmem>>, %arg10: memref<64x64xf32, #tpu.memory_space<vmem>>, %arg11: memref<64x1xf32, #tpu.memory_space<vmem>>, %arg12: memref<64x64xf32, #tpu.memory_space<vmem>>, %arg13: memref<64x64xf32, #tpu.memory_space<vmem>>, %arg14: memref<1x64xf32, #tpu.memory_space<vmem>>, %arg15: memref<64x64xf32, #tpu.memory_space<vmem>>, %arg16: memref<1x64xf32, #tpu.memory_space<vmem>>, %arg17: memref<64x64xf32, #tpu.memory_space<vmem>>, %arg18: memref<1x64xf32, #tpu.memory_space<vmem>>, %arg19: memref<2000x64xf32, #tpu.memory_space<vmem>>, %arg20: memref<2000x128xf32, #tpu.memory_space<vmem>>, %arg21: memref<64x64xf32, #tpu.memory_space<vmem>>, %arg22: memref<64x64xf32, #tpu.memory_space<vmem>>, %arg23: memref<64x64xf32, #tpu.memory_space<vmem>>) attributes {dimension_semantics = [#tpu.dimension_semantics<arbitrary>], iteration_bounds = array<i64: 5>, scalar_prefetch = 0 : i64, scratch_operands = 0 : i64, tpu.core_type = #tpu.core_type<tc>, window_params = [{transform_indices = @transform_0, window_bounds = array<i64: 2000, 64>}, {transform_indices = @transform_1, window_bounds = array<i64: 2, 2000, 128>}, {transform_indices = @transform_2, window_bounds = array<i64: 2000, 1>}, {pipeline_mode = #tpu.pipeline_mode<synchronous>, transform_indices = @transform_3, window_bounds = array<i64: 64, 64>}, {pipeline_mode = #tpu.pipeline_mode<synchronous>, transform_indices = @transform_4, window_bounds = array<i64: 64, 64>}, {pipeline_mode = #tpu.pipeline_mode<synchronous>, transform_indices = @transform_5, window_bounds = array<i64: 1, 64>}, {pipeline_mode = #tpu.pipeline_mode<synchronous>, transform_indices = @transform_6, window_bounds = array<i64: 64, 64>}, {pipeline_mode = #tpu.pipeline_mode<synchronous>, transform_indices = @transform_7, window_bounds = array<i64: 64, 64>}, {pipeline_mode = #tpu.pipeline_mode<synchronous>, transform_indices = @transform_8, window_bounds = array<i64: 64, 64>}, {pipeline_mode = #tpu.pipeline_mode<synchronous>, transform_indices = @transform_9, window_bounds = array<i64: 64, 64>}, {pipeline_mode = #tpu.pipeline_mode<synchronous>, transform_indices = @transform_10, window_bounds = array<i64: 64, 1>}, {pipeline_mode = #tpu.pipeline_mode<synchronous>, transform_indices = @transform_11, window_bounds = array<i64: 64, 64>}, {pipeline_mode = #tpu.pipeline_mode<synchronous>, transform_indices = @transform_12, window_bounds = array<i64: 64, 64>}, {pipeline_mode = #tpu.pipeline_mode<synchronous>, transform_indices = @transform_13, window_bounds = array<i64: 1, 64>}, {pipeline_mode = #tpu.pipeline_mode<synchronous>, transform_indices = @transform_14, window_bounds = array<i64: 64, 64>}, {pipeline_mode = #tpu.pipeline_mode<synchronous>, transform_indices = @transform_15, window_bounds = array<i64: 1, 64>}, {pipeline_mode = #tpu.pipeline_mode<synchronous>, transform_indices = @transform_16, window_bounds = array<i64: 64, 64>}, {pipeline_mode = #tpu.pipeline_mode<synchronous>, transform_indices = @transform_17, window_bounds = array<i64: 1, 64>}, {transform_indices = @transform_18, window_bounds = array<i64: 2000, 64>}, {transform_indices = @transform_19, window_bounds = array<i64: 2000, 128>}, {pipeline_mode = #tpu.pipeline_mode<synchronous>, transform_indices = @transform_20, window_bounds = array<i64: 64, 64>}, {pipeline_mode = #tpu.pipeline_mode<synchronous>, transform_indices = @transform_21, window_bounds = array<i64: 64, 64>}, {pipeline_mode = #tpu.pipeline_mode<synchronous>, transform_indices = @transform_22, window_bounds = array<i64: 64, 64>}]} {
    %get3A = arith.constant 0 : index
    %get3A_0 = arith.constant 0 : index
    %get3A_1 = vector.load %arg1[%get3A, %get3A_0] : memref<2000x64xf32, #tpu.memory_space<vmem>>, vector<2000x64xf32>
    %get3A_2 = arith.constant 0 : index
    %get3A_3 = arith.constant 0 : index
    %get3A_4 = arith.constant 0 : index
    %get3A_5 = vector.load %arg2[%get3A_2, %get3A_3, %get3A_4] : memref<2x2000x128xf32, #tpu.memory_space<vmem>>, vector<1x2000x128xf32>
    %get3A_6 = vector.shape_cast %get3A_5 : vector<1x2000x128xf32> to vector<2000x128xf32>
    %get3A_7 = arith.constant 1 : index
    %get3A_8 = arith.constant 0 : index
    %get3A_9 = arith.constant 0 : index
    %get3A_10 = vector.load %arg2[%get3A_7, %get3A_8, %get3A_9] : memref<2x2000x128xf32, #tpu.memory_space<vmem>>, vector<1x2000x128xf32>
    %get3A_11 = vector.shape_cast %get3A_10 : vector<1x2000x128xf32> to vector<2000x128xf32>
    %add3A = arith.addf %get3A_6, %get3A_11 : vector<2000x128xf32>
    %slice3A = vector.extract_strided_slice %add3A {offsets = [0, 0], sizes = [2000, 64], strides = [1, 1]} : vector<2000x128xf32> to vector<2000x64xf32>
    %get3A_12 = arith.constant 0 : index
    %get3A_13 = arith.constant 0 : index
    %get3A_14 = vector.load %arg3[%get3A_12, %get3A_13] : memref<2000x1xf32, #tpu.memory_space<vmem>>, vector<2000x1xf32>
    %mul3A = vector.broadcast %get3A_14 : vector<2000x1xf32> to vector<2000x64xf32>
    %mul3A_15 = arith.mulf %slice3A, %mul3A : vector<2000x64xf32>
    %get3A_16 = arith.constant 0 : index
    %get3A_17 = arith.constant 0 : index
    %get3A_18 = vector.load %arg4[%get3A_16, %get3A_17] : memref<64x64xf32, #tpu.memory_space<vmem>>, vector<64x64xf32>
    %dot_general3A = arith.constant dense<0.000000e+00> : vector<2000x64xf32>
    %dot_general3A_19 = tpu.matmul %get3A_1, %get3A_18, %dot_general3A {dimension_numbers = #tpu.dot_dimension_numbers<[1], [0], [0], [1], [0, 0, 1, 1], [], []>, transpose_lhs_hint = false} : vector<2000x64xf32>, vector<64x64xf32>, vector<2000x64xf32> -> vector<2000x64xf32>
    %get3A_20 = arith.constant 0 : index
    %get3A_21 = arith.constant 0 : index
    %get3A_22 = vector.load %arg5[%get3A_20, %get3A_21] : memref<64x64xf32, #tpu.memory_space<vmem>>, vector<64x64xf32>
    %dot_general3A_23 = arith.constant dense<0.000000e+00> : vector<2000x64xf32>
    %dot_general3A_24 = tpu.matmul %mul3A_15, %get3A_22, %dot_general3A_23 {dimension_numbers = #tpu.dot_dimension_numbers<[1], [0], [0], [1], [0, 0, 1, 1], [], []>, transpose_lhs_hint = false} : vector<2000x64xf32>, vector<64x64xf32>, vector<2000x64xf32> -> vector<2000x64xf32>
    %add3A_25 = arith.addf %dot_general3A_19, %dot_general3A_24 : vector<2000x64xf32>
    %get3A_26 = arith.constant 0 : index
    %get3A_27 = arith.constant 0 : index
    %get3A_28 = vector.load %arg6[%get3A_26, %get3A_27] : memref<1x64xf32, #tpu.memory_space<vmem>>, vector<1x64xf32>
    %add3A_29 = vector.broadcast %get3A_28 : vector<1x64xf32> to vector<2000x64xf32>
    %add3A_30 = arith.addf %add3A_25, %add3A_29 : vector<2000x64xf32>
    %max3A = arith.constant 0.000000e+00 : f32
    %max3A_31 = vector.broadcast %max3A : f32 to vector<2000x64xf32>
    %max3A_32 = arith.maximumf %add3A_30, %max3A_31 : vector<2000x64xf32>
    %add3A_33 = arith.addf %max3A_32, %get3A_1 : vector<2000x64xf32>
    %max3A_34 = arith.constant 0.000000e+00 : f32
    %max3A_35 = vector.broadcast %max3A_34 : f32 to vector<2000x64xf32>
    %max3A_36 = arith.maximumf %add3A_33, %max3A_35 : vector<2000x64xf32>
    %swap3A = arith.constant 0 : index
    %swap3A_37 = arith.constant 0 : index
    %swap3A_38 = vector.load %arg19[%swap3A, %swap3A_37] : memref<2000x64xf32, #tpu.memory_space<vmem>>, vector<2000x64xf32>
    tpu.vector_store %arg19[%swap3A, %swap3A_37], %max3A_36 {strides = array<i32>} : memref<2000x64xf32, #tpu.memory_space<vmem>>, vector<2000x64xf32>,
    %get3A_39 = arith.constant 0 : index
    %get3A_40 = arith.constant 0 : index
    %get3A_41 = vector.load %arg7[%get3A_39, %get3A_40] : memref<64x64xf32, #tpu.memory_space<vmem>>, vector<64x64xf32>
    %dot_general3A_42 = arith.constant dense<0.000000e+00> : vector<2000x64xf32>
    %dot_general3A_43 = tpu.matmul %max3A_32, %get3A_41, %dot_general3A_42 {dimension_numbers = #tpu.dot_dimension_numbers<[1], [0], [0], [1], [0, 0, 1, 1], [], []>, transpose_lhs_hint = false} : vector<2000x64xf32>, vector<64x64xf32>, vector<2000x64xf32> -> vector<2000x64xf32>
    %get3A_44 = arith.constant 0 : index
    %get3A_45 = arith.constant 0 : index
    %get3A_46 = vector.load %arg8[%get3A_44, %get3A_45] : memref<64x64xf32, #tpu.memory_space<vmem>>, vector<64x64xf32>
    %dot_general3A_47 = arith.constant dense<0.000000e+00> : vector<2000x64xf32>
    %dot_general3A_48 = tpu.matmul %max3A_36, %get3A_46, %dot_general3A_47 {dimension_numbers = #tpu.dot_dimension_numbers<[1], [0], [0], [1], [0, 0, 1, 1], [], []>, transpose_lhs_hint = false} : vector<2000x64xf32>, vector<64x64xf32>, vector<2000x64xf32> -> vector<2000x64xf32>
    %concatenate3A = tpu.concatenate %dot_general3A_43, %dot_general3A_48 in 1 : vector<2000x64xf32>, vector<2000x64xf32> -> vector<2000x128xf32>
    %swap3A_49 = arith.constant 0 : index
    %swap3A_50 = arith.constant 0 : index
    %swap3A_51 = vector.load %arg20[%swap3A_49, %swap3A_50] : memref<2000x128xf32, #tpu.memory_space<vmem>>, vector<2000x128xf32>
    tpu.vector_store %arg20[%swap3A_49, %swap3A_50], %concatenate3A {strides = array<i32>} : memref<2000x128xf32, #tpu.memory_space<vmem>>, vector<2000x128xf32>,
    %eq3A = arith.constant 0 : i32
    %eq3A_52 = arith.cmpi eq, %arg0, %eq3A : i32
    %convert_element_type3A = arith.extui %eq3A_52 : i1 to i32
    %cond3A = arith.constant 0 : i32
    %cond3A_53 = arith.cmpi ne, %convert_element_type3A, %cond3A : i32
    scf.if %cond3A_53 {
      %get3A_54 = arith.constant 0 : index
      %get3A_55 = arith.constant 0 : index
      %get3A_56 = vector.load %arg9[%get3A_54, %get3A_55] : memref<64x64xf32, #tpu.memory_space<vmem>>, vector<64x64xf32>
      %get3A_57 = arith.constant 0 : index
      %get3A_58 = arith.constant 0 : index
      %get3A_59 = vector.load %arg11[%get3A_57, %get3A_58] : memref<64x1xf32, #tpu.memory_space<vmem>>, vector<64x1xf32>
      %max3A_60 = arith.constant 1.000000e+00 : f32
      %max3A_61 = vector.broadcast %max3A_60 : f32 to vector<64x1xf32>
      %max3A_62 = arith.maximumf %get3A_59, %max3A_61 : vector<64x1xf32>
      %div3A = arith.constant 1.000000e+00 : f32
      %div3A_63 = vector.broadcast %div3A : f32 to vector<64x1xf32>
      %div3A_64 = arith.divf %div3A_63, %max3A_62 : vector<64x1xf32>
      %get3A_65 = arith.constant 0 : index
      %get3A_66 = arith.constant 0 : index
      %get3A_67 = vector.load %arg10[%get3A_65, %get3A_66] : memref<64x64xf32, #tpu.memory_space<vmem>>, vector<64x64xf32>
      %mul3A_68 = vector.broadcast %div3A_64 : vector<64x1xf32> to vector<64x64xf32>
      %mul3A_69 = arith.mulf %get3A_67, %mul3A_68 : vector<64x64xf32>
      %get3A_70 = arith.constant 0 : index
      %get3A_71 = arith.constant 0 : index
      %get3A_72 = vector.load %arg12[%get3A_70, %get3A_71] : memref<64x64xf32, #tpu.memory_space<vmem>>, vector<64x64xf32>
      %dot_general3A_73 = arith.constant dense<0.000000e+00> : vector<64x64xf32>
      %dot_general3A_74 = tpu.matmul %get3A_56, %get3A_72, %dot_general3A_73 {dimension_numbers = #tpu.dot_dimension_numbers<[1], [0], [0], [1], [0, 0, 1, 1], [], []>, transpose_lhs_hint = false} : vector<64x64xf32>, vector<64x64xf32>, vector<64x64xf32> -> vector<64x64xf32>
      %get3A_75 = arith.constant 0 : index
      %get3A_76 = arith.constant 0 : index
      %get3A_77 = vector.load %arg13[%get3A_75, %get3A_76] : memref<64x64xf32, #tpu.memory_space<vmem>>, vector<64x64xf32>
      %dot_general3A_78 = arith.constant dense<0.000000e+00> : vector<64x64xf32>
      %dot_general3A_79 = tpu.matmul %mul3A_69, %get3A_77, %dot_general3A_78 {dimension_numbers = #tpu.dot_dimension_numbers<[1], [0], [0], [1], [0, 0, 1, 1], [], []>, transpose_lhs_hint = false} : vector<64x64xf32>, vector<64x64xf32>, vector<64x64xf32> -> vector<64x64xf32>
      %add3A_80 = arith.addf %dot_general3A_74, %dot_general3A_79 : vector<64x64xf32>
      %get3A_81 = arith.constant 0 : index
      %get3A_82 = arith.constant 0 : index
      %get3A_83 = vector.load %arg14[%get3A_81, %get3A_82] : memref<1x64xf32, #tpu.memory_space<vmem>>, vector<1x64xf32>
      %add3A_84 = vector.broadcast %get3A_83 : vector<1x64xf32> to vector<64x64xf32>
      %add3A_85 = arith.addf %add3A_80, %add3A_84 : vector<64x64xf32>
      %max3A_86 = arith.constant 0.000000e+00 : f32
      %max3A_87 = vector.broadcast %max3A_86 : f32 to vector<64x64xf32>
      %max3A_88 = arith.maximumf %add3A_85, %max3A_87 : vector<64x64xf32>
      %add3A_89 = arith.addf %max3A_88, %get3A_56 : vector<64x64xf32>
      %max3A_90 = arith.constant 0.000000e+00 : f32
      %max3A_91 = vector.broadcast %max3A_90 : f32 to vector<64x64xf32>
      %max3A_92 = arith.maximumf %add3A_89, %max3A_91 : vector<64x64xf32>
      %swap3A_93 = arith.constant 0 : index
      %swap3A_94 = arith.constant 0 : index
      %swap3A_95 = vector.load %arg21[%swap3A_93, %swap3A_94] : memref<64x64xf32, #tpu.memory_space<vmem>>, vector<64x64xf32>
      tpu.vector_store %arg21[%swap3A_93, %swap3A_94], %max3A_92 {strides = array<i32>} : memref<64x64xf32, #tpu.memory_space<vmem>>, vector<64x64xf32>,
      %get3A_96 = arith.constant 0 : index
      %get3A_97 = arith.constant 0 : index
      %get3A_98 = vector.load %arg15[%get3A_96, %get3A_97] : memref<64x64xf32, #tpu.memory_space<vmem>>, vector<64x64xf32>
      %dot_general3A_99 = arith.constant dense<0.000000e+00> : vector<64x64xf32>
      %dot_general3A_100 = tpu.matmul %max3A_88, %get3A_98, %dot_general3A_99 {dimension_numbers = #tpu.dot_dimension_numbers<[1], [0], [0], [1], [0, 0, 1, 1], [], []>, transpose_lhs_hint = false} : vector<64x64xf32>, vector<64x64xf32>, vector<64x64xf32> -> vector<64x64xf32>
      %get3A_101 = arith.constant 0 : index
      %get3A_102 = arith.constant 0 : index
      %get3A_103 = vector.load %arg16[%get3A_101, %get3A_102] : memref<1x64xf32, #tpu.memory_space<vmem>>, vector<1x64xf32>
      %add3A_104 = vector.broadcast %get3A_103 : vector<1x64xf32> to vector<64x64xf32>
      %add3A_105 = arith.addf %dot_general3A_100, %add3A_104 : vector<64x64xf32>
      %swap3A_106 = arith.constant 0 : index
      %swap3A_107 = arith.constant 0 : index
      %swap3A_108 = vector.load %arg22[%swap3A_106, %swap3A_107] : memref<64x64xf32, #tpu.memory_space<vmem>>, vector<64x64xf32>
      tpu.vector_store %arg22[%swap3A_106, %swap3A_107], %add3A_105 {strides = array<i32>} : memref<64x64xf32, #tpu.memory_space<vmem>>, vector<64x64xf32>,
      %get3A_109 = arith.constant 0 : index
      %get3A_110 = arith.constant 0 : index
      %get3A_111 = vector.load %arg17[%get3A_109, %get3A_110] : memref<64x64xf32, #tpu.memory_space<vmem>>, vector<64x64xf32>
      %dot_general3A_112 = arith.constant dense<0.000000e+00> : vector<64x64xf32>
      %dot_general3A_113 = tpu.matmul %max3A_92, %get3A_111, %dot_general3A_112 {dimension_numbers = #tpu.dot_dimension_numbers<[1], [0], [0], [1], [0, 0, 1, 1], [], []>, transpose_lhs_hint = false} : vector<64x64xf32>, vector<64x64xf32>, vector<64x64xf32> -> vector<64x64xf32>
      %get3A_114 = arith.constant 0 : index
      %get3A_115 = arith.constant 0 : index
      %get3A_116 = vector.load %arg18[%get3A_114, %get3A_115] : memref<1x64xf32, #tpu.memory_space<vmem>>, vector<1x64xf32>
      %add3A_117 = vector.broadcast %get3A_116 : vector<1x64xf32> to vector<64x64xf32>
      %add3A_118 = arith.addf %dot_general3A_113, %add3A_117 : vector<64x64xf32>
      %swap3A_119 = arith.constant 0 : index
      %swap3A_120 = arith.constant 0 : index
      %swap3A_121 = vector.load %arg23[%swap3A_119, %swap3A_120] : memref<64x64xf32, #tpu.memory_space<vmem>>, vector<64x64xf32>
      tpu.vector_store %arg23[%swap3A_119, %swap3A_120], %add3A_118 {strides = array<i32>} : memref<64x64xf32, #tpu.memory_space<vmem>>, vector<64x64xf32>,
    } else {
    }
    return
  }
  func.func @transform_0(%arg0: i32) -> (i32, i32) {
    %c0_i32 = arith.constant 0 : i32
    %c0_i32_0 = arith.constant 0 : i32
    return %arg0, %c0_i32 : i32, i32
  }
  func.func @transform_1(%arg0: i32) -> (i32, i32, i32) {
    %c0_i32 = arith.constant 0 : i32
    %c0_i32_0 = arith.constant 0 : i32
    %c0_i32_1 = arith.constant 0 : i32
    return %c0_i32, %arg0, %c0_i32_0 : i32, i32, i32
  }
  func.func @transform_2(%arg0: i32) -> (i32, i32) {
    %c0_i32 = arith.constant 0 : i32
    %c0_i32_0 = arith.constant 0 : i32
    return %arg0, %c0_i32 : i32, i32
  }
  func.func @transform_3(%arg0: i32) -> (i32, i32) {
    %c0_i32 = arith.constant 0 : i32
    %c0_i32_0 = arith.constant 0 : i32
    %c0_i32_1 = arith.constant 0 : i32
    return %c0_i32, %c0_i32_0 : i32, i32
  }
  func.func @transform_4(%arg0: i32) -> (i32, i32) {
    %c0_i32 = arith.constant 0 : i32
    %c0_i32_0 = arith.constant 0 : i32
    %c0_i32_1 = arith.constant 0 : i32
    return %c0_i32, %c0_i32_0 : i32, i32
  }
  func.func @transform_5(%arg0: i32) -> (i32, i32) {
    %c0_i32 = arith.constant 0 : i32
    %c0_i32_0 = arith.constant 0 : i32
    %c0_i32_1 = arith.constant 0 : i32
    return %c0_i32, %c0_i32_0 : i32, i32
  }
  func.func @transform_6(%arg0: i32) -> (i32, i32) {
    %c0_i32 = arith.constant 0 : i32
    %c0_i32_0 = arith.constant 0 : i32
    %c0_i32_1 = arith.constant 0 : i32
    return %c0_i32, %c0_i32_0 : i32, i32
  }
  func.func @transform_7(%arg0: i32) -> (i32, i32) {
    %c0_i32 = arith.constant 0 : i32
    %c0_i32_0 = arith.constant 0 : i32
    %c0_i32_1 = arith.constant 0 : i32
    return %c0_i32, %c0_i32_0 : i32, i32
  }
  func.func @transform_8(%arg0: i32) -> (i32, i32) {
    %c0_i32 = arith.constant 0 : i32
    %c0_i32_0 = arith.constant 0 : i32
    %c0_i32_1 = arith.constant 0 : i32
    return %c0_i32, %c0_i32_0 : i32, i32
  }
  func.func @transform_9(%arg0: i32) -> (i32, i32) {
    %c0_i32 = arith.constant 0 : i32
    %c0_i32_0 = arith.constant 0 : i32
    %c0_i32_1 = arith.constant 0 : i32
    return %c0_i32, %c0_i32_0 : i32, i32
  }
  func.func @transform_10(%arg0: i32) -> (i32, i32) {
    %c0_i32 = arith.constant 0 : i32
    %c0_i32_0 = arith.constant 0 : i32
    %c0_i32_1 = arith.constant 0 : i32
    return %c0_i32, %c0_i32_0 : i32, i32
  }
  func.func @transform_11(%arg0: i32) -> (i32, i32) {
    %c0_i32 = arith.constant 0 : i32
    %c0_i32_0 = arith.constant 0 : i32
    %c0_i32_1 = arith.constant 0 : i32
    return %c0_i32, %c0_i32_0 : i32, i32
  }
  func.func @transform_12(%arg0: i32) -> (i32, i32) {
    %c0_i32 = arith.constant 0 : i32
    %c0_i32_0 = arith.constant 0 : i32
    %c0_i32_1 = arith.constant 0 : i32
    return %c0_i32, %c0_i32_0 : i32, i32
  }
  func.func @transform_13(%arg0: i32) -> (i32, i32) {
    %c0_i32 = arith.constant 0 : i32
    %c0_i32_0 = arith.constant 0 : i32
    %c0_i32_1 = arith.constant 0 : i32
    return %c0_i32, %c0_i32_0 : i32, i32
  }
  func.func @transform_14(%arg0: i32) -> (i32, i32) {
    %c0_i32 = arith.constant 0 : i32
    %c0_i32_0 = arith.constant 0 : i32
    %c0_i32_1 = arith.constant 0 : i32
    return %c0_i32, %c0_i32_0 : i32, i32
  }
  func.func @transform_15(%arg0: i32) -> (i32, i32) {
    %c0_i32 = arith.constant 0 : i32
    %c0_i32_0 = arith.constant 0 : i32
    %c0_i32_1 = arith.constant 0 : i32
    return %c0_i32, %c0_i32_0 : i32, i32
  }
  func.func @transform_16(%arg0: i32) -> (i32, i32) {
    %c0_i32 = arith.constant 0 : i32
    %c0_i32_0 = arith.constant 0 : i32
    %c0_i32_1 = arith.constant 0 : i32
    return %c0_i32, %c0_i32_0 : i32, i32
  }
  func.func @transform_17(%arg0: i32) -> (i32, i32) {
    %c0_i32 = arith.constant 0 : i32
    %c0_i32_0 = arith.constant 0 : i32
    %c0_i32_1 = arith.constant 0 : i32
    return %c0_i32, %c0_i32_0 : i32, i32
  }
  func.func @transform_18(%arg0: i32) -> (i32, i32) {
    %c0_i32 = arith.constant 0 : i32
    %c0_i32_0 = arith.constant 0 : i32
    return %arg0, %c0_i32 : i32, i32
  }
  func.func @transform_19(%arg0: i32) -> (i32, i32) {
    %c0_i32 = arith.constant 0 : i32
    %c0_i32_0 = arith.constant 0 : i32
    return %arg0, %c0_i32 : i32, i32
  }
  func.func @transform_20(%arg0: i32) -> (i32, i32) {
    %c0_i32 = arith.constant 0 : i32
    %c0_i32_0 = arith.constant 0 : i32
    %c0_i32_1 = arith.constant 0 : i32
    return %c0_i32, %c0_i32_0 : i32, i32
  }
  func.func @transform_21(%arg0: i32) -> (i32, i32) {
    %c0_i32 = arith.constant 0 : i32
    %c0_i32_0 = arith.constant 0 : i32
    %c0_i32_1 = arith.constant 0 : i32
    return %c0_i32, %c0_i32_0 : i32, i32
  }
  func.func @transform_22(%arg0: i32) -> (i32, i32) {
    %c0_i32 = arith.constant 0 : i32
    %c0_i32_0 = arith.constant 0 : i32
    %c0_i32_1 = arith.constant 0 : i32
    return %c0_i32, %c0_i32_0 : i32, i32
  }
}

module attributes {stable_mosaic.version = 14 : i64} {
  func.func @body(%arg0: i32, %arg1: memref<2000x64xf32, #tpu.memory_space<vmem>>, %arg2: memref<2000x1xi32, #tpu.memory_space<vmem>>, %arg3: memref<2000x128xf32, #tpu.memory_space<vmem>>, %arg4: memref<64x64xf32, #tpu.memory_space<vmem>>, %arg5: memref<64x64xf32, #tpu.memory_space<vmem>>, %arg6: memref<64x64xf32, #tpu.memory_space<vmem>>, %arg7: memref<64x64xf32, #tpu.memory_space<vmem>>, %arg8: memref<64x64xf32, #tpu.memory_space<vmem>>, %arg9: memref<1x64xf32, #tpu.memory_space<vmem>>, %arg10: memref<2000x128xf32, #tpu.memory_space<vmem>>, %arg11: memref<64x64xf32, #tpu.memory_space<vmem>>) attributes {dimension_semantics = [#tpu.dimension_semantics<arbitrary>], iteration_bounds = array<i64: 160>, scalar_prefetch = 0 : i64, scratch_operands = 0 : i64, tpu.core_type = #tpu.core_type<tc>, window_params = [{transform_indices = @transform_0, window_bounds = array<i64: 2000, 64>}, {transform_indices = @transform_1, window_bounds = array<i64: 2000, 1>}, {transform_indices = @transform_2, window_bounds = array<i64: 2000, 128>}, {pipeline_mode = #tpu.pipeline_mode<synchronous>, transform_indices = @transform_3, window_bounds = array<i64: 64, 64>}, {pipeline_mode = #tpu.pipeline_mode<synchronous>, transform_indices = @transform_4, window_bounds = array<i64: 64, 64>}, {pipeline_mode = #tpu.pipeline_mode<synchronous>, transform_indices = @transform_5, window_bounds = array<i64: 64, 64>}, {pipeline_mode = #tpu.pipeline_mode<synchronous>, transform_indices = @transform_6, window_bounds = array<i64: 64, 64>}, {pipeline_mode = #tpu.pipeline_mode<synchronous>, transform_indices = @transform_7, window_bounds = array<i64: 64, 64>}, {pipeline_mode = #tpu.pipeline_mode<synchronous>, transform_indices = @transform_8, window_bounds = array<i64: 1, 64>}, {transform_indices = @transform_9, window_bounds = array<i64: 2000, 128>}, {pipeline_mode = #tpu.pipeline_mode<synchronous>, transform_indices = @transform_10, window_bounds = array<i64: 64, 64>}]} {
    %get3A = arith.constant 0 : index
    %get3A_0 = arith.constant 0 : index
    %get3A_1 = vector.load %arg1[%get3A, %get3A_0] : memref<2000x64xf32, #tpu.memory_space<vmem>>, vector<2000x64xf32>
    %get3A_2 = arith.constant 0 : index
    %get3A_3 = arith.constant 0 : index
    %get3A_4 = vector.load %arg2[%get3A_2, %get3A_3] : memref<2000x1xi32, #tpu.memory_space<vmem>>, vector<2000x1xi32>
    %iota3A = tpu.iota {dimensions = array<i32: 1>} : vector<2000x64xi32>
    %eq3A = vector.broadcast %get3A_4 : vector<2000x1xi32> to vector<2000x64xi32>
    %eq3A_5 = arith.cmpi eq, %iota3A, %eq3A : vector<2000x64xi32>
    %convert_element_type3A = arith.extui %eq3A_5 : vector<2000x64xi1> to vector<2000x64xi32>
    %convert_element_type3A_6 = arith.sitofp %convert_element_type3A : vector<2000x64xi32> to vector<2000x64xf32>
    %get3A_7 = arith.constant 0 : index
    %get3A_8 = arith.constant 0 : index
    %get3A_9 = vector.load %arg3[%get3A_7, %get3A_8] : memref<2000x128xf32, #tpu.memory_space<vmem>>, vector<2000x128xf32>
    %get3A_10 = arith.constant 0 : index
    %get3A_11 = arith.constant 0 : index
    %get3A_12 = vector.load %arg6[%get3A_10, %get3A_11] : memref<64x64xf32, #tpu.memory_space<vmem>>, vector<64x64xf32>
    %dot_general3A = arith.constant dense<0.000000e+00> : vector<2000x64xf32>
    %dot_general3A_13 = tpu.matmul %get3A_1, %get3A_12, %dot_general3A {dimension_numbers = #tpu.dot_dimension_numbers<[1], [0], [0], [1], [0, 0, 1, 1], [], []>, transpose_lhs_hint = false} : vector<2000x64xf32>, vector<64x64xf32>, vector<2000x64xf32> -> vector<2000x64xf32>
    %slice3A = vector.extract_strided_slice %get3A_9 {offsets = [0, 0], sizes = [2000, 64], strides = [1, 1]} : vector<2000x128xf32> to vector<2000x64xf32>
    %add3A = arith.addf %dot_general3A_13, %slice3A : vector<2000x64xf32>
    %get3A_14 = arith.constant 0 : index
    %get3A_15 = arith.constant 0 : index
    %get3A_16 = vector.load %arg4[%get3A_14, %get3A_15] : memref<64x64xf32, #tpu.memory_space<vmem>>, vector<64x64xf32>
    %dot_general3A_17 = arith.constant dense<0.000000e+00> : vector<2000x64xf32>
    %dot_general3A_18 = tpu.matmul %convert_element_type3A_6, %get3A_16, %dot_general3A_17 {dimension_numbers = #tpu.dot_dimension_numbers<[1], [0], [0], [1], [0, 0, 1, 1], [], []>, transpose_lhs_hint = false} : vector<2000x64xf32>, vector<64x64xf32>, vector<2000x64xf32> -> vector<2000x64xf32>
    %add3A_19 = arith.addf %add3A, %dot_general3A_18 : vector<2000x64xf32>
    %max3A = arith.constant 0.000000e+00 : f32
    %max3A_20 = vector.broadcast %max3A : f32 to vector<2000x64xf32>
    %max3A_21 = arith.maximumf %add3A_19, %max3A_20 : vector<2000x64xf32>
    %add3A_22 = arith.addf %max3A_21, %get3A_1 : vector<2000x64xf32>
    %max3A_23 = arith.constant 0.000000e+00 : f32
    %max3A_24 = vector.broadcast %max3A_23 : f32 to vector<2000x64xf32>
    %max3A_25 = arith.maximumf %add3A_22, %max3A_24 : vector<2000x64xf32>
    %get3A_26 = arith.constant 0 : index
    %get3A_27 = arith.constant 0 : index
    %get3A_28 = vector.load %arg5[%get3A_26, %get3A_27] : memref<64x64xf32, #tpu.memory_space<vmem>>, vector<64x64xf32>
    %dot_general3A_29 = arith.constant dense<0.000000e+00> : vector<2000x64xf32>
    %dot_general3A_30 = tpu.matmul %convert_element_type3A_6, %get3A_28, %dot_general3A_29 {dimension_numbers = #tpu.dot_dimension_numbers<[1], [0], [0], [1], [0, 0, 1, 1], [], []>, transpose_lhs_hint = false} : vector<2000x64xf32>, vector<64x64xf32>, vector<2000x64xf32> -> vector<2000x64xf32>
    %get3A_31 = arith.constant 0 : index
    %get3A_32 = arith.constant 0 : index
    %get3A_33 = vector.load %arg7[%get3A_31, %get3A_32] : memref<64x64xf32, #tpu.memory_space<vmem>>, vector<64x64xf32>
    %dot_general3A_34 = arith.constant dense<0.000000e+00> : vector<2000x64xf32>
    %dot_general3A_35 = tpu.matmul %max3A_25, %get3A_33, %dot_general3A_34 {dimension_numbers = #tpu.dot_dimension_numbers<[1], [0], [0], [1], [0, 0, 1, 1], [], []>, transpose_lhs_hint = false} : vector<2000x64xf32>, vector<64x64xf32>, vector<2000x64xf32> -> vector<2000x64xf32>
    %add3A_36 = arith.addf %dot_general3A_30, %dot_general3A_35 : vector<2000x64xf32>
    %max3A_37 = arith.constant 0.000000e+00 : f32
    %max3A_38 = vector.broadcast %max3A_37 : f32 to vector<2000x64xf32>
    %max3A_39 = arith.maximumf %add3A_36, %max3A_38 : vector<2000x64xf32>
    %broadcast_in_dim3A = arith.constant 1.000000e+00 : f32
    %broadcast_in_dim3A_40 = vector.broadcast %broadcast_in_dim3A : f32 to vector<2000x1xf32>
    %broadcast_in_dim3A_41 = arith.constant 0.000000e+00 : f32
    %broadcast_in_dim3A_42 = vector.broadcast %broadcast_in_dim3A_41 : f32 to vector<2000x63xf32>
    %concatenate3A = tpu.concatenate %max3A_39, %broadcast_in_dim3A_40, %broadcast_in_dim3A_42 in 1 : vector<2000x64xf32>, vector<2000x1xf32>, vector<2000x63xf32> -> vector<2000x128xf32>
    %swap3A = arith.constant 0 : index
    %swap3A_43 = arith.constant 0 : index
    %swap3A_44 = vector.load %arg10[%swap3A, %swap3A_43] : memref<2000x128xf32, #tpu.memory_space<vmem>>, vector<2000x128xf32>
    tpu.vector_store %arg10[%swap3A, %swap3A_43], %concatenate3A {strides = array<i32>} : memref<2000x128xf32, #tpu.memory_space<vmem>>, vector<2000x128xf32>,
    %slice3A_45 = vector.extract_strided_slice %get3A_9 {offsets = [0, 64], sizes = [2000, 64], strides = [1, 1]} : vector<2000x128xf32> to vector<2000x64xf32>
    %get3A_46 = arith.constant 0 : index
    %get3A_47 = arith.constant 0 : index
    %get3A_48 = vector.load %arg8[%get3A_46, %get3A_47] : memref<64x64xf32, #tpu.memory_space<vmem>>, vector<64x64xf32>
    %dot_general3A_49 = arith.constant dense<0.000000e+00> : vector<2000x64xf32>
    %dot_general3A_50 = tpu.matmul %max3A_25, %get3A_48, %dot_general3A_49 {dimension_numbers = #tpu.dot_dimension_numbers<[1], [0], [0], [1], [0, 0, 1, 1], [], []>, transpose_lhs_hint = false} : vector<2000x64xf32>, vector<64x64xf32>, vector<2000x64xf32> -> vector<2000x64xf32>
    %add3A_51 = arith.addf %slice3A_45, %dot_general3A_50 : vector<2000x64xf32>
    %get3A_52 = arith.constant 0 : index
    %get3A_53 = arith.constant 0 : index
    %get3A_54 = vector.load %arg9[%get3A_52, %get3A_53] : memref<1x64xf32, #tpu.memory_space<vmem>>, vector<1x64xf32>
    %add3A_55 = vector.broadcast %get3A_54 : vector<1x64xf32> to vector<2000x64xf32>
    %add3A_56 = arith.addf %add3A_51, %add3A_55 : vector<2000x64xf32>
    %max3A_57 = arith.constant 0.000000e+00 : f32
    %max3A_58 = vector.broadcast %max3A_57 : f32 to vector<2000x64xf32>
    %max3A_59 = arith.maximumf %add3A_56, %max3A_58 : vector<2000x64xf32>
    %dot_general3A_60 = arith.constant dense<0.000000e+00> : vector<64x64xf32>
    %dot_general3A_61 = tpu.matmul %convert_element_type3A_6, %max3A_59, %dot_general3A_60 {dimension_numbers = #tpu.dot_dimension_numbers<[0], [0], [1], [1], [0, 1, 1, 1], [], []>, transpose_lhs_hint = false} : vector<2000x64xf32>, vector<2000x64xf32>, vector<64x64xf32> -> vector<64x64xf32>
    %eq3A_62 = arith.constant 0 : i32
    %eq3A_63 = arith.cmpi eq, %arg0, %eq3A_62 : i32
    %convert_element_type3A_64 = arith.extui %eq3A_63 : i1 to i32
    %cond3A = arith.constant 0 : i32
    %cond3A_65 = arith.cmpi ne, %convert_element_type3A_64, %cond3A : i32
    scf.if %cond3A_65 {
      %broadcast_in_dim3A_73 = arith.constant 0.000000e+00 : f32
      %broadcast_in_dim3A_74 = vector.broadcast %broadcast_in_dim3A_73 : f32 to vector<64x64xf32>
      %swap3A_75 = arith.constant 0 : index
      %swap3A_76 = arith.constant 0 : index
      %swap3A_77 = vector.load %arg11[%swap3A_75, %swap3A_76] : memref<64x64xf32, #tpu.memory_space<vmem>>, vector<64x64xf32>
      tpu.vector_store %arg11[%swap3A_75, %swap3A_76], %broadcast_in_dim3A_74 {strides = array<i32>} : memref<64x64xf32, #tpu.memory_space<vmem>>, vector<64x64xf32>,
    } else {
    }
    %get3A_66 = arith.constant 0 : index
    %get3A_67 = arith.constant 0 : index
    %get3A_68 = vector.load %arg11[%get3A_66, %get3A_67] : memref<64x64xf32, #tpu.memory_space<vmem>>, vector<64x64xf32>
    %add3A_69 = arith.addf %get3A_68, %dot_general3A_61 : vector<64x64xf32>
    %swap3A_70 = arith.constant 0 : index
    %swap3A_71 = arith.constant 0 : index
    %swap3A_72 = vector.load %arg11[%swap3A_70, %swap3A_71] : memref<64x64xf32, #tpu.memory_space<vmem>>, vector<64x64xf32>
    tpu.vector_store %arg11[%swap3A_70, %swap3A_71], %add3A_69 {strides = array<i32>} : memref<64x64xf32, #tpu.memory_space<vmem>>, vector<64x64xf32>,
    return
  }
  func.func @transform_0(%arg0: i32) -> (i32, i32) {
    %c0_i32 = arith.constant 0 : i32
    %c0_i32_0 = arith.constant 0 : i32
    return %arg0, %c0_i32 : i32, i32
  }
  func.func @transform_1(%arg0: i32) -> (i32, i32) {
    %c0_i32 = arith.constant 0 : i32
    %c0_i32_0 = arith.constant 0 : i32
    return %arg0, %c0_i32 : i32, i32
  }
  func.func @transform_2(%arg0: i32) -> (i32, i32) {
    %c0_i32 = arith.constant 0 : i32
    %c0_i32_0 = arith.constant 0 : i32
    return %arg0, %c0_i32 : i32, i32
  }
  func.func @transform_3(%arg0: i32) -> (i32, i32) {
    %c0_i32 = arith.constant 0 : i32
    %c0_i32_0 = arith.constant 0 : i32
    %c0_i32_1 = arith.constant 0 : i32
    return %c0_i32, %c0_i32_0 : i32, i32
  }
  func.func @transform_4(%arg0: i32) -> (i32, i32) {
    %c0_i32 = arith.constant 0 : i32
    %c0_i32_0 = arith.constant 0 : i32
    %c0_i32_1 = arith.constant 0 : i32
    return %c0_i32, %c0_i32_0 : i32, i32
  }
  func.func @transform_5(%arg0: i32) -> (i32, i32) {
    %c0_i32 = arith.constant 0 : i32
    %c0_i32_0 = arith.constant 0 : i32
    %c0_i32_1 = arith.constant 0 : i32
    return %c0_i32, %c0_i32_0 : i32, i32
  }
  func.func @transform_6(%arg0: i32) -> (i32, i32) {
    %c0_i32 = arith.constant 0 : i32
    %c0_i32_0 = arith.constant 0 : i32
    %c0_i32_1 = arith.constant 0 : i32
    return %c0_i32, %c0_i32_0 : i32, i32
  }
  func.func @transform_7(%arg0: i32) -> (i32, i32) {
    %c0_i32 = arith.constant 0 : i32
    %c0_i32_0 = arith.constant 0 : i32
    %c0_i32_1 = arith.constant 0 : i32
    return %c0_i32, %c0_i32_0 : i32, i32
  }
  func.func @transform_8(%arg0: i32) -> (i32, i32) {
    %c0_i32 = arith.constant 0 : i32
    %c0_i32_0 = arith.constant 0 : i32
    %c0_i32_1 = arith.constant 0 : i32
    return %c0_i32, %c0_i32_0 : i32, i32
  }
  func.func @transform_9(%arg0: i32) -> (i32, i32) {
    %c0_i32 = arith.constant 0 : i32
    %c0_i32_0 = arith.constant 0 : i32
    return %arg0, %c0_i32 : i32, i32
  }
  func.func @transform_10(%arg0: i32) -> (i32, i32) {
    %c0_i32 = arith.constant 0 : i32
    %c0_i32_0 = arith.constant 0 : i32
    %c0_i32_1 = arith.constant 0 : i32
    return %c0_i32, %c0_i32_0 : i32, i32
  }
}

module attributes {stable_mosaic.version = 14 : i64} {
  func.func @body(%arg0: i32, %arg1: memref<400x64xf32, #tpu.memory_space<vmem>>, %arg2: memref<2x400x128xf32, #tpu.memory_space<vmem>>, %arg3: memref<400x1xf32, #tpu.memory_space<vmem>>, %arg4: memref<64x64xf32, #tpu.memory_space<vmem>>, %arg5: memref<64x64xf32, #tpu.memory_space<vmem>>, %arg6: memref<1x64xf32, #tpu.memory_space<vmem>>, %arg7: memref<64x64xf32, #tpu.memory_space<vmem>>, %arg8: memref<64x64xf32, #tpu.memory_space<vmem>>, %arg9: memref<64x1xf32, #tpu.memory_space<vmem>>, %arg10: memref<64x64xf32, #tpu.memory_space<vmem>>, %arg11: memref<64x64xf32, #tpu.memory_space<vmem>>, %arg12: memref<1x64xf32, #tpu.memory_space<vmem>>, %arg13: memref<64x64xf32, #tpu.memory_space<vmem>>, %arg14: memref<64x64xf32, #tpu.memory_space<vmem>>, %arg15: memref<1x64xf32, #tpu.memory_space<vmem>>, %arg16: memref<64x1xf32, #tpu.memory_space<vmem>>, %arg17: memref<1x1xf32, #tpu.memory_space<vmem>>, %arg18: memref<64x64xf32, #tpu.memory_space<vmem>>, %arg19: memref<1x64xf32, #tpu.memory_space<vmem>>, %arg20: memref<64x1xf32, #tpu.memory_space<vmem>>, %arg21: memref<1x1xf32, #tpu.memory_space<vmem>>, %arg22: memref<400x64xf32, #tpu.memory_space<vmem>>, %arg23: memref<400x1xf32, #tpu.memory_space<vmem>>) attributes {dimension_semantics = [#tpu.dimension_semantics<arbitrary>], iteration_bounds = array<i64: 25>, scalar_prefetch = 0 : i64, scratch_operands = 0 : i64, tpu.core_type = #tpu.core_type<tc>, window_params = [{transform_indices = @transform_0, window_bounds = array<i64: 400, 64>}, {transform_indices = @transform_1, window_bounds = array<i64: 2, 400, 128>}, {transform_indices = @transform_2, window_bounds = array<i64: 400, 1>}, {pipeline_mode = #tpu.pipeline_mode<synchronous>, transform_indices = @transform_3, window_bounds = array<i64: 64, 64>}, {pipeline_mode = #tpu.pipeline_mode<synchronous>, transform_indices = @transform_4, window_bounds = array<i64: 64, 64>}, {pipeline_mode = #tpu.pipeline_mode<synchronous>, transform_indices = @transform_5, window_bounds = array<i64: 1, 64>}, {pipeline_mode = #tpu.pipeline_mode<synchronous>, transform_indices = @transform_6, window_bounds = array<i64: 64, 64>}, {pipeline_mode = #tpu.pipeline_mode<synchronous>, transform_indices = @transform_7, window_bounds = array<i64: 64, 64>}, {pipeline_mode = #tpu.pipeline_mode<synchronous>, transform_indices = @transform_8, window_bounds = array<i64: 64, 1>}, {pipeline_mode = #tpu.pipeline_mode<synchronous>, transform_indices = @transform_9, window_bounds = array<i64: 64, 64>}, {pipeline_mode = #tpu.pipeline_mode<synchronous>, transform_indices = @transform_10, window_bounds = array<i64: 64, 64>}, {pipeline_mode = #tpu.pipeline_mode<synchronous>, transform_indices = @transform_11, window_bounds = array<i64: 1, 64>}, {pipeline_mode = #tpu.pipeline_mode<synchronous>, transform_indices = @transform_12, window_bounds = array<i64: 64, 64>}, {pipeline_mode = #tpu.pipeline_mode<synchronous>, transform_indices = @transform_13, window_bounds = array<i64: 64, 64>}, {pipeline_mode = #tpu.pipeline_mode<synchronous>, transform_indices = @transform_14, window_bounds = array<i64: 1, 64>}, {pipeline_mode = #tpu.pipeline_mode<synchronous>, transform_indices = @transform_15, window_bounds = array<i64: 64, 1>}, {pipeline_mode = #tpu.pipeline_mode<synchronous>, transform_indices = @transform_16, window_bounds = array<i64: 1, 1>}, {pipeline_mode = #tpu.pipeline_mode<synchronous>, transform_indices = @transform_17, window_bounds = array<i64: 64, 64>}, {pipeline_mode = #tpu.pipeline_mode<synchronous>, transform_indices = @transform_18, window_bounds = array<i64: 1, 64>}, {pipeline_mode = #tpu.pipeline_mode<synchronous>, transform_indices = @transform_19, window_bounds = array<i64: 64, 1>}, {pipeline_mode = #tpu.pipeline_mode<synchronous>, transform_indices = @transform_20, window_bounds = array<i64: 1, 1>}, {transform_indices = @transform_21, window_bounds = array<i64: 400, 64>}, {transform_indices = @transform_22, window_bounds = array<i64: 400, 1>}]} {
    %get3A = arith.constant 0 : index
    %get3A_0 = arith.constant 0 : index
    %get3A_1 = vector.load %arg1[%get3A, %get3A_0] : memref<400x64xf32, #tpu.memory_space<vmem>>, vector<400x64xf32>
    %get3A_2 = arith.constant 0 : index
    %get3A_3 = arith.constant 0 : index
    %get3A_4 = arith.constant 0 : index
    %get3A_5 = vector.load %arg2[%get3A_2, %get3A_3, %get3A_4] : memref<2x400x128xf32, #tpu.memory_space<vmem>>, vector<1x400x128xf32>
    %get3A_6 = vector.shape_cast %get3A_5 : vector<1x400x128xf32> to vector<400x128xf32>
    %get3A_7 = arith.constant 1 : index
    %get3A_8 = arith.constant 0 : index
    %get3A_9 = arith.constant 0 : index
    %get3A_10 = vector.load %arg2[%get3A_7, %get3A_8, %get3A_9] : memref<2x400x128xf32, #tpu.memory_space<vmem>>, vector<1x400x128xf32>
    %get3A_11 = vector.shape_cast %get3A_10 : vector<1x400x128xf32> to vector<400x128xf32>
    %add3A = arith.addf %get3A_6, %get3A_11 : vector<400x128xf32>
    %slice3A = vector.extract_strided_slice %add3A {offsets = [0, 0], sizes = [400, 64], strides = [1, 1]} : vector<400x128xf32> to vector<400x64xf32>
    %get3A_12 = arith.constant 0 : index
    %get3A_13 = arith.constant 0 : index
    %get3A_14 = vector.load %arg3[%get3A_12, %get3A_13] : memref<400x1xf32, #tpu.memory_space<vmem>>, vector<400x1xf32>
    %mul3A = vector.broadcast %get3A_14 : vector<400x1xf32> to vector<400x64xf32>
    %mul3A_15 = arith.mulf %slice3A, %mul3A : vector<400x64xf32>
    %get3A_16 = arith.constant 0 : index
    %get3A_17 = arith.constant 0 : index
    %get3A_18 = vector.load %arg4[%get3A_16, %get3A_17] : memref<64x64xf32, #tpu.memory_space<vmem>>, vector<64x64xf32>
    %dot_general3A = arith.constant dense<0.000000e+00> : vector<400x64xf32>
    %dot_general3A_19 = tpu.matmul %get3A_1, %get3A_18, %dot_general3A {dimension_numbers = #tpu.dot_dimension_numbers<[1], [0], [0], [1], [0, 0, 1, 1], [], []>, transpose_lhs_hint = false} : vector<400x64xf32>, vector<64x64xf32>, vector<400x64xf32> -> vector<400x64xf32>
    %get3A_20 = arith.constant 0 : index
    %get3A_21 = arith.constant 0 : index
    %get3A_22 = vector.load %arg5[%get3A_20, %get3A_21] : memref<64x64xf32, #tpu.memory_space<vmem>>, vector<64x64xf32>
    %dot_general3A_23 = arith.constant dense<0.000000e+00> : vector<400x64xf32>
    %dot_general3A_24 = tpu.matmul %mul3A_15, %get3A_22, %dot_general3A_23 {dimension_numbers = #tpu.dot_dimension_numbers<[1], [0], [0], [1], [0, 0, 1, 1], [], []>, transpose_lhs_hint = false} : vector<400x64xf32>, vector<64x64xf32>, vector<400x64xf32> -> vector<400x64xf32>
    %add3A_25 = arith.addf %dot_general3A_19, %dot_general3A_24 : vector<400x64xf32>
    %get3A_26 = arith.constant 0 : index
    %get3A_27 = arith.constant 0 : index
    %get3A_28 = vector.load %arg6[%get3A_26, %get3A_27] : memref<1x64xf32, #tpu.memory_space<vmem>>, vector<1x64xf32>
    %add3A_29 = vector.broadcast %get3A_28 : vector<1x64xf32> to vector<400x64xf32>
    %add3A_30 = arith.addf %add3A_25, %add3A_29 : vector<400x64xf32>
    %max3A = arith.constant 0.000000e+00 : f32
    %max3A_31 = vector.broadcast %max3A : f32 to vector<400x64xf32>
    %max3A_32 = arith.maximumf %add3A_30, %max3A_31 : vector<400x64xf32>
    %add3A_33 = arith.addf %max3A_32, %get3A_1 : vector<400x64xf32>
    %max3A_34 = arith.constant 0.000000e+00 : f32
    %max3A_35 = vector.broadcast %max3A_34 : f32 to vector<400x64xf32>
    %max3A_36 = arith.maximumf %add3A_33, %max3A_35 : vector<400x64xf32>
    %get3A_37 = arith.constant 0 : index
    %get3A_38 = arith.constant 0 : index
    %get3A_39 = vector.load %arg13[%get3A_37, %get3A_38] : memref<64x64xf32, #tpu.memory_space<vmem>>, vector<64x64xf32>
    %dot_general3A_40 = arith.constant dense<0.000000e+00> : vector<400x64xf32>
    %dot_general3A_41 = tpu.matmul %max3A_36, %get3A_39, %dot_general3A_40 {dimension_numbers = #tpu.dot_dimension_numbers<[1], [0], [0], [1], [0, 0, 1, 1], [], []>, transpose_lhs_hint = false} : vector<400x64xf32>, vector<64x64xf32>, vector<400x64xf32> -> vector<400x64xf32>
    %get3A_42 = arith.constant 0 : index
    %get3A_43 = arith.constant 0 : index
    %get3A_44 = vector.load %arg7[%get3A_42, %get3A_43] : memref<64x64xf32, #tpu.memory_space<vmem>>, vector<64x64xf32>
    %get3A_45 = arith.constant 0 : index
    %get3A_46 = arith.constant 0 : index
    %get3A_47 = vector.load %arg9[%get3A_45, %get3A_46] : memref<64x1xf32, #tpu.memory_space<vmem>>, vector<64x1xf32>
    %max3A_48 = arith.constant 1.000000e+00 : f32
    %max3A_49 = vector.broadcast %max3A_48 : f32 to vector<64x1xf32>
    %max3A_50 = arith.maximumf %get3A_47, %max3A_49 : vector<64x1xf32>
    %div3A = arith.constant 1.000000e+00 : f32
    %div3A_51 = vector.broadcast %div3A : f32 to vector<64x1xf32>
    %div3A_52 = arith.divf %div3A_51, %max3A_50 : vector<64x1xf32>
    %get3A_53 = arith.constant 0 : index
    %get3A_54 = arith.constant 0 : index
    %get3A_55 = vector.load %arg8[%get3A_53, %get3A_54] : memref<64x64xf32, #tpu.memory_space<vmem>>, vector<64x64xf32>
    %mul3A_56 = vector.broadcast %div3A_52 : vector<64x1xf32> to vector<64x64xf32>
    %mul3A_57 = arith.mulf %get3A_55, %mul3A_56 : vector<64x64xf32>
    %get3A_58 = arith.constant 0 : index
    %get3A_59 = arith.constant 0 : index
    %get3A_60 = vector.load %arg10[%get3A_58, %get3A_59] : memref<64x64xf32, #tpu.memory_space<vmem>>, vector<64x64xf32>
    %dot_general3A_61 = arith.constant dense<0.000000e+00> : vector<64x64xf32>
    %dot_general3A_62 = tpu.matmul %get3A_44, %get3A_60, %dot_general3A_61 {dimension_numbers = #tpu.dot_dimension_numbers<[1], [0], [0], [1], [0, 0, 1, 1], [], []>, transpose_lhs_hint = false} : vector<64x64xf32>, vector<64x64xf32>, vector<64x64xf32> -> vector<64x64xf32>
    %get3A_63 = arith.constant 0 : index
    %get3A_64 = arith.constant 0 : index
    %get3A_65 = vector.load %arg11[%get3A_63, %get3A_64] : memref<64x64xf32, #tpu.memory_space<vmem>>, vector<64x64xf32>
    %dot_general3A_66 = arith.constant dense<0.000000e+00> : vector<64x64xf32>
    %dot_general3A_67 = tpu.matmul %mul3A_57, %get3A_65, %dot_general3A_66 {dimension_numbers = #tpu.dot_dimension_numbers<[1], [0], [0], [1], [0, 0, 1, 1], [], []>, transpose_lhs_hint = false} : vector<64x64xf32>, vector<64x64xf32>, vector<64x64xf32> -> vector<64x64xf32>
    %add3A_68 = arith.addf %dot_general3A_62, %dot_general3A_67 : vector<64x64xf32>
    %get3A_69 = arith.constant 0 : index
    %get3A_70 = arith.constant 0 : index
    %get3A_71 = vector.load %arg12[%get3A_69, %get3A_70] : memref<1x64xf32, #tpu.memory_space<vmem>>, vector<1x64xf32>
    %add3A_72 = vector.broadcast %get3A_71 : vector<1x64xf32> to vector<64x64xf32>
    %add3A_73 = arith.addf %add3A_68, %add3A_72 : vector<64x64xf32>
    %max3A_74 = arith.constant 0.000000e+00 : f32
    %max3A_75 = vector.broadcast %max3A_74 : f32 to vector<64x64xf32>
    %max3A_76 = arith.maximumf %add3A_73, %max3A_75 : vector<64x64xf32>
    %add3A_77 = arith.addf %max3A_76, %get3A_44 : vector<64x64xf32>
    %max3A_78 = arith.constant 0.000000e+00 : f32
    %max3A_79 = vector.broadcast %max3A_78 : f32 to vector<64x64xf32>
    %max3A_80 = arith.maximumf %add3A_77, %max3A_79 : vector<64x64xf32>
    %get3A_81 = arith.constant 0 : index
    %get3A_82 = arith.constant 0 : index
    %get3A_83 = vector.load %arg14[%get3A_81, %get3A_82] : memref<64x64xf32, #tpu.memory_space<vmem>>, vector<64x64xf32>
    %dot_general3A_84 = arith.constant dense<0.000000e+00> : vector<64x64xf32>
    %dot_general3A_85 = tpu.matmul %max3A_80, %get3A_83, %dot_general3A_84 {dimension_numbers = #tpu.dot_dimension_numbers<[1], [0], [0], [1], [0, 0, 1, 1], [], []>, transpose_lhs_hint = false} : vector<64x64xf32>, vector<64x64xf32>, vector<64x64xf32> -> vector<64x64xf32>
    %get3A_86 = arith.constant 0 : index
    %get3A_87 = arith.constant 0 : index
    %get3A_88 = vector.load %arg15[%get3A_86, %get3A_87] : memref<1x64xf32, #tpu.memory_space<vmem>>, vector<1x64xf32>
    %add3A_89 = vector.broadcast %get3A_88 : vector<1x64xf32> to vector<64x64xf32>
    %add3A_90 = arith.addf %dot_general3A_85, %add3A_89 : vector<64x64xf32>
    %broadcast_in_dim3A = vector.shape_cast %dot_general3A_41 : vector<400x64xf32> to vector<400x1x64xf32>
    %broadcast_in_dim3A_91 = vector.shape_cast %add3A_90 : vector<64x64xf32> to vector<1x64x64xf32>
    %add3A_92 = vector.broadcast %broadcast_in_dim3A : vector<400x1x64xf32> to vector<400x64x64xf32>
    %add3A_93 = vector.broadcast %broadcast_in_dim3A_91 : vector<1x64x64xf32> to vector<400x64x64xf32>
    %add3A_94 = arith.addf %add3A_92, %add3A_93 : vector<400x64x64xf32>
    %max3A_95 = arith.constant 0.000000e+00 : f32
    %max3A_96 = vector.broadcast %max3A_95 : f32 to vector<400x64x64xf32>
    %max3A_97 = arith.maximumf %add3A_94, %max3A_96 : vector<400x64x64xf32>
    %reshape3A = vector.shape_cast %max3A_97 : vector<400x64x64xf32> to vector<25600x64xf32>
    %get3A_98 = arith.constant 0 : index
    %get3A_99 = arith.constant 0 : index
    %get3A_100 = vector.load %arg16[%get3A_98, %get3A_99] : memref<64x1xf32, #tpu.memory_space<vmem>>, vector<64x1xf32>
    %dot_general3A_101 = arith.constant dense<0.000000e+00> : vector<25600x1xf32>
    %dot_general3A_102 = tpu.matmul %reshape3A, %get3A_100, %dot_general3A_101 {dimension_numbers = #tpu.dot_dimension_numbers<[1], [0], [0], [1], [0, 0, 1, 1], [], []>, transpose_lhs_hint = false} : vector<25600x64xf32>, vector<64x1xf32>, vector<25600x1xf32> -> vector<25600x1xf32>
    %reshape3A_103 = vector.shape_cast %dot_general3A_102 : vector<25600x1xf32> to vector<400x64xf32>
    %get3A_104 = arith.constant 0 : index
    %get3A_105 = arith.constant 0 : index
    %get3A_106 = vector.load %arg17[%get3A_104, %get3A_105] : memref<1x1xf32, #tpu.memory_space<vmem>>, vector<1x1xf32>
    %add3A_107 = vector.broadcast %get3A_106 : vector<1x1xf32> to vector<400x64xf32>
    %add3A_108 = arith.addf %reshape3A_103, %add3A_107 : vector<400x64xf32>
    %swap3A = arith.constant 0 : index
    %swap3A_109 = arith.constant 0 : index
    %swap3A_110 = vector.load %arg22[%swap3A, %swap3A_109] : memref<400x64xf32, #tpu.memory_space<vmem>>, vector<400x64xf32>
    tpu.vector_store %arg22[%swap3A, %swap3A_109], %add3A_108 {strides = array<i32>} : memref<400x64xf32, #tpu.memory_space<vmem>>, vector<400x64xf32>,
    %get3A_111 = arith.constant 0 : index
    %get3A_112 = arith.constant 0 : index
    %get3A_113 = vector.load %arg18[%get3A_111, %get3A_112] : memref<64x64xf32, #tpu.memory_space<vmem>>, vector<64x64xf32>
    %dot_general3A_114 = arith.constant dense<0.000000e+00> : vector<400x64xf32>
    %dot_general3A_115 = tpu.matmul %add3A_108, %get3A_113, %dot_general3A_114 {dimension_numbers = #tpu.dot_dimension_numbers<[1], [0], [0], [1], [0, 0, 1, 1], [], []>, transpose_lhs_hint = false} : vector<400x64xf32>, vector<64x64xf32>, vector<400x64xf32> -> vector<400x64xf32>
    %get3A_116 = arith.constant 0 : index
    %get3A_117 = arith.constant 0 : index
    %get3A_118 = vector.load %arg19[%get3A_116, %get3A_117] : memref<1x64xf32, #tpu.memory_space<vmem>>, vector<1x64xf32>
    %add3A_119 = vector.broadcast %get3A_118 : vector<1x64xf32> to vector<400x64xf32>
    %add3A_120 = arith.addf %dot_general3A_115, %add3A_119 : vector<400x64xf32>
    %max3A_121 = arith.constant 0.000000e+00 : f32
    %max3A_122 = vector.broadcast %max3A_121 : f32 to vector<400x64xf32>
    %max3A_123 = arith.maximumf %add3A_120, %max3A_122 : vector<400x64xf32>
    %get3A_124 = arith.constant 0 : index
    %get3A_125 = arith.constant 0 : index
    %get3A_126 = vector.load %arg20[%get3A_124, %get3A_125] : memref<64x1xf32, #tpu.memory_space<vmem>>, vector<64x1xf32>
    %dot_general3A_127 = arith.constant dense<0.000000e+00> : vector<400x1xf32>
    %dot_general3A_128 = tpu.matmul %max3A_123, %get3A_126, %dot_general3A_127 {dimension_numbers = #tpu.dot_dimension_numbers<[1], [0], [0], [1], [0, 0, 1, 1], [], []>, transpose_lhs_hint = false} : vector<400x64xf32>, vector<64x1xf32>, vector<400x1xf32> -> vector<400x1xf32>
    %get3A_129 = arith.constant 0 : index
    %get3A_130 = arith.constant 0 : index
    %get3A_131 = vector.load %arg21[%get3A_129, %get3A_130] : memref<1x1xf32, #tpu.memory_space<vmem>>, vector<1x1xf32>
    %add3A_132 = vector.broadcast %get3A_131 : vector<1x1xf32> to vector<400x1xf32>
    %add3A_133 = arith.addf %dot_general3A_128, %add3A_132 : vector<400x1xf32>
    %swap3A_134 = arith.constant 0 : index
    %swap3A_135 = arith.constant 0 : index
    %swap3A_136 = vector.load %arg23[%swap3A_134, %swap3A_135] : memref<400x1xf32, #tpu.memory_space<vmem>>, vector<400x1xf32>
    tpu.vector_store %arg23[%swap3A_134, %swap3A_135], %add3A_133 {strides = array<i32>} : memref<400x1xf32, #tpu.memory_space<vmem>>, vector<400x1xf32>,
    return
  }
  func.func @transform_0(%arg0: i32) -> (i32, i32) {
    %c0_i32 = arith.constant 0 : i32
    %c0_i32_0 = arith.constant 0 : i32
    return %arg0, %c0_i32 : i32, i32
  }
  func.func @transform_1(%arg0: i32) -> (i32, i32, i32) {
    %c0_i32 = arith.constant 0 : i32
    %c0_i32_0 = arith.constant 0 : i32
    %c0_i32_1 = arith.constant 0 : i32
    return %c0_i32, %arg0, %c0_i32_0 : i32, i32, i32
  }
  func.func @transform_2(%arg0: i32) -> (i32, i32) {
    %c0_i32 = arith.constant 0 : i32
    %c0_i32_0 = arith.constant 0 : i32
    return %arg0, %c0_i32 : i32, i32
  }
  func.func @transform_3(%arg0: i32) -> (i32, i32) {
    %c0_i32 = arith.constant 0 : i32
    %c0_i32_0 = arith.constant 0 : i32
    %c0_i32_1 = arith.constant 0 : i32
    return %c0_i32, %c0_i32_0 : i32, i32
  }
  func.func @transform_4(%arg0: i32) -> (i32, i32) {
    %c0_i32 = arith.constant 0 : i32
    %c0_i32_0 = arith.constant 0 : i32
    %c0_i32_1 = arith.constant 0 : i32
    return %c0_i32, %c0_i32_0 : i32, i32
  }
  func.func @transform_5(%arg0: i32) -> (i32, i32) {
    %c0_i32 = arith.constant 0 : i32
    %c0_i32_0 = arith.constant 0 : i32
    %c0_i32_1 = arith.constant 0 : i32
    return %c0_i32, %c0_i32_0 : i32, i32
  }
  func.func @transform_6(%arg0: i32) -> (i32, i32) {
    %c0_i32 = arith.constant 0 : i32
    %c0_i32_0 = arith.constant 0 : i32
    %c0_i32_1 = arith.constant 0 : i32
    return %c0_i32, %c0_i32_0 : i32, i32
  }
  func.func @transform_7(%arg0: i32) -> (i32, i32) {
    %c0_i32 = arith.constant 0 : i32
    %c0_i32_0 = arith.constant 0 : i32
    %c0_i32_1 = arith.constant 0 : i32
    return %c0_i32, %c0_i32_0 : i32, i32
  }
  func.func @transform_8(%arg0: i32) -> (i32, i32) {
    %c0_i32 = arith.constant 0 : i32
    %c0_i32_0 = arith.constant 0 : i32
    %c0_i32_1 = arith.constant 0 : i32
    return %c0_i32, %c0_i32_0 : i32, i32
  }
  func.func @transform_9(%arg0: i32) -> (i32, i32) {
    %c0_i32 = arith.constant 0 : i32
    %c0_i32_0 = arith.constant 0 : i32
    %c0_i32_1 = arith.constant 0 : i32
    return %c0_i32, %c0_i32_0 : i32, i32
  }
  func.func @transform_10(%arg0: i32) -> (i32, i32) {
    %c0_i32 = arith.constant 0 : i32
    %c0_i32_0 = arith.constant 0 : i32
    %c0_i32_1 = arith.constant 0 : i32
    return %c0_i32, %c0_i32_0 : i32, i32
  }
  func.func @transform_11(%arg0: i32) -> (i32, i32) {
    %c0_i32 = arith.constant 0 : i32
    %c0_i32_0 = arith.constant 0 : i32
    %c0_i32_1 = arith.constant 0 : i32
    return %c0_i32, %c0_i32_0 : i32, i32
  }
  func.func @transform_12(%arg0: i32) -> (i32, i32) {
    %c0_i32 = arith.constant 0 : i32
    %c0_i32_0 = arith.constant 0 : i32
    %c0_i32_1 = arith.constant 0 : i32
    return %c0_i32, %c0_i32_0 : i32, i32
  }
  func.func @transform_13(%arg0: i32) -> (i32, i32) {
    %c0_i32 = arith.constant 0 : i32
    %c0_i32_0 = arith.constant 0 : i32
    %c0_i32_1 = arith.constant 0 : i32
    return %c0_i32, %c0_i32_0 : i32, i32
  }
  func.func @transform_14(%arg0: i32) -> (i32, i32) {
    %c0_i32 = arith.constant 0 : i32
    %c0_i32_0 = arith.constant 0 : i32
    %c0_i32_1 = arith.constant 0 : i32
    return %c0_i32, %c0_i32_0 : i32, i32
  }
  func.func @transform_15(%arg0: i32) -> (i32, i32) {
    %c0_i32 = arith.constant 0 : i32
    %c0_i32_0 = arith.constant 0 : i32
    %c0_i32_1 = arith.constant 0 : i32
    return %c0_i32, %c0_i32_0 : i32, i32
  }
  func.func @transform_16(%arg0: i32) -> (i32, i32) {
    %c0_i32 = arith.constant 0 : i32
    %c0_i32_0 = arith.constant 0 : i32
    %c0_i32_1 = arith.constant 0 : i32
    return %c0_i32, %c0_i32_0 : i32, i32
  }
  func.func @transform_17(%arg0: i32) -> (i32, i32) {
    %c0_i32 = arith.constant 0 : i32
    %c0_i32_0 = arith.constant 0 : i32
    %c0_i32_1 = arith.constant 0 : i32
    return %c0_i32, %c0_i32_0 : i32, i32
  }
  func.func @transform_18(%arg0: i32) -> (i32, i32) {
    %c0_i32 = arith.constant 0 : i32
    %c0_i32_0 = arith.constant 0 : i32
    %c0_i32_1 = arith.constant 0 : i32
    return %c0_i32, %c0_i32_0 : i32, i32
  }
  func.func @transform_19(%arg0: i32) -> (i32, i32) {
    %c0_i32 = arith.constant 0 : i32
    %c0_i32_0 = arith.constant 0 : i32
    %c0_i32_1 = arith.constant 0 : i32
    return %c0_i32, %c0_i32_0 : i32, i32
  }
  func.func @transform_20(%arg0: i32) -> (i32, i32) {
    %c0_i32 = arith.constant 0 : i32
    %c0_i32_0 = arith.constant 0 : i32
    %c0_i32_1 = arith.constant 0 : i32
    return %c0_i32, %c0_i32_0 : i32, i32
  }
  func.func @transform_21(%arg0: i32) -> (i32, i32) {
    %c0_i32 = arith.constant 0 : i32
    %c0_i32_0 = arith.constant 0 : i32
    return %arg0, %c0_i32 : i32, i32
  }
  func.func @transform_22(%arg0: i32) -> (i32, i32) {
    %c0_i32 = arith.constant 0 : i32
    %c0_i32_0 = arith.constant 0 : i32
    return %arg0, %c0_i32 : i32, i32
  }
}

</mosaic_0001>

<sc_bundles>
// kernel: kernel.13.cloned.1.call-start
scs
__scs_entry_jumppad:
0x0: {  	(pc) =	sbr.rel $0x88, $3  }
0x1: {  	(tag) =	ssettag $0x0;
	lr =	simm.s32 $0x1  }
0x2: {  	[smem:$0x3F7A] =	sst lr;
	_ =	strace $0xD0000000  }
0x3: {  	_ = 	snop  }
0x4: {  	_ = 	snop  }
0x5: {  	_ = 	snop  }
0x6: {  	_ = 	snop  }
0x7: {  	_ = 	snop  }
__scs_overlays_trampoline_lowered:
0x8: {  	[smem:$0x3F89] =	sst s0  }
0x9: {  	[smem:$0x3F8A] =	sst s1  }
0xa: {  	[smem:$0x3F8B] =	sst s2  }
0xb: {  	[smem:$0x3F8C] =	sst s3  }
0xc: {  	[smem:$0x3F8D] =	sst s4  }
0xd: {  	[smem:$0x3F8E] =	sst s5  }
0xe: {  	[smem:$0x3F8F] =	sst s6  }
0xf: {  	[smem:$0x3F90] =	sst s7  }
0x10: {  	[smem:$0x3F91] =	sst s8  }
0x11: {  	[smem:$0x3F92] =	sst s9;
	s0 =	simm.s32 @!p0 $0x0  }
0x12: {  	s1 =	sld [smem:$0x3F78];
	s0 =	simm.s32 @p0 $0x1  }
0x13: {  	[smem:$0x3F93] =	sst s0;
	s0 =	simm.s32 @!p1 $0x0  }
0x14: {  	s2 =	sld [smem:$0x3F77];
	s0 =	simm.s32 @p1 $0x1  }
0x15: {  	[smem:$0x3F94] =	sst s0;
	s0 =	simm.s32 @!p2 $0x0  }
0x16: {  	s3 =	sld [smem:$0x3FDB];
	s0 =	simm.s32 @p2 $0x1  }
0x17: {  	s4 =	simm.s32 $0x1BF5;
	[smem:$0x3F96] =	sst s0  }
0x18: {  	s0 =	sld [smem:$0x3F79];
	_ =	swait.ge [sflag:s4], $0x0  }
0x19: {  	s7 =	sld [smem:$0x3F7A]  }
0x1a: {  	s8 =	sadd.s32 $0xFFFFE003, lr  }
0x1b: {  	s9 =	sadd.s32 $0xFFFFFEF7, lr;
	s5 =	simm.s32 $0xFFFFFFFF;
	p2 =	slt.u32 s8, $0xFFFFF086  }
0x1c: {  	p1 =	slt.u32 s9, $0xF7A;
	s5 =	simm.s32 @!p2 $0x0  }
0x1d: {  	s5 =	simm.s32 @p1 $0x1;
	p0 =	seq.s32 s7, s2  }
0x1e: {  	s7 =	smul.u32 @!p0 $0xF7A, s2;
	p2 =	seq.s32 @!p0 s5, $0x0  }
0x1f: {  	s9 =	smul.u32 $0xF7A, s1;
	s8 =	simm.s32 @!p0 $0x1BF5;
	p2 =	por !p2, p0  }
0x20: {  	[sflag:s8] =	ssyncset.s32 @!p0 $0xFFFFF086;
	s6 =	sadd.s32 @!p0 s3, s7;
	s7 =	simm.s32 @!p0 $0x108  }
0x21: {  	s3 =	sadd.s32 s3, s9;
	s6 =	sadd.s32 @!p0 $0x88, s6;
	s7 =	simm.s32 @p2 $0x1082  }
0x22: {  	[simem:s7], [sflag:s8] =	dma.local @!p0 [hbm:s6], $0xF7A  }
0x23: {  	s9 =	sor.u32 $0xD0000000, s2;
	s6 =	simm.s32 $0x108;
	_ =	swait.ge @!p0 [sflag:s8], $0x0  }
0x24: {  	s3 =	sadd.s32 $0x88, s3;
	s6 =	simm.s32 @!p1 $0x1082;
	[sflag:s4] =	ssyncset.s32 $0xFFFFF086  }
0x25: {  	[simem:s6], [sflag:s4] =	dma.local [hbm:s3], $0xF7A  }
0x26: {  	[smem:$0x3F7A] =	sst s1;
	(tag) =	ssettag s2;
	_ =	strace s9  }
0x27: {  	s1 =	sld [smem:$0x3F8A]  }
0x28: {  	s2 =	sld [smem:$0x3F8B]  }
0x29: {  	s4 =	sld [smem:$0x3F8D]  }
0x2a: {  	p0 =	seq.s32 s5, $0x0;
	s5 =	sld [smem:$0x3F8E]  }
0x2b: {  	s6 =	sld [smem:$0x3F8F]  }
0x2c: {  	s7 =	sld [smem:$0x3F90]  }
0x2d: {  	s3 =	simm.s32 $0x108;
	s8 =	sld [smem:$0x3F91]  }
0x2e: {  	s3 =	simm.s32 @!p0 $0x1082;
	s9 =	sld [smem:$0x3F92]  }
0x2f: {  	lr =	sadd.s32 s0, s3;
	s0 =	sld [smem:$0x3F89]  }
0x30: {  	s3 =	sld [smem:$0x3F8C]  }
0x31: {  	[smem:$0x3F95] =	sst s10  }
0x32: {  	s10 =	sld [smem:$0x3F93];
	_ =	sdelay $0x3  }
0x33: {  	p0 =	seq.s32 s10, $0x1;
	s10 =	sld [smem:$0x3F95];
	_ =	sdelay $0x3  }
0x34: {  	[smem:$0x3F95] =	sst s10  }
0x35: {  	s10 =	sld [smem:$0x3F94];
	_ =	sdelay $0x3  }
0x36: {  	p1 =	seq.s32 s10, $0x1;
	s10 =	sld [smem:$0x3F95];
	_ =	sdelay $0x3  }
0x37: {  	[smem:$0x3F95] =	sst s10  }
0x38: {  	s10 =	sld [smem:$0x3F96]  }
0x39: {  	_ = 	snop;
	(pc) =	sbr.ind lr, $3  }
0x3a: {  	_ = 	snop  }
0x3b: {  	_ = 	snop  }
0x3c: {  	p2 =	seq.s32 s10, $0x1;
	s10 =	sld [smem:$0x3F95]  }
0x3d: {  	_ =	shalt  }
0x3e: {  	_ =	shalt  }
0x3f: {  	_ =	shalt  }
0x40: {  	_ =	shalt  }
0x41: {  	_ =	shalt  }
0x42: {  	_ =	shalt  }
0x43: {  	_ =	shalt  }
0x44: {  	_ =	shalt  }
0x45: {  	_ =	shalt  }
0x46: {  	_ =	shalt  }
0x47: {  	_ =	shalt  }
0x48: {  	_ =	shalt  }
0x49: {  	_ =	shalt  }
0x4a: {  	_ =	shalt  }
0x4b: {  	_ =	shalt  }
0x4c: {  	_ =	shalt  }
0x4d: {  	_ =	shalt  }
0x4e: {  	_ =	shalt  }
0x4f: {  	_ =	shalt  }
0x50: {  	_ =	shalt  }
0x51: {  	_ =	shalt  }
0x52: {  	_ =	shalt  }
0x53: {  	_ =	shalt  }
0x54: {  	_ =	shalt  }
0x55: {  	_ =	shalt  }
0x56: {  	_ =	shalt  }
0x57: {  	_ =	shalt  }
0x58: {  	_ =	shalt  }
0x59: {  	_ =	shalt  }
0x5a: {  	_ =	shalt  }
0x5b: {  	_ =	shalt  }
0x5c: {  	_ =	shalt  }
0x5d: {  	_ =	shalt  }
0x5e: {  	_ =	shalt  }
0x5f: {  	_ =	shalt  }
0x60: {  	_ =	shalt  }
0x61: {  	_ =	shalt  }
0x62: {  	_ =	shalt  }
0x63: {  	_ =	shalt  }
0x64: {  	_ =	shalt  }
0x65: {  	_ =	shalt  }
0x66: {  	_ =	shalt  }
0x67: {  	_ =	shalt  }
0x68: {  	_ =	shalt  }
0x69: {  	_ =	shalt  }
0x6a: {  	_ =	shalt  }
0x6b: {  	_ =	shalt  }
0x6c: {  	_ =	shalt  }
0x6d: {  	_ =	shalt  }
0x6e: {  	_ =	shalt  }
0x6f: {  	_ =	shalt  }
0x70: {  	_ =	shalt  }
0x71: {  	_ =	shalt  }
0x72: {  	_ =	shalt  }
0x73: {  	_ =	shalt  }
0x74: {  	_ =	shalt  }
0x75: {  	_ =	shalt  }
0x76: {  	_ =	shalt  }
0x77: {  	_ =	shalt  }
0x78: {  	_ =	shalt  }
0x79: {  	_ =	shalt  }
0x7a: {  	_ =	shalt  }
0x7b: {  	_ =	shalt  }
0x7c: {  	_ =	shalt  }
0x7d: {  	_ =	shalt  }
0x7e: {  	_ =	shalt  }
0x7f: {  	_ =	shalt  }
0x80: {  	_ =	shalt  }
0x81: {  	_ =	shalt  }
0x82: {  	_ =	shalt  }
0x83: {  	_ =	shalt  }
0x84: {  	_ =	shalt  }
0x85: {  	_ =	shalt  }
0x86: {  	_ =	shalt  }
0x87: {  	_ =	shalt  }
.Lfunc_end0:
.L_simem_size_0:
called_computation_lowered:
.L_overlay_start_0:
0x88: {  	s2 =	sld [smem:$0x3FD9]  }
0x89: {  	s3 =	sld [smem:$0x3FFE];
	_ =	sdelay $0x1  }
0x8a: {  	s1 =	srdreg.scid  }
0x8b: {  	s0 =	sand.u32 $0x1, s1  }
0x8c: {  	s14 =	sshll.u32 s0, $0xA;
	s2 =	sadd.s32 s3, s2  }
0x8d: {  	s2 =	sadd.s32 s2, s14  }
0x8e: {  	[smem:$0x3FA1] =	sst s2  }
0x8f: {  	_ = 	snop  }
0x90: {  	s2 =	sld [smem:$0x3FD0];
	_ =	sdelay $0x2  }
0x91: {  	s15 =	simm.s32 $0xA;
	s4 =	simm.s32 $0x10  }
0x92: {  	[smem:s4], [sflag:s15] =	dma.local [hbm:s2], $0x1  }
0x93: {  	_ =	swait.eq [sflag:s15], $0x1  }
0x94: {  	[sflag:s15] =	ssyncset.done $0x0  }
0x95: {  	[sflag:s15] =	ssyncadd.s32 $0xFFFFFFFF  }
0x96: {  	s16 =	sld [smem:$0x10];
	(tm) =	ssettm $0x1  }
0x97: {  	s17 =	sld [smem:$0x3FFB];
	_ =	sdelay $0x3  }
0x98: {  	_ =	strace s17  }
0x99: {  	s3 =	sld [smem:$0x3FFC];
	_ =	sdelay $0x3  }
0x9a: {  	_ =	strace s3  }
0x9b: {  	s3 =	sld [smem:$0x3FFD];
	_ =	sdelay $0x3  }
0x9c: {  	_ =	strace s3  }
0x9d: {  	_ =	strace $0x8FFFFFFF  }
0x9e: {  	s18 =	sld [smem:$0x3FDB];
	_ =	sdelay $0x1  }
0x9f: {  	s19 =	simm.s32 $_scs_section_size  }
0xa0: {  	s5 =	simm.s32 $_size__tile_overlayer_lowered;
	s6 =	simm.s32 $_tile_overlayer_lowered  }
0xa1: {  	s22 =	simm.s32 $0x1BFF;
	s21 =	sshll.u32 s6, $0x1;
	s3 =	sadd.s32 s19, s18  }
0xa2: {  	s7 =	simm.s32 $0x0;
	s20 =	sshll.u32 s5, $0x1;
	s5 =	sadd.s32 s21, s3  }
0xa3: {  	[timem:s7], [sflag:s22] =	dma.local [hbm:s5], s20  }
0xa4: {  	_ =	swait.ge [sflag:s22], s20  }
0xa5: {  	s4 =	ssub.s32 $0x0, s20;
	[sflag:s22] =	ssyncset.done $0x0  }
0xa6: {  	[sflag:s22] =	ssyncadd.s32 s4;
	_ =	sdelay $0x1  }
0xa7: {  	s23 =	simm.s32 $0x1B8B  }
0xa8: {  	_ =	swait.ge [sflag:s23], $0x1  }
0xa9: {  	[sflag:s23] =	ssyncset.done $0x0  }
0xaa: {  	s25 =	simm.s32 $0x1B8E;
	s24 =	sld [smem:$0x3FFE];
	[sflag:s23] =	ssyncadd.s32 $0xFFFFFFFF  }
0xab: {  	s26 =	simm.s32 $execute0_lowered;
	[smem:$0x3FD2] =	sst s25  }
0xac: {  	s5 =	sshll.u32 s26, $0x1;
	_ =	strace $0x80000046;
	[dreg:$0x1] =	wrdreg $0xFFFFFFFF  }
0xad: {  	s28 =	simm.s32 $_size_execute0_lowered;
	s3 =	sadd.s32 s3, s5;
	[dreg:$0x0] =	wrdreg $0x0  }
0xae: {  	s5 =	sshll.u32 s28, $0x1;
	[dreg:$0x2] =	wrdreg s3  }
0xaf: {  	[dreg:$0x3] =	wrdreg s5  }
0xb0: {  	[dreg:$0x4] =	wrdreg $0xC0  }
0xb1: {  	_ =	task [dreg:s7], $0x5FFFF  }
0xb2: {  	[dreg:$0x1] =	wrdreg $0xFFFFFFFF  }
0xb3: {  	[dreg:$0x0] =	wrdreg $0x60  }
0xb4: {  	[dreg:$0x2] =	wrdreg s24  }
0xb5: {  	[dreg:$0x3] =	wrdreg s16  }
0xb6: {  	[dreg:$0x4] =	wrdreg $0x81000  }
0xb7: {  	[dreg:$0x5] =	wrdreg $0x9  }
0xb8: {  	_ =	task.clear_ibuf [dreg:s7], $0x6FFFF;
	_ =	strace $0x90000046  }
0xb9: {  	s29 =	simm.s32 $0x9;
	_ =	strace $0x80000048  }
0xba: {  	_ =	swait.ge [sflag:s29], $0x1  }
0xbb: {  	[sflag:s29] =	ssyncadd.s32 $0xFFFFFFFF  }
0xbc: {  	_ =	strace $0x90000048  }
0xbd: {  	_ =	sfence  }
0xbe: {  	s30 =	sld [smem:$0x0];
	_ =	sdelay $0x2  }
0xbf: {  	s31 =	sshll.u32 s1, $0xD;
	s1 =	sshrl.u32 s1, $0x2  }
0xc0: {  	s3 =	sand.u32 $0x4000, s31;
	s1 =	sadd.s32 s1, s30  }
0xc1: {  	s0 =	sor.u32 s3, s0;
	s1 =	sshll.u32 s1, $0x11  }
0xc2: {  	s0 =	sor.u32 s1, s0  }
0xc3: {  	s0 =	sadd.s32 $0x8F2B, s0  }
0xc4: {  	[sflag:s0] =	ssyncadd.remote.s32 $0x1  }
0xc5: {  	_ =	sfence.sel $0xFFFF  }
0xc6: {  	[dreg:$0x0] =	wrdreg $0xFFFFFFFF;
	(pc) =	sbr.abs _section_cstart, $3  }
0xc7: {  	[dreg:$0x1] =	wrdreg $0xFFFFFFFF  }
0xc8: {  	_ =	task.clear_ibuf [dreg:s7], $0x2FFFF;
	_ =	strace $0x9FFFFFFF  }
0xc9: {  	(tm) =	ssettm $0x7FFFFFFF  }
tec
execute0_lowered:
.L_overlay_start_1:
0x0: {  	(tag) =	ssettag $0x1  }
0x1: {  	s0 =	rddreg [dreg:$0x0]  }
0x2: {  	s1 =	rddreg [dreg:$0x1]  }
0x3: {  	s2 =	rddreg [dreg:$0x2];
	s3 =	simm.s32 $0x0;
	s21 =	stileid.u32  }
0x4: {  	s4 =	srdreg.scid;
	[smem:$0x7FF] =	sst s3  }
0x5: {  	s5 =	smul.u32 $0x13800, s21;
	s14 =	sand.u32 $0x1, s4;
	s18 =	sshll.u32 s21, $0x1  }
0x6: {  	s17 =	sadd.s32 $0x9CFC00, s0;
	s16 =	sadd.s32 $0xED9600, s0;
	p0 =	slt.u32 s21, $0x2  }
0x7: {  	s9 =	smul.u32 $0x4E000, s21;
	s25 =	sshll.u32 s21, $0x6;
	s12 =	sadd.s32 $0x138000, s2  }
0x8: {  	s13 =	sadd.s32 $0xED9400, s0;
	_ =	strace $0x80000047;
	s4 =	sor.u32 s14, s18  }
0x9: {  	s19 =	ssub.s32 $0x2, s14;
	s28 =	smul.u32 $0x4E, s14;
	s6 =	sshrl.u32 s5, $0x3  }
0xa: {  	s7 =	smul.u32 $0x4E, s4;
	s8 =	sshrl.u32 s19, $0x1;
	s15 =	smin.u32 s4, $0x4  }
0xb: {  	s4 =	simm.s32 $0x4F;
	s9 =	sshrl.u32 s9, $0x2;
	s10 =	sadd.s32 s6, s0  }
0xc: {  	s18 =	ssub.s32 s19, s8;
	s4 =	simm.s32 @!p0 $0x4E;
	s9 =	sadd.s32 s9, s2  }
0xd: {  	s19 =	smul.u32 $0x138800, s14;
	p0 =	sne.s32 s21, $0xF;
	s7 =	sadd.s32 s15, s7  }
0xe: {  	s10 =	sadd.s32 $0xEB2400, s10;
	s14 =	sadd.s32 $0xFFFFFFFE, s4;
	s20 =	sshll.u32 s7, $0x4  }
0xf: {  	s22 =	sshll.u32 s7, $0xB;
	s7 =	sshll.u32 s7, $0x7;
	s26 =	sadd.s32 s5, s19  }
0x10: {  	s29 =	sshrl.u32 s19, $0x3;
	s6 =	sadd.s32 s1, s20;
	s23 =	sadd.s32 s17, s22  }
0x11: {  	s7 =	sadd.s32 $0x80, s7;
	s20 =	smul.u32 $0x9C, s21;
	[dreg:$0x4] =	wrdreg s6  }
0x12: {  	s0 =	sshrl.u32 s26, $0x3;
	[dreg:$0x5] =	wrdreg s23;
	s24 =	sshrl.u32 s7, $0x3  }
0x13: {  	s11 =	sshll.u32 s7, $0x4;
	s23 =	simm.s32 $0x5;
	s7 =	sadd.s32 s1, s24  }
0x14: {  	s8 =	sadd.s32 s17, s11;
	s11 =	sor.u32 $0x1C05, s25;
	s20 =	sadd.s32 s20, s15  }
0x15: {  	s15 =	sadd.s32 s16, s0;
	s0 =	sadd.s32 s16, s29;
	s5 =	sadd.s32 s28, s20  }
0x16: {  	s24 =	simm.s32 $0x0;
	s30 =	sshll.u32 s5, $0xB;
	s5 =	sshll.u32 s5, $0x4  }
0x17: {  	s16 =	sadd.s32 $0x27000, s0;
	s31 =	sadd.s32 s30, s17;
	s5 =	sadd.s32 s5, s1  }
0x18: {  	s17 =	smax.u32 s18, $0x1;
	s1 =	sadd.s32 $0x1000, s31;
	s19 =	sadd.s32 $0x20, s5  }
.LBB2_1:
0x19: {  	s0 =	rddreg [dreg:$0x4]  }
0x1a: {  	[tilespmem:s3], [sflag:$0x1] =	stream.linear.gather [hbm4b:s0+s3], $0x80, $0x38;
	[tilespmem:$0x1B980] =	vst v63  }
0x1b: {  	s26 =	rddreg [dreg:$0x5];
	s5 =	simm.s32 $0x100  }
0x1c: {  	[tilespmem:s5], [sflag:$0x3] =	stream.linear.gather [hbm4b:s26+s3], $0x4000, $0x38;
	[tilespmem:$0x1B980] =	vst v63  }
0x1d: {  	s30 =	simm.s32 $0x80  }
0x1e: {  	[tilespmem:s30], [sflag:$0x2] =	stream.linear.gather [hbm4b:s7+s3], $0x80, $0x38;
	[tilespmem:$0x1B980] =	vst v63  }
0x1f: {  	s31 =	simm.s32 $0x4100;
	s26 =	sshrl.u32 s9, $0x3  }
0x20: {  	[tilespmem:s31], [sflag:$0x4] =	stream.linear.gather [hbm4b:s8+s3], $0x4000, $0x38;
	[tilespmem:$0x1B980] =	vst v63  }
0x21: {  	[spmem:s26], [sflag:s11] =	dma.local [hbm:s10], $0x2700  }
0x22: {  	_ =	swait.ge [sflag:s23], $0x2700  }
0x23: {  	s28 =	sshrl.u32 @!p0 s12, $0x3;
	[sflag:s23] =	ssyncset.done $0x0  }
0x24: {  	s25 =	simm.s32 @!p0 $0x5;
	p2 =	sne.s32 s4, $0x1;
	[sflag:s23] =	ssyncadd.s32 $0xFFFFD900  }
0x25: {  	[spmem:s28], [sflag:s11] =	dma.local @!p0 [hbm:s13], $0x100  }
.Ltmp0:
0x26: {  	_ =	swait.ge @!p0 [sflag:s25], $0x100;
	(pc) =	sbr.rel @!p2 .LBB2_2-.Ltmp0, $4  }
0x27: {  	[sflag:s25] =	ssyncset.done @!p0 $0x0  }
0x28: {  	[sflag:s25] =	ssyncadd.s32 @!p0 $0xFFFFFF00  }
0x29: {  	[bflag:$0x0] =	sbarrier.arrive $0xFFFF  }
0x2a: {  	s29 =	simm.s32 $0x1;
	s22 =	sand.u32 $0x1, s3;
	p1 =	por $0x0, $0x0  }
0x2b: {  	p1 =	seq.s32 s22, $0x1  }
0x2c: {  	s0 =	simm.s32 @p1 $0x2  }
0x2d: {  	_ =	swait.ge @p1 [sflag:s0], $0x80  }
0x2e: {  	[sflag:s0] =	ssyncset.done @p1 $0x0  }
0x2f: {  	[sflag:s0] =	ssyncadd.s32 @p1 $0xFFFFFF80;
	s0 =	simm.s32 @p1 $0x4  }
0x30: {  	_ =	swait.ge @p1 [sflag:s0], $0x4000  }
0x31: {  	s5 =	simm.s32 @p1 $0x5;
	[sflag:s0] =	ssyncset.done @p1 $0x0  }
0x32: {  	s18 =	simm.s32 @p1 $0x4100;
	[sflag:s0] =	ssyncadd.s32 @p1 $0xFFFFC000;
	s0 =	simm.s32 @p1 $0x80  }
0x33: {  	[spmem:s2] =	stream.indirect.scatter.add.f32 @p1 [tilespmem:s18], [sflag:$0x5], $0x80, s0, s0, $0xb8;
	[tilespmem:$0x1B980] =	vst v63  }
0x34: {  	p2 =	sle.u32 @p1 s14, $0x0;
	_ =	swait.ge @p1 [sflag:s5], $0x4000  }
0x35: {  	p2 =	por p2, !p1;
	[sflag:s5] =	ssyncset.done @p1 $0x0  }
0x36: {  	s0 =	simm.s32 @!p2 $0x0;
	[sflag:s5] =	ssyncadd.s32 @p1 $0xFFFFC000;
	s5 =	simm.s32 @!p2 $0x80  }
0x37: {  	[tilespmem:s5], [sflag:$0x2] =	stream.linear.gather @!p2 [hbm4b:s19+s0], $0x80, $0x38;
	[tilespmem:$0x1B980] =	vst v63  }
0x38: {  	s18 =	simm.s32 @!p1 $0x1;
	s5 =	simm.s32 @!p2 $0x4100  }
0x39: {  	[tilespmem:s5], [sflag:$0x4] =	stream.linear.gather @!p2 [hbm4b:s1+s0], $0x4000, $0x38;
	[tilespmem:$0x1B980] =	vst v63  }
0x3a: {  	_ =	swait.ge @!p1 [sflag:s18], $0x80  }
0x3b: {  	[sflag:s18] =	ssyncset.done @!p1 $0x0  }
0x3c: {  	s30 =	sadd.s32 $0x10, s19;
	s0 =	simm.s32 @!p1 $0x3;
	[sflag:s18] =	ssyncadd.s32 @!p1 $0xFFFFFF80  }
0x3d: {  	s20 =	simm.s32 @!p1 $0x0;
	p2 =	sle.u32 @!p1 s14, $0x0;
	_ =	swait.ge @!p1 [sflag:s0], $0x4000  }
0x3e: {  	s5 =	simm.s32 @!p1 $0x100;
	p5 =	por p2, p1;
	[sflag:s0] =	ssyncset.done @!p1 $0x0  }
0x3f: {  	p2 =	sne.s32 s4, $0x2;
	[sflag:s0] =	ssyncadd.s32 @!p1 $0xFFFFC000;
	s0 =	simm.s32 @!p1 $0x80  }
0x40: {  	[spmem:s2] =	stream.indirect.scatter.add.f32 @!p1 [tilespmem:s5], [sflag:$0x5], $0x80, s20, s0, $0xb8;
	[tilespmem:$0x1B980] =	vst v63  }
.Ltmp1:
0x41: {  	s22 =	sand.u32 $0x1, s29;
	s18 =	simm.s32 @!p1 $0x5;
	(pc) =	sbr.rel @!p2 .LBB2_4-.Ltmp1, $4  }
0x42: {  	s31 =	smov.u32 s1;
	s21 =	simm.s32 @!p5 $0x0;
	_ =	swait.ge @!p1 [sflag:s18], $0x4000  }
0x43: {  	s0 =	simm.s32 $0x2;
	s5 =	simm.s32 @!p5 $0x100;
	[sflag:s18] =	ssyncset.done @!p1 $0x0  }
0x44: {  	[sflag:s18] =	ssyncadd.s32 @!p1 $0xFFFFC000;
	p1 =	por $0x1, $0x1;
	s18 =	smov.u32 s1  }
0x45: {  	[tilespmem:s21], [sflag:$0x1] =	stream.linear.gather @!p5 [hbm4b:s19+s21], $0x80, $0x38;
	[tilespmem:$0x1B980] =	vst v63  }
.LBB2_5:
0x46: {  	p2 =	seq.s32 s22, $0x1;
	s31 =	sadd.s32 $0x800, s31  }
0x47: {  	s22 =	smov.u32 s0;
	s0 =	sadd.s32 $0x1, s0;
	s20 =	smov.u32 s30  }
0x48: {  	p6 =	sge.u32 @p2 s29, s14;
	s6 =	simm.s32 @p2 $0x2;
	p4 =	sge.u32 @!p2 s29, s14  }
0x49: {  	[tilespmem:s5], [sflag:$0x3] =	stream.linear.gather @!p5 [hbm4b:s18+s21], $0x4000, $0x38;
	[tilespmem:$0x1B980] =	vst v63  }
0x4a: {  	p3 =	sne.s32 s4, s0;
	s29 =	smov.u32 s22;
	_ =	swait.ge @p2 [sflag:s6], $0x80  }
0x4b: {  	s18 =	smov.u32 s31;
	[sflag:s6] =	ssyncset.done @p2 $0x0  }
0x4c: {  	s5 =	simm.s32 @p2 $0x4;
	[sflag:s6] =	ssyncadd.s32 @p2 $0xFFFFFF80  }
0x4d: {  	_ =	swait.ge @p2 [sflag:s5], $0x4000  }
0x4e: {  	s6 =	simm.s32 @p2 $0x5;
	[sflag:s5] =	ssyncset.done @p2 $0x0  }
0x4f: {  	s21 =	simm.s32 @p2 $0x4100;
	[sflag:s5] =	ssyncadd.s32 @p2 $0xFFFFC000;
	s5 =	simm.s32 @p2 $0x80  }
0x50: {  	[spmem:s2] =	stream.indirect.scatter.add.f32 @p2 [tilespmem:s21], [sflag:$0x5], $0x80, s5, s5, $0xb8;
	[tilespmem:$0x1B980] =	vst v63  }
0x51: {  	_ =	swait.ge @p2 [sflag:s6], $0x4000  }
0x52: {  	p5 =	por p6, !p2;
	[sflag:s6] =	ssyncset.done @p2 $0x0  }
0x53: {  	s5 =	simm.s32 @!p5 $0x0;
	[sflag:s6] =	ssyncadd.s32 @p2 $0xFFFFC000;
	s6 =	simm.s32 @!p5 $0x80  }
0x54: {  	[tilespmem:s6], [sflag:$0x2] =	stream.linear.gather @!p5 [hbm4b:s30+s5], $0x80, $0x38;
	[tilespmem:$0x1B980] =	vst v63  }
0x55: {  	s21 =	simm.s32 @!p2 $0x1;
	s6 =	simm.s32 @!p5 $0x4100  }
0x56: {  	[tilespmem:s6], [sflag:$0x4] =	stream.linear.gather @!p5 [hbm4b:s31+s5], $0x4000, $0x38;
	[tilespmem:$0x1B980] =	vst v63  }
0x57: {  	_ =	swait.ge @!p2 [sflag:s21], $0x80  }
0x58: {  	[sflag:s21] =	ssyncset.done @!p2 $0x0  }
0x59: {  	s5 =	simm.s32 @!p2 $0x3;
	[sflag:s21] =	ssyncadd.s32 @!p2 $0xFFFFFF80  }
0x5a: {  	_ =	swait.ge @!p2 [sflag:s5], $0x4000  }
0x5b: {  	s6 =	simm.s32 @!p2 $0x100;
	s21 =	simm.s32 @!p2 $0x5;
	[sflag:s5] =	ssyncset.done @!p2 $0x0  }
0x5c: {  	s22 =	simm.s32 @!p2 $0x0;
	[sflag:s5] =	ssyncadd.s32 @!p2 $0xFFFFC000;
	s5 =	simm.s32 @!p2 $0x80  }
0x5d: {  	[spmem:s2] =	stream.indirect.scatter.add.f32 @!p2 [tilespmem:s6], [sflag:$0x5], $0x80, s22, s5, $0xb8;
	[tilespmem:$0x1B980] =	vst v63  }
.Ltmp2:
0x5e: {  	_ = 	snop;
	(pc) =	sbr.rel @p3 .LBB2_5-.Ltmp2, $4  }
0x5f: {  	s30 =	sadd.s32 $0x10, s30;
	_ =	swait.ge @!p2 [sflag:s21], $0x4000  }
0x60: {  	p5 =	por p4, p2;
	s22 =	sand.u32 $0x1, s29;
	[sflag:s21] =	ssyncset.done @!p2 $0x0  }
0x61: {  	s5 =	simm.s32 @!p5 $0x100;
	[sflag:s21] =	ssyncadd.s32 @!p2 $0xFFFFC000;
	s21 =	simm.s32 @!p5 $0x0  }
0x62: {  	[tilespmem:s21], [sflag:$0x1] =	stream.linear.gather @!p5 [hbm4b:s20+s21], $0x80, $0x38;
	[tilespmem:$0x1B980] =	vst v63  }
.LBB2_6:
0x63: {  	p2 =	seq.s32 s22, $0x1  }
0x64: {  	p3 =	por p5, !p1;
	s0 =	simm.s32 @p2 $0x2  }
0x65: {  	[tilespmem:s5], [sflag:$0x3] =	stream.linear.gather @!p3 [hbm4b:s18+s21], $0x4000, $0x38;
	[tilespmem:$0x1B980] =	vst v63  }
0x66: {  	_ =	swait.ge @p2 [sflag:s0], $0x80  }
0x67: {  	[sflag:s0] =	ssyncset.done @p2 $0x0  }
0x68: {  	[sflag:s0] =	ssyncadd.s32 @p2 $0xFFFFFF80;
	s0 =	simm.s32 @p2 $0x4  }
0x69: {  	_ =	swait.ge @p2 [sflag:s0], $0x4000  }
0x6a: {  	s5 =	simm.s32 @p2 $0x5;
	[sflag:s0] =	ssyncset.done @p2 $0x0  }
0x6b: {  	s6 =	simm.s32 @p2 $0x4100;
	[sflag:s0] =	ssyncadd.s32 @p2 $0xFFFFC000;
	s0 =	simm.s32 @p2 $0x80  }
0x6c: {  	[spmem:s2] =	stream.indirect.scatter.add.f32 @p2 [tilespmem:s6], [sflag:$0x5], $0x80, s0, s0, $0xb8;
	[tilespmem:$0x1B980] =	vst v63  }
0x6d: {  	p3 =	sge.u32 @p2 s29, s14;
	s18 =	smov.u32 s1;
	_ =	swait.ge @p2 [sflag:s5], $0x4000  }
0x6e: {  	p3 =	por p3, !p2;
	s0 =	sadd.s32 @p1 $0x800, s31;
	[sflag:s5] =	ssyncset.done @p2 $0x0  }
0x6f: {  	s6 =	simm.s32 @!p3 $0x80;
	[sflag:s5] =	ssyncadd.s32 @p2 $0xFFFFC000;
	s5 =	simm.s32 @!p3 $0x0  }
0x70: {  	[tilespmem:s6], [sflag:$0x2] =	stream.linear.gather @!p3 [hbm4b:s30+s5], $0x80, $0x38;
	[tilespmem:$0x1B980] =	vst v63  }
0x71: {  	s18 =	smov.u32 @p1 s0;
	s0 =	simm.s32 @!p3 $0x4100;
	s6 =	simm.s32 @!p2 $0x1  }
0x72: {  	[tilespmem:s0], [sflag:$0x4] =	stream.linear.gather @!p3 [hbm4b:s18+s5], $0x4000, $0x38;
	[tilespmem:$0x1B980] =	vst v63  }
0x73: {  	_ =	swait.ge @!p2 [sflag:s6], $0x80  }
0x74: {  	[sflag:s6] =	ssyncset.done @!p2 $0x0  }
0x75: {  	s0 =	simm.s32 @!p2 $0x3;
	[sflag:s6] =	ssyncadd.s32 @!p2 $0xFFFFFF80  }
0x76: {  	_ =	swait.ge @!p2 [sflag:s0], $0x4000  }
0x77: {  	s20 =	simm.s32 @!p2 $0x0;
	s5 =	simm.s32 @!p2 $0x100;
	[sflag:s0] =	ssyncset.done @!p2 $0x0  }
0x78: {  	s6 =	simm.s32 @!p2 $0x5;
	[sflag:s0] =	ssyncadd.s32 @!p2 $0xFFFFC000;
	s0 =	simm.s32 @!p2 $0x80  }
0x79: {  	[spmem:s2] =	stream.indirect.scatter.add.f32 @!p2 [tilespmem:s5], [sflag:$0x5], $0x80, s20, s0, $0xb8;
	[tilespmem:$0x1B980] =	vst v63  }
0x7a: {  	p1 =	sge.u32 @!p2 s29, s14;
	_ =	swait.ge @!p2 [sflag:s6], $0x4000  }
0x7b: {  	p1 =	por p1, p2;
	[sflag:s6] =	ssyncset.done @!p2 $0x0  }
0x7c: {  	s0 =	simm.s32 @!p1 $0x0;
	[sflag:s6] =	ssyncadd.s32 @!p2 $0xFFFFC000  }
0x7d: {  	[tilespmem:s0], [sflag:$0x1] =	stream.linear.gather @!p1 [hbm4b:s30+s0], $0x80, $0x38;
	[tilespmem:$0x1B980] =	vst v63  }
0x7e: {  	s5 =	simm.s32 @!p1 $0x100  }
0x7f: {  	[tilespmem:s5], [sflag:$0x3] =	stream.linear.gather @!p1 [hbm4b:s18+s0], $0x4000, $0x38;
	[tilespmem:$0x1B980] =	vst v63  }
0x80: {  	[bflag:$0x0] =	sbarrier.arrive $0xFFFF  }
0x81: {  	[hbm:s15], [sflag:s11] =	dma.local [spmem:s26], $0x2700  }
0x82: {  	_ =	swait.ge [sflag:s23], $0x2700  }
0x83: {  	s24 =	sadd.s32 $0x1, s24;
	[sflag:s23] =	ssyncset.done $0x0  }
0x84: {  	p1 =	sne.s32 s24, s17;
	[sflag:s23] =	ssyncadd.s32 $0xFFFFD900  }
0x85: {  	[hbm:s16], [sflag:s11] =	dma.local @!p0 [spmem:s28], $0x100  }
.Ltmp3:
0x86: {  	_ = 	snop;
	(pc) =	sbr.rel @p1 .LBB2_1-.Ltmp3, $4  }
.Ltmp4:
0x87: {  	_ = 	snop;
	(pc) =	sbr.rel @!p1 .LBB2_7-.Ltmp4, $4  }
0x88: {  	_ =	swait.ge @!p0 [sflag:s25], $0x100  }
0x89: {  	[sflag:s25] =	ssyncset.done @!p0 $0x0  }
0x8a: {  	[sflag:s25] =	ssyncadd.s32 @!p0 $0xFFFFFF00  }
0x8b: {  	_ = 	snop  }
.LBB2_2:
.Ltmp5:
0x8c: {  	(pc) =	sbr.rel .LBB2_6-.Ltmp5, $2  }
0x8d: {  	_ =	sdelay $0x2  }
0x8e: {  	s31 =	smov.u32 s1;
	s30 =	smov.u32 s19;
	s29 =	simm.s32 $0x0  }
.LBB2_4:
.Ltmp6:
0x8f: {  	(pc) =	sbr.rel .LBB2_6-.Ltmp6, $2  }
0x90: {  	_ =	sdelay $0x2  }
0x91: {  	s31 =	smov.u32 s1;
	s18 =	smov.u32 s1  }
.LBB2_7:
0x92: {  	_ =	sfence.sel $0x180000  }
0x93: {  	[bflag:$0x0] =	sbarrier.arrive $0xFFFF  }
0x94: {  	_ =	strace $0x90000047  }
0x95: {  	s0 =	stileid.u32;
	[bflag:$0x2] =	sbarrier.arrive $0xFFFF  }
0x96: {  	p0 =	sne.s32 s0, $0x0;
	s0 =	rddreg [dreg:$0x3]  }
0x97: {  	s0 =	sadd.s32 @!p0 $0x100000, s0  }
0x98: {  	[sflag:s0] =	ssyncadd.tile.s32 @!p0 $0x1;
	_ =	shalt  }
.Lfunc_end2:
_tile_overlayer_lowered:
.L_overlay_start_2:
0x99: {  	(tag) =	ssettag $0x2  }
0x9a: {  	s0 =	rddreg [dreg:$0x0];
	s2 =	stileid.u32  }
0x9b: {  	s1 =	rddreg [dreg:$0x1];
	p0 =	sne.s32 s2, $0x0  }
0x9c: {  	s3 =	rddreg [dreg:$0x2];
	[bflag:$0x3] =	sbarrier.arrive $0xFFFF;
	s2 =	simm.s32 @!p0 $0x1C05  }
0x9d: {  	[timem:s3], [sflag:s2] =	dma.local @!p0 [hbm:s0], s1  }
0x9e: {  	s0 =	simm.s32 @!p0 $0x5  }
0x9f: {  	_ =	swait.ge @!p0 [sflag:s0], s1  }
0xa0: {  	s1 =	ssub.s32 @!p0 $0x0, s1;
	[sflag:s0] =	ssyncset.done @!p0 $0x0  }
0xa1: {  	[sflag:s0] =	ssyncadd.s32 @!p0 s1  }
0xa2: {  	[bflag:$0x3] =	sbarrier.arrive $0xFFFF  }
0xa3: {  	_ =	shalt  }

// kernel: kernel.16.cloned.1.call-start
scs
__scs_entry_jumppad:
0x0: {  	(pc) =	sbr.rel $0x88, $3  }
0x1: {  	(tag) =	ssettag $0x0;
	lr =	simm.s32 $0x1  }
0x2: {  	[smem:$0x3F7A] =	sst lr;
	_ =	strace $0xD0000000  }
0x3: {  	_ = 	snop  }
0x4: {  	_ = 	snop  }
0x5: {  	_ = 	snop  }
0x6: {  	_ = 	snop  }
0x7: {  	_ = 	snop  }
__scs_overlays_trampoline_lowered:
0x8: {  	[smem:$0x3F89] =	sst s0  }
0x9: {  	[smem:$0x3F8A] =	sst s1  }
0xa: {  	[smem:$0x3F8B] =	sst s2  }
0xb: {  	[smem:$0x3F8C] =	sst s3  }
0xc: {  	[smem:$0x3F8D] =	sst s4  }
0xd: {  	[smem:$0x3F8E] =	sst s5  }
0xe: {  	[smem:$0x3F8F] =	sst s6  }
0xf: {  	[smem:$0x3F90] =	sst s7  }
0x10: {  	[smem:$0x3F91] =	sst s8  }
0x11: {  	[smem:$0x3F92] =	sst s9;
	s0 =	simm.s32 @!p0 $0x0  }
0x12: {  	s1 =	sld [smem:$0x3F78];
	s0 =	simm.s32 @p0 $0x1  }
0x13: {  	[smem:$0x3F93] =	sst s0;
	s0 =	simm.s32 @!p1 $0x0  }
0x14: {  	s2 =	sld [smem:$0x3F77];
	s0 =	simm.s32 @p1 $0x1  }
0x15: {  	[smem:$0x3F94] =	sst s0;
	s0 =	simm.s32 @!p2 $0x0  }
0x16: {  	s3 =	sld [smem:$0x3FDB];
	s0 =	simm.s32 @p2 $0x1  }
0x17: {  	s4 =	simm.s32 $0x1BF5;
	[smem:$0x3F96] =	sst s0  }
0x18: {  	s0 =	sld [smem:$0x3F79];
	_ =	swait.ge [sflag:s4], $0x0  }
0x19: {  	s7 =	sld [smem:$0x3F7A]  }
0x1a: {  	s8 =	sadd.s32 $0xFFFFE003, lr  }
0x1b: {  	s9 =	sadd.s32 $0xFFFFFEF7, lr;
	s5 =	simm.s32 $0xFFFFFFFF;
	p2 =	slt.u32 s8, $0xFFFFF086  }
0x1c: {  	p1 =	slt.u32 s9, $0xF7A;
	s5 =	simm.s32 @!p2 $0x0  }
0x1d: {  	s5 =	simm.s32 @p1 $0x1;
	p0 =	seq.s32 s7, s2  }
0x1e: {  	s7 =	smul.u32 @!p0 $0xF7A, s2;
	p2 =	seq.s32 @!p0 s5, $0x0  }
0x1f: {  	s9 =	smul.u32 $0xF7A, s1;
	s8 =	simm.s32 @!p0 $0x1BF5;
	p2 =	por !p2, p0  }
0x20: {  	[sflag:s8] =	ssyncset.s32 @!p0 $0xFFFFF086;
	s6 =	sadd.s32 @!p0 s3, s7;
	s7 =	simm.s32 @!p0 $0x108  }
0x21: {  	s3 =	sadd.s32 s3, s9;
	s6 =	sadd.s32 @!p0 $0x88, s6;
	s7 =	simm.s32 @p2 $0x1082  }
0x22: {  	[simem:s7], [sflag:s8] =	dma.local @!p0 [hbm:s6], $0xF7A  }
0x23: {  	s9 =	sor.u32 $0xD0000000, s2;
	s6 =	simm.s32 $0x108;
	_ =	swait.ge @!p0 [sflag:s8], $0x0  }
0x24: {  	s3 =	sadd.s32 $0x88, s3;
	s6 =	simm.s32 @!p1 $0x1082;
	[sflag:s4] =	ssyncset.s32 $0xFFFFF086  }
0x25: {  	[simem:s6], [sflag:s4] =	dma.local [hbm:s3], $0xF7A  }
0x26: {  	[smem:$0x3F7A] =	sst s1;
	(tag) =	ssettag s2;
	_ =	strace s9  }
0x27: {  	s1 =	sld [smem:$0x3F8A]  }
0x28: {  	s2 =	sld [smem:$0x3F8B]  }
0x29: {  	s4 =	sld [smem:$0x3F8D]  }
0x2a: {  	p0 =	seq.s32 s5, $0x0;
	s5 =	sld [smem:$0x3F8E]  }
0x2b: {  	s6 =	sld [smem:$0x3F8F]  }
0x2c: {  	s7 =	sld [smem:$0x3F90]  }
0x2d: {  	s3 =	simm.s32 $0x108;
	s8 =	sld [smem:$0x3F91]  }
0x2e: {  	s3 =	simm.s32 @!p0 $0x1082;
	s9 =	sld [smem:$0x3F92]  }
0x2f: {  	lr =	sadd.s32 s0, s3;
	s0 =	sld [smem:$0x3F89]  }
0x30: {  	s3 =	sld [smem:$0x3F8C]  }
0x31: {  	[smem:$0x3F95] =	sst s10  }
0x32: {  	s10 =	sld [smem:$0x3F93];
	_ =	sdelay $0x3  }
0x33: {  	p0 =	seq.s32 s10, $0x1;
	s10 =	sld [smem:$0x3F95];
	_ =	sdelay $0x3  }
0x34: {  	[smem:$0x3F95] =	sst s10  }
0x35: {  	s10 =	sld [smem:$0x3F94];
	_ =	sdelay $0x3  }
0x36: {  	p1 =	seq.s32 s10, $0x1;
	s10 =	sld [smem:$0x3F95];
	_ =	sdelay $0x3  }
0x37: {  	[smem:$0x3F95] =	sst s10  }
0x38: {  	s10 =	sld [smem:$0x3F96]  }
0x39: {  	_ = 	snop;
	(pc) =	sbr.ind lr, $3  }
0x3a: {  	_ = 	snop  }
0x3b: {  	_ = 	snop  }
0x3c: {  	p2 =	seq.s32 s10, $0x1;
	s10 =	sld [smem:$0x3F95]  }
0x3d: {  	_ =	shalt  }
0x3e: {  	_ =	shalt  }
0x3f: {  	_ =	shalt  }
0x40: {  	_ =	shalt  }
0x41: {  	_ =	shalt  }
0x42: {  	_ =	shalt  }
0x43: {  	_ =	shalt  }
0x44: {  	_ =	shalt  }
0x45: {  	_ =	shalt  }
0x46: {  	_ =	shalt  }
0x47: {  	_ =	shalt  }
0x48: {  	_ =	shalt  }
0x49: {  	_ =	shalt  }
0x4a: {  	_ =	shalt  }
0x4b: {  	_ =	shalt  }
0x4c: {  	_ =	shalt  }
0x4d: {  	_ =	shalt  }
0x4e: {  	_ =	shalt  }
0x4f: {  	_ =	shalt  }
0x50: {  	_ =	shalt  }
0x51: {  	_ =	shalt  }
0x52: {  	_ =	shalt  }
0x53: {  	_ =	shalt  }
0x54: {  	_ =	shalt  }
0x55: {  	_ =	shalt  }
0x56: {  	_ =	shalt  }
0x57: {  	_ =	shalt  }
0x58: {  	_ =	shalt  }
0x59: {  	_ =	shalt  }
0x5a: {  	_ =	shalt  }
0x5b: {  	_ =	shalt  }
0x5c: {  	_ =	shalt  }
0x5d: {  	_ =	shalt  }
0x5e: {  	_ =	shalt  }
0x5f: {  	_ =	shalt  }
0x60: {  	_ =	shalt  }
0x61: {  	_ =	shalt  }
0x62: {  	_ =	shalt  }
0x63: {  	_ =	shalt  }
0x64: {  	_ =	shalt  }
0x65: {  	_ =	shalt  }
0x66: {  	_ =	shalt  }
0x67: {  	_ =	shalt  }
0x68: {  	_ =	shalt  }
0x69: {  	_ =	shalt  }
0x6a: {  	_ =	shalt  }
0x6b: {  	_ =	shalt  }
0x6c: {  	_ =	shalt  }
0x6d: {  	_ =	shalt  }
0x6e: {  	_ =	shalt  }
0x6f: {  	_ =	shalt  }
0x70: {  	_ =	shalt  }
0x71: {  	_ =	shalt  }
0x72: {  	_ =	shalt  }
0x73: {  	_ =	shalt  }
0x74: {  	_ =	shalt  }
0x75: {  	_ =	shalt  }
0x76: {  	_ =	shalt  }
0x77: {  	_ =	shalt  }
0x78: {  	_ =	shalt  }
0x79: {  	_ =	shalt  }
0x7a: {  	_ =	shalt  }
0x7b: {  	_ =	shalt  }
0x7c: {  	_ =	shalt  }
0x7d: {  	_ =	shalt  }
0x7e: {  	_ =	shalt  }
0x7f: {  	_ =	shalt  }
0x80: {  	_ =	shalt  }
0x81: {  	_ =	shalt  }
0x82: {  	_ =	shalt  }
0x83: {  	_ =	shalt  }
0x84: {  	_ =	shalt  }
0x85: {  	_ =	shalt  }
0x86: {  	_ =	shalt  }
0x87: {  	_ =	shalt  }
.Lfunc_end0:
.L_simem_size_0:
called_computation.1_lowered:
.L_overlay_start_0:
0x88: {  	s2 =	sld [smem:$0x3FD9]  }
0x89: {  	s3 =	sld [smem:$0x3FFE];
	_ =	sdelay $0x1  }
0x8a: {  	s1 =	srdreg.scid  }
0x8b: {  	s0 =	sand.u32 $0x1, s1  }
0x8c: {  	s14 =	sshll.u32 s0, $0xA;
	s2 =	sadd.s32 s3, s2  }
0x8d: {  	s2 =	sadd.s32 s2, s14  }
0x8e: {  	[smem:$0x3FA1] =	sst s2  }
0x8f: {  	_ = 	snop  }
0x90: {  	s2 =	sld [smem:$0x3FD0];
	_ =	sdelay $0x2  }
0x91: {  	s15 =	simm.s32 $0xA;
	s4 =	simm.s32 $0x10  }
0x92: {  	[smem:s4], [sflag:s15] =	dma.local [hbm:s2], $0x1  }
0x93: {  	_ =	swait.eq [sflag:s15], $0x1  }
0x94: {  	[sflag:s15] =	ssyncset.done $0x0  }
0x95: {  	[sflag:s15] =	ssyncadd.s32 $0xFFFFFFFF  }
0x96: {  	s16 =	sld [smem:$0x10];
	(tm) =	ssettm $0x1  }
0x97: {  	s17 =	sld [smem:$0x3FFB];
	_ =	sdelay $0x3  }
0x98: {  	_ =	strace s17  }
0x99: {  	s3 =	sld [smem:$0x3FFC];
	_ =	sdelay $0x3  }
0x9a: {  	_ =	strace s3  }
0x9b: {  	s3 =	sld [smem:$0x3FFD];
	_ =	sdelay $0x3  }
0x9c: {  	_ =	strace s3  }
0x9d: {  	_ =	strace $0x8FFFFFFF  }
0x9e: {  	s18 =	sld [smem:$0x3FDB];
	_ =	sdelay $0x1  }
0x9f: {  	s19 =	simm.s32 $_scs_section_size  }
0xa0: {  	s5 =	simm.s32 $_size__tile_overlayer_lowered;
	s6 =	simm.s32 $_tile_overlayer_lowered  }
0xa1: {  	s22 =	simm.s32 $0x1BFF;
	s21 =	sshll.u32 s6, $0x1;
	s3 =	sadd.s32 s19, s18  }
0xa2: {  	s7 =	simm.s32 $0x0;
	s20 =	sshll.u32 s5, $0x1;
	s5 =	sadd.s32 s21, s3  }
0xa3: {  	[timem:s7], [sflag:s22] =	dma.local [hbm:s5], s20  }
0xa4: {  	_ =	swait.ge [sflag:s22], s20  }
0xa5: {  	s4 =	ssub.s32 $0x0, s20;
	[sflag:s22] =	ssyncset.done $0x0  }
0xa6: {  	[sflag:s22] =	ssyncadd.s32 s4;
	_ =	sdelay $0x1  }
0xa7: {  	s23 =	simm.s32 $0x1B8B  }
0xa8: {  	_ =	swait.ge [sflag:s23], $0x1  }
0xa9: {  	[sflag:s23] =	ssyncset.done $0x0  }
0xaa: {  	s25 =	simm.s32 $0x1B8E;
	s24 =	sld [smem:$0x3FFE];
	[sflag:s23] =	ssyncadd.s32 $0xFFFFFFFF  }
0xab: {  	s26 =	simm.s32 $execute0_lowered;
	[smem:$0x3FD2] =	sst s25  }
0xac: {  	s5 =	sshll.u32 s26, $0x1;
	_ =	strace $0x80000049;
	[dreg:$0x1] =	wrdreg $0xFFFFFFFF  }
0xad: {  	s28 =	simm.s32 $_size_execute0_lowered;
	s3 =	sadd.s32 s3, s5;
	[dreg:$0x0] =	wrdreg $0x0  }
0xae: {  	s5 =	sshll.u32 s28, $0x1;
	[dreg:$0x2] =	wrdreg s3  }
0xaf: {  	[dreg:$0x3] =	wrdreg s5  }
0xb0: {  	[dreg:$0x4] =	wrdreg $0xC0  }
0xb1: {  	_ =	task [dreg:s7], $0x5FFFF  }
0xb2: {  	[dreg:$0x1] =	wrdreg $0xFFFFFFFF  }
0xb3: {  	[dreg:$0x0] =	wrdreg $0x60  }
0xb4: {  	[dreg:$0x2] =	wrdreg s24  }
0xb5: {  	[dreg:$0x3] =	wrdreg s16  }
0xb6: {  	[dreg:$0x4] =	wrdreg $0x9  }
0xb7: {  	_ =	task.clear_ibuf [dreg:s7], $0x5FFFF;
	_ =	strace $0x90000049  }
0xb8: {  	s29 =	simm.s32 $0x9;
	_ =	strace $0x8000004B  }
0xb9: {  	_ =	swait.ge [sflag:s29], $0x1  }
0xba: {  	[sflag:s29] =	ssyncadd.s32 $0xFFFFFFFF  }
0xbb: {  	_ =	strace $0x9000004B  }
0xbc: {  	_ =	sfence  }
0xbd: {  	s30 =	sld [smem:$0x0];
	_ =	sdelay $0x2  }
0xbe: {  	s31 =	sshll.u32 s1, $0xD;
	s1 =	sshrl.u32 s1, $0x2  }
0xbf: {  	s3 =	sand.u32 $0x4000, s31;
	s1 =	sadd.s32 s1, s30  }
0xc0: {  	s0 =	sor.u32 s3, s0;
	s1 =	sshll.u32 s1, $0x11  }
0xc1: {  	s0 =	sor.u32 s1, s0  }
0xc2: {  	s0 =	sadd.s32 $0x8F2B, s0  }
0xc3: {  	[sflag:s0] =	ssyncadd.remote.s32 $0x1  }
0xc4: {  	_ =	sfence.sel $0xFFFF  }
0xc5: {  	[dreg:$0x0] =	wrdreg $0xFFFFFFFF;
	(pc) =	sbr.abs _section_cstart, $3  }
0xc6: {  	[dreg:$0x1] =	wrdreg $0xFFFFFFFF  }
0xc7: {  	_ =	task.clear_ibuf [dreg:s7], $0x2FFFF;
	_ =	strace $0x9FFFFFFF  }
0xc8: {  	(tm) =	ssettm $0x7FFFFFFF  }
0xc9: {  	_ =	shalt  }
tec
execute0_lowered:
.L_overlay_start_1:
0x0: {  	(tag) =	ssettag $0x1  }
0x1: {  	s4 =	rddreg [dreg:$0x0]  }
0x2: {  	s9 =	rddreg [dreg:$0x1];
	s2 =	srdreg.scid  }
0x3: {  	s1 =	stileid.u32;
	s0 =	rddreg [dreg:$0x2];
	s13 =	simm.s32 $0x4  }
0x4: {  	s14 =	simm.s32 $0x0;
	s3 =	sand.u32 $0x1, s2;
	s5 =	smul.u32 $0x9C, s1  }
0x5: {  	s2 =	simm.s32 $0x0;
	s6 =	sshll.u32 s1, $0x1;
	p0 =	slt.u32 s1, $0x2  }
0x6: {  	s7 =	smul.u32 $0x4E, s3;
	[smem:$0x7FF] =	sst s2;
	s6 =	sor.u32 s3, s6  }
0x7: {  	s11 =	ssub.s32 $0x2, s3;
	s3 =	sadd.s32 $0xED9600, s4;
	_ =	strace $0x8000004A  }
0x8: {  	s8 =	smin.u32 s6, $0x4;
	s6 =	smul.u32 $0x4E, s6;
	s12 =	sshrl.u32 s11, $0x1  }
0x9: {  	s10 =	sadd.s32 s7, s5;
	s11 =	ssub.s32 s11, s12;
	s12 =	simm.s32 $0x3  }
0xa: {  	s10 =	sadd.s32 s8, s10;
	s30 =	sadd.s32 s8, s6;
	s8 =	sadd.s32 s5, s8  }
0xb: {  	s10 =	sshll.u32 s10, $0xB;
	s6 =	sshll.u32 s30, $0x4;
	s7 =	sadd.s32 s7, s8  }
0xc: {  	s8 =	smax.u32 s11, $0x1;
	s11 =	simm.s32 $0x80;
	s10 =	sadd.s32 s10, s4  }
0xd: {  	s4 =	simm.s32 $0x4F;
	s5 =	sadd.s32 s9, s6;
	s31 =	sshll.u32 s7, $0x4  }
0xe: {  	s4 =	simm.s32 @!p0 $0x4E;
	s6 =	sadd.s32 $0x10, s5;
	s9 =	sadd.s32 s31, s9  }
0xf: {  	s10 =	sadd.s32 $0xF27C00, s10;
	s7 =	sadd.s32 $0xFFFFFFFE, s4;
	s9 =	sadd.s32 $0x20, s9  }
.LBB2_1:
0x10: {  	[tilespmem:s2], [sflag:$0x1] =	stream.linear.gather [hbm4b:s5+s2], $0x80, $0x38;
	[tilespmem:$0x8100] =	vst v63  }
0x11: {  	p1 =	sne.s32 s4, $0x1  }
.Ltmp0:
0x12: {  	_ = 	snop;
	(pc) =	sbr.rel @!p1 .LBB2_2-.Ltmp0, $4  }
0x13: {  	s16 =	sand.u32 $0x1, s2  }
0x14: {  	s15 =	simm.s32 $0x1;
	p0 =	seq.s32 s16, $0x1  }
0x15: {  	[tilespmem:s11], [sflag:$0x2] =	stream.linear.gather [hbm4b:s6+s2], $0x80, $0x38;
	[tilespmem:$0x8100] =	vst v63  }
0x16: {  	p4 =	por $0x0, $0x0;
	p6 =	por @p0 $0x1, $0x1;
	p2 =	sle.u32 @p0 s7, $0x0  }
0x17: {  	p1 =	por p6, !p0  }
0x18: {  	s16 =	simm.s32 @!p1 $0x4  }
0x19: {  	_ =	swait.ge @!p1 [sflag:s16], $0x4000  }
0x1a: {  	[sflag:s16] =	ssyncset.done @!p1 $0x0  }
0x1b: {  	[sflag:s16] =	ssyncadd.s32 @!p1 $0xFFFFC000;
	s16 =	simm.s32 @p0 $0x2  }
0x1c: {  	p1 =	por p0, p0;
	_ =	swait.ge @p0 [sflag:s16], $0x80  }
0x1d: {  	s17 =	simm.s32 @p1 $0x5;
	[sflag:s16] =	ssyncset.done @p1 $0x0  }
0x1e: {  	s18 =	simm.s32 @p1 $0x4100;
	[sflag:s16] =	ssyncadd.s32 @p1 $0xFFFFFF80;
	s16 =	simm.s32 @p1 $0x80  }
0x1f: {  	[tilespmem:s18], [sflag:$0x5] =	stream.indirect.gather @p1 [hbm4b:s3+s16], $0x80, s16, s16, $0xb8;
	[tilespmem:$0x8100] =	vst v63  }
0x20: {  	_ =	swait.ge @p1 [sflag:s17], $0x4000  }
0x21: {  	p3 =	por @!p0 $0x1, $0x1;
	[sflag:s17] =	ssyncset.done @p1 $0x0  }
0x22: {  	p2 =	por p2, !p1;
	s16 =	simm.s32 @p1 $0x0;
	[sflag:s17] =	ssyncadd.s32 @p1 $0xFFFFC000  }
0x23: {  	[hbm4b:s10+s16] =	stream.linear.scatter @p1 [tilespmem:s18], [sflag:$0x4], $0x4000, $0x38;
	[tilespmem:$0x8100] =	vst v63  }
0x24: {  	p3 =	por p3, p1;
	s17 =	simm.s32 @!p2 $0x80;
	s16 =	simm.s32 @!p2 $0x0  }
0x25: {  	[tilespmem:s17], [sflag:$0x2] =	stream.linear.gather @!p2 [hbm4b:s9+s16], $0x80, $0x38;
	[tilespmem:$0x8100] =	vst v63  }
0x26: {  	p4 =	sne.s32 s4, $0x2;
	s31 =	sand.u32 $0x1, s15;
	s16 =	simm.s32 @!p3 $0x3  }
0x27: {  	s20 =	smov.u32 s10;
	s19 =	smov.u32 s9;
	_ =	swait.ge @!p3 [sflag:s16], $0x4000  }
0x28: {  	s21 =	simm.s32 @!p1 $0x0;
	s22 =	simm.s32 @!p1 $0x100;
	[sflag:s16] =	ssyncset.done @!p3 $0x0  }
0x29: {  	s23 =	simm.s32 @!p1 $0x5;
	[sflag:s16] =	ssyncadd.s32 @!p3 $0xFFFFC000;
	s16 =	simm.s32 @!p1 $0x1  }
0x2a: {  	s18 =	simm.s32 $0x2;
	p2 =	sle.u32 @!p0 s7, $0x0;
	_ =	swait.ge @!p1 [sflag:s16], $0x80  }
.Ltmp1:
0x2b: {  	p3 =	por p2, p0;
	[sflag:s16] =	ssyncset.done @!p1 $0x0;
	(pc) =	sbr.rel @!p4 .LBB2_4-.Ltmp1, $4  }
0x2c: {  	p0 =	seq.s32 s31, $0x1;
	[sflag:s16] =	ssyncadd.s32 @!p1 $0xFFFFFF80;
	s16 =	simm.s32 @!p1 $0x80  }
0x2d: {  	[tilespmem:s22], [sflag:$0x5] =	stream.indirect.gather @!p1 [hbm4b:s3+s16], $0x80, s21, s16, $0xb8;
	[tilespmem:$0x8100] =	vst v63  }
0x2e: {  	s17 =	sadd.s32 $0x10, s9;
	p6 =	por @p0 $0x1, $0x1;
	_ =	swait.ge @!p1 [sflag:s23], $0x4000  }
0x2f: {  	p2 =	sle.u32 @p0 s7, $0x1;
	s16 =	sadd.s32 $0x800, s10;
	[sflag:s23] =	ssyncset.done @!p1 $0x0  }
.LBB2_5:
0x30: {  	p4 =	por p6, !p0  }
0x31: {  	p6 =	slt.u32 @!p0 s15, $0x2;
	[sflag:s23] =	ssyncadd.s32 @!p1 $0xFFFFC000;
	s23 =	smov.u32 s18  }
0x32: {  	[hbm4b:s20+s21] =	stream.linear.scatter @!p1 [tilespmem:s22], [sflag:$0x3], $0x4000, $0x38;
	[tilespmem:$0x8100] =	vst v63  }
0x33: {  	s20 =	simm.s32 @!p4 $0x4;
	p1 =	sge.u32 @!p0 s15, s7;
	s15 =	simm.s32 @!p3 $0x0  }
0x34: {  	[tilespmem:s15], [sflag:$0x1] =	stream.linear.gather @!p3 [hbm4b:s19+s15], $0x80, $0x38;
	[tilespmem:$0x8100] =	vst v63  }
0x35: {  	s18 =	sadd.s32 $0x1, s18;
	p3 =	por p1, p0;
	_ =	swait.ge @!p4 [sflag:s20], $0x4000  }
0x36: {  	p5 =	sne.s32 s4, s18;
	s15 =	smov.u32 s23;
	[sflag:s20] =	ssyncset.done @!p4 $0x0  }
0x37: {  	s21 =	simm.s32 @p0 $0x2;
	[sflag:s20] =	ssyncadd.s32 @!p4 $0xFFFFC000;
	s20 =	smov.u32 s16  }
0x38: {  	s19 =	smov.u32 s17;
	p1 =	por p0, p0;
	_ =	swait.ge @p0 [sflag:s21], $0x80  }
0x39: {  	s22 =	simm.s32 @p1 $0x5;
	[sflag:s21] =	ssyncset.done @p1 $0x0  }
0x3a: {  	s23 =	simm.s32 @p1 $0x4100;
	[sflag:s21] =	ssyncadd.s32 @p1 $0xFFFFFF80;
	s21 =	simm.s32 @p1 $0x80  }
0x3b: {  	[tilespmem:s23], [sflag:$0x5] =	stream.indirect.gather @p1 [hbm4b:s3+s21], $0x80, s21, s21, $0xb8;
	[tilespmem:$0x8100] =	vst v63  }
0x3c: {  	_ =	swait.ge @p1 [sflag:s22], $0x4000  }
0x3d: {  	[sflag:s22] =	ssyncset.done @p1 $0x0  }
0x3e: {  	p0 =	por p2, !p1;
	s21 =	simm.s32 @p1 $0x0;
	[sflag:s22] =	ssyncadd.s32 @p1 $0xFFFFC000  }
0x3f: {  	[hbm4b:s16+s21] =	stream.linear.scatter @p1 [tilespmem:s23], [sflag:$0x4], $0x4000, $0x38;
	[tilespmem:$0x8100] =	vst v63  }
0x40: {  	p2 =	por p6, p1;
	s22 =	simm.s32 @!p0 $0x80;
	s21 =	simm.s32 @!p0 $0x0  }
0x41: {  	[tilespmem:s22], [sflag:$0x2] =	stream.linear.gather @!p0 [hbm4b:s17+s21], $0x80, $0x38;
	[tilespmem:$0x8100] =	vst v63  }
0x42: {  	s21 =	simm.s32 @!p2 $0x3  }
0x43: {  	_ =	swait.ge @!p2 [sflag:s21], $0x4000  }
0x44: {  	[sflag:s21] =	ssyncset.done @!p2 $0x0  }
0x45: {  	s24 =	simm.s32 @!p1 $0x1;
	s23 =	simm.s32 @!p1 $0x5;
	[sflag:s21] =	ssyncadd.s32 @!p2 $0xFFFFC000  }
0x46: {  	s16 =	sadd.s32 $0x800, s16;
	s22 =	simm.s32 @!p1 $0x100;
	_ =	swait.ge @!p1 [sflag:s24], $0x80  }
.Ltmp2:
0x47: {  	s21 =	simm.s32 @!p1 $0x0;
	[sflag:s24] =	ssyncset.done @!p1 $0x0;
	(pc) =	sbr.rel @p5 .LBB2_5-.Ltmp2, $4  }
0x48: {  	s25 =	sand.u32 $0x1, s15;
	[sflag:s24] =	ssyncadd.s32 @!p1 $0xFFFFFF80;
	s24 =	simm.s32 @!p1 $0x80  }
0x49: {  	[tilespmem:s22], [sflag:$0x5] =	stream.indirect.gather @!p1 [hbm4b:s3+s24], $0x80, s21, s24, $0xb8;
	[tilespmem:$0x8100] =	vst v63  }
0x4a: {  	p0 =	seq.s32 s25, $0x1;
	s17 =	sadd.s32 $0x10, s17;
	_ =	swait.ge @!p1 [sflag:s23], $0x4000  }
0x4b: {  	p6 =	slt.u32 @p0 s15, $0x2;
	p2 =	sge.u32 @p0 s15, s7;
	[sflag:s23] =	ssyncset.done @!p1 $0x0  }
0x4c: {  	p4 =	por $0x1, $0x1  }
.LBB2_7:
0x4d: {  	p1 =	por p1, !p4  }
0x4e: {  	[sflag:s23] =	ssyncadd.s32 @!p1 $0xFFFFC000  }
0x4f: {  	[hbm4b:s20+s21] =	stream.linear.scatter @!p1 [tilespmem:s22], [sflag:$0x3], $0x4000, $0x38;
	[tilespmem:$0x8100] =	vst v63  }
0x50: {  	p3 =	por p3, !p4;
	p1 =	por p6, !p0  }
0x51: {  	s20 =	simm.s32 @!p3 $0x0;
	s18 =	simm.s32 @!p1 $0x4  }
0x52: {  	[tilespmem:s20], [sflag:$0x1] =	stream.linear.gather @!p3 [hbm4b:s19+s20], $0x80, $0x38;
	[tilespmem:$0x8100] =	vst v63  }
0x53: {  	_ =	swait.ge @!p1 [sflag:s18], $0x4000  }
0x54: {  	[sflag:s18] =	ssyncset.done @!p1 $0x0  }
0x55: {  	[sflag:s18] =	ssyncadd.s32 @!p1 $0xFFFFC000;
	s18 =	simm.s32 @p0 $0x2  }
0x56: {  	p1 =	por p0, p0;
	_ =	swait.ge @p0 [sflag:s18], $0x80  }
0x57: {  	s19 =	simm.s32 @p1 $0x5;
	[sflag:s18] =	ssyncset.done @p1 $0x0  }
0x58: {  	s20 =	simm.s32 @p1 $0x4100;
	[sflag:s18] =	ssyncadd.s32 @p1 $0xFFFFFF80;
	s18 =	simm.s32 @p1 $0x80  }
0x59: {  	[tilespmem:s20], [sflag:$0x5] =	stream.indirect.gather @p1 [hbm4b:s3+s18], $0x80, s18, s18, $0xb8;
	[tilespmem:$0x8100] =	vst v63  }
0x5a: {  	_ =	swait.ge @p1 [sflag:s19], $0x4000  }
0x5b: {  	p3 =	slt.u32 @!p0 s15, $0x2;
	[sflag:s19] =	ssyncset.done @p1 $0x0  }
0x5c: {  	p2 =	por p2, !p1;
	s18 =	simm.s32 @p1 $0x0;
	[sflag:s19] =	ssyncadd.s32 @p1 $0xFFFFC000  }
0x5d: {  	[hbm4b:s16+s18] =	stream.linear.scatter @p1 [tilespmem:s20], [sflag:$0x4], $0x4000, $0x38;
	[tilespmem:$0x8100] =	vst v63  }
0x5e: {  	p3 =	por p3, p1;
	s19 =	simm.s32 @!p2 $0x80;
	s18 =	simm.s32 @!p2 $0x0  }
0x5f: {  	[tilespmem:s19], [sflag:$0x2] =	stream.linear.gather @!p2 [hbm4b:s17+s18], $0x80, $0x38;
	[tilespmem:$0x8100] =	vst v63  }
0x60: {  	s18 =	simm.s32 @!p3 $0x3  }
0x61: {  	_ =	swait.ge @!p3 [sflag:s18], $0x4000  }
0x62: {  	[sflag:s18] =	ssyncset.done @!p3 $0x0  }
0x63: {  	[sflag:s18] =	ssyncadd.s32 @!p3 $0xFFFFC000;
	s18 =	simm.s32 @!p1 $0x1  }
0x64: {  	_ =	swait.ge @!p1 [sflag:s18], $0x80  }
0x65: {  	s21 =	simm.s32 @!p1 $0x100;
	s20 =	simm.s32 @!p1 $0x0;
	[sflag:s18] =	ssyncset.done @!p1 $0x0  }
0x66: {  	s19 =	simm.s32 @!p1 $0x5;
	[sflag:s18] =	ssyncadd.s32 @!p1 $0xFFFFFF80;
	s18 =	simm.s32 @!p1 $0x80  }
0x67: {  	[tilespmem:s21], [sflag:$0x5] =	stream.indirect.gather @!p1 [hbm4b:s3+s18], $0x80, s20, s18, $0xb8;
	[tilespmem:$0x8100] =	vst v63  }
0x68: {  	_ =	swait.ge @!p1 [sflag:s19], $0x4000  }
0x69: {  	p2 =	sge.u32 @!p0 s15, s7;
	[sflag:s19] =	ssyncset.done @!p1 $0x0  }
0x6a: {  	p0 =	por p2, p0;
	[sflag:s19] =	ssyncadd.s32 @!p1 $0xFFFFC000  }
0x6b: {  	[hbm4b:s16+s20] =	stream.linear.scatter @!p1 [tilespmem:s21], [sflag:$0x3], $0x4000, $0x38;
	[tilespmem:$0x8100] =	vst v63  }
0x6c: {  	s14 =	sadd.s32 $0x1, s14;
	s15 =	simm.s32 @!p0 $0x0  }
0x6d: {  	[tilespmem:s15], [sflag:$0x1] =	stream.linear.gather @!p0 [hbm4b:s17+s15], $0x80, $0x38;
	[tilespmem:$0x8100] =	vst v63  }
0x6e: {  	p0 =	sne.s32 s14, s8;
	_ =	swait.ge [sflag:s12], $0x4000  }
.Ltmp3:
0x6f: {  	[sflag:s12] =	ssyncset.done $0x0;
	(pc) =	sbr.rel @p0 .LBB2_1-.Ltmp3, $4  }
.Ltmp4:
0x70: {  	[sflag:s12] =	ssyncadd.s32 $0xFFFFC000;
	(pc) =	sbr.rel @!p0 .LBB2_8-.Ltmp4, $4  }
0x71: {  	_ =	swait.ge [sflag:s13], $0x4000  }
0x72: {  	[sflag:s13] =	ssyncset.done $0x0  }
0x73: {  	[sflag:s13] =	ssyncadd.s32 $0xFFFFC000  }
0x74: {  	_ = 	snop  }
.LBB2_2:
.Ltmp5:
0x75: {  	(pc) =	sbr.rel .LBB2_7-.Ltmp5, $2  }
0x76: {  	_ =	sdelay $0x2  }
0x77: {  	s15 =	simm.s32 $0x0;
	s16 =	smov.u32 s10;
	s17 =	smov.u32 s9  }
.LBB2_4:
.Ltmp6:
0x78: {  	(pc) =	sbr.rel .LBB2_7-.Ltmp6, $2  }
0x79: {  	_ =	sdelay $0x2  }
0x7a: {  	s20 =	smov.u32 s10;
	s19 =	smov.u32 s9;
	p4 =	por $0x1, $0x1  }
.LBB2_8:
0x7b: {  	_ =	sfence.sel $0x180000  }
0x7c: {  	[bflag:$0x0] =	sbarrier.arrive $0xFFFF  }
0x7d: {  	p0 =	sne.s32 s1, $0x0;
	_ =	strace $0x9000004A  }
0x7e: {  	s0 =	sadd.s32 @!p0 $0x100000, s0;
	[bflag:$0x2] =	sbarrier.arrive $0xFFFF  }
0x7f: {  	[sflag:s0] =	ssyncadd.tile.s32 @!p0 $0x1;
	_ =	shalt  }
.Lfunc_end2:
_tile_overlayer_lowered:
.L_overlay_start_2:
0x80: {  	(tag) =	ssettag $0x2  }
0x81: {  	s0 =	rddreg [dreg:$0x0];
	s2 =	stileid.u32  }
0x82: {  	s1 =	rddreg [dreg:$0x1];
	p0 =	sne.s32 s2, $0x0  }
0x83: {  	s3 =	rddreg [dreg:$0x2];
	[bflag:$0x3] =	sbarrier.arrive $0xFFFF;
	s2 =	simm.s32 @!p0 $0x1C06  }
0x84: {  	[timem:s3], [sflag:s2] =	dma.local @!p0 [hbm:s0], s1  }
0x85: {  	s0 =	simm.s32 @!p0 $0x6  }
0x86: {  	_ =	swait.ge @!p0 [sflag:s0], s1  }
0x87: {  	s1 =	ssub.s32 @!p0 $0x0, s1;
	[sflag:s0] =	ssyncset.done @!p0 $0x0  }
0x88: {  	[sflag:s0] =	ssyncadd.s32 @!p0 s1  }
0x89: {  	[bflag:$0x3] =	sbarrier.arrive $0xFFFF  }
0x8a: {  	_ =	shalt  }

// kernel: kernel.19.cloned.1.call-start
scs
__scs_entry_jumppad:
0x0: {  	(pc) =	sbr.rel $0x88, $3  }
0x1: {  	(tag) =	ssettag $0x0;
	lr =	simm.s32 $0x1  }
0x2: {  	[smem:$0x3F7A] =	sst lr;
	_ =	strace $0xD0000000  }
0x3: {  	_ = 	snop  }
0x4: {  	_ = 	snop  }
0x5: {  	_ = 	snop  }
0x6: {  	_ = 	snop  }
0x7: {  	_ = 	snop  }
__scs_overlays_trampoline_lowered:
0x8: {  	[smem:$0x3F89] =	sst s0  }
0x9: {  	[smem:$0x3F8A] =	sst s1  }
0xa: {  	[smem:$0x3F8B] =	sst s2  }
0xb: {  	[smem:$0x3F8C] =	sst s3  }
0xc: {  	[smem:$0x3F8D] =	sst s4  }
0xd: {  	[smem:$0x3F8E] =	sst s5  }
0xe: {  	[smem:$0x3F8F] =	sst s6  }
0xf: {  	[smem:$0x3F90] =	sst s7  }
0x10: {  	[smem:$0x3F91] =	sst s8  }
0x11: {  	[smem:$0x3F92] =	sst s9;
	s0 =	simm.s32 @!p0 $0x0  }
0x12: {  	s1 =	sld [smem:$0x3F78];
	s0 =	simm.s32 @p0 $0x1  }
0x13: {  	[smem:$0x3F93] =	sst s0;
	s0 =	simm.s32 @!p1 $0x0  }
0x14: {  	s2 =	sld [smem:$0x3F77];
	s0 =	simm.s32 @p1 $0x1  }
0x15: {  	[smem:$0x3F94] =	sst s0;
	s0 =	simm.s32 @!p2 $0x0  }
0x16: {  	s3 =	sld [smem:$0x3FDB];
	s0 =	simm.s32 @p2 $0x1  }
0x17: {  	s4 =	simm.s32 $0x1BF5;
	[smem:$0x3F96] =	sst s0  }
0x18: {  	s0 =	sld [smem:$0x3F79];
	_ =	swait.ge [sflag:s4], $0x0  }
0x19: {  	s7 =	sld [smem:$0x3F7A]  }
0x1a: {  	s8 =	sadd.s32 $0xFFFFE003, lr  }
0x1b: {  	s9 =	sadd.s32 $0xFFFFFEF7, lr;
	s5 =	simm.s32 $0xFFFFFFFF;
	p2 =	slt.u32 s8, $0xFFFFF086  }
0x1c: {  	p1 =	slt.u32 s9, $0xF7A;
	s5 =	simm.s32 @!p2 $0x0  }
0x1d: {  	s5 =	simm.s32 @p1 $0x1;
	p0 =	seq.s32 s7, s2  }
0x1e: {  	s7 =	smul.u32 @!p0 $0xF7A, s2;
	p2 =	seq.s32 @!p0 s5, $0x0  }
0x1f: {  	s9 =	smul.u32 $0xF7A, s1;
	s8 =	simm.s32 @!p0 $0x1BF5;
	p2 =	por !p2, p0  }
0x20: {  	[sflag:s8] =	ssyncset.s32 @!p0 $0xFFFFF086;
	s6 =	sadd.s32 @!p0 s3, s7;
	s7 =	simm.s32 @!p0 $0x108  }
0x21: {  	s3 =	sadd.s32 s3, s9;
	s6 =	sadd.s32 @!p0 $0x88, s6;
	s7 =	simm.s32 @p2 $0x1082  }
0x22: {  	[simem:s7], [sflag:s8] =	dma.local @!p0 [hbm:s6], $0xF7A  }
0x23: {  	s9 =	sor.u32 $0xD0000000, s2;
	s6 =	simm.s32 $0x108;
	_ =	swait.ge @!p0 [sflag:s8], $0x0  }
0x24: {  	s3 =	sadd.s32 $0x88, s3;
	s6 =	simm.s32 @!p1 $0x1082;
	[sflag:s4] =	ssyncset.s32 $0xFFFFF086  }
0x25: {  	[simem:s6], [sflag:s4] =	dma.local [hbm:s3], $0xF7A  }
0x26: {  	[smem:$0x3F7A] =	sst s1;
	(tag) =	ssettag s2;
	_ =	strace s9  }
0x27: {  	s1 =	sld [smem:$0x3F8A]  }
0x28: {  	s2 =	sld [smem:$0x3F8B]  }
0x29: {  	s4 =	sld [smem:$0x3F8D]  }
0x2a: {  	p0 =	seq.s32 s5, $0x0;
	s5 =	sld [smem:$0x3F8E]  }
0x2b: {  	s6 =	sld [smem:$0x3F8F]  }
0x2c: {  	s7 =	sld [smem:$0x3F90]  }
0x2d: {  	s3 =	simm.s32 $0x108;
	s8 =	sld [smem:$0x3F91]  }
0x2e: {  	s3 =	simm.s32 @!p0 $0x1082;
	s9 =	sld [smem:$0x3F92]  }
0x2f: {  	lr =	sadd.s32 s0, s3;
	s0 =	sld [smem:$0x3F89]  }
0x30: {  	s3 =	sld [smem:$0x3F8C]  }
0x31: {  	[smem:$0x3F95] =	sst s10  }
0x32: {  	s10 =	sld [smem:$0x3F93];
	_ =	sdelay $0x3  }
0x33: {  	p0 =	seq.s32 s10, $0x1;
	s10 =	sld [smem:$0x3F95];
	_ =	sdelay $0x3  }
0x34: {  	[smem:$0x3F95] =	sst s10  }
0x35: {  	s10 =	sld [smem:$0x3F94];
	_ =	sdelay $0x3  }
0x36: {  	p1 =	seq.s32 s10, $0x1;
	s10 =	sld [smem:$0x3F95];
	_ =	sdelay $0x3  }
0x37: {  	[smem:$0x3F95] =	sst s10  }
0x38: {  	s10 =	sld [smem:$0x3F96]  }
0x39: {  	_ = 	snop;
	(pc) =	sbr.ind lr, $3  }
0x3a: {  	_ = 	snop  }
0x3b: {  	_ = 	snop  }
0x3c: {  	p2 =	seq.s32 s10, $0x1;
	s10 =	sld [smem:$0x3F95]  }
0x3d: {  	_ =	shalt  }
0x3e: {  	_ =	shalt  }
0x3f: {  	_ =	shalt  }
0x40: {  	_ =	shalt  }
0x41: {  	_ =	shalt  }
0x42: {  	_ =	shalt  }
0x43: {  	_ =	shalt  }
0x44: {  	_ =	shalt  }
0x45: {  	_ =	shalt  }
0x46: {  	_ =	shalt  }
0x47: {  	_ =	shalt  }
0x48: {  	_ =	shalt  }
0x49: {  	_ =	shalt  }
0x4a: {  	_ =	shalt  }
0x4b: {  	_ =	shalt  }
0x4c: {  	_ =	shalt  }
0x4d: {  	_ =	shalt  }
0x4e: {  	_ =	shalt  }
0x4f: {  	_ =	shalt  }
0x50: {  	_ =	shalt  }
0x51: {  	_ =	shalt  }
0x52: {  	_ =	shalt  }
0x53: {  	_ =	shalt  }
0x54: {  	_ =	shalt  }
0x55: {  	_ =	shalt  }
0x56: {  	_ =	shalt  }
0x57: {  	_ =	shalt  }
0x58: {  	_ =	shalt  }
0x59: {  	_ =	shalt  }
0x5a: {  	_ =	shalt  }
0x5b: {  	_ =	shalt  }
0x5c: {  	_ =	shalt  }
0x5d: {  	_ =	shalt  }
0x5e: {  	_ =	shalt  }
0x5f: {  	_ =	shalt  }
0x60: {  	_ =	shalt  }
0x61: {  	_ =	shalt  }
0x62: {  	_ =	shalt  }
0x63: {  	_ =	shalt  }
0x64: {  	_ =	shalt  }
0x65: {  	_ =	shalt  }
0x66: {  	_ =	shalt  }
0x67: {  	_ =	shalt  }
0x68: {  	_ =	shalt  }
0x69: {  	_ =	shalt  }
0x6a: {  	_ =	shalt  }
0x6b: {  	_ =	shalt  }
0x6c: {  	_ =	shalt  }
0x6d: {  	_ =	shalt  }
0x6e: {  	_ =	shalt  }
0x6f: {  	_ =	shalt  }
0x70: {  	_ =	shalt  }
0x71: {  	_ =	shalt  }
0x72: {  	_ =	shalt  }
0x73: {  	_ =	shalt  }
0x74: {  	_ =	shalt  }
0x75: {  	_ =	shalt  }
0x76: {  	_ =	shalt  }
0x77: {  	_ =	shalt  }
0x78: {  	_ =	shalt  }
0x79: {  	_ =	shalt  }
0x7a: {  	_ =	shalt  }
0x7b: {  	_ =	shalt  }
0x7c: {  	_ =	shalt  }
0x7d: {  	_ =	shalt  }
0x7e: {  	_ =	shalt  }
0x7f: {  	_ =	shalt  }
0x80: {  	_ =	shalt  }
0x81: {  	_ =	shalt  }
0x82: {  	_ =	shalt  }
0x83: {  	_ =	shalt  }
0x84: {  	_ =	shalt  }
0x85: {  	_ =	shalt  }
0x86: {  	_ =	shalt  }
0x87: {  	_ =	shalt  }
.Lfunc_end0:
.L_simem_size_0:
called_computation.2_lowered:
.L_overlay_start_0:
0x88: {  	s2 =	sld [smem:$0x3FD9]  }
0x89: {  	s3 =	sld [smem:$0x3FFE];
	_ =	sdelay $0x1  }
0x8a: {  	s1 =	srdreg.scid  }
0x8b: {  	s0 =	sand.u32 $0x1, s1  }
0x8c: {  	s14 =	sshll.u32 s0, $0xA;
	s2 =	sadd.s32 s3, s2  }
0x8d: {  	s2 =	sadd.s32 s2, s14  }
0x8e: {  	[smem:$0x3FA1] =	sst s2  }
0x8f: {  	_ = 	snop  }
0x90: {  	s2 =	sld [smem:$0x3FD0];
	_ =	sdelay $0x2  }
0x91: {  	s15 =	simm.s32 $0xA;
	s4 =	simm.s32 $0x10  }
0x92: {  	[smem:s4], [sflag:s15] =	dma.local [hbm:s2], $0x1  }
0x93: {  	_ =	swait.eq [sflag:s15], $0x1  }
0x94: {  	[sflag:s15] =	ssyncset.done $0x0  }
0x95: {  	[sflag:s15] =	ssyncadd.s32 $0xFFFFFFFF  }
0x96: {  	s16 =	sld [smem:$0x10];
	(tm) =	ssettm $0x1  }
0x97: {  	s17 =	sld [smem:$0x3FFB];
	_ =	sdelay $0x3  }
0x98: {  	_ =	strace s17  }
0x99: {  	s3 =	sld [smem:$0x3FFC];
	_ =	sdelay $0x3  }
0x9a: {  	_ =	strace s3  }
0x9b: {  	s3 =	sld [smem:$0x3FFD];
	_ =	sdelay $0x3  }
0x9c: {  	_ =	strace s3  }
0x9d: {  	_ =	strace $0x8FFFFFFF  }
0x9e: {  	s18 =	sld [smem:$0x3FDB];
	_ =	sdelay $0x1  }
0x9f: {  	s19 =	simm.s32 $_scs_section_size  }
0xa0: {  	s5 =	simm.s32 $_size__tile_overlayer_lowered;
	s6 =	simm.s32 $_tile_overlayer_lowered  }
0xa1: {  	s22 =	simm.s32 $0x1BFF;
	s21 =	sshll.u32 s6, $0x1;
	s3 =	sadd.s32 s19, s18  }
0xa2: {  	s7 =	simm.s32 $0x0;
	s20 =	sshll.u32 s5, $0x1;
	s5 =	sadd.s32 s21, s3  }
0xa3: {  	[timem:s7], [sflag:s22] =	dma.local [hbm:s5], s20  }
0xa4: {  	_ =	swait.ge [sflag:s22], s20  }
0xa5: {  	s4 =	ssub.s32 $0x0, s20;
	[sflag:s22] =	ssyncset.done $0x0  }
0xa6: {  	[sflag:s22] =	ssyncadd.s32 s4;
	_ =	sdelay $0x1  }
0xa7: {  	s23 =	simm.s32 $0x1B8B  }
0xa8: {  	_ =	swait.ge [sflag:s23], $0x1  }
0xa9: {  	[sflag:s23] =	ssyncset.done $0x0  }
0xaa: {  	s25 =	simm.s32 $0x1B8E;
	s24 =	sld [smem:$0x3FFE];
	[sflag:s23] =	ssyncadd.s32 $0xFFFFFFFF  }
0xab: {  	s26 =	simm.s32 $execute0_lowered;
	[smem:$0x3FD2] =	sst s25  }
0xac: {  	s5 =	sshll.u32 s26, $0x1;
	_ =	strace $0x8000004C;
	[dreg:$0x1] =	wrdreg $0xFFFFFFFF  }
0xad: {  	s28 =	simm.s32 $_size_execute0_lowered;
	s3 =	sadd.s32 s3, s5;
	[dreg:$0x0] =	wrdreg $0x0  }
0xae: {  	s5 =	sshll.u32 s28, $0x1;
	[dreg:$0x2] =	wrdreg s3  }
0xaf: {  	[dreg:$0x3] =	wrdreg s5  }
0xb0: {  	[dreg:$0x4] =	wrdreg $0xC0  }
0xb1: {  	_ =	task [dreg:s7], $0x5FFFF  }
0xb2: {  	[dreg:$0x1] =	wrdreg $0xFFFFFFFF  }
0xb3: {  	[dreg:$0x0] =	wrdreg $0x60  }
0xb4: {  	[dreg:$0x2] =	wrdreg s24  }
0xb5: {  	[dreg:$0x3] =	wrdreg s16  }
0xb6: {  	[dreg:$0x4] =	wrdreg $0x81000  }
0xb7: {  	[dreg:$0x5] =	wrdreg $0x9  }
0xb8: {  	_ =	task.clear_ibuf [dreg:s7], $0x6FFFF;
	_ =	strace $0x9000004C  }
0xb9: {  	s29 =	simm.s32 $0x9;
	_ =	strace $0x8000004E  }
0xba: {  	_ =	swait.ge [sflag:s29], $0x1  }
0xbb: {  	[sflag:s29] =	ssyncadd.s32 $0xFFFFFFFF  }
0xbc: {  	_ =	strace $0x9000004E  }
0xbd: {  	_ =	sfence  }
0xbe: {  	s30 =	sld [smem:$0x0];
	_ =	sdelay $0x2  }
0xbf: {  	s31 =	sshll.u32 s1, $0xD;
	s1 =	sshrl.u32 s1, $0x2  }
0xc0: {  	s3 =	sand.u32 $0x4000, s31;
	s1 =	sadd.s32 s1, s30  }
0xc1: {  	s0 =	sor.u32 s3, s0;
	s1 =	sshll.u32 s1, $0x11  }
0xc2: {  	s0 =	sor.u32 s1, s0  }
0xc3: {  	s0 =	sadd.s32 $0x8F2B, s0  }
0xc4: {  	[sflag:s0] =	ssyncadd.remote.s32 $0x1  }
0xc5: {  	_ =	sfence.sel $0xFFFF  }
0xc6: {  	[dreg:$0x0] =	wrdreg $0xFFFFFFFF;
	(pc) =	sbr.abs _section_cstart, $3  }
0xc7: {  	[dreg:$0x1] =	wrdreg $0xFFFFFFFF  }
0xc8: {  	_ =	task.clear_ibuf [dreg:s7], $0x2FFFF;
	_ =	strace $0x9FFFFFFF  }
0xc9: {  	(tm) =	ssettm $0x7FFFFFFF  }
tec
execute0_lowered:
.L_overlay_start_1:
0x0: {  	(tag) =	ssettag $0x1  }
0x1: {  	s0 =	rddreg [dreg:$0x0]  }
0x2: {  	s1 =	rddreg [dreg:$0x1]  }
0x3: {  	s2 =	rddreg [dreg:$0x2];
	s3 =	simm.s32 $0x0;
	s21 =	stileid.u32  }
0x4: {  	s4 =	srdreg.scid;
	[smem:$0x7FF] =	sst s3  }
0x5: {  	s5 =	smul.u32 $0x13800, s21;
	s14 =	sand.u32 $0x1, s4;
	s18 =	sshll.u32 s21, $0x1  }
0x6: {  	s17 =	sadd.s32 $0x1409C00, s0;
	s16 =	sadd.s32 $0xA1E400, s0;
	p0 =	slt.u32 s21, $0x2  }
0x7: {  	s9 =	smul.u32 $0x4E000, s21;
	s25 =	sshll.u32 s21, $0x6;
	s12 =	sadd.s32 $0x138000, s2  }
0x8: {  	s13 =	sadd.s32 $0xED9400, s0;
	_ =	strace $0x8000004D;
	s4 =	sor.u32 s14, s18  }
0x9: {  	s19 =	ssub.s32 $0x2, s14;
	s28 =	smul.u32 $0x4E, s14;
	s6 =	sshrl.u32 s5, $0x3  }
0xa: {  	s7 =	smul.u32 $0x4E, s4;
	s8 =	sshrl.u32 s19, $0x1;
	s15 =	smin.u32 s4, $0x4  }
0xb: {  	s4 =	simm.s32 $0x4F;
	s9 =	sshrl.u32 s9, $0x2;
	s10 =	sadd.s32 s6, s0  }
0xc: {  	s18 =	ssub.s32 s19, s8;
	s4 =	simm.s32 @!p0 $0x4E;
	s9 =	sadd.s32 s9, s2  }
0xd: {  	s19 =	smul.u32 $0x138800, s14;
	p0 =	sne.s32 s21, $0xF;
	s7 =	sadd.s32 s15, s7  }
0xe: {  	s10 =	sadd.s32 $0xEB2400, s10;
	s14 =	sadd.s32 $0xFFFFFFFE, s4;
	s20 =	sshll.u32 s7, $0x4  }
0xf: {  	s22 =	sshll.u32 s7, $0xB;
	s7 =	sshll.u32 s7, $0x7;
	s26 =	sadd.s32 s5, s19  }
0x10: {  	s29 =	sshrl.u32 s19, $0x3;
	s6 =	sadd.s32 s1, s20;
	s23 =	sadd.s32 s17, s22  }
0x11: {  	s7 =	sadd.s32 $0x80, s7;
	s20 =	smul.u32 $0x9C, s21;
	[dreg:$0x4] =	wrdreg s6  }
0x12: {  	s0 =	sshrl.u32 s26, $0x3;
	[dreg:$0x5] =	wrdreg s23;
	s24 =	sshrl.u32 s7, $0x3  }
0x13: {  	s11 =	sshll.u32 s7, $0x4;
	s23 =	simm.s32 $0x5;
	s7 =	sadd.s32 s1, s24  }
0x14: {  	s8 =	sadd.s32 s17, s11;
	s11 =	sor.u32 $0x1C05, s25;
	s20 =	sadd.s32 s20, s15  }
0x15: {  	s15 =	sadd.s32 s16, s0;
	s0 =	sadd.s32 s16, s29;
	s5 =	sadd.s32 s28, s20  }
0x16: {  	s24 =	simm.s32 $0x0;
	s30 =	sshll.u32 s5, $0xB;
	s5 =	sshll.u32 s5, $0x4  }
0x17: {  	s16 =	sadd.s32 $0x27000, s0;
	s31 =	sadd.s32 s30, s17;
	s5 =	sadd.s32 s5, s1  }
0x18: {  	s17 =	smax.u32 s18, $0x1;
	s1 =	sadd.s32 $0x1000, s31;
	s19 =	sadd.s32 $0x20, s5  }
.LBB2_1:
0x19: {  	s0 =	rddreg [dreg:$0x4]  }
0x1a: {  	[tilespmem:s3], [sflag:$0x1] =	stream.linear.gather [hbm4b:s0+s3], $0x80, $0x38;
	[tilespmem:$0x1B980] =	vst v63  }
0x1b: {  	s26 =	rddreg [dreg:$0x5];
	s5 =	simm.s32 $0x100  }
0x1c: {  	[tilespmem:s5], [sflag:$0x3] =	stream.linear.gather [hbm4b:s26+s3], $0x4000, $0x38;
	[tilespmem:$0x1B980] =	vst v63  }
0x1d: {  	s30 =	simm.s32 $0x80  }
0x1e: {  	[tilespmem:s30], [sflag:$0x2] =	stream.linear.gather [hbm4b:s7+s3], $0x80, $0x38;
	[tilespmem:$0x1B980] =	vst v63  }
0x1f: {  	s31 =	simm.s32 $0x4100;
	s26 =	sshrl.u32 s9, $0x3  }
0x20: {  	[tilespmem:s31], [sflag:$0x4] =	stream.linear.gather [hbm4b:s8+s3], $0x4000, $0x38;
	[tilespmem:$0x1B980] =	vst v63  }
0x21: {  	[spmem:s26], [sflag:s11] =	dma.local [hbm:s10], $0x2700  }
0x22: {  	_ =	swait.ge [sflag:s23], $0x2700  }
0x23: {  	s28 =	sshrl.u32 @!p0 s12, $0x3;
	[sflag:s23] =	ssyncset.done $0x0  }
0x24: {  	s25 =	simm.s32 @!p0 $0x5;
	p2 =	sne.s32 s4, $0x1;
	[sflag:s23] =	ssyncadd.s32 $0xFFFFD900  }
0x25: {  	[spmem:s28], [sflag:s11] =	dma.local @!p0 [hbm:s13], $0x100  }
.Ltmp0:
0x26: {  	_ =	swait.ge @!p0 [sflag:s25], $0x100;
	(pc) =	sbr.rel @!p2 .LBB2_2-.Ltmp0, $4  }
0x27: {  	[sflag:s25] =	ssyncset.done @!p0 $0x0  }
0x28: {  	[sflag:s25] =	ssyncadd.s32 @!p0 $0xFFFFFF00  }
0x29: {  	[bflag:$0x0] =	sbarrier.arrive $0xFFFF  }
0x2a: {  	s29 =	simm.s32 $0x1;
	s22 =	sand.u32 $0x1, s3;
	p1 =	por $0x0, $0x0  }
0x2b: {  	p1 =	seq.s32 s22, $0x1  }
0x2c: {  	s0 =	simm.s32 @p1 $0x2  }
0x2d: {  	_ =	swait.ge @p1 [sflag:s0], $0x80  }
0x2e: {  	[sflag:s0] =	ssyncset.done @p1 $0x0  }
0x2f: {  	[sflag:s0] =	ssyncadd.s32 @p1 $0xFFFFFF80;
	s0 =	simm.s32 @p1 $0x4  }
0x30: {  	_ =	swait.ge @p1 [sflag:s0], $0x4000  }
0x31: {  	s5 =	simm.s32 @p1 $0x5;
	[sflag:s0] =	ssyncset.done @p1 $0x0  }
0x32: {  	s18 =	simm.s32 @p1 $0x4100;
	[sflag:s0] =	ssyncadd.s32 @p1 $0xFFFFC000;
	s0 =	simm.s32 @p1 $0x80  }
0x33: {  	[spmem:s2] =	stream.indirect.scatter.add.f32 @p1 [tilespmem:s18], [sflag:$0x5], $0x80, s0, s0, $0xb8;
	[tilespmem:$0x1B980] =	vst v63  }
0x34: {  	p2 =	sle.u32 @p1 s14, $0x0;
	_ =	swait.ge @p1 [sflag:s5], $0x4000  }
0x35: {  	p2 =	por p2, !p1;
	[sflag:s5] =	ssyncset.done @p1 $0x0  }
0x36: {  	s0 =	simm.s32 @!p2 $0x0;
	[sflag:s5] =	ssyncadd.s32 @p1 $0xFFFFC000;
	s5 =	simm.s32 @!p2 $0x80  }
0x37: {  	[tilespmem:s5], [sflag:$0x2] =	stream.linear.gather @!p2 [hbm4b:s19+s0], $0x80, $0x38;
	[tilespmem:$0x1B980] =	vst v63  }
0x38: {  	s18 =	simm.s32 @!p1 $0x1;
	s5 =	simm.s32 @!p2 $0x4100  }
0x39: {  	[tilespmem:s5], [sflag:$0x4] =	stream.linear.gather @!p2 [hbm4b:s1+s0], $0x4000, $0x38;
	[tilespmem:$0x1B980] =	vst v63  }
0x3a: {  	_ =	swait.ge @!p1 [sflag:s18], $0x80  }
0x3b: {  	[sflag:s18] =	ssyncset.done @!p1 $0x0  }
0x3c: {  	s30 =	sadd.s32 $0x10, s19;
	s0 =	simm.s32 @!p1 $0x3;
	[sflag:s18] =	ssyncadd.s32 @!p1 $0xFFFFFF80  }
0x3d: {  	s20 =	simm.s32 @!p1 $0x0;
	p2 =	sle.u32 @!p1 s14, $0x0;
	_ =	swait.ge @!p1 [sflag:s0], $0x4000  }
0x3e: {  	s5 =	simm.s32 @!p1 $0x100;
	p5 =	por p2, p1;
	[sflag:s0] =	ssyncset.done @!p1 $0x0  }
0x3f: {  	p2 =	sne.s32 s4, $0x2;
	[sflag:s0] =	ssyncadd.s32 @!p1 $0xFFFFC000;
	s0 =	simm.s32 @!p1 $0x80  }
0x40: {  	[spmem:s2] =	stream.indirect.scatter.add.f32 @!p1 [tilespmem:s5], [sflag:$0x5], $0x80, s20, s0, $0xb8;
	[tilespmem:$0x1B980] =	vst v63  }
.Ltmp1:
0x41: {  	s22 =	sand.u32 $0x1, s29;
	s18 =	simm.s32 @!p1 $0x5;
	(pc) =	sbr.rel @!p2 .LBB2_4-.Ltmp1, $4  }
0x42: {  	s31 =	smov.u32 s1;
	s21 =	simm.s32 @!p5 $0x0;
	_ =	swait.ge @!p1 [sflag:s18], $0x4000  }
0x43: {  	s0 =	simm.s32 $0x2;
	s5 =	simm.s32 @!p5 $0x100;
	[sflag:s18] =	ssyncset.done @!p1 $0x0  }
0x44: {  	[sflag:s18] =	ssyncadd.s32 @!p1 $0xFFFFC000;
	p1 =	por $0x1, $0x1;
	s18 =	smov.u32 s1  }
0x45: {  	[tilespmem:s21], [sflag:$0x1] =	stream.linear.gather @!p5 [hbm4b:s19+s21], $0x80, $0x38;
	[tilespmem:$0x1B980] =	vst v63  }
.LBB2_5:
0x46: {  	p2 =	seq.s32 s22, $0x1;
	s31 =	sadd.s32 $0x800, s31  }
0x47: {  	s22 =	smov.u32 s0;
	s0 =	sadd.s32 $0x1, s0;
	s20 =	smov.u32 s30  }
0x48: {  	p6 =	sge.u32 @p2 s29, s14;
	s6 =	simm.s32 @p2 $0x2;
	p4 =	sge.u32 @!p2 s29, s14  }
0x49: {  	[tilespmem:s5], [sflag:$0x3] =	stream.linear.gather @!p5 [hbm4b:s18+s21], $0x4000, $0x38;
	[tilespmem:$0x1B980] =	vst v63  }
0x4a: {  	p3 =	sne.s32 s4, s0;
	s29 =	smov.u32 s22;
	_ =	swait.ge @p2 [sflag:s6], $0x80  }
0x4b: {  	s18 =	smov.u32 s31;
	[sflag:s6] =	ssyncset.done @p2 $0x0  }
0x4c: {  	s5 =	simm.s32 @p2 $0x4;
	[sflag:s6] =	ssyncadd.s32 @p2 $0xFFFFFF80  }
0x4d: {  	_ =	swait.ge @p2 [sflag:s5], $0x4000  }
0x4e: {  	s6 =	simm.s32 @p2 $0x5;
	[sflag:s5] =	ssyncset.done @p2 $0x0  }
0x4f: {  	s21 =	simm.s32 @p2 $0x4100;
	[sflag:s5] =	ssyncadd.s32 @p2 $0xFFFFC000;
	s5 =	simm.s32 @p2 $0x80  }
0x50: {  	[spmem:s2] =	stream.indirect.scatter.add.f32 @p2 [tilespmem:s21], [sflag:$0x5], $0x80, s5, s5, $0xb8;
	[tilespmem:$0x1B980] =	vst v63  }
0x51: {  	_ =	swait.ge @p2 [sflag:s6], $0x4000  }
0x52: {  	p5 =	por p6, !p2;
	[sflag:s6] =	ssyncset.done @p2 $0x0  }
0x53: {  	s5 =	simm.s32 @!p5 $0x0;
	[sflag:s6] =	ssyncadd.s32 @p2 $0xFFFFC000;
	s6 =	simm.s32 @!p5 $0x80  }
0x54: {  	[tilespmem:s6], [sflag:$0x2] =	stream.linear.gather @!p5 [hbm4b:s30+s5], $0x80, $0x38;
	[tilespmem:$0x1B980] =	vst v63  }
0x55: {  	s21 =	simm.s32 @!p2 $0x1;
	s6 =	simm.s32 @!p5 $0x4100  }
0x56: {  	[tilespmem:s6], [sflag:$0x4] =	stream.linear.gather @!p5 [hbm4b:s31+s5], $0x4000, $0x38;
	[tilespmem:$0x1B980] =	vst v63  }
0x57: {  	_ =	swait.ge @!p2 [sflag:s21], $0x80  }
0x58: {  	[sflag:s21] =	ssyncset.done @!p2 $0x0  }
0x59: {  	s5 =	simm.s32 @!p2 $0x3;
	[sflag:s21] =	ssyncadd.s32 @!p2 $0xFFFFFF80  }
0x5a: {  	_ =	swait.ge @!p2 [sflag:s5], $0x4000  }
0x5b: {  	s6 =	simm.s32 @!p2 $0x100;
	s21 =	simm.s32 @!p2 $0x5;
	[sflag:s5] =	ssyncset.done @!p2 $0x0  }
0x5c: {  	s22 =	simm.s32 @!p2 $0x0;
	[sflag:s5] =	ssyncadd.s32 @!p2 $0xFFFFC000;
	s5 =	simm.s32 @!p2 $0x80  }
0x5d: {  	[spmem:s2] =	stream.indirect.scatter.add.f32 @!p2 [tilespmem:s6], [sflag:$0x5], $0x80, s22, s5, $0xb8;
	[tilespmem:$0x1B980] =	vst v63  }
.Ltmp2:
0x5e: {  	_ = 	snop;
	(pc) =	sbr.rel @p3 .LBB2_5-.Ltmp2, $4  }
0x5f: {  	s30 =	sadd.s32 $0x10, s30;
	_ =	swait.ge @!p2 [sflag:s21], $0x4000  }
0x60: {  	p5 =	por p4, p2;
	s22 =	sand.u32 $0x1, s29;
	[sflag:s21] =	ssyncset.done @!p2 $0x0  }
0x61: {  	s5 =	simm.s32 @!p5 $0x100;
	[sflag:s21] =	ssyncadd.s32 @!p2 $0xFFFFC000;
	s21 =	simm.s32 @!p5 $0x0  }
0x62: {  	[tilespmem:s21], [sflag:$0x1] =	stream.linear.gather @!p5 [hbm4b:s20+s21], $0x80, $0x38;
	[tilespmem:$0x1B980] =	vst v63  }
.LBB2_6:
0x63: {  	p2 =	seq.s32 s22, $0x1  }
0x64: {  	p3 =	por p5, !p1;
	s0 =	simm.s32 @p2 $0x2  }
0x65: {  	[tilespmem:s5], [sflag:$0x3] =	stream.linear.gather @!p3 [hbm4b:s18+s21], $0x4000, $0x38;
	[tilespmem:$0x1B980] =	vst v63  }
0x66: {  	_ =	swait.ge @p2 [sflag:s0], $0x80  }
0x67: {  	[sflag:s0] =	ssyncset.done @p2 $0x0  }
0x68: {  	[sflag:s0] =	ssyncadd.s32 @p2 $0xFFFFFF80;
	s0 =	simm.s32 @p2 $0x4  }
0x69: {  	_ =	swait.ge @p2 [sflag:s0], $0x4000  }
0x6a: {  	s5 =	simm.s32 @p2 $0x5;
	[sflag:s0] =	ssyncset.done @p2 $0x0  }
0x6b: {  	s6 =	simm.s32 @p2 $0x4100;
	[sflag:s0] =	ssyncadd.s32 @p2 $0xFFFFC000;
	s0 =	simm.s32 @p2 $0x80  }
0x6c: {  	[spmem:s2] =	stream.indirect.scatter.add.f32 @p2 [tilespmem:s6], [sflag:$0x5], $0x80, s0, s0, $0xb8;
	[tilespmem:$0x1B980] =	vst v63  }
0x6d: {  	p3 =	sge.u32 @p2 s29, s14;
	s18 =	smov.u32 s1;
	_ =	swait.ge @p2 [sflag:s5], $0x4000  }
0x6e: {  	p3 =	por p3, !p2;
	s0 =	sadd.s32 @p1 $0x800, s31;
	[sflag:s5] =	ssyncset.done @p2 $0x0  }
0x6f: {  	s6 =	simm.s32 @!p3 $0x80;
	[sflag:s5] =	ssyncadd.s32 @p2 $0xFFFFC000;
	s5 =	simm.s32 @!p3 $0x0  }
0x70: {  	[tilespmem:s6], [sflag:$0x2] =	stream.linear.gather @!p3 [hbm4b:s30+s5], $0x80, $0x38;
	[tilespmem:$0x1B980] =	vst v63  }
0x71: {  	s18 =	smov.u32 @p1 s0;
	s0 =	simm.s32 @!p3 $0x4100;
	s6 =	simm.s32 @!p2 $0x1  }
0x72: {  	[tilespmem:s0], [sflag:$0x4] =	stream.linear.gather @!p3 [hbm4b:s18+s5], $0x4000, $0x38;
	[tilespmem:$0x1B980] =	vst v63  }
0x73: {  	_ =	swait.ge @!p2 [sflag:s6], $0x80  }
0x74: {  	[sflag:s6] =	ssyncset.done @!p2 $0x0  }
0x75: {  	s0 =	simm.s32 @!p2 $0x3;
	[sflag:s6] =	ssyncadd.s32 @!p2 $0xFFFFFF80  }
0x76: {  	_ =	swait.ge @!p2 [sflag:s0], $0x4000  }
0x77: {  	s20 =	simm.s32 @!p2 $0x0;
	s5 =	simm.s32 @!p2 $0x100;
	[sflag:s0] =	ssyncset.done @!p2 $0x0  }
0x78: {  	s6 =	simm.s32 @!p2 $0x5;
	[sflag:s0] =	ssyncadd.s32 @!p2 $0xFFFFC000;
	s0 =	simm.s32 @!p2 $0x80  }
0x79: {  	[spmem:s2] =	stream.indirect.scatter.add.f32 @!p2 [tilespmem:s5], [sflag:$0x5], $0x80, s20, s0, $0xb8;
	[tilespmem:$0x1B980] =	vst v63  }
0x7a: {  	p1 =	sge.u32 @!p2 s29, s14;
	_ =	swait.ge @!p2 [sflag:s6], $0x4000  }
0x7b: {  	p1 =	por p1, p2;
	[sflag:s6] =	ssyncset.done @!p2 $0x0  }
0x7c: {  	s0 =	simm.s32 @!p1 $0x0;
	[sflag:s6] =	ssyncadd.s32 @!p2 $0xFFFFC000  }
0x7d: {  	[tilespmem:s0], [sflag:$0x1] =	stream.linear.gather @!p1 [hbm4b:s30+s0], $0x80, $0x38;
	[tilespmem:$0x1B980] =	vst v63  }
0x7e: {  	s5 =	simm.s32 @!p1 $0x100  }
0x7f: {  	[tilespmem:s5], [sflag:$0x3] =	stream.linear.gather @!p1 [hbm4b:s18+s0], $0x4000, $0x38;
	[tilespmem:$0x1B980] =	vst v63  }
0x80: {  	[bflag:$0x0] =	sbarrier.arrive $0xFFFF  }
0x81: {  	[hbm:s15], [sflag:s11] =	dma.local [spmem:s26], $0x2700  }
0x82: {  	_ =	swait.ge [sflag:s23], $0x2700  }
0x83: {  	s24 =	sadd.s32 $0x1, s24;
	[sflag:s23] =	ssyncset.done $0x0  }
0x84: {  	p1 =	sne.s32 s24, s17;
	[sflag:s23] =	ssyncadd.s32 $0xFFFFD900  }
0x85: {  	[hbm:s16], [sflag:s11] =	dma.local @!p0 [spmem:s28], $0x100  }
.Ltmp3:
0x86: {  	_ = 	snop;
	(pc) =	sbr.rel @p1 .LBB2_1-.Ltmp3, $4  }
.Ltmp4:
0x87: {  	_ = 	snop;
	(pc) =	sbr.rel @!p1 .LBB2_7-.Ltmp4, $4  }
0x88: {  	_ =	swait.ge @!p0 [sflag:s25], $0x100  }
0x89: {  	[sflag:s25] =	ssyncset.done @!p0 $0x0  }
0x8a: {  	[sflag:s25] =	ssyncadd.s32 @!p0 $0xFFFFFF00  }
0x8b: {  	_ = 	snop  }
.LBB2_2:
.Ltmp5:
0x8c: {  	(pc) =	sbr.rel .LBB2_6-.Ltmp5, $2  }
0x8d: {  	_ =	sdelay $0x2  }
0x8e: {  	s31 =	smov.u32 s1;
	s30 =	smov.u32 s19;
	s29 =	simm.s32 $0x0  }
.LBB2_4:
.Ltmp6:
0x8f: {  	(pc) =	sbr.rel .LBB2_6-.Ltmp6, $2  }
0x90: {  	_ =	sdelay $0x2  }
0x91: {  	s31 =	smov.u32 s1;
	s18 =	smov.u32 s1  }
.LBB2_7:
0x92: {  	_ =	sfence.sel $0x180000  }
0x93: {  	[bflag:$0x0] =	sbarrier.arrive $0xFFFF  }
0x94: {  	_ =	strace $0x9000004D  }
0x95: {  	s0 =	stileid.u32;
	[bflag:$0x2] =	sbarrier.arrive $0xFFFF  }
0x96: {  	p0 =	sne.s32 s0, $0x0;
	s0 =	rddreg [dreg:$0x3]  }
0x97: {  	s0 =	sadd.s32 @!p0 $0x100000, s0  }
0x98: {  	[sflag:s0] =	ssyncadd.tile.s32 @!p0 $0x1;
	_ =	shalt  }
.Lfunc_end2:
_tile_overlayer_lowered:
.L_overlay_start_2:
0x99: {  	(tag) =	ssettag $0x2  }
0x9a: {  	s0 =	rddreg [dreg:$0x0];
	s2 =	stileid.u32  }
0x9b: {  	s1 =	rddreg [dreg:$0x1];
	p0 =	sne.s32 s2, $0x0  }
0x9c: {  	s3 =	rddreg [dreg:$0x2];
	[bflag:$0x3] =	sbarrier.arrive $0xFFFF;
	s2 =	simm.s32 @!p0 $0x1C05  }
0x9d: {  	[timem:s3], [sflag:s2] =	dma.local @!p0 [hbm:s0], s1  }
0x9e: {  	s0 =	simm.s32 @!p0 $0x5  }
0x9f: {  	_ =	swait.ge @!p0 [sflag:s0], s1  }
0xa0: {  	s1 =	ssub.s32 @!p0 $0x0, s1;
	[sflag:s0] =	ssyncset.done @!p0 $0x0  }
0xa1: {  	[sflag:s0] =	ssyncadd.s32 @!p0 s1  }
0xa2: {  	[bflag:$0x3] =	sbarrier.arrive $0xFFFF  }
0xa3: {  	_ =	shalt  }

// kernel: kernel.22.cloned.1.call-start
scs
__scs_entry_jumppad:
0x0: {  	(pc) =	sbr.rel $0x88, $3  }
0x1: {  	(tag) =	ssettag $0x0;
	lr =	simm.s32 $0x1  }
0x2: {  	[smem:$0x3F7A] =	sst lr;
	_ =	strace $0xD0000000  }
0x3: {  	_ = 	snop  }
0x4: {  	_ = 	snop  }
0x5: {  	_ = 	snop  }
0x6: {  	_ = 	snop  }
0x7: {  	_ = 	snop  }
__scs_overlays_trampoline_lowered:
0x8: {  	[smem:$0x3F89] =	sst s0  }
0x9: {  	[smem:$0x3F8A] =	sst s1  }
0xa: {  	[smem:$0x3F8B] =	sst s2  }
0xb: {  	[smem:$0x3F8C] =	sst s3  }
0xc: {  	[smem:$0x3F8D] =	sst s4  }
0xd: {  	[smem:$0x3F8E] =	sst s5  }
0xe: {  	[smem:$0x3F8F] =	sst s6  }
0xf: {  	[smem:$0x3F90] =	sst s7  }
0x10: {  	[smem:$0x3F91] =	sst s8  }
0x11: {  	[smem:$0x3F92] =	sst s9;
	s0 =	simm.s32 @!p0 $0x0  }
0x12: {  	s1 =	sld [smem:$0x3F78];
	s0 =	simm.s32 @p0 $0x1  }
0x13: {  	[smem:$0x3F93] =	sst s0;
	s0 =	simm.s32 @!p1 $0x0  }
0x14: {  	s2 =	sld [smem:$0x3F77];
	s0 =	simm.s32 @p1 $0x1  }
0x15: {  	[smem:$0x3F94] =	sst s0;
	s0 =	simm.s32 @!p2 $0x0  }
0x16: {  	s3 =	sld [smem:$0x3FDB];
	s0 =	simm.s32 @p2 $0x1  }
0x17: {  	s4 =	simm.s32 $0x1BF5;
	[smem:$0x3F96] =	sst s0  }
0x18: {  	s0 =	sld [smem:$0x3F79];
	_ =	swait.ge [sflag:s4], $0x0  }
0x19: {  	s7 =	sld [smem:$0x3F7A]  }
0x1a: {  	s8 =	sadd.s32 $0xFFFFE003, lr  }
0x1b: {  	s9 =	sadd.s32 $0xFFFFFEF7, lr;
	s5 =	simm.s32 $0xFFFFFFFF;
	p2 =	slt.u32 s8, $0xFFFFF086  }
0x1c: {  	p1 =	slt.u32 s9, $0xF7A;
	s5 =	simm.s32 @!p2 $0x0  }
0x1d: {  	s5 =	simm.s32 @p1 $0x1;
	p0 =	seq.s32 s7, s2  }
0x1e: {  	s7 =	smul.u32 @!p0 $0xF7A, s2;
	p2 =	seq.s32 @!p0 s5, $0x0  }
0x1f: {  	s9 =	smul.u32 $0xF7A, s1;
	s8 =	simm.s32 @!p0 $0x1BF5;
	p2 =	por !p2, p0  }
0x20: {  	[sflag:s8] =	ssyncset.s32 @!p0 $0xFFFFF086;
	s6 =	sadd.s32 @!p0 s3, s7;
	s7 =	simm.s32 @!p0 $0x108  }
0x21: {  	s3 =	sadd.s32 s3, s9;
	s6 =	sadd.s32 @!p0 $0x88, s6;
	s7 =	simm.s32 @p2 $0x1082  }
0x22: {  	[simem:s7], [sflag:s8] =	dma.local @!p0 [hbm:s6], $0xF7A  }
0x23: {  	s9 =	sor.u32 $0xD0000000, s2;
	s6 =	simm.s32 $0x108;
	_ =	swait.ge @!p0 [sflag:s8], $0x0  }
0x24: {  	s3 =	sadd.s32 $0x88, s3;
	s6 =	simm.s32 @!p1 $0x1082;
	[sflag:s4] =	ssyncset.s32 $0xFFFFF086  }
0x25: {  	[simem:s6], [sflag:s4] =	dma.local [hbm:s3], $0xF7A  }
0x26: {  	[smem:$0x3F7A] =	sst s1;
	(tag) =	ssettag s2;
	_ =	strace s9  }
0x27: {  	s1 =	sld [smem:$0x3F8A]  }
0x28: {  	s2 =	sld [smem:$0x3F8B]  }
0x29: {  	s4 =	sld [smem:$0x3F8D]  }
0x2a: {  	p0 =	seq.s32 s5, $0x0;
	s5 =	sld [smem:$0x3F8E]  }
0x2b: {  	s6 =	sld [smem:$0x3F8F]  }
0x2c: {  	s7 =	sld [smem:$0x3F90]  }
0x2d: {  	s3 =	simm.s32 $0x108;
	s8 =	sld [smem:$0x3F91]  }
0x2e: {  	s3 =	simm.s32 @!p0 $0x1082;
	s9 =	sld [smem:$0x3F92]  }
0x2f: {  	lr =	sadd.s32 s0, s3;
	s0 =	sld [smem:$0x3F89]  }
0x30: {  	s3 =	sld [smem:$0x3F8C]  }
0x31: {  	[smem:$0x3F95] =	sst s10  }
0x32: {  	s10 =	sld [smem:$0x3F93];
	_ =	sdelay $0x3  }
0x33: {  	p0 =	seq.s32 s10, $0x1;
	s10 =	sld [smem:$0x3F95];
	_ =	sdelay $0x3  }
0x34: {  	[smem:$0x3F95] =	sst s10  }
0x35: {  	s10 =	sld [smem:$0x3F94];
	_ =	sdelay $0x3  }
0x36: {  	p1 =	seq.s32 s10, $0x1;
	s10 =	sld [smem:$0x3F95];
	_ =	sdelay $0x3  }
0x37: {  	[smem:$0x3F95] =	sst s10  }
0x38: {  	s10 =	sld [smem:$0x3F96]  }
0x39: {  	_ = 	snop;
	(pc) =	sbr.ind lr, $3  }
0x3a: {  	_ = 	snop  }
0x3b: {  	_ = 	snop  }
0x3c: {  	p2 =	seq.s32 s10, $0x1;
	s10 =	sld [smem:$0x3F95]  }
0x3d: {  	_ =	shalt  }
0x3e: {  	_ =	shalt  }
0x3f: {  	_ =	shalt  }
0x40: {  	_ =	shalt  }
0x41: {  	_ =	shalt  }
0x42: {  	_ =	shalt  }
0x43: {  	_ =	shalt  }
0x44: {  	_ =	shalt  }
0x45: {  	_ =	shalt  }
0x46: {  	_ =	shalt  }
0x47: {  	_ =	shalt  }
0x48: {  	_ =	shalt  }
0x49: {  	_ =	shalt  }
0x4a: {  	_ =	shalt  }
0x4b: {  	_ =	shalt  }
0x4c: {  	_ =	shalt  }
0x4d: {  	_ =	shalt  }
0x4e: {  	_ =	shalt  }
0x4f: {  	_ =	shalt  }
0x50: {  	_ =	shalt  }
0x51: {  	_ =	shalt  }
0x52: {  	_ =	shalt  }
0x53: {  	_ =	shalt  }
0x54: {  	_ =	shalt  }
0x55: {  	_ =	shalt  }
0x56: {  	_ =	shalt  }
0x57: {  	_ =	shalt  }
0x58: {  	_ =	shalt  }
0x59: {  	_ =	shalt  }
0x5a: {  	_ =	shalt  }
0x5b: {  	_ =	shalt  }
0x5c: {  	_ =	shalt  }
0x5d: {  	_ =	shalt  }
0x5e: {  	_ =	shalt  }
0x5f: {  	_ =	shalt  }
0x60: {  	_ =	shalt  }
0x61: {  	_ =	shalt  }
0x62: {  	_ =	shalt  }
0x63: {  	_ =	shalt  }
0x64: {  	_ =	shalt  }
0x65: {  	_ =	shalt  }
0x66: {  	_ =	shalt  }
0x67: {  	_ =	shalt  }
0x68: {  	_ =	shalt  }
0x69: {  	_ =	shalt  }
0x6a: {  	_ =	shalt  }
0x6b: {  	_ =	shalt  }
0x6c: {  	_ =	shalt  }
0x6d: {  	_ =	shalt  }
0x6e: {  	_ =	shalt  }
0x6f: {  	_ =	shalt  }
0x70: {  	_ =	shalt  }
0x71: {  	_ =	shalt  }
0x72: {  	_ =	shalt  }
0x73: {  	_ =	shalt  }
0x74: {  	_ =	shalt  }
0x75: {  	_ =	shalt  }
0x76: {  	_ =	shalt  }
0x77: {  	_ =	shalt  }
0x78: {  	_ =	shalt  }
0x79: {  	_ =	shalt  }
0x7a: {  	_ =	shalt  }
0x7b: {  	_ =	shalt  }
0x7c: {  	_ =	shalt  }
0x7d: {  	_ =	shalt  }
0x7e: {  	_ =	shalt  }
0x7f: {  	_ =	shalt  }
0x80: {  	_ =	shalt  }
0x81: {  	_ =	shalt  }
0x82: {  	_ =	shalt  }
0x83: {  	_ =	shalt  }
0x84: {  	_ =	shalt  }
0x85: {  	_ =	shalt  }
0x86: {  	_ =	shalt  }
0x87: {  	_ =	shalt  }
.Lfunc_end0:
.L_simem_size_0:
called_computation.3_lowered:
.L_overlay_start_0:
0x88: {  	s2 =	sld [smem:$0x3FD9]  }
0x89: {  	s3 =	sld [smem:$0x3FFE];
	_ =	sdelay $0x1  }
0x8a: {  	s1 =	srdreg.scid  }
0x8b: {  	s0 =	sand.u32 $0x1, s1  }
0x8c: {  	s14 =	sshll.u32 s0, $0xA;
	s2 =	sadd.s32 s3, s2  }
0x8d: {  	s2 =	sadd.s32 s2, s14  }
0x8e: {  	[smem:$0x3FA1] =	sst s2  }
0x8f: {  	_ = 	snop  }
0x90: {  	s2 =	sld [smem:$0x3FD0];
	_ =	sdelay $0x2  }
0x91: {  	s15 =	simm.s32 $0xA;
	s4 =	simm.s32 $0x10  }
0x92: {  	[smem:s4], [sflag:s15] =	dma.local [hbm:s2], $0x1  }
0x93: {  	_ =	swait.eq [sflag:s15], $0x1  }
0x94: {  	[sflag:s15] =	ssyncset.done $0x0  }
0x95: {  	[sflag:s15] =	ssyncadd.s32 $0xFFFFFFFF  }
0x96: {  	s16 =	sld [smem:$0x10];
	(tm) =	ssettm $0x1  }
0x97: {  	s17 =	sld [smem:$0x3FFB];
	_ =	sdelay $0x3  }
0x98: {  	_ =	strace s17  }
0x99: {  	s3 =	sld [smem:$0x3FFC];
	_ =	sdelay $0x3  }
0x9a: {  	_ =	strace s3  }
0x9b: {  	s3 =	sld [smem:$0x3FFD];
	_ =	sdelay $0x3  }
0x9c: {  	_ =	strace s3  }
0x9d: {  	_ =	strace $0x8FFFFFFF  }
0x9e: {  	s18 =	sld [smem:$0x3FDB];
	_ =	sdelay $0x1  }
0x9f: {  	s19 =	simm.s32 $_scs_section_size  }
0xa0: {  	s5 =	simm.s32 $_size__tile_overlayer_lowered;
	s6 =	simm.s32 $_tile_overlayer_lowered  }
0xa1: {  	s22 =	simm.s32 $0x1BFF;
	s21 =	sshll.u32 s6, $0x1;
	s3 =	sadd.s32 s19, s18  }
0xa2: {  	s7 =	simm.s32 $0x0;
	s20 =	sshll.u32 s5, $0x1;
	s5 =	sadd.s32 s21, s3  }
0xa3: {  	[timem:s7], [sflag:s22] =	dma.local [hbm:s5], s20  }
0xa4: {  	_ =	swait.ge [sflag:s22], s20  }
0xa5: {  	s4 =	ssub.s32 $0x0, s20;
	[sflag:s22] =	ssyncset.done $0x0  }
0xa6: {  	[sflag:s22] =	ssyncadd.s32 s4;
	_ =	sdelay $0x1  }
0xa7: {  	s23 =	simm.s32 $0x1B8B  }
0xa8: {  	_ =	swait.ge [sflag:s23], $0x1  }
0xa9: {  	[sflag:s23] =	ssyncset.done $0x0  }
0xaa: {  	s25 =	simm.s32 $0x1B8E;
	s24 =	sld [smem:$0x3FFE];
	[sflag:s23] =	ssyncadd.s32 $0xFFFFFFFF  }
0xab: {  	s26 =	simm.s32 $execute0_lowered;
	[smem:$0x3FD2] =	sst s25  }
0xac: {  	s5 =	sshll.u32 s26, $0x1;
	_ =	strace $0x8000004F;
	[dreg:$0x1] =	wrdreg $0xFFFFFFFF  }
0xad: {  	s28 =	simm.s32 $_size_execute0_lowered;
	s3 =	sadd.s32 s3, s5;
	[dreg:$0x0] =	wrdreg $0x0  }
0xae: {  	s5 =	sshll.u32 s28, $0x1;
	[dreg:$0x2] =	wrdreg s3  }
0xaf: {  	[dreg:$0x3] =	wrdreg s5  }
0xb0: {  	[dreg:$0x4] =	wrdreg $0xC0  }
0xb1: {  	_ =	task [dreg:s7], $0x5FFFF  }
0xb2: {  	[dreg:$0x1] =	wrdreg $0xFFFFFFFF  }
0xb3: {  	[dreg:$0x0] =	wrdreg $0x60  }
0xb4: {  	[dreg:$0x2] =	wrdreg s24  }
0xb5: {  	[dreg:$0x3] =	wrdreg s16  }
0xb6: {  	[dreg:$0x4] =	wrdreg $0x9  }
0xb7: {  	_ =	task.clear_ibuf [dreg:s7], $0x5FFFF;
	_ =	strace $0x9000004F  }
0xb8: {  	s29 =	simm.s32 $0x9;
	_ =	strace $0x80000051  }
0xb9: {  	_ =	swait.ge [sflag:s29], $0x1  }
0xba: {  	[sflag:s29] =	ssyncadd.s32 $0xFFFFFFFF  }
0xbb: {  	_ =	strace $0x90000051  }
0xbc: {  	_ =	sfence  }
0xbd: {  	s30 =	sld [smem:$0x0];
	_ =	sdelay $0x2  }
0xbe: {  	s31 =	sshll.u32 s1, $0xD;
	s1 =	sshrl.u32 s1, $0x2  }
0xbf: {  	s3 =	sand.u32 $0x4000, s31;
	s1 =	sadd.s32 s1, s30  }
0xc0: {  	s0 =	sor.u32 s3, s0;
	s1 =	sshll.u32 s1, $0x11  }
0xc1: {  	s0 =	sor.u32 s1, s0  }
0xc2: {  	s0 =	sadd.s32 $0x8F2B, s0  }
0xc3: {  	[sflag:s0] =	ssyncadd.remote.s32 $0x1  }
0xc4: {  	_ =	sfence.sel $0xFFFF  }
0xc5: {  	[dreg:$0x0] =	wrdreg $0xFFFFFFFF;
	(pc) =	sbr.abs _section_cstart, $3  }
0xc6: {  	[dreg:$0x1] =	wrdreg $0xFFFFFFFF  }
0xc7: {  	_ =	task.clear_ibuf [dreg:s7], $0x2FFFF;
	_ =	strace $0x9FFFFFFF  }
0xc8: {  	(tm) =	ssettm $0x7FFFFFFF  }
0xc9: {  	_ =	shalt  }
tec
execute0_lowered:
.L_overlay_start_1:
0x0: {  	(tag) =	ssettag $0x1  }
0x1: {  	s4 =	rddreg [dreg:$0x0]  }
0x2: {  	s9 =	rddreg [dreg:$0x1];
	s2 =	srdreg.scid  }
0x3: {  	s1 =	stileid.u32;
	s0 =	rddreg [dreg:$0x2];
	s13 =	simm.s32 $0x4  }
0x4: {  	s14 =	simm.s32 $0x0;
	s3 =	sand.u32 $0x1, s2;
	s5 =	smul.u32 $0x9C, s1  }
0x5: {  	s2 =	simm.s32 $0x0;
	s6 =	sshll.u32 s1, $0x1;
	p0 =	slt.u32 s1, $0x2  }
0x6: {  	s7 =	smul.u32 $0x4E, s3;
	[smem:$0x7FF] =	sst s2;
	s6 =	sor.u32 s3, s6  }
0x7: {  	s11 =	ssub.s32 $0x2, s3;
	s3 =	sadd.s32 $0x9F6E00, s4;
	_ =	strace $0x80000050  }
0x8: {  	s8 =	smin.u32 s6, $0x4;
	s6 =	smul.u32 $0x4E, s6;
	s12 =	sshrl.u32 s11, $0x1  }
0x9: {  	s10 =	sadd.s32 s7, s5;
	s11 =	ssub.s32 s11, s12;
	s12 =	simm.s32 $0x3  }
0xa: {  	s10 =	sadd.s32 s8, s10;
	s30 =	sadd.s32 s8, s6;
	s8 =	sadd.s32 s5, s8  }
0xb: {  	s10 =	sshll.u32 s10, $0xB;
	s6 =	sshll.u32 s30, $0x4;
	s7 =	sadd.s32 s7, s8  }
0xc: {  	s8 =	smax.u32 s11, $0x1;
	s11 =	simm.s32 $0x80;
	s10 =	sadd.s32 s10, s4  }
0xd: {  	s4 =	simm.s32 $0x4F;
	s5 =	sadd.s32 s9, s6;
	s31 =	sshll.u32 s7, $0x4  }
0xe: {  	s4 =	simm.s32 @!p0 $0x4E;
	s6 =	sadd.s32 $0x10, s5;
	s9 =	sadd.s32 s31, s9  }
0xf: {  	s10 =	sadd.s32 $0x4EDC00, s10;
	s7 =	sadd.s32 $0xFFFFFFFE, s4;
	s9 =	sadd.s32 $0x20, s9  }
.LBB2_1:
0x10: {  	[tilespmem:s2], [sflag:$0x1] =	stream.linear.gather [hbm4b:s5+s2], $0x80, $0x38;
	[tilespmem:$0x8100] =	vst v63  }
0x11: {  	p1 =	sne.s32 s4, $0x1  }
.Ltmp0:
0x12: {  	_ = 	snop;
	(pc) =	sbr.rel @!p1 .LBB2_2-.Ltmp0, $4  }
0x13: {  	s16 =	sand.u32 $0x1, s2  }
0x14: {  	s15 =	simm.s32 $0x1;
	p0 =	seq.s32 s16, $0x1  }
0x15: {  	[tilespmem:s11], [sflag:$0x2] =	stream.linear.gather [hbm4b:s6+s2], $0x80, $0x38;
	[tilespmem:$0x8100] =	vst v63  }
0x16: {  	p4 =	por $0x0, $0x0;
	p6 =	por @p0 $0x1, $0x1;
	p2 =	sle.u32 @p0 s7, $0x0  }
0x17: {  	p1 =	por p6, !p0  }
0x18: {  	s16 =	simm.s32 @!p1 $0x4  }
0x19: {  	_ =	swait.ge @!p1 [sflag:s16], $0x4000  }
0x1a: {  	[sflag:s16] =	ssyncset.done @!p1 $0x0  }
0x1b: {  	[sflag:s16] =	ssyncadd.s32 @!p1 $0xFFFFC000;
	s16 =	simm.s32 @p0 $0x2  }
0x1c: {  	p1 =	por p0, p0;
	_ =	swait.ge @p0 [sflag:s16], $0x80  }
0x1d: {  	s17 =	simm.s32 @p1 $0x5;
	[sflag:s16] =	ssyncset.done @p1 $0x0  }
0x1e: {  	s18 =	simm.s32 @p1 $0x4100;
	[sflag:s16] =	ssyncadd.s32 @p1 $0xFFFFFF80;
	s16 =	simm.s32 @p1 $0x80  }
0x1f: {  	[tilespmem:s18], [sflag:$0x5] =	stream.indirect.gather @p1 [hbm4b:s3+s16], $0x80, s16, s16, $0xb8;
	[tilespmem:$0x8100] =	vst v63  }
0x20: {  	_ =	swait.ge @p1 [sflag:s17], $0x4000  }
0x21: {  	p3 =	por @!p0 $0x1, $0x1;
	[sflag:s17] =	ssyncset.done @p1 $0x0  }
0x22: {  	p2 =	por p2, !p1;
	s16 =	simm.s32 @p1 $0x0;
	[sflag:s17] =	ssyncadd.s32 @p1 $0xFFFFC000  }
0x23: {  	[hbm4b:s10+s16] =	stream.linear.scatter @p1 [tilespmem:s18], [sflag:$0x4], $0x4000, $0x38;
	[tilespmem:$0x8100] =	vst v63  }
0x24: {  	p3 =	por p3, p1;
	s17 =	simm.s32 @!p2 $0x80;
	s16 =	simm.s32 @!p2 $0x0  }
0x25: {  	[tilespmem:s17], [sflag:$0x2] =	stream.linear.gather @!p2 [hbm4b:s9+s16], $0x80, $0x38;
	[tilespmem:$0x8100] =	vst v63  }
0x26: {  	p4 =	sne.s32 s4, $0x2;
	s31 =	sand.u32 $0x1, s15;
	s16 =	simm.s32 @!p3 $0x3  }
0x27: {  	s20 =	smov.u32 s10;
	s19 =	smov.u32 s9;
	_ =	swait.ge @!p3 [sflag:s16], $0x4000  }
0x28: {  	s21 =	simm.s32 @!p1 $0x0;
	s22 =	simm.s32 @!p1 $0x100;
	[sflag:s16] =	ssyncset.done @!p3 $0x0  }
0x29: {  	s23 =	simm.s32 @!p1 $0x5;
	[sflag:s16] =	ssyncadd.s32 @!p3 $0xFFFFC000;
	s16 =	simm.s32 @!p1 $0x1  }
0x2a: {  	s18 =	simm.s32 $0x2;
	p2 =	sle.u32 @!p0 s7, $0x0;
	_ =	swait.ge @!p1 [sflag:s16], $0x80  }
.Ltmp1:
0x2b: {  	p3 =	por p2, p0;
	[sflag:s16] =	ssyncset.done @!p1 $0x0;
	(pc) =	sbr.rel @!p4 .LBB2_4-.Ltmp1, $4  }
0x2c: {  	p0 =	seq.s32 s31, $0x1;
	[sflag:s16] =	ssyncadd.s32 @!p1 $0xFFFFFF80;
	s16 =	simm.s32 @!p1 $0x80  }
0x2d: {  	[tilespmem:s22], [sflag:$0x5] =	stream.indirect.gather @!p1 [hbm4b:s3+s16], $0x80, s21, s16, $0xb8;
	[tilespmem:$0x8100] =	vst v63  }
0x2e: {  	s17 =	sadd.s32 $0x10, s9;
	p6 =	por @p0 $0x1, $0x1;
	_ =	swait.ge @!p1 [sflag:s23], $0x4000  }
0x2f: {  	p2 =	sle.u32 @p0 s7, $0x1;
	s16 =	sadd.s32 $0x800, s10;
	[sflag:s23] =	ssyncset.done @!p1 $0x0  }
.LBB2_5:
0x30: {  	p4 =	por p6, !p0  }
0x31: {  	p6 =	slt.u32 @!p0 s15, $0x2;
	[sflag:s23] =	ssyncadd.s32 @!p1 $0xFFFFC000;
	s23 =	smov.u32 s18  }
0x32: {  	[hbm4b:s20+s21] =	stream.linear.scatter @!p1 [tilespmem:s22], [sflag:$0x3], $0x4000, $0x38;
	[tilespmem:$0x8100] =	vst v63  }
0x33: {  	s20 =	simm.s32 @!p4 $0x4;
	p1 =	sge.u32 @!p0 s15, s7;
	s15 =	simm.s32 @!p3 $0x0  }
0x34: {  	[tilespmem:s15], [sflag:$0x1] =	stream.linear.gather @!p3 [hbm4b:s19+s15], $0x80, $0x38;
	[tilespmem:$0x8100] =	vst v63  }
0x35: {  	s18 =	sadd.s32 $0x1, s18;
	p3 =	por p1, p0;
	_ =	swait.ge @!p4 [sflag:s20], $0x4000  }
0x36: {  	p5 =	sne.s32 s4, s18;
	s15 =	smov.u32 s23;
	[sflag:s20] =	ssyncset.done @!p4 $0x0  }
0x37: {  	s21 =	simm.s32 @p0 $0x2;
	[sflag:s20] =	ssyncadd.s32 @!p4 $0xFFFFC000;
	s20 =	smov.u32 s16  }
0x38: {  	s19 =	smov.u32 s17;
	p1 =	por p0, p0;
	_ =	swait.ge @p0 [sflag:s21], $0x80  }
0x39: {  	s22 =	simm.s32 @p1 $0x5;
	[sflag:s21] =	ssyncset.done @p1 $0x0  }
0x3a: {  	s23 =	simm.s32 @p1 $0x4100;
	[sflag:s21] =	ssyncadd.s32 @p1 $0xFFFFFF80;
	s21 =	simm.s32 @p1 $0x80  }
0x3b: {  	[tilespmem:s23], [sflag:$0x5] =	stream.indirect.gather @p1 [hbm4b:s3+s21], $0x80, s21, s21, $0xb8;
	[tilespmem:$0x8100] =	vst v63  }
0x3c: {  	_ =	swait.ge @p1 [sflag:s22], $0x4000  }
0x3d: {  	[sflag:s22] =	ssyncset.done @p1 $0x0  }
0x3e: {  	p0 =	por p2, !p1;
	s21 =	simm.s32 @p1 $0x0;
	[sflag:s22] =	ssyncadd.s32 @p1 $0xFFFFC000  }
0x3f: {  	[hbm4b:s16+s21] =	stream.linear.scatter @p1 [tilespmem:s23], [sflag:$0x4], $0x4000, $0x38;
	[tilespmem:$0x8100] =	vst v63  }
0x40: {  	p2 =	por p6, p1;
	s22 =	simm.s32 @!p0 $0x80;
	s21 =	simm.s32 @!p0 $0x0  }
0x41: {  	[tilespmem:s22], [sflag:$0x2] =	stream.linear.gather @!p0 [hbm4b:s17+s21], $0x80, $0x38;
	[tilespmem:$0x8100] =	vst v63  }
0x42: {  	s21 =	simm.s32 @!p2 $0x3  }
0x43: {  	_ =	swait.ge @!p2 [sflag:s21], $0x4000  }
0x44: {  	[sflag:s21] =	ssyncset.done @!p2 $0x0  }
0x45: {  	s24 =	simm.s32 @!p1 $0x1;
	s23 =	simm.s32 @!p1 $0x5;
	[sflag:s21] =	ssyncadd.s32 @!p2 $0xFFFFC000  }
0x46: {  	s16 =	sadd.s32 $0x800, s16;
	s22 =	simm.s32 @!p1 $0x100;
	_ =	swait.ge @!p1 [sflag:s24], $0x80  }
.Ltmp2:
0x47: {  	s21 =	simm.s32 @!p1 $0x0;
	[sflag:s24] =	ssyncset.done @!p1 $0x0;
	(pc) =	sbr.rel @p5 .LBB2_5-.Ltmp2, $4  }
0x48: {  	s25 =	sand.u32 $0x1, s15;
	[sflag:s24] =	ssyncadd.s32 @!p1 $0xFFFFFF80;
	s24 =	simm.s32 @!p1 $0x80  }
0x49: {  	[tilespmem:s22], [sflag:$0x5] =	stream.indirect.gather @!p1 [hbm4b:s3+s24], $0x80, s21, s24, $0xb8;
	[tilespmem:$0x8100] =	vst v63  }
0x4a: {  	p0 =	seq.s32 s25, $0x1;
	s17 =	sadd.s32 $0x10, s17;
	_ =	swait.ge @!p1 [sflag:s23], $0x4000  }
0x4b: {  	p6 =	slt.u32 @p0 s15, $0x2;
	p2 =	sge.u32 @p0 s15, s7;
	[sflag:s23] =	ssyncset.done @!p1 $0x0  }
0x4c: {  	p4 =	por $0x1, $0x1  }
.LBB2_7:
0x4d: {  	p1 =	por p1, !p4  }
0x4e: {  	[sflag:s23] =	ssyncadd.s32 @!p1 $0xFFFFC000  }
0x4f: {  	[hbm4b:s20+s21] =	stream.linear.scatter @!p1 [tilespmem:s22], [sflag:$0x3], $0x4000, $0x38;
	[tilespmem:$0x8100] =	vst v63  }
0x50: {  	p3 =	por p3, !p4;
	p1 =	por p6, !p0  }
0x51: {  	s20 =	simm.s32 @!p3 $0x0;
	s18 =	simm.s32 @!p1 $0x4  }
0x52: {  	[tilespmem:s20], [sflag:$0x1] =	stream.linear.gather @!p3 [hbm4b:s19+s20], $0x80, $0x38;
	[tilespmem:$0x8100] =	vst v63  }
0x53: {  	_ =	swait.ge @!p1 [sflag:s18], $0x4000  }
0x54: {  	[sflag:s18] =	ssyncset.done @!p1 $0x0  }
0x55: {  	[sflag:s18] =	ssyncadd.s32 @!p1 $0xFFFFC000;
	s18 =	simm.s32 @p0 $0x2  }
0x56: {  	p1 =	por p0, p0;
	_ =	swait.ge @p0 [sflag:s18], $0x80  }
0x57: {  	s19 =	simm.s32 @p1 $0x5;
	[sflag:s18] =	ssyncset.done @p1 $0x0  }
0x58: {  	s20 =	simm.s32 @p1 $0x4100;
	[sflag:s18] =	ssyncadd.s32 @p1 $0xFFFFFF80;
	s18 =	simm.s32 @p1 $0x80  }
0x59: {  	[tilespmem:s20], [sflag:$0x5] =	stream.indirect.gather @p1 [hbm4b:s3+s18], $0x80, s18, s18, $0xb8;
	[tilespmem:$0x8100] =	vst v63  }
0x5a: {  	_ =	swait.ge @p1 [sflag:s19], $0x4000  }
0x5b: {  	p3 =	slt.u32 @!p0 s15, $0x2;
	[sflag:s19] =	ssyncset.done @p1 $0x0  }
0x5c: {  	p2 =	por p2, !p1;
	s18 =	simm.s32 @p1 $0x0;
	[sflag:s19] =	ssyncadd.s32 @p1 $0xFFFFC000  }
0x5d: {  	[hbm4b:s16+s18] =	stream.linear.scatter @p1 [tilespmem:s20], [sflag:$0x4], $0x4000, $0x38;
	[tilespmem:$0x8100] =	vst v63  }
0x5e: {  	p3 =	por p3, p1;
	s19 =	simm.s32 @!p2 $0x80;
	s18 =	simm.s32 @!p2 $0x0  }
0x5f: {  	[tilespmem:s19], [sflag:$0x2] =	stream.linear.gather @!p2 [hbm4b:s17+s18], $0x80, $0x38;
	[tilespmem:$0x8100] =	vst v63  }
0x60: {  	s18 =	simm.s32 @!p3 $0x3  }
0x61: {  	_ =	swait.ge @!p3 [sflag:s18], $0x4000  }
0x62: {  	[sflag:s18] =	ssyncset.done @!p3 $0x0  }
0x63: {  	[sflag:s18] =	ssyncadd.s32 @!p3 $0xFFFFC000;
	s18 =	simm.s32 @!p1 $0x1  }
0x64: {  	_ =	swait.ge @!p1 [sflag:s18], $0x80  }
0x65: {  	s21 =	simm.s32 @!p1 $0x100;
	s20 =	simm.s32 @!p1 $0x0;
	[sflag:s18] =	ssyncset.done @!p1 $0x0  }
0x66: {  	s19 =	simm.s32 @!p1 $0x5;
	[sflag:s18] =	ssyncadd.s32 @!p1 $0xFFFFFF80;
	s18 =	simm.s32 @!p1 $0x80  }
0x67: {  	[tilespmem:s21], [sflag:$0x5] =	stream.indirect.gather @!p1 [hbm4b:s3+s18], $0x80, s20, s18, $0xb8;
	[tilespmem:$0x8100] =	vst v63  }
0x68: {  	_ =	swait.ge @!p1 [sflag:s19], $0x4000  }
0x69: {  	p2 =	sge.u32 @!p0 s15, s7;
	[sflag:s19] =	ssyncset.done @!p1 $0x0  }
0x6a: {  	p0 =	por p2, p0;
	[sflag:s19] =	ssyncadd.s32 @!p1 $0xFFFFC000  }
0x6b: {  	[hbm4b:s16+s20] =	stream.linear.scatter @!p1 [tilespmem:s21], [sflag:$0x3], $0x4000, $0x38;
	[tilespmem:$0x8100] =	vst v63  }
0x6c: {  	s14 =	sadd.s32 $0x1, s14;
	s15 =	simm.s32 @!p0 $0x0  }
0x6d: {  	[tilespmem:s15], [sflag:$0x1] =	stream.linear.gather @!p0 [hbm4b:s17+s15], $0x80, $0x38;
	[tilespmem:$0x8100] =	vst v63  }
0x6e: {  	p0 =	sne.s32 s14, s8;
	_ =	swait.ge [sflag:s12], $0x4000  }
.Ltmp3:
0x6f: {  	[sflag:s12] =	ssyncset.done $0x0;
	(pc) =	sbr.rel @p0 .LBB2_1-.Ltmp3, $4  }
.Ltmp4:
0x70: {  	[sflag:s12] =	ssyncadd.s32 $0xFFFFC000;
	(pc) =	sbr.rel @!p0 .LBB2_8-.Ltmp4, $4  }
0x71: {  	_ =	swait.ge [sflag:s13], $0x4000  }
0x72: {  	[sflag:s13] =	ssyncset.done $0x0  }
0x73: {  	[sflag:s13] =	ssyncadd.s32 $0xFFFFC000  }
0x74: {  	_ = 	snop  }
.LBB2_2:
.Ltmp5:
0x75: {  	(pc) =	sbr.rel .LBB2_7-.Ltmp5, $2  }
0x76: {  	_ =	sdelay $0x2  }
0x77: {  	s15 =	simm.s32 $0x0;
	s16 =	smov.u32 s10;
	s17 =	smov.u32 s9  }
.LBB2_4:
.Ltmp6:
0x78: {  	(pc) =	sbr.rel .LBB2_7-.Ltmp6, $2  }
0x79: {  	_ =	sdelay $0x2  }
0x7a: {  	s20 =	smov.u32 s10;
	s19 =	smov.u32 s9;
	p4 =	por $0x1, $0x1  }
.LBB2_8:
0x7b: {  	_ =	sfence.sel $0x180000  }
0x7c: {  	[bflag:$0x0] =	sbarrier.arrive $0xFFFF  }
0x7d: {  	p0 =	sne.s32 s1, $0x0;
	_ =	strace $0x90000050  }
0x7e: {  	s0 =	sadd.s32 @!p0 $0x100000, s0;
	[bflag:$0x2] =	sbarrier.arrive $0xFFFF  }
0x7f: {  	[sflag:s0] =	ssyncadd.tile.s32 @!p0 $0x1;
	_ =	shalt  }
.Lfunc_end2:
_tile_overlayer_lowered:
.L_overlay_start_2:
0x80: {  	(tag) =	ssettag $0x2  }
0x81: {  	s0 =	rddreg [dreg:$0x0];
	s2 =	stileid.u32  }
0x82: {  	s1 =	rddreg [dreg:$0x1];
	p0 =	sne.s32 s2, $0x0  }
0x83: {  	s3 =	rddreg [dreg:$0x2];
	[bflag:$0x3] =	sbarrier.arrive $0xFFFF;
	s2 =	simm.s32 @!p0 $0x1C06  }
0x84: {  	[timem:s3], [sflag:s2] =	dma.local @!p0 [hbm:s0], s1  }
0x85: {  	s0 =	simm.s32 @!p0 $0x6  }
0x86: {  	_ =	swait.ge @!p0 [sflag:s0], s1  }
0x87: {  	s1 =	ssub.s32 @!p0 $0x0, s1;
	[sflag:s0] =	ssyncset.done @!p0 $0x0  }
0x88: {  	[sflag:s0] =	ssyncadd.s32 @!p0 s1  }
0x89: {  	[bflag:$0x3] =	sbarrier.arrive $0xFFFF  }
0x8a: {  	_ =	shalt  }

// kernel: kernel.25.cloned.1.call-start
scs
__scs_entry_jumppad:
0x0: {  	(pc) =	sbr.rel $0x88, $3  }
0x1: {  	(tag) =	ssettag $0x0;
	lr =	simm.s32 $0x1  }
0x2: {  	[smem:$0x3F7A] =	sst lr;
	_ =	strace $0xD0000000  }
0x3: {  	_ = 	snop  }
0x4: {  	_ = 	snop  }
0x5: {  	_ = 	snop  }
0x6: {  	_ = 	snop  }
0x7: {  	_ = 	snop  }
__scs_overlays_trampoline_lowered:
0x8: {  	[smem:$0x3F89] =	sst s0  }
0x9: {  	[smem:$0x3F8A] =	sst s1  }
0xa: {  	[smem:$0x3F8B] =	sst s2  }
0xb: {  	[smem:$0x3F8C] =	sst s3  }
0xc: {  	[smem:$0x3F8D] =	sst s4  }
0xd: {  	[smem:$0x3F8E] =	sst s5  }
0xe: {  	[smem:$0x3F8F] =	sst s6  }
0xf: {  	[smem:$0x3F90] =	sst s7  }
0x10: {  	[smem:$0x3F91] =	sst s8  }
0x11: {  	[smem:$0x3F92] =	sst s9;
	s0 =	simm.s32 @!p0 $0x0  }
0x12: {  	s1 =	sld [smem:$0x3F78];
	s0 =	simm.s32 @p0 $0x1  }
0x13: {  	[smem:$0x3F93] =	sst s0;
	s0 =	simm.s32 @!p1 $0x0  }
0x14: {  	s2 =	sld [smem:$0x3F77];
	s0 =	simm.s32 @p1 $0x1  }
0x15: {  	[smem:$0x3F94] =	sst s0;
	s0 =	simm.s32 @!p2 $0x0  }
0x16: {  	s3 =	sld [smem:$0x3FDB];
	s0 =	simm.s32 @p2 $0x1  }
0x17: {  	s4 =	simm.s32 $0x1BF5;
	[smem:$0x3F96] =	sst s0  }
0x18: {  	s0 =	sld [smem:$0x3F79];
	_ =	swait.ge [sflag:s4], $0x0  }
0x19: {  	s7 =	sld [smem:$0x3F7A]  }
0x1a: {  	s8 =	sadd.s32 $0xFFFFE003, lr  }
0x1b: {  	s9 =	sadd.s32 $0xFFFFFEF7, lr;
	s5 =	simm.s32 $0xFFFFFFFF;
	p2 =	slt.u32 s8, $0xFFFFF086  }
0x1c: {  	p1 =	slt.u32 s9, $0xF7A;
	s5 =	simm.s32 @!p2 $0x0  }
0x1d: {  	s5 =	simm.s32 @p1 $0x1;
	p0 =	seq.s32 s7, s2  }
0x1e: {  	s7 =	smul.u32 @!p0 $0xF7A, s2;
	p2 =	seq.s32 @!p0 s5, $0x0  }
0x1f: {  	s9 =	smul.u32 $0xF7A, s1;
	s8 =	simm.s32 @!p0 $0x1BF5;
	p2 =	por !p2, p0  }
0x20: {  	[sflag:s8] =	ssyncset.s32 @!p0 $0xFFFFF086;
	s6 =	sadd.s32 @!p0 s3, s7;
	s7 =	simm.s32 @!p0 $0x108  }
0x21: {  	s3 =	sadd.s32 s3, s9;
	s6 =	sadd.s32 @!p0 $0x88, s6;
	s7 =	simm.s32 @p2 $0x1082  }
0x22: {  	[simem:s7], [sflag:s8] =	dma.local @!p0 [hbm:s6], $0xF7A  }
0x23: {  	s9 =	sor.u32 $0xD0000000, s2;
	s6 =	simm.s32 $0x108;
	_ =	swait.ge @!p0 [sflag:s8], $0x0  }
0x24: {  	s3 =	sadd.s32 $0x88, s3;
	s6 =	simm.s32 @!p1 $0x1082;
	[sflag:s4] =	ssyncset.s32 $0xFFFFF086  }
0x25: {  	[simem:s6], [sflag:s4] =	dma.local [hbm:s3], $0xF7A  }
0x26: {  	[smem:$0x3F7A] =	sst s1;
	(tag) =	ssettag s2;
	_ =	strace s9  }
0x27: {  	s1 =	sld [smem:$0x3F8A]  }
0x28: {  	s2 =	sld [smem:$0x3F8B]  }
0x29: {  	s4 =	sld [smem:$0x3F8D]  }
0x2a: {  	p0 =	seq.s32 s5, $0x0;
	s5 =	sld [smem:$0x3F8E]  }
0x2b: {  	s6 =	sld [smem:$0x3F8F]  }
0x2c: {  	s7 =	sld [smem:$0x3F90]  }
0x2d: {  	s3 =	simm.s32 $0x108;
	s8 =	sld [smem:$0x3F91]  }
0x2e: {  	s3 =	simm.s32 @!p0 $0x1082;
	s9 =	sld [smem:$0x3F92]  }
0x2f: {  	lr =	sadd.s32 s0, s3;
	s0 =	sld [smem:$0x3F89]  }
0x30: {  	s3 =	sld [smem:$0x3F8C]  }
0x31: {  	[smem:$0x3F95] =	sst s10  }
0x32: {  	s10 =	sld [smem:$0x3F93];
	_ =	sdelay $0x3  }
0x33: {  	p0 =	seq.s32 s10, $0x1;
	s10 =	sld [smem:$0x3F95];
	_ =	sdelay $0x3  }
0x34: {  	[smem:$0x3F95] =	sst s10  }
0x35: {  	s10 =	sld [smem:$0x3F94];
	_ =	sdelay $0x3  }
0x36: {  	p1 =	seq.s32 s10, $0x1;
	s10 =	sld [smem:$0x3F95];
	_ =	sdelay $0x3  }
0x37: {  	[smem:$0x3F95] =	sst s10  }
0x38: {  	s10 =	sld [smem:$0x3F96]  }
0x39: {  	_ = 	snop;
	(pc) =	sbr.ind lr, $3  }
0x3a: {  	_ = 	snop  }
0x3b: {  	_ = 	snop  }
0x3c: {  	p2 =	seq.s32 s10, $0x1;
	s10 =	sld [smem:$0x3F95]  }
0x3d: {  	_ =	shalt  }
0x3e: {  	_ =	shalt  }
0x3f: {  	_ =	shalt  }
0x40: {  	_ =	shalt  }
0x41: {  	_ =	shalt  }
0x42: {  	_ =	shalt  }
0x43: {  	_ =	shalt  }
0x44: {  	_ =	shalt  }
0x45: {  	_ =	shalt  }
0x46: {  	_ =	shalt  }
0x47: {  	_ =	shalt  }
0x48: {  	_ =	shalt  }
0x49: {  	_ =	shalt  }
0x4a: {  	_ =	shalt  }
0x4b: {  	_ =	shalt  }
0x4c: {  	_ =	shalt  }
0x4d: {  	_ =	shalt  }
0x4e: {  	_ =	shalt  }
0x4f: {  	_ =	shalt  }
0x50: {  	_ =	shalt  }
0x51: {  	_ =	shalt  }
0x52: {  	_ =	shalt  }
0x53: {  	_ =	shalt  }
0x54: {  	_ =	shalt  }
0x55: {  	_ =	shalt  }
0x56: {  	_ =	shalt  }
0x57: {  	_ =	shalt  }
0x58: {  	_ =	shalt  }
0x59: {  	_ =	shalt  }
0x5a: {  	_ =	shalt  }
0x5b: {  	_ =	shalt  }
0x5c: {  	_ =	shalt  }
0x5d: {  	_ =	shalt  }
0x5e: {  	_ =	shalt  }
0x5f: {  	_ =	shalt  }
0x60: {  	_ =	shalt  }
0x61: {  	_ =	shalt  }
0x62: {  	_ =	shalt  }
0x63: {  	_ =	shalt  }
0x64: {  	_ =	shalt  }
0x65: {  	_ =	shalt  }
0x66: {  	_ =	shalt  }
0x67: {  	_ =	shalt  }
0x68: {  	_ =	shalt  }
0x69: {  	_ =	shalt  }
0x6a: {  	_ =	shalt  }
0x6b: {  	_ =	shalt  }
0x6c: {  	_ =	shalt  }
0x6d: {  	_ =	shalt  }
0x6e: {  	_ =	shalt  }
0x6f: {  	_ =	shalt  }
0x70: {  	_ =	shalt  }
0x71: {  	_ =	shalt  }
0x72: {  	_ =	shalt  }
0x73: {  	_ =	shalt  }
0x74: {  	_ =	shalt  }
0x75: {  	_ =	shalt  }
0x76: {  	_ =	shalt  }
0x77: {  	_ =	shalt  }
0x78: {  	_ =	shalt  }
0x79: {  	_ =	shalt  }
0x7a: {  	_ =	shalt  }
0x7b: {  	_ =	shalt  }
0x7c: {  	_ =	shalt  }
0x7d: {  	_ =	shalt  }
0x7e: {  	_ =	shalt  }
0x7f: {  	_ =	shalt  }
0x80: {  	_ =	shalt  }
0x81: {  	_ =	shalt  }
0x82: {  	_ =	shalt  }
0x83: {  	_ =	shalt  }
0x84: {  	_ =	shalt  }
0x85: {  	_ =	shalt  }
0x86: {  	_ =	shalt  }
0x87: {  	_ =	shalt  }
.Lfunc_end0:
.L_simem_size_0:
called_computation.4_lowered:
.L_overlay_start_0:
0x88: {  	s2 =	sld [smem:$0x3FD9]  }
0x89: {  	s3 =	sld [smem:$0x3FFE];
	_ =	sdelay $0x1  }
0x8a: {  	s1 =	srdreg.scid  }
0x8b: {  	s0 =	sand.u32 $0x1, s1  }
0x8c: {  	s14 =	sshll.u32 s0, $0xA;
	s2 =	sadd.s32 s3, s2  }
0x8d: {  	s2 =	sadd.s32 s2, s14  }
0x8e: {  	[smem:$0x3FA1] =	sst s2  }
0x8f: {  	_ = 	snop  }
0x90: {  	s2 =	sld [smem:$0x3FD0];
	_ =	sdelay $0x2  }
0x91: {  	s15 =	simm.s32 $0xA;
	s4 =	simm.s32 $0x10  }
0x92: {  	[smem:s4], [sflag:s15] =	dma.local [hbm:s2], $0x1  }
0x93: {  	_ =	swait.eq [sflag:s15], $0x1  }
0x94: {  	[sflag:s15] =	ssyncset.done $0x0  }
0x95: {  	[sflag:s15] =	ssyncadd.s32 $0xFFFFFFFF  }
0x96: {  	s16 =	sld [smem:$0x10];
	(tm) =	ssettm $0x1  }
0x97: {  	s17 =	sld [smem:$0x3FFB];
	_ =	sdelay $0x3  }
0x98: {  	_ =	strace s17  }
0x99: {  	s3 =	sld [smem:$0x3FFC];
	_ =	sdelay $0x3  }
0x9a: {  	_ =	strace s3  }
0x9b: {  	s3 =	sld [smem:$0x3FFD];
	_ =	sdelay $0x3  }
0x9c: {  	_ =	strace s3  }
0x9d: {  	_ =	strace $0x8FFFFFFF  }
0x9e: {  	s18 =	sld [smem:$0x3FDB];
	_ =	sdelay $0x1  }
0x9f: {  	s19 =	simm.s32 $_scs_section_size  }
0xa0: {  	s5 =	simm.s32 $_size__tile_overlayer_lowered;
	s6 =	simm.s32 $_tile_overlayer_lowered  }
0xa1: {  	s22 =	simm.s32 $0x1BFF;
	s21 =	sshll.u32 s6, $0x1;
	s3 =	sadd.s32 s19, s18  }
0xa2: {  	s7 =	simm.s32 $0x0;
	s20 =	sshll.u32 s5, $0x1;
	s5 =	sadd.s32 s21, s3  }
0xa3: {  	[timem:s7], [sflag:s22] =	dma.local [hbm:s5], s20  }
0xa4: {  	_ =	swait.ge [sflag:s22], s20  }
0xa5: {  	s4 =	ssub.s32 $0x0, s20;
	[sflag:s22] =	ssyncset.done $0x0  }
0xa6: {  	[sflag:s22] =	ssyncadd.s32 s4;
	_ =	sdelay $0x1  }
0xa7: {  	s23 =	simm.s32 $0x1B8B  }
0xa8: {  	_ =	swait.ge [sflag:s23], $0x1  }
0xa9: {  	[sflag:s23] =	ssyncset.done $0x0  }
0xaa: {  	s25 =	simm.s32 $0x1B8E;
	s24 =	sld [smem:$0x3FFE];
	[sflag:s23] =	ssyncadd.s32 $0xFFFFFFFF  }
0xab: {  	s26 =	simm.s32 $execute0_lowered;
	[smem:$0x3FD2] =	sst s25  }
0xac: {  	s5 =	sshll.u32 s26, $0x1;
	_ =	strace $0x80000052;
	[dreg:$0x1] =	wrdreg $0xFFFFFFFF  }
0xad: {  	s28 =	simm.s32 $_size_execute0_lowered;
	s3 =	sadd.s32 s3, s5;
	[dreg:$0x0] =	wrdreg $0x0  }
0xae: {  	s5 =	sshll.u32 s28, $0x1;
	[dreg:$0x2] =	wrdreg s3  }
0xaf: {  	[dreg:$0x3] =	wrdreg s5  }
0xb0: {  	[dreg:$0x4] =	wrdreg $0xC0  }
0xb1: {  	_ =	task [dreg:s7], $0x5FFFF  }
0xb2: {  	[dreg:$0x1] =	wrdreg $0xFFFFFFFF  }
0xb3: {  	[dreg:$0x0] =	wrdreg $0x60  }
0xb4: {  	[dreg:$0x2] =	wrdreg s24  }
0xb5: {  	[dreg:$0x3] =	wrdreg s16  }
0xb6: {  	[dreg:$0x4] =	wrdreg $0x81000  }
0xb7: {  	[dreg:$0x5] =	wrdreg $0x9  }
0xb8: {  	_ =	task.clear_ibuf [dreg:s7], $0x6FFFF;
	_ =	strace $0x90000052  }
0xb9: {  	s29 =	simm.s32 $0x9;
	_ =	strace $0x80000054  }
0xba: {  	_ =	swait.ge [sflag:s29], $0x1  }
0xbb: {  	[sflag:s29] =	ssyncadd.s32 $0xFFFFFFFF  }
0xbc: {  	_ =	strace $0x90000054  }
0xbd: {  	_ =	sfence  }
0xbe: {  	s30 =	sld [smem:$0x0];
	_ =	sdelay $0x2  }
0xbf: {  	s31 =	sshll.u32 s1, $0xD;
	s1 =	sshrl.u32 s1, $0x2  }
0xc0: {  	s3 =	sand.u32 $0x4000, s31;
	s1 =	sadd.s32 s1, s30  }
0xc1: {  	s0 =	sor.u32 s3, s0;
	s1 =	sshll.u32 s1, $0x11  }
0xc2: {  	s0 =	sor.u32 s1, s0  }
0xc3: {  	s0 =	sadd.s32 $0x8F2B, s0  }
0xc4: {  	[sflag:s0] =	ssyncadd.remote.s32 $0x1  }
0xc5: {  	_ =	sfence.sel $0xFFFF  }
0xc6: {  	[dreg:$0x0] =	wrdreg $0xFFFFFFFF;
	(pc) =	sbr.abs _section_cstart, $3  }
0xc7: {  	[dreg:$0x1] =	wrdreg $0xFFFFFFFF  }
0xc8: {  	_ =	task.clear_ibuf [dreg:s7], $0x2FFFF;
	_ =	strace $0x9FFFFFFF  }
0xc9: {  	(tm) =	ssettm $0x7FFFFFFF  }
tec
execute0_lowered:
.L_overlay_start_1:
0x0: {  	(tag) =	ssettag $0x1  }
0x1: {  	s0 =	rddreg [dreg:$0x0]  }
0x2: {  	s1 =	rddreg [dreg:$0x1]  }
0x3: {  	s2 =	rddreg [dreg:$0x2];
	s3 =	simm.s32 $0x0;
	s21 =	stileid.u32  }
0x4: {  	s4 =	srdreg.scid;
	[smem:$0x7FF] =	sst s3  }
0x5: {  	s5 =	smul.u32 $0x13800, s21;
	s14 =	sand.u32 $0x1, s4;
	s18 =	sshll.u32 s21, $0x1  }
0x6: {  	s17 =	sadd.s32 $0xED9600, s0;
	s16 =	sadd.s32 $0xA45200, s0;
	p0 =	slt.u32 s21, $0x2  }
0x7: {  	s9 =	smul.u32 $0x4E000, s21;
	s25 =	sshll.u32 s21, $0x6;
	s12 =	sadd.s32 $0x138000, s2  }
0x8: {  	s13 =	sadd.s32 $0xED9400, s0;
	_ =	strace $0x80000053;
	s4 =	sor.u32 s14, s18  }
0x9: {  	s19 =	ssub.s32 $0x2, s14;
	s28 =	smul.u32 $0x4E, s14;
	s6 =	sshrl.u32 s5, $0x3  }
0xa: {  	s7 =	smul.u32 $0x4E, s4;
	s8 =	sshrl.u32 s19, $0x1;
	s15 =	smin.u32 s4, $0x4  }
0xb: {  	s4 =	simm.s32 $0x4F;
	s9 =	sshrl.u32 s9, $0x2;
	s10 =	sadd.s32 s6, s0  }
0xc: {  	s18 =	ssub.s32 s19, s8;
	s4 =	simm.s32 @!p0 $0x4E;
	s9 =	sadd.s32 s9, s2  }
0xd: {  	s19 =	smul.u32 $0x138800, s14;
	p0 =	sne.s32 s21, $0xF;
	s7 =	sadd.s32 s15, s7  }
0xe: {  	s10 =	sadd.s32 $0xEB2400, s10;
	s14 =	sadd.s32 $0xFFFFFFFE, s4;
	s20 =	sshll.u32 s7, $0x4  }
0xf: {  	s22 =	sshll.u32 s7, $0xB;
	s7 =	sshll.u32 s7, $0x7;
	s26 =	sadd.s32 s5, s19  }
0x10: {  	s29 =	sshrl.u32 s19, $0x3;
	s6 =	sadd.s32 s1, s20;
	s23 =	sadd.s32 s17, s22  }
0x11: {  	s7 =	sadd.s32 $0x80, s7;
	s20 =	smul.u32 $0x9C, s21;
	[dreg:$0x4] =	wrdreg s6  }
0x12: {  	s0 =	sshrl.u32 s26, $0x3;
	[dreg:$0x5] =	wrdreg s23;
	s24 =	sshrl.u32 s7, $0x3  }
0x13: {  	s11 =	sshll.u32 s7, $0x4;
	s23 =	simm.s32 $0x5;
	s7 =	sadd.s32 s1, s24  }
0x14: {  	s8 =	sadd.s32 s17, s11;
	s11 =	sor.u32 $0x1C05, s25;
	s20 =	sadd.s32 s20, s15  }
0x15: {  	s15 =	sadd.s32 s16, s0;
	s0 =	sadd.s32 s16, s29;
	s5 =	sadd.s32 s28, s20  }
0x16: {  	s24 =	simm.s32 $0x0;
	s30 =	sshll.u32 s5, $0xB;
	s5 =	sshll.u32 s5, $0x4  }
0x17: {  	s16 =	sadd.s32 $0x27000, s0;
	s31 =	sadd.s32 s30, s17;
	s5 =	sadd.s32 s5, s1  }
0x18: {  	s17 =	smax.u32 s18, $0x1;
	s1 =	sadd.s32 $0x1000, s31;
	s19 =	sadd.s32 $0x20, s5  }
.LBB2_1:
0x19: {  	s0 =	rddreg [dreg:$0x4]  }
0x1a: {  	[tilespmem:s3], [sflag:$0x1] =	stream.linear.gather [hbm4b:s0+s3], $0x80, $0x38;
	[tilespmem:$0x1B980] =	vst v63  }
0x1b: {  	s26 =	rddreg [dreg:$0x5];
	s5 =	simm.s32 $0x100  }
0x1c: {  	[tilespmem:s5], [sflag:$0x3] =	stream.linear.gather [hbm4b:s26+s3], $0x4000, $0x38;
	[tilespmem:$0x1B980] =	vst v63  }
0x1d: {  	s30 =	simm.s32 $0x80  }
0x1e: {  	[tilespmem:s30], [sflag:$0x2] =	stream.linear.gather [hbm4b:s7+s3], $0x80, $0x38;
	[tilespmem:$0x1B980] =	vst v63  }
0x1f: {  	s31 =	simm.s32 $0x4100;
	s26 =	sshrl.u32 s9, $0x3  }
0x20: {  	[tilespmem:s31], [sflag:$0x4] =	stream.linear.gather [hbm4b:s8+s3], $0x4000, $0x38;
	[tilespmem:$0x1B980] =	vst v63  }
0x21: {  	[spmem:s26], [sflag:s11] =	dma.local [hbm:s10], $0x2700  }
0x22: {  	_ =	swait.ge [sflag:s23], $0x2700  }
0x23: {  	s28 =	sshrl.u32 @!p0 s12, $0x3;
	[sflag:s23] =	ssyncset.done $0x0  }
0x24: {  	s25 =	simm.s32 @!p0 $0x5;
	p2 =	sne.s32 s4, $0x1;
	[sflag:s23] =	ssyncadd.s32 $0xFFFFD900  }
0x25: {  	[spmem:s28], [sflag:s11] =	dma.local @!p0 [hbm:s13], $0x100  }
.Ltmp0:
0x26: {  	_ =	swait.ge @!p0 [sflag:s25], $0x100;
	(pc) =	sbr.rel @!p2 .LBB2_2-.Ltmp0, $4  }
0x27: {  	[sflag:s25] =	ssyncset.done @!p0 $0x0  }
0x28: {  	[sflag:s25] =	ssyncadd.s32 @!p0 $0xFFFFFF00  }
0x29: {  	[bflag:$0x0] =	sbarrier.arrive $0xFFFF  }
0x2a: {  	s29 =	simm.s32 $0x1;
	s22 =	sand.u32 $0x1, s3;
	p1 =	por $0x0, $0x0  }
0x2b: {  	p1 =	seq.s32 s22, $0x1  }
0x2c: {  	s0 =	simm.s32 @p1 $0x2  }
0x2d: {  	_ =	swait.ge @p1 [sflag:s0], $0x80  }
0x2e: {  	[sflag:s0] =	ssyncset.done @p1 $0x0  }
0x2f: {  	[sflag:s0] =	ssyncadd.s32 @p1 $0xFFFFFF80;
	s0 =	simm.s32 @p1 $0x4  }
0x30: {  	_ =	swait.ge @p1 [sflag:s0], $0x4000  }
0x31: {  	s5 =	simm.s32 @p1 $0x5;
	[sflag:s0] =	ssyncset.done @p1 $0x0  }
0x32: {  	s18 =	simm.s32 @p1 $0x4100;
	[sflag:s0] =	ssyncadd.s32 @p1 $0xFFFFC000;
	s0 =	simm.s32 @p1 $0x80  }
0x33: {  	[spmem:s2] =	stream.indirect.scatter.add.f32 @p1 [tilespmem:s18], [sflag:$0x5], $0x80, s0, s0, $0xb8;
	[tilespmem:$0x1B980] =	vst v63  }
0x34: {  	p2 =	sle.u32 @p1 s14, $0x0;
	_ =	swait.ge @p1 [sflag:s5], $0x4000  }
0x35: {  	p2 =	por p2, !p1;
	[sflag:s5] =	ssyncset.done @p1 $0x0  }
0x36: {  	s0 =	simm.s32 @!p2 $0x0;
	[sflag:s5] =	ssyncadd.s32 @p1 $0xFFFFC000;
	s5 =	simm.s32 @!p2 $0x80  }
0x37: {  	[tilespmem:s5], [sflag:$0x2] =	stream.linear.gather @!p2 [hbm4b:s19+s0], $0x80, $0x38;
	[tilespmem:$0x1B980] =	vst v63  }
0x38: {  	s18 =	simm.s32 @!p1 $0x1;
	s5 =	simm.s32 @!p2 $0x4100  }
0x39: {  	[tilespmem:s5], [sflag:$0x4] =	stream.linear.gather @!p2 [hbm4b:s1+s0], $0x4000, $0x38;
	[tilespmem:$0x1B980] =	vst v63  }
0x3a: {  	_ =	swait.ge @!p1 [sflag:s18], $0x80  }
0x3b: {  	[sflag:s18] =	ssyncset.done @!p1 $0x0  }
0x3c: {  	s30 =	sadd.s32 $0x10, s19;
	s0 =	simm.s32 @!p1 $0x3;
	[sflag:s18] =	ssyncadd.s32 @!p1 $0xFFFFFF80  }
0x3d: {  	s20 =	simm.s32 @!p1 $0x0;
	p2 =	sle.u32 @!p1 s14, $0x0;
	_ =	swait.ge @!p1 [sflag:s0], $0x4000  }
0x3e: {  	s5 =	simm.s32 @!p1 $0x100;
	p5 =	por p2, p1;
	[sflag:s0] =	ssyncset.done @!p1 $0x0  }
0x3f: {  	p2 =	sne.s32 s4, $0x2;
	[sflag:s0] =	ssyncadd.s32 @!p1 $0xFFFFC000;
	s0 =	simm.s32 @!p1 $0x80  }
0x40: {  	[spmem:s2] =	stream.indirect.scatter.add.f32 @!p1 [tilespmem:s5], [sflag:$0x5], $0x80, s20, s0, $0xb8;
	[tilespmem:$0x1B980] =	vst v63  }
.Ltmp1:
0x41: {  	s22 =	sand.u32 $0x1, s29;
	s18 =	simm.s32 @!p1 $0x5;
	(pc) =	sbr.rel @!p2 .LBB2_4-.Ltmp1, $4  }
0x42: {  	s31 =	smov.u32 s1;
	s21 =	simm.s32 @!p5 $0x0;
	_ =	swait.ge @!p1 [sflag:s18], $0x4000  }
0x43: {  	s0 =	simm.s32 $0x2;
	s5 =	simm.s32 @!p5 $0x100;
	[sflag:s18] =	ssyncset.done @!p1 $0x0  }
0x44: {  	[sflag:s18] =	ssyncadd.s32 @!p1 $0xFFFFC000;
	p1 =	por $0x1, $0x1;
	s18 =	smov.u32 s1  }
0x45: {  	[tilespmem:s21], [sflag:$0x1] =	stream.linear.gather @!p5 [hbm4b:s19+s21], $0x80, $0x38;
	[tilespmem:$0x1B980] =	vst v63  }
.LBB2_5:
0x46: {  	p2 =	seq.s32 s22, $0x1;
	s31 =	sadd.s32 $0x800, s31  }
0x47: {  	s22 =	smov.u32 s0;
	s0 =	sadd.s32 $0x1, s0;
	s20 =	smov.u32 s30  }
0x48: {  	p6 =	sge.u32 @p2 s29, s14;
	s6 =	simm.s32 @p2 $0x2;
	p4 =	sge.u32 @!p2 s29, s14  }
0x49: {  	[tilespmem:s5], [sflag:$0x3] =	stream.linear.gather @!p5 [hbm4b:s18+s21], $0x4000, $0x38;
	[tilespmem:$0x1B980] =	vst v63  }
0x4a: {  	p3 =	sne.s32 s4, s0;
	s29 =	smov.u32 s22;
	_ =	swait.ge @p2 [sflag:s6], $0x80  }
0x4b: {  	s18 =	smov.u32 s31;
	[sflag:s6] =	ssyncset.done @p2 $0x0  }
0x4c: {  	s5 =	simm.s32 @p2 $0x4;
	[sflag:s6] =	ssyncadd.s32 @p2 $0xFFFFFF80  }
0x4d: {  	_ =	swait.ge @p2 [sflag:s5], $0x4000  }
0x4e: {  	s6 =	simm.s32 @p2 $0x5;
	[sflag:s5] =	ssyncset.done @p2 $0x0  }
0x4f: {  	s21 =	simm.s32 @p2 $0x4100;
	[sflag:s5] =	ssyncadd.s32 @p2 $0xFFFFC000;
	s5 =	simm.s32 @p2 $0x80  }
0x50: {  	[spmem:s2] =	stream.indirect.scatter.add.f32 @p2 [tilespmem:s21], [sflag:$0x5], $0x80, s5, s5, $0xb8;
	[tilespmem:$0x1B980] =	vst v63  }
0x51: {  	_ =	swait.ge @p2 [sflag:s6], $0x4000  }
0x52: {  	p5 =	por p6, !p2;
	[sflag:s6] =	ssyncset.done @p2 $0x0  }
0x53: {  	s5 =	simm.s32 @!p5 $0x0;
	[sflag:s6] =	ssyncadd.s32 @p2 $0xFFFFC000;
	s6 =	simm.s32 @!p5 $0x80  }
0x54: {  	[tilespmem:s6], [sflag:$0x2] =	stream.linear.gather @!p5 [hbm4b:s30+s5], $0x80, $0x38;
	[tilespmem:$0x1B980] =	vst v63  }
0x55: {  	s21 =	simm.s32 @!p2 $0x1;
	s6 =	simm.s32 @!p5 $0x4100  }
0x56: {  	[tilespmem:s6], [sflag:$0x4] =	stream.linear.gather @!p5 [hbm4b:s31+s5], $0x4000, $0x38;
	[tilespmem:$0x1B980] =	vst v63  }
0x57: {  	_ =	swait.ge @!p2 [sflag:s21], $0x80  }
0x58: {  	[sflag:s21] =	ssyncset.done @!p2 $0x0  }
0x59: {  	s5 =	simm.s32 @!p2 $0x3;
	[sflag:s21] =	ssyncadd.s32 @!p2 $0xFFFFFF80  }
0x5a: {  	_ =	swait.ge @!p2 [sflag:s5], $0x4000  }
0x5b: {  	s6 =	simm.s32 @!p2 $0x100;
	s21 =	simm.s32 @!p2 $0x5;
	[sflag:s5] =	ssyncset.done @!p2 $0x0  }
0x5c: {  	s22 =	simm.s32 @!p2 $0x0;
	[sflag:s5] =	ssyncadd.s32 @!p2 $0xFFFFC000;
	s5 =	simm.s32 @!p2 $0x80  }
0x5d: {  	[spmem:s2] =	stream.indirect.scatter.add.f32 @!p2 [tilespmem:s6], [sflag:$0x5], $0x80, s22, s5, $0xb8;
	[tilespmem:$0x1B980] =	vst v63  }
.Ltmp2:
0x5e: {  	_ = 	snop;
	(pc) =	sbr.rel @p3 .LBB2_5-.Ltmp2, $4  }
0x5f: {  	s30 =	sadd.s32 $0x10, s30;
	_ =	swait.ge @!p2 [sflag:s21], $0x4000  }
0x60: {  	p5 =	por p4, p2;
	s22 =	sand.u32 $0x1, s29;
	[sflag:s21] =	ssyncset.done @!p2 $0x0  }
0x61: {  	s5 =	simm.s32 @!p5 $0x100;
	[sflag:s21] =	ssyncadd.s32 @!p2 $0xFFFFC000;
	s21 =	simm.s32 @!p5 $0x0  }
0x62: {  	[tilespmem:s21], [sflag:$0x1] =	stream.linear.gather @!p5 [hbm4b:s20+s21], $0x80, $0x38;
	[tilespmem:$0x1B980] =	vst v63  }
.LBB2_6:
0x63: {  	p2 =	seq.s32 s22, $0x1  }
0x64: {  	p3 =	por p5, !p1;
	s0 =	simm.s32 @p2 $0x2  }
0x65: {  	[tilespmem:s5], [sflag:$0x3] =	stream.linear.gather @!p3 [hbm4b:s18+s21], $0x4000, $0x38;
	[tilespmem:$0x1B980] =	vst v63  }
0x66: {  	_ =	swait.ge @p2 [sflag:s0], $0x80  }
0x67: {  	[sflag:s0] =	ssyncset.done @p2 $0x0  }
0x68: {  	[sflag:s0] =	ssyncadd.s32 @p2 $0xFFFFFF80;
	s0 =	simm.s32 @p2 $0x4  }
0x69: {  	_ =	swait.ge @p2 [sflag:s0], $0x4000  }
0x6a: {  	s5 =	simm.s32 @p2 $0x5;
	[sflag:s0] =	ssyncset.done @p2 $0x0  }
0x6b: {  	s6 =	simm.s32 @p2 $0x4100;
	[sflag:s0] =	ssyncadd.s32 @p2 $0xFFFFC000;
	s0 =	simm.s32 @p2 $0x80  }
0x6c: {  	[spmem:s2] =	stream.indirect.scatter.add.f32 @p2 [tilespmem:s6], [sflag:$0x5], $0x80, s0, s0, $0xb8;
	[tilespmem:$0x1B980] =	vst v63  }
0x6d: {  	p3 =	sge.u32 @p2 s29, s14;
	s18 =	smov.u32 s1;
	_ =	swait.ge @p2 [sflag:s5], $0x4000  }
0x6e: {  	p3 =	por p3, !p2;
	s0 =	sadd.s32 @p1 $0x800, s31;
	[sflag:s5] =	ssyncset.done @p2 $0x0  }
0x6f: {  	s6 =	simm.s32 @!p3 $0x80;
	[sflag:s5] =	ssyncadd.s32 @p2 $0xFFFFC000;
	s5 =	simm.s32 @!p3 $0x0  }
0x70: {  	[tilespmem:s6], [sflag:$0x2] =	stream.linear.gather @!p3 [hbm4b:s30+s5], $0x80, $0x38;
	[tilespmem:$0x1B980] =	vst v63  }
0x71: {  	s18 =	smov.u32 @p1 s0;
	s0 =	simm.s32 @!p3 $0x4100;
	s6 =	simm.s32 @!p2 $0x1  }
0x72: {  	[tilespmem:s0], [sflag:$0x4] =	stream.linear.gather @!p3 [hbm4b:s18+s5], $0x4000, $0x38;
	[tilespmem:$0x1B980] =	vst v63  }
0x73: {  	_ =	swait.ge @!p2 [sflag:s6], $0x80  }
0x74: {  	[sflag:s6] =	ssyncset.done @!p2 $0x0  }
0x75: {  	s0 =	simm.s32 @!p2 $0x3;
	[sflag:s6] =	ssyncadd.s32 @!p2 $0xFFFFFF80  }
0x76: {  	_ =	swait.ge @!p2 [sflag:s0], $0x4000  }
0x77: {  	s20 =	simm.s32 @!p2 $0x0;
	s5 =	simm.s32 @!p2 $0x100;
	[sflag:s0] =	ssyncset.done @!p2 $0x0  }
0x78: {  	s6 =	simm.s32 @!p2 $0x5;
	[sflag:s0] =	ssyncadd.s32 @!p2 $0xFFFFC000;
	s0 =	simm.s32 @!p2 $0x80  }
0x79: {  	[spmem:s2] =	stream.indirect.scatter.add.f32 @!p2 [tilespmem:s5], [sflag:$0x5], $0x80, s20, s0, $0xb8;
	[tilespmem:$0x1B980] =	vst v63  }
0x7a: {  	p1 =	sge.u32 @!p2 s29, s14;
	_ =	swait.ge @!p2 [sflag:s6], $0x4000  }
0x7b: {  	p1 =	por p1, p2;
	[sflag:s6] =	ssyncset.done @!p2 $0x0  }
0x7c: {  	s0 =	simm.s32 @!p1 $0x0;
	[sflag:s6] =	ssyncadd.s32 @!p2 $0xFFFFC000  }
0x7d: {  	[tilespmem:s0], [sflag:$0x1] =	stream.linear.gather @!p1 [hbm4b:s30+s0], $0x80, $0x38;
	[tilespmem:$0x1B980] =	vst v63  }
0x7e: {  	s5 =	simm.s32 @!p1 $0x100  }
0x7f: {  	[tilespmem:s5], [sflag:$0x3] =	stream.linear.gather @!p1 [hbm4b:s18+s0], $0x4000, $0x38;
	[tilespmem:$0x1B980] =	vst v63  }
0x80: {  	[bflag:$0x0] =	sbarrier.arrive $0xFFFF  }
0x81: {  	[hbm:s15], [sflag:s11] =	dma.local [spmem:s26], $0x2700  }
0x82: {  	_ =	swait.ge [sflag:s23], $0x2700  }
0x83: {  	s24 =	sadd.s32 $0x1, s24;
	[sflag:s23] =	ssyncset.done $0x0  }
0x84: {  	p1 =	sne.s32 s24, s17;
	[sflag:s23] =	ssyncadd.s32 $0xFFFFD900  }
0x85: {  	[hbm:s16], [sflag:s11] =	dma.local @!p0 [spmem:s28], $0x100  }
.Ltmp3:
0x86: {  	_ = 	snop;
	(pc) =	sbr.rel @p1 .LBB2_1-.Ltmp3, $4  }
.Ltmp4:
0x87: {  	_ = 	snop;
	(pc) =	sbr.rel @!p1 .LBB2_7-.Ltmp4, $4  }
0x88: {  	_ =	swait.ge @!p0 [sflag:s25], $0x100  }
0x89: {  	[sflag:s25] =	ssyncset.done @!p0 $0x0  }
0x8a: {  	[sflag:s25] =	ssyncadd.s32 @!p0 $0xFFFFFF00  }
0x8b: {  	_ = 	snop  }
.LBB2_2:
.Ltmp5:
0x8c: {  	(pc) =	sbr.rel .LBB2_6-.Ltmp5, $2  }
0x8d: {  	_ =	sdelay $0x2  }
0x8e: {  	s31 =	smov.u32 s1;
	s30 =	smov.u32 s19;
	s29 =	simm.s32 $0x0  }
.LBB2_4:
.Ltmp6:
0x8f: {  	(pc) =	sbr.rel .LBB2_6-.Ltmp6, $2  }
0x90: {  	_ =	sdelay $0x2  }
0x91: {  	s31 =	smov.u32 s1;
	s18 =	smov.u32 s1  }
.LBB2_7:
0x92: {  	_ =	sfence.sel $0x180000  }
0x93: {  	[bflag:$0x0] =	sbarrier.arrive $0xFFFF  }
0x94: {  	_ =	strace $0x90000053  }
0x95: {  	s0 =	stileid.u32;
	[bflag:$0x2] =	sbarrier.arrive $0xFFFF  }
0x96: {  	p0 =	sne.s32 s0, $0x0;
	s0 =	rddreg [dreg:$0x3]  }
0x97: {  	s0 =	sadd.s32 @!p0 $0x100000, s0  }
0x98: {  	[sflag:s0] =	ssyncadd.tile.s32 @!p0 $0x1;
	_ =	shalt  }
.Lfunc_end2:
_tile_overlayer_lowered:
.L_overlay_start_2:
0x99: {  	(tag) =	ssettag $0x2  }
0x9a: {  	s0 =	rddreg [dreg:$0x0];
	s2 =	stileid.u32  }
0x9b: {  	s1 =	rddreg [dreg:$0x1];
	p0 =	sne.s32 s2, $0x0  }
0x9c: {  	s3 =	rddreg [dreg:$0x2];
	[bflag:$0x3] =	sbarrier.arrive $0xFFFF;
	s2 =	simm.s32 @!p0 $0x1C05  }
0x9d: {  	[timem:s3], [sflag:s2] =	dma.local @!p0 [hbm:s0], s1  }
0x9e: {  	s0 =	simm.s32 @!p0 $0x5  }
0x9f: {  	_ =	swait.ge @!p0 [sflag:s0], s1  }
0xa0: {  	s1 =	ssub.s32 @!p0 $0x0, s1;
	[sflag:s0] =	ssyncset.done @!p0 $0x0  }
0xa1: {  	[sflag:s0] =	ssyncadd.s32 @!p0 s1  }
0xa2: {  	[bflag:$0x3] =	sbarrier.arrive $0xFFFF  }
0xa3: {  	_ =	shalt  }

</sc_bundles>
